<compile_context>
chip_gen: v7x
topology: tpu7x:2x2x1
jax: 0.10.2.dev20260603
libtpu: 0.0.44.dev20260713+nightly
codegen_flags: <defaults>
</compile_context>

<pallas_src>
import functools

import jax
import jax.numpy as jnp
from jax import lax
from jax.experimental import pallas as pl
from jax.experimental.pallas import tpu as pltpu
from jax.experimental.pallas import tpu_sc as plsc

N = 10000
E = 320000
HC = 128
NH = 8
CH = 16
HP = 16

BN = 2000
NSUB = 16
RA = 624
RL = N - 15 * RA
EB = 128
NBLK = E // EB
NW = 32
FULL_T = NBLK // NW
TAIL = NBLK - FULL_T * NW


def _head_stage(h, As_ref, Ad_ref, Bm_ref, h_out, asv_out, adv_out,
                acc0_out, den0_out):
  asv = jnp.dot(h, As_ref[...], preferred_element_type=jnp.float32, precision=jax.lax.Precision.HIGHEST)
  adv = jnp.dot(h, Ad_ref[...], preferred_element_type=jnp.float32, precision=jax.lax.Precision.HIGHEST)
  s0 = asv + adv
  w0 = jnp.exp(jnp.where(s0 > 0.0, s0, 0.2 * s0))
  h_out[...] = h
  asv_out[...] = asv
  adv_out[...] = adv
  acc0_out[...] = h * jnp.dot(w0, Bm_ref[...], preferred_element_type=jnp.float32, precision=jax.lax.Precision.HIGHEST)
  den0_out[...] = w0


def _tc_first_body(x_ref, W_ref, As_ref, Ad_ref, Bm_ref,
                   h_out, asv_out, adv_out, acc0_out, den0_out):
  h = jnp.dot(x_ref[...], W_ref[...], preferred_element_type=jnp.float32, precision=jax.lax.Precision.HIGHEST)
  _head_stage(h, As_ref, Ad_ref, Bm_ref, h_out, asv_out, adv_out,
              acc0_out, den0_out)


def _combine(acc0_ref, accO_ref, den0_ref, denO_ref, b_ref, Bm_ref):
  den = den0_ref[...] + denO_ref[0] + denO_ref[1]
  acc = acc0_ref[...] + accO_ref[0] + accO_ref[1]
  den128 = jnp.dot(den, Bm_ref[...], preferred_element_type=jnp.float32, precision=jax.lax.Precision.HIGHEST) + 1e-16
  g = acc / den128 + b_ref[...]
  return jnp.where(g > 0.0, g, jnp.exp(g) - 1.0)


def _tc_mid_body(acc0_ref, accO_ref, den0_ref, denO_ref, b_ref, W_ref,
                 As_ref, Ad_ref, Bm_ref,
                 h_out, asv_out, adv_out, acc0_out, den0_out):
  o = _combine(acc0_ref, accO_ref, den0_ref, denO_ref, b_ref, Bm_ref)
  h = jnp.dot(o, W_ref[...], preferred_element_type=jnp.float32, precision=jax.lax.Precision.HIGHEST)
  _head_stage(h, As_ref, Ad_ref, Bm_ref, h_out, asv_out, adv_out,
              acc0_out, den0_out)


def _tc_final_body(acc0_ref, accO_ref, den0_ref, denO_ref, b_ref, Bm_ref,
                   fcw_ref, fcb_ref, y_out):
  o = _combine(acc0_ref, accO_ref, den0_ref, denO_ref, b_ref, Bm_ref)
  y_out[...] = jnp.dot(o, fcw_ref[...], preferred_element_type=jnp.float32, precision=jax.lax.Precision.HIGHEST) + fcb_ref[0, 0]


def _full(shape):
  return pl.BlockSpec(shape, lambda i: tuple(0 for _ in shape))


def _rows(shape):
  return pl.BlockSpec(shape, lambda i: (i,) + tuple(0 for _ in shape[1:]))


def _rows3(shape):
  return pl.BlockSpec(shape, lambda i: (0, i) + tuple(0 for _ in shape[2:]))


_HEAD_OUT_SHAPES = [
    jax.ShapeDtypeStruct((N, HC), jnp.float32),
    jax.ShapeDtypeStruct((N, HP), jnp.float32),
    jax.ShapeDtypeStruct((N, HP), jnp.float32),
    jax.ShapeDtypeStruct((N, HC), jnp.float32),
    jax.ShapeDtypeStruct((N, HP), jnp.float32),
]
_HEAD_OUT_SPECS = [_rows((BN, HC)), _rows((BN, HP)), _rows((BN, HP)),
                   _rows((BN, HC)), _rows((BN, HP))]


def _make_tc_first(interpret=False):
  return pl.pallas_call(
      _tc_first_body,
      grid=(N // BN,),
      in_specs=[_rows((BN, HC)), _full((HC, HC)), _full((HC, HP)),
                _full((HC, HP)), _full((HP, HC))],
      out_specs=_HEAD_OUT_SPECS,
      out_shape=_HEAD_OUT_SHAPES,
      interpret=interpret,
  )


_AGG_IN_SPECS = [_rows((BN, HC)), _rows3((2, BN, HC)), _rows((BN, HP)),
                 _rows3((2, BN, HP)), _full((1, HC)), _full((HP, HC))]


def _make_tc_mid(interpret=False):
  return pl.pallas_call(
      _tc_mid_body,
      grid=(N // BN,),
      in_specs=_AGG_IN_SPECS[:5] + [_full((HC, HC)), _full((HC, HP)),
                                    _full((HC, HP)), _full((HP, HC))],
      out_specs=_HEAD_OUT_SPECS,
      out_shape=_HEAD_OUT_SHAPES,
      interpret=interpret,
  )


def _make_tc_final(interpret=False):
  return pl.pallas_call(
      _tc_final_body,
      grid=(N // BN,),
      in_specs=_AGG_IN_SPECS + [_full((HC, 1)), _full((1, 1))],
      out_specs=[_rows((BN, 1))],
      out_shape=[jax.ShapeDtypeStruct((N, 1), jnp.float32)],
      interpret=interpret,
  )


def _edge_body(src_hbm, dst_hbm, h_hbm, as_hbm, ad_hbm, zacc_hbm, zden_hbm,
               accO, denO, srcv, dstv, hrows, asr, adr, wv, acc_sh, den_sh,
               sem):
  c = lax.axis_index("c")
  s = lax.axis_index("s")
  wid = s * 2 + c
  r0 = s * RA

  @pl.when(s < NSUB - 1)
  def _zmain():
    pltpu.sync_copy(zacc_hbm.at[pl.ds(0, RA)], acc_sh.at[pl.ds(r0, RA)])
    pltpu.sync_copy(zden_hbm.at[pl.ds(0, RA)], den_sh.at[pl.ds(r0, RA)])

  @pl.when(s == NSUB - 1)
  def _ztail():
    pltpu.sync_copy(zacc_hbm, acc_sh.at[pl.ds(15 * RA, RL)])
    pltpu.sync_copy(zden_hbm, den_sh.at[pl.ds(15 * RA, RL)])

  plsc.subcore_barrier()

  def do_block(blk):
    base = blk * EB
    pltpu.sync_copy(src_hbm.at[pl.ds(base, EB)], srcv)
    pltpu.sync_copy(dst_hbm.at[pl.ds(base, EB)], dstv)
    cph = pltpu.async_copy(h_hbm.at[srcv], hrows, sem)
    cpa = pltpu.async_copy(as_hbm.at[srcv], asr, sem)
    cpd = pltpu.async_copy(ad_hbm.at[dstv], adr, sem)
    cph.wait()
    cpa.wait()
    cpd.wait()

    def ebody(e, carry):
      v = asr[e, :] + adr[e, :]
      w = jnp.exp(jnp.where(v > 0.0, v, 0.2 * v))
      wv[e, :] = w
      for hh in range(NH):
        ws = w[hh]
        hrows[e, pl.ds(hh * CH, CH)] = hrows[e, pl.ds(hh * CH, CH)] * ws
      return carry

    lax.fori_loop(0, EB, ebody, 0)
    pltpu.sync_copy(hrows, acc_sh.at[dstv], add=True)
    pltpu.sync_copy(wv, den_sh.at[dstv], add=True)

  def tbody(t, carry):
    do_block(wid + NW * t)
    return carry

  lax.fori_loop(0, FULL_T, tbody, 0)

  @pl.when(wid < TAIL)
  def _tail():
    do_block(FULL_T * NW + wid)

  plsc.subcore_barrier()

  @pl.when(s < NSUB - 1)
  def _wmain():
    pltpu.sync_copy(acc_sh.at[pl.ds(r0, RA)], accO.at[c, pl.ds(r0, RA)])
    pltpu.sync_copy(den_sh.at[pl.ds(r0, RA)], denO.at[c, pl.ds(r0, RA)])

  @pl.when(s == NSUB - 1)
  def _wtail():
    pltpu.sync_copy(acc_sh.at[pl.ds(15 * RA, RL)], accO.at[c, pl.ds(15 * RA, RL)])
    pltpu.sync_copy(den_sh.at[pl.ds(15 * RA, RL)], denO.at[c, pl.ds(15 * RA, RL)])


def _make_edge_kernel(interpret=False):
  mesh = plsc.VectorSubcoreMesh(core_axis_name="c", subcore_axis_name="s")
  return functools.partial(
      pl.kernel,
      out_type=[
          jax.ShapeDtypeStruct((2, N, HC), jnp.float32),
          jax.ShapeDtypeStruct((2, N, HP), jnp.float32),
      ],
      mesh=mesh,
      scratch_types=[
          pltpu.VMEM((EB,), jnp.int32),
          pltpu.VMEM((EB,), jnp.int32),
          pltpu.VMEM((EB, HC), jnp.float32),
          pltpu.VMEM((EB, HP), jnp.float32),
          pltpu.VMEM((EB, HP), jnp.float32),
          pltpu.VMEM((EB, HP), jnp.float32),
          pltpu.VMEM_SHARED((N, HC), jnp.float32),
          pltpu.VMEM_SHARED((N, HP), jnp.float32),
          pltpu.SemaphoreType.DMA,
      ],
      compiler_params=pltpu.CompilerParams(use_tc_tiling_on_sc=False),
      interpret=interpret,
  )(_edge_body)


def _att_mats(a_s, a_d):
  rows = jnp.arange(HC, dtype=jnp.int32)
  cols = rows // CH
  As = jnp.zeros((HC, HP), jnp.float32).at[rows, cols].set(a_s.reshape(-1))
  Ad = jnp.zeros((HC, HP), jnp.float32).at[rows, cols].set(a_d.reshape(-1))
  return As, Ad


def _build(interpret=False):
  tc_first = _make_tc_first(interpret)
  tc_mid = _make_tc_mid(interpret)
  tc_final = _make_tc_final(interpret)
  edge_k = _make_edge_kernel(interpret)

  def run(x, edge_index, W1, a_src1, a_dst1, b1, W2, a_src2, a_dst2, b2,
          W3, a_src3, a_dst3, b3, fc_w, fc_b):
    src = edge_index[0]
    dst = edge_index[1]
    zacc = jnp.zeros((RL, HC), jnp.float32)
    zden = jnp.zeros((RL, HP), jnp.float32)
    Bm = jnp.zeros((HP, HC), jnp.float32).at[
        jnp.arange(HC, dtype=jnp.int32) // CH,
        jnp.arange(HC, dtype=jnp.int32)].set(1.0)

    As1, Ad1 = _att_mats(a_src1, a_dst1)
    h, asv, adv, acc0, den0 = tc_first(x, W1, As1, Ad1, Bm)
    accO, denO = edge_k(src, dst, h, asv, adv, zacc, zden)

    As2, Ad2 = _att_mats(a_src2, a_dst2)
    h, asv, adv, acc0, den0 = tc_mid(acc0, accO, den0, denO,
                                     b1.reshape(1, HC), W2, As2, Ad2, Bm)
    accO, denO = edge_k(src, dst, h, asv, adv, zacc, zden)

    As3, Ad3 = _att_mats(a_src3, a_dst3)
    h, asv, adv, acc0, den0 = tc_mid(acc0, accO, den0, denO,
                                     b2.reshape(1, HC), W3, As3, Ad3, Bm)
    accO, denO = edge_k(src, dst, h, asv, adv, zacc, zden)

    (y,) = tc_final(acc0, accO, den0, denO, b3.reshape(1, HC), Bm,
                    fc_w, fc_b.reshape(1, 1))
    return y

  return run


_RUN = None


def kernel(x, edge_index, W1, a_src1, a_dst1, b1, W2, a_src2, a_dst2, b2,
           W3, a_src3, a_dst3, b3, fc_w, fc_b):
  global _RUN
  if _RUN is None:
    _RUN = jax.jit(_build())
  return _RUN(x, edge_index, W1, a_src1, a_dst1, b1, W2, a_src2, a_dst2, b2,
              W3, a_src3, a_dst3, b3, fc_w, fc_b)

# --- scband reference (transcript-rebuilt; emitter-appended) ---
"""Pipeline reference for scband-gat-net-64991445123446 (READ-ONLY COPY).

The authoritative reference and input builder live on the scoring server;
editing this copy changes nothing except your own understanding.
"""

import jax, jax.numpy as jnp
import numpy as np

N = 10000
E = 320000
D_IN = 128
H = 8
C = 16


def gat_conv(x, src, dst, W, a_src, a_dst, b):
    n = x.shape[0]
    h = (x @ W).reshape(n, H, C)
    alpha_s = jnp.sum(h * a_src, axis=-1)  # [n, H]
    alpha_d = jnp.sum(h * a_dst, axis=-1)  # [n, H]
    e = alpha_s[src] + alpha_d[dst]        # [E, H]
    e = jax.nn.leaky_relu(e, negative_slope=0.2)
    e_max = jax.ops.segment_max(e, dst, num_segments=n)
    e_max = jnp.where(jnp.isfinite(e_max), e_max, 0.0)
    e = jnp.exp(e - e_max[dst])
    denom = jax.ops.segment_sum(e, dst, num_segments=n)
    alpha = e / (denom[dst] + 1e-16)       # softmax over incoming edges per dst
    msg = h[src] * alpha[:, :, None]       # [E, H, C]
    out = jax.ops.segment_sum(msg, dst, num_segments=n)
    return out.reshape(n, H * C) + b


def setup_inputs(seed: int = 0):
    key = jax.random.key(seed)
    ks = jax.random.split(key, 20)
    x = jax.random.normal(ks[0], (N, D_IN), dtype=jnp.float32)
    edge_index = jax.random.randint(ks[1], (2, E), 0, N, dtype=jnp.int32)

    def lin(k, fi, fo):
        return jax.random.normal(k, (fi, fo), dtype=jnp.float32) * (1.0 / np.sqrt(fi))

    def att(k):
        return jax.random.normal(k, (H, C), dtype=jnp.float32) * (1.0 / np.sqrt(C))

    inp = {
        'x': x, 'edge_index': edge_index,
        'W1': lin(ks[2], D_IN, H * C), 'a_src1': att(ks[3]), 'a_dst1': att(ks[4]), 'b1': jnp.zeros((H * C,), jnp.float32),
        'W2': lin(ks[5], H * C, H * C), 'a_src2': att(ks[6]), 'a_dst2': att(ks[7]), 'b2': jnp.zeros((H * C,), jnp.float32),
        'W3': lin(ks[8], H * C, H * C), 'a_src3': att(ks[9]), 'a_dst3': att(ks[10]), 'b3': jnp.zeros((H * C,), jnp.float32),
        'fc_w': lin(ks[11], H * C, 1), 'fc_b': jnp.zeros((1,), jnp.float32),
    }
    return inp


def reference(x, edge_index, W1, a_src1, a_dst1, b1, W2, a_src2, a_dst2, b2, W3, a_src3, a_dst3, b3, fc_w, fc_b):
    n = x.shape[0]
    # PyG GATConv default add_self_loops=True
    loops = jnp.arange(n, dtype=edge_index.dtype)
    src = jnp.concatenate([edge_index[0], loops])
    dst = jnp.concatenate([edge_index[1], loops])
    h = jax.nn.elu(gat_conv(x, src, dst, W1, a_src1, a_dst1, b1))
    h = jax.nn.elu(gat_conv(h, src, dst, W2, a_src2, a_dst2, b2))
    h = jax.nn.elu(gat_conv(h, src, dst, W3, a_src3, a_dst3, b3))
    return h @ fc_w + fc_b

if __name__ == "__main__":
    import jax
    _d = setup_inputs()
    print(jax.jit(kernel)(*tuple(_d.values())))

</pallas_src>

<mosaic_0001>
#map = affine_map<(d0, d1) -> (0)>
#map1 = affine_map<(d0, d1) -> (0, 0)>
#map2 = affine_map<(d0, d1) -> (0, 0, 0)>
module attributes {stable_mosaic.version = 14 : i64} {
  func.func @_edge_body(%arg0: i32, %arg1: i32, %arg2: memref<320000xi32, #tpu.memory_space<hbm>>, %arg3: memref<320000xi32, #tpu.memory_space<hbm>>, %arg4: memref<10000x128xf32, #tpu.memory_space<hbm>>, %arg5: memref<10000x16xf32, #tpu.memory_space<hbm>>, %arg6: memref<10000x16xf32, #tpu.memory_space<hbm>>, %arg7: memref<640x128xf32, #tpu.memory_space<hbm>>, %arg8: memref<640x16xf32, #tpu.memory_space<hbm>>, %arg9: memref<2x10000x128xf32, #tpu.memory_space<hbm>>, %arg10: memref<2x10000x16xf32, #tpu.memory_space<hbm>>, %arg11: memref<128xi32, #tpu.memory_space<vmem>>, %arg12: memref<128xi32, #tpu.memory_space<vmem>>, %arg13: memref<128x128xf32, #tpu.memory_space<vmem>>, %arg14: memref<128x16xf32, #tpu.memory_space<vmem>>, %arg15: memref<128x16xf32, #tpu.memory_space<vmem>>, %arg16: memref<128x16xf32, #tpu.memory_space<vmem>>, %arg17: memref<10000x128xf32, #tpu.memory_space<vmem_shared>>, %arg18: memref<10000x16xf32, #tpu.memory_space<vmem_shared>>, %arg19: memref<!tpu.dma_semaphore, #tpu.memory_space<semaphore_mem>>) attributes {dimension_semantics = [#tpu.dimension_semantics<core_parallel>, #tpu.dimension_semantics<subcore_parallel>], iteration_bounds = array<i64: 2, 16>, scalar_prefetch = 0 : i64, scratch_operands = 9 : i64, tpu.core_type = #tpu.core_type<sc_vector_subcore>, window_params = [{transform_indices = #map}, {transform_indices = #map}, {transform_indices = #map1}, {transform_indices = #map1}, {transform_indices = #map1}, {transform_indices = #map1}, {transform_indices = #map1}, {transform_indices = #map2}, {transform_indices = #map2}]} {
    %mul3A = arith.constant 2 : i32
    %mul3A_0 = arith.muli %arg1, %mul3A : i32
    %add3A = arith.addi %mul3A_0, %arg0 : i32
    %mul3A_1 = arith.constant 624 : i32
    %mul3A_2 = arith.muli %arg1, %mul3A_1 : i32
    %lt3A = arith.constant 15 : i32
    %lt3A_3 = arith.cmpi slt, %arg1, %lt3A : i32
    %convert_element_type3A = arith.extui %lt3A_3 : i1 to i32
    %cond3A = arith.constant 0 : i32
    %cond3A_4 = arith.cmpi ne, %convert_element_type3A, %cond3A : i32
    scf.if %cond3A_4 {
      "tpu.region"() ({
        %run_scoped3A = tpu.sem_alloc : memref<!tpu.dma_semaphore, #tpu.memory_space<semaphore_mem>>
        %dma_start3A = arith.constant 0 : i32
        %dma_start3A_30 = tpu.memref_slice %arg17[%mul3A_2, %dma_start3A] : memref<10000x128xf32, #tpu.memory_space<vmem_shared>> -> memref<624x128xf32, #tpu.memory_space<vmem_shared>>
        %dma_start3A_31 = arith.constant 0 : i32
        %dma_start3A_32 = arith.constant 0 : i32
        %dma_start3A_33 = tpu.memref_slice %arg7[%dma_start3A_31, %dma_start3A_32] : memref<640x128xf32, #tpu.memory_space<hbm>> -> memref<624x128xf32, #tpu.memory_space<hbm>>
        tpu.enqueue_dma source(%dma_start3A_33 : memref<624x128xf32, #tpu.memory_space<hbm>>) target(%dma_start3A_30 : memref<624x128xf32, #tpu.memory_space<vmem_shared>>) target_semaphore(%run_scoped3A : memref<!tpu.dma_semaphore, #tpu.memory_space<semaphore_mem>>)
        %dma_wait3A = arith.constant 0 : i32
        %dma_wait3A_34 = tpu.memref_slice %arg17[%mul3A_2, %dma_wait3A] : memref<10000x128xf32, #tpu.memory_space<vmem_shared>> -> memref<624x128xf32, #tpu.memory_space<vmem_shared>>
        %dma_wait3A_35 = arith.constant 0 : i32
        %dma_wait3A_36 = arith.constant 0 : i32
        %dma_wait3A_37 = tpu.memref_slice %arg7[%dma_wait3A_35, %dma_wait3A_36] : memref<640x128xf32, #tpu.memory_space<hbm>> -> memref<624x128xf32, #tpu.memory_space<hbm>>
        tpu.wait_dma2 semaphore(%run_scoped3A : memref<!tpu.dma_semaphore, #tpu.memory_space<semaphore_mem>>) src(%dma_wait3A_37 : memref<624x128xf32, #tpu.memory_space<hbm>>) dst(%dma_wait3A_34 : memref<624x128xf32, #tpu.memory_space<vmem_shared>>)
        tpu.yield
      }) : () -> ()
      "tpu.region"() ({
        %run_scoped3A = tpu.sem_alloc : memref<!tpu.dma_semaphore, #tpu.memory_space<semaphore_mem>>
        %dma_start3A = arith.constant 0 : i32
        %dma_start3A_30 = tpu.memref_slice %arg18[%mul3A_2, %dma_start3A] : memref<10000x16xf32, #tpu.memory_space<vmem_shared>> -> memref<624x16xf32, #tpu.memory_space<vmem_shared>>
        %dma_start3A_31 = arith.constant 0 : i32
        %dma_start3A_32 = arith.constant 0 : i32
        %dma_start3A_33 = tpu.memref_slice %arg8[%dma_start3A_31, %dma_start3A_32] : memref<640x16xf32, #tpu.memory_space<hbm>> -> memref<624x16xf32, #tpu.memory_space<hbm>>
        tpu.enqueue_dma source(%dma_start3A_33 : memref<624x16xf32, #tpu.memory_space<hbm>>) target(%dma_start3A_30 : memref<624x16xf32, #tpu.memory_space<vmem_shared>>) target_semaphore(%run_scoped3A : memref<!tpu.dma_semaphore, #tpu.memory_space<semaphore_mem>>)
        %dma_wait3A = arith.constant 0 : i32
        %dma_wait3A_34 = tpu.memref_slice %arg18[%mul3A_2, %dma_wait3A] : memref<10000x16xf32, #tpu.memory_space<vmem_shared>> -> memref<624x16xf32, #tpu.memory_space<vmem_shared>>
        %dma_wait3A_35 = arith.constant 0 : i32
        %dma_wait3A_36 = arith.constant 0 : i32
        %dma_wait3A_37 = tpu.memref_slice %arg8[%dma_wait3A_35, %dma_wait3A_36] : memref<640x16xf32, #tpu.memory_space<hbm>> -> memref<624x16xf32, #tpu.memory_space<hbm>>
        tpu.wait_dma2 semaphore(%run_scoped3A : memref<!tpu.dma_semaphore, #tpu.memory_space<semaphore_mem>>) src(%dma_wait3A_37 : memref<624x16xf32, #tpu.memory_space<hbm>>) dst(%dma_wait3A_34 : memref<624x16xf32, #tpu.memory_space<vmem_shared>>)
        tpu.yield
      }) : () -> ()
    } else {
    }
    %eq3A = arith.constant 15 : i32
    %eq3A_5 = arith.cmpi eq, %arg1, %eq3A : i32
    %convert_element_type3A_6 = arith.extui %eq3A_5 : i1 to i32
    %cond3A_7 = arith.constant 0 : i32
    %cond3A_8 = arith.cmpi ne, %convert_element_type3A_6, %cond3A_7 : i32
    scf.if %cond3A_8 {
      "tpu.region"() ({
        %run_scoped3A = tpu.sem_alloc : memref<!tpu.dma_semaphore, #tpu.memory_space<semaphore_mem>>
        %dma_start3A = arith.constant 9360 : i32
        %dma_start3A_30 = arith.constant 0 : i32
        %dma_start3A_31 = tpu.memref_slice %arg17[%dma_start3A, %dma_start3A_30] : memref<10000x128xf32, #tpu.memory_space<vmem_shared>> -> memref<640x128xf32, #tpu.memory_space<vmem_shared>>
        tpu.enqueue_dma source(%arg7 : memref<640x128xf32, #tpu.memory_space<hbm>>) target(%dma_start3A_31 : memref<640x128xf32, #tpu.memory_space<vmem_shared>>) target_semaphore(%run_scoped3A : memref<!tpu.dma_semaphore, #tpu.memory_space<semaphore_mem>>)
        %dma_wait3A = arith.constant 9360 : i32
        %dma_wait3A_32 = arith.constant 0 : i32
        %dma_wait3A_33 = tpu.memref_slice %arg17[%dma_wait3A, %dma_wait3A_32] : memref<10000x128xf32, #tpu.memory_space<vmem_shared>> -> memref<640x128xf32, #tpu.memory_space<vmem_shared>>
        tpu.wait_dma2 semaphore(%run_scoped3A : memref<!tpu.dma_semaphore, #tpu.memory_space<semaphore_mem>>) src(%arg7 : memref<640x128xf32, #tpu.memory_space<hbm>>) dst(%dma_wait3A_33 : memref<640x128xf32, #tpu.memory_space<vmem_shared>>)
        tpu.yield
      }) : () -> ()
      "tpu.region"() ({
        %run_scoped3A = tpu.sem_alloc : memref<!tpu.dma_semaphore, #tpu.memory_space<semaphore_mem>>
        %dma_start3A = arith.constant 9360 : i32
        %dma_start3A_30 = arith.constant 0 : i32
        %dma_start3A_31 = tpu.memref_slice %arg18[%dma_start3A, %dma_start3A_30] : memref<10000x16xf32, #tpu.memory_space<vmem_shared>> -> memref<640x16xf32, #tpu.memory_space<vmem_shared>>
        tpu.enqueue_dma source(%arg8 : memref<640x16xf32, #tpu.memory_space<hbm>>) target(%dma_start3A_31 : memref<640x16xf32, #tpu.memory_space<vmem_shared>>) target_semaphore(%run_scoped3A : memref<!tpu.dma_semaphore, #tpu.memory_space<semaphore_mem>>)
        %dma_wait3A = arith.constant 9360 : i32
        %dma_wait3A_32 = arith.constant 0 : i32
        %dma_wait3A_33 = tpu.memref_slice %arg18[%dma_wait3A, %dma_wait3A_32] : memref<10000x16xf32, #tpu.memory_space<vmem_shared>> -> memref<640x16xf32, #tpu.memory_space<vmem_shared>>
        tpu.wait_dma2 semaphore(%run_scoped3A : memref<!tpu.dma_semaphore, #tpu.memory_space<semaphore_mem>>) src(%arg8 : memref<640x16xf32, #tpu.memory_space<hbm>>) dst(%dma_wait3A_33 : memref<640x16xf32, #tpu.memory_space<vmem_shared>>)
        tpu.yield
      }) : () -> ()
    } else {
    }
    %barrier3A = arith.constant 0 : index
    tpu.barrier barrier_id(%barrier3A)
    %scan3A = arith.constant 0 : i32
    %scan3A_9 = arith.constant 0 : i32
    %scan3A_10 = arith.constant 78 : i32
    %scan3A_11 = arith.addi %scan3A_9, %scan3A_10 : i32
    %scan3A_12 = arith.constant 1 : i32
    scf.for %scan3A_30 = %scan3A_9 to %scan3A_11 step %scan3A_12  : i32 {
      %mul3A_31 = arith.constant 32 : i32
      %mul3A_32 = arith.muli %mul3A_31, %scan3A_30 : i32
      %add3A_33 = arith.addi %add3A, %mul3A_32 : i32
      %mul3A_34 = arith.constant 128 : i32
      %mul3A_35 = arith.muli %add3A_33, %mul3A_34 : i32
      "tpu.region"() ({
        %run_scoped3A = tpu.sem_alloc : memref<!tpu.dma_semaphore, #tpu.memory_space<semaphore_mem>>
        %dma_start3A_58 = tpu.memref_slice %arg2[%mul3A_35] : memref<320000xi32, #tpu.memory_space<hbm>> -> memref<128xi32, #tpu.memory_space<hbm>>
        %dma_start3A_59 = tpu.memref_slice %arg2[%mul3A_35] : memref<320000xi32, #tpu.memory_space<hbm>> -> memref<128xi32, #tpu.memory_space<hbm>>
        tpu.enqueue_dma source(%dma_start3A_59 : memref<128xi32, #tpu.memory_space<hbm>>) target(%arg11 : memref<128xi32, #tpu.memory_space<vmem>>) target_semaphore(%run_scoped3A : memref<!tpu.dma_semaphore, #tpu.memory_space<semaphore_mem>>)
        %dma_wait3A_60 = tpu.memref_slice %arg2[%mul3A_35] : memref<320000xi32, #tpu.memory_space<hbm>> -> memref<128xi32, #tpu.memory_space<hbm>>
        %dma_wait3A_61 = tpu.memref_slice %arg2[%mul3A_35] : memref<320000xi32, #tpu.memory_space<hbm>> -> memref<128xi32, #tpu.memory_space<hbm>>
        tpu.wait_dma2 semaphore(%run_scoped3A : memref<!tpu.dma_semaphore, #tpu.memory_space<semaphore_mem>>) src(%dma_wait3A_61 : memref<128xi32, #tpu.memory_space<hbm>>) dst(%arg11 : memref<128xi32, #tpu.memory_space<vmem>>)
        tpu.yield
      }) : () -> ()
      "tpu.region"() ({
        %run_scoped3A = tpu.sem_alloc : memref<!tpu.dma_semaphore, #tpu.memory_space<semaphore_mem>>
        %dma_start3A_58 = tpu.memref_slice %arg3[%mul3A_35] : memref<320000xi32, #tpu.memory_space<hbm>> -> memref<128xi32, #tpu.memory_space<hbm>>
        %dma_start3A_59 = tpu.memref_slice %arg3[%mul3A_35] : memref<320000xi32, #tpu.memory_space<hbm>> -> memref<128xi32, #tpu.memory_space<hbm>>
        tpu.enqueue_dma source(%dma_start3A_59 : memref<128xi32, #tpu.memory_space<hbm>>) target(%arg12 : memref<128xi32, #tpu.memory_space<vmem>>) target_semaphore(%run_scoped3A : memref<!tpu.dma_semaphore, #tpu.memory_space<semaphore_mem>>)
        %dma_wait3A_60 = tpu.memref_slice %arg3[%mul3A_35] : memref<320000xi32, #tpu.memory_space<hbm>> -> memref<128xi32, #tpu.memory_space<hbm>>
        %dma_wait3A_61 = tpu.memref_slice %arg3[%mul3A_35] : memref<320000xi32, #tpu.memory_space<hbm>> -> memref<128xi32, #tpu.memory_space<hbm>>
        tpu.wait_dma2 semaphore(%run_scoped3A : memref<!tpu.dma_semaphore, #tpu.memory_space<semaphore_mem>>) src(%dma_wait3A_61 : memref<128xi32, #tpu.memory_space<hbm>>) dst(%arg12 : memref<128xi32, #tpu.memory_space<vmem>>)
        tpu.yield
      }) : () -> ()
      %dma_start3A = arith.constant 0 : i32
      %dma_start3A_36 = arith.constant 0 : i32
      %dma_start3A_37 = tpu.memref_slice %arg4[%dma_start3A, %dma_start3A_36] : memref<10000x128xf32, #tpu.memory_space<hbm>> -> memref<10000x128xf32, #tpu.memory_space<hbm>>
      tpu.enqueue_indirect_dma source(%dma_start3A_37 : memref<10000x128xf32, #tpu.memory_space<hbm>>) target(%arg13 : memref<128x128xf32, #tpu.memory_space<vmem>>) offsets(%arg11 : memref<128xi32, #tpu.memory_space<vmem>>) semaphore(%arg19 : memref<!tpu.dma_semaphore, #tpu.memory_space<semaphore_mem>>)
      %dma_start3A_38 = arith.constant 0 : i32
      %dma_start3A_39 = arith.constant 0 : i32
      %dma_start3A_40 = tpu.memref_slice %arg5[%dma_start3A_38, %dma_start3A_39] : memref<10000x16xf32, #tpu.memory_space<hbm>> -> memref<10000x16xf32, #tpu.memory_space<hbm>>
      tpu.enqueue_indirect_dma source(%dma_start3A_40 : memref<10000x16xf32, #tpu.memory_space<hbm>>) target(%arg14 : memref<128x16xf32, #tpu.memory_space<vmem>>) offsets(%arg11 : memref<128xi32, #tpu.memory_space<vmem>>) semaphore(%arg19 : memref<!tpu.dma_semaphore, #tpu.memory_space<semaphore_mem>>)
      %dma_start3A_41 = arith.constant 0 : i32
      %dma_start3A_42 = arith.constant 0 : i32
      %dma_start3A_43 = tpu.memref_slice %arg6[%dma_start3A_41, %dma_start3A_42] : memref<10000x16xf32, #tpu.memory_space<hbm>> -> memref<10000x16xf32, #tpu.memory_space<hbm>>
      tpu.enqueue_indirect_dma source(%dma_start3A_43 : memref<10000x16xf32, #tpu.memory_space<hbm>>) target(%arg15 : memref<128x16xf32, #tpu.memory_space<vmem>>) offsets(%arg12 : memref<128xi32, #tpu.memory_space<vmem>>) semaphore(%arg19 : memref<!tpu.dma_semaphore, #tpu.memory_space<semaphore_mem>>)
      %dma_wait3A = arith.constant 0 : i32
      %dma_wait3A_44 = arith.constant 0 : i32
      %dma_wait3A_45 = tpu.memref_slice %arg4[%dma_wait3A, %dma_wait3A_44] : memref<10000x128xf32, #tpu.memory_space<hbm>> -> memref<10000x128xf32, #tpu.memory_space<hbm>>
      tpu.wait_indirect_dma semaphore(%arg19 : memref<!tpu.dma_semaphore, #tpu.memory_space<semaphore_mem>>) src(%dma_wait3A_45 : memref<10000x128xf32, #tpu.memory_space<hbm>>) dst(%arg13 : memref<128x128xf32, #tpu.memory_space<vmem>>)
      %dma_wait3A_46 = arith.constant 0 : i32
      %dma_wait3A_47 = arith.constant 0 : i32
      %dma_wait3A_48 = tpu.memref_slice %arg5[%dma_wait3A_46, %dma_wait3A_47] : memref<10000x16xf32, #tpu.memory_space<hbm>> -> memref<10000x16xf32, #tpu.memory_space<hbm>>
      tpu.wait_indirect_dma semaphore(%arg19 : memref<!tpu.dma_semaphore, #tpu.memory_space<semaphore_mem>>) src(%dma_wait3A_48 : memref<10000x16xf32, #tpu.memory_space<hbm>>) dst(%arg14 : memref<128x16xf32, #tpu.memory_space<vmem>>)
      %dma_wait3A_49 = arith.constant 0 : i32
      %dma_wait3A_50 = arith.constant 0 : i32
      %dma_wait3A_51 = tpu.memref_slice %arg6[%dma_wait3A_49, %dma_wait3A_50] : memref<10000x16xf32, #tpu.memory_space<hbm>> -> memref<10000x16xf32, #tpu.memory_space<hbm>>
      tpu.wait_indirect_dma semaphore(%arg19 : memref<!tpu.dma_semaphore, #tpu.memory_space<semaphore_mem>>) src(%dma_wait3A_51 : memref<10000x16xf32, #tpu.memory_space<hbm>>) dst(%arg15 : memref<128x16xf32, #tpu.memory_space<vmem>>)
      %scan3A_52 = arith.constant 0 : i32
      %scan3A_53 = arith.constant 0 : i32
      %scan3A_54 = arith.constant 128 : i32
      %scan3A_55 = arith.addi %scan3A_53, %scan3A_54 : i32
      %scan3A_56 = arith.constant 1 : i32
      scf.for %scan3A_58 = %scan3A_53 to %scan3A_55 step %scan3A_56  : i32 {
        %get3A = arith.index_cast %scan3A_58 : i32 to index
        %get3A_59 = arith.constant 0 : index
        %get3A_60 = tpu.vector_load %arg14[%get3A, %get3A_59] {strides = array<i32>} : memref<128x16xf32, #tpu.memory_space<vmem>>, vector<1x16xf32>,
        %get3A_61 = vector.shape_cast %get3A_60 : vector<1x16xf32> to vector<16xf32>
        %get3A_62 = arith.index_cast %scan3A_58 : i32 to index
        %get3A_63 = arith.constant 0 : index
        %get3A_64 = tpu.vector_load %arg15[%get3A_62, %get3A_63] {strides = array<i32>} : memref<128x16xf32, #tpu.memory_space<vmem>>, vector<1x16xf32>,
        %get3A_65 = vector.shape_cast %get3A_64 : vector<1x16xf32> to vector<16xf32>
        %add3A_66 = arith.addf %get3A_61, %get3A_65 : vector<16xf32>
        %gt3A = arith.constant 0.000000e+00 : f32
        %gt3A_67 = vector.broadcast %gt3A : f32 to vector<16xf32>
        %gt3A_68 = arith.cmpf ogt, %add3A_66, %gt3A_67 : vector<16xf32>
        %mul3A_69 = arith.constant 2.000000e-01 : f32
        %mul3A_70 = vector.broadcast %mul3A_69 : f32 to vector<16xf32>
        %mul3A_71 = arith.mulf %mul3A_70, %add3A_66 : vector<16xf32>
        %select_n3A = arith.select %gt3A_68, %add3A_66, %mul3A_71 : vector<16xi1>, vector<16xf32>
        %exp3A = math.exp %select_n3A : vector<16xf32>
        %swap3A = arith.index_cast %scan3A_58 : i32 to index
        %swap3A_72 = arith.constant 0 : index
        %swap3A_73 = tpu.vector_load %arg16[%swap3A, %swap3A_72] {strides = array<i32>} : memref<128x16xf32, #tpu.memory_space<vmem>>, vector<1x16xf32>,
        %swap3A_74 = vector.shape_cast %swap3A_73 : vector<1x16xf32> to vector<16xf32>
        %swap3A_75 = vector.shape_cast %exp3A : vector<16xf32> to vector<1x16xf32>
        tpu.vector_store %arg16[%swap3A, %swap3A_72], %swap3A_75 {strides = array<i32>} : memref<128x16xf32, #tpu.memory_space<vmem>>, vector<1x16xf32>,
        %slice3A = vector.extract_strided_slice %exp3A {offsets = [0], sizes = [1], strides = [1]} : vector<16xf32> to vector<1xf32>
        %squeeze3A = vector.extract %slice3A[0] : f32 from vector<1xf32>
        %get3A_76 = arith.index_cast %scan3A_58 : i32 to index
        %get3A_77 = arith.constant 0 : index
        %get3A_78 = tpu.vector_load %arg13[%get3A_76, %get3A_77] {strides = array<i32>} : memref<128x128xf32, #tpu.memory_space<vmem>>, vector<1x16xf32>,
        %get3A_79 = vector.shape_cast %get3A_78 : vector<1x16xf32> to vector<16xf32>
        %mul3A_80 = vector.broadcast %squeeze3A : f32 to vector<16xf32>
        %mul3A_81 = arith.mulf %get3A_79, %mul3A_80 : vector<16xf32>
        %swap3A_82 = arith.index_cast %scan3A_58 : i32 to index
        %swap3A_83 = arith.constant 0 : index
        %swap3A_84 = tpu.vector_load %arg13[%swap3A_82, %swap3A_83] {strides = array<i32>} : memref<128x128xf32, #tpu.memory_space<vmem>>, vector<1x16xf32>,
        %swap3A_85 = vector.shape_cast %swap3A_84 : vector<1x16xf32> to vector<16xf32>
        %swap3A_86 = vector.shape_cast %mul3A_81 : vector<16xf32> to vector<1x16xf32>
        tpu.vector_store %arg13[%swap3A_82, %swap3A_83], %swap3A_86 {strides = array<i32>} : memref<128x128xf32, #tpu.memory_space<vmem>>, vector<1x16xf32>,
        %slice3A_87 = vector.extract_strided_slice %exp3A {offsets = [1], sizes = [1], strides = [1]} : vector<16xf32> to vector<1xf32>
        %squeeze3A_88 = vector.extract %slice3A_87[0] : f32 from vector<1xf32>
        %get3A_89 = arith.index_cast %scan3A_58 : i32 to index
        %get3A_90 = arith.constant 16 : index
        %get3A_91 = tpu.vector_load %arg13[%get3A_89, %get3A_90] {strides = array<i32>} : memref<128x128xf32, #tpu.memory_space<vmem>>, vector<1x16xf32>,
        %get3A_92 = vector.shape_cast %get3A_91 : vector<1x16xf32> to vector<16xf32>
        %mul3A_93 = vector.broadcast %squeeze3A_88 : f32 to vector<16xf32>
        %mul3A_94 = arith.mulf %get3A_92, %mul3A_93 : vector<16xf32>
        %swap3A_95 = arith.index_cast %scan3A_58 : i32 to index
        %swap3A_96 = arith.constant 16 : index
        %swap3A_97 = tpu.vector_load %arg13[%swap3A_95, %swap3A_96] {strides = array<i32>} : memref<128x128xf32, #tpu.memory_space<vmem>>, vector<1x16xf32>,
        %swap3A_98 = vector.shape_cast %swap3A_97 : vector<1x16xf32> to vector<16xf32>
        %swap3A_99 = vector.shape_cast %mul3A_94 : vector<16xf32> to vector<1x16xf32>
        tpu.vector_store %arg13[%swap3A_95, %swap3A_96], %swap3A_99 {strides = array<i32>} : memref<128x128xf32, #tpu.memory_space<vmem>>, vector<1x16xf32>,
        %slice3A_100 = vector.extract_strided_slice %exp3A {offsets = [2], sizes = [1], strides = [1]} : vector<16xf32> to vector<1xf32>
        %squeeze3A_101 = vector.extract %slice3A_100[0] : f32 from vector<1xf32>
        %get3A_102 = arith.index_cast %scan3A_58 : i32 to index
        %get3A_103 = arith.constant 32 : index
        %get3A_104 = tpu.vector_load %arg13[%get3A_102, %get3A_103] {strides = array<i32>} : memref<128x128xf32, #tpu.memory_space<vmem>>, vector<1x16xf32>,
        %get3A_105 = vector.shape_cast %get3A_104 : vector<1x16xf32> to vector<16xf32>
        %mul3A_106 = vector.broadcast %squeeze3A_101 : f32 to vector<16xf32>
        %mul3A_107 = arith.mulf %get3A_105, %mul3A_106 : vector<16xf32>
        %swap3A_108 = arith.index_cast %scan3A_58 : i32 to index
        %swap3A_109 = arith.constant 32 : index
        %swap3A_110 = tpu.vector_load %arg13[%swap3A_108, %swap3A_109] {strides = array<i32>} : memref<128x128xf32, #tpu.memory_space<vmem>>, vector<1x16xf32>,
        %swap3A_111 = vector.shape_cast %swap3A_110 : vector<1x16xf32> to vector<16xf32>
        %swap3A_112 = vector.shape_cast %mul3A_107 : vector<16xf32> to vector<1x16xf32>
        tpu.vector_store %arg13[%swap3A_108, %swap3A_109], %swap3A_112 {strides = array<i32>} : memref<128x128xf32, #tpu.memory_space<vmem>>, vector<1x16xf32>,
        %slice3A_113 = vector.extract_strided_slice %exp3A {offsets = [3], sizes = [1], strides = [1]} : vector<16xf32> to vector<1xf32>
        %squeeze3A_114 = vector.extract %slice3A_113[0] : f32 from vector<1xf32>
        %get3A_115 = arith.index_cast %scan3A_58 : i32 to index
        %get3A_116 = arith.constant 48 : index
        %get3A_117 = tpu.vector_load %arg13[%get3A_115, %get3A_116] {strides = array<i32>} : memref<128x128xf32, #tpu.memory_space<vmem>>, vector<1x16xf32>,
        %get3A_118 = vector.shape_cast %get3A_117 : vector<1x16xf32> to vector<16xf32>
        %mul3A_119 = vector.broadcast %squeeze3A_114 : f32 to vector<16xf32>
        %mul3A_120 = arith.mulf %get3A_118, %mul3A_119 : vector<16xf32>
        %swap3A_121 = arith.index_cast %scan3A_58 : i32 to index
        %swap3A_122 = arith.constant 48 : index
        %swap3A_123 = tpu.vector_load %arg13[%swap3A_121, %swap3A_122] {strides = array<i32>} : memref<128x128xf32, #tpu.memory_space<vmem>>, vector<1x16xf32>,
        %swap3A_124 = vector.shape_cast %swap3A_123 : vector<1x16xf32> to vector<16xf32>
        %swap3A_125 = vector.shape_cast %mul3A_120 : vector<16xf32> to vector<1x16xf32>
        tpu.vector_store %arg13[%swap3A_121, %swap3A_122], %swap3A_125 {strides = array<i32>} : memref<128x128xf32, #tpu.memory_space<vmem>>, vector<1x16xf32>,
        %slice3A_126 = vector.extract_strided_slice %exp3A {offsets = [4], sizes = [1], strides = [1]} : vector<16xf32> to vector<1xf32>
        %squeeze3A_127 = vector.extract %slice3A_126[0] : f32 from vector<1xf32>
        %get3A_128 = arith.index_cast %scan3A_58 : i32 to index
        %get3A_129 = arith.constant 64 : index
        %get3A_130 = tpu.vector_load %arg13[%get3A_128, %get3A_129] {strides = array<i32>} : memref<128x128xf32, #tpu.memory_space<vmem>>, vector<1x16xf32>,
        %get3A_131 = vector.shape_cast %get3A_130 : vector<1x16xf32> to vector<16xf32>
        %mul3A_132 = vector.broadcast %squeeze3A_127 : f32 to vector<16xf32>
        %mul3A_133 = arith.mulf %get3A_131, %mul3A_132 : vector<16xf32>
        %swap3A_134 = arith.index_cast %scan3A_58 : i32 to index
        %swap3A_135 = arith.constant 64 : index
        %swap3A_136 = tpu.vector_load %arg13[%swap3A_134, %swap3A_135] {strides = array<i32>} : memref<128x128xf32, #tpu.memory_space<vmem>>, vector<1x16xf32>,
        %swap3A_137 = vector.shape_cast %swap3A_136 : vector<1x16xf32> to vector<16xf32>
        %swap3A_138 = vector.shape_cast %mul3A_133 : vector<16xf32> to vector<1x16xf32>
        tpu.vector_store %arg13[%swap3A_134, %swap3A_135], %swap3A_138 {strides = array<i32>} : memref<128x128xf32, #tpu.memory_space<vmem>>, vector<1x16xf32>,
        %slice3A_139 = vector.extract_strided_slice %exp3A {offsets = [5], sizes = [1], strides = [1]} : vector<16xf32> to vector<1xf32>
        %squeeze3A_140 = vector.extract %slice3A_139[0] : f32 from vector<1xf32>
        %get3A_141 = arith.index_cast %scan3A_58 : i32 to index
        %get3A_142 = arith.constant 80 : index
        %get3A_143 = tpu.vector_load %arg13[%get3A_141, %get3A_142] {strides = array<i32>} : memref<128x128xf32, #tpu.memory_space<vmem>>, vector<1x16xf32>,
        %get3A_144 = vector.shape_cast %get3A_143 : vector<1x16xf32> to vector<16xf32>
        %mul3A_145 = vector.broadcast %squeeze3A_140 : f32 to vector<16xf32>
        %mul3A_146 = arith.mulf %get3A_144, %mul3A_145 : vector<16xf32>
        %swap3A_147 = arith.index_cast %scan3A_58 : i32 to index
        %swap3A_148 = arith.constant 80 : index
        %swap3A_149 = tpu.vector_load %arg13[%swap3A_147, %swap3A_148] {strides = array<i32>} : memref<128x128xf32, #tpu.memory_space<vmem>>, vector<1x16xf32>,
        %swap3A_150 = vector.shape_cast %swap3A_149 : vector<1x16xf32> to vector<16xf32>
        %swap3A_151 = vector.shape_cast %mul3A_146 : vector<16xf32> to vector<1x16xf32>
        tpu.vector_store %arg13[%swap3A_147, %swap3A_148], %swap3A_151 {strides = array<i32>} : memref<128x128xf32, #tpu.memory_space<vmem>>, vector<1x16xf32>,
        %slice3A_152 = vector.extract_strided_slice %exp3A {offsets = [6], sizes = [1], strides = [1]} : vector<16xf32> to vector<1xf32>
        %squeeze3A_153 = vector.extract %slice3A_152[0] : f32 from vector<1xf32>
        %get3A_154 = arith.index_cast %scan3A_58 : i32 to index
        %get3A_155 = arith.constant 96 : index
        %get3A_156 = tpu.vector_load %arg13[%get3A_154, %get3A_155] {strides = array<i32>} : memref<128x128xf32, #tpu.memory_space<vmem>>, vector<1x16xf32>,
        %get3A_157 = vector.shape_cast %get3A_156 : vector<1x16xf32> to vector<16xf32>
        %mul3A_158 = vector.broadcast %squeeze3A_153 : f32 to vector<16xf32>
        %mul3A_159 = arith.mulf %get3A_157, %mul3A_158 : vector<16xf32>
        %swap3A_160 = arith.index_cast %scan3A_58 : i32 to index
        %swap3A_161 = arith.constant 96 : index
        %swap3A_162 = tpu.vector_load %arg13[%swap3A_160, %swap3A_161] {strides = array<i32>} : memref<128x128xf32, #tpu.memory_space<vmem>>, vector<1x16xf32>,
        %swap3A_163 = vector.shape_cast %swap3A_162 : vector<1x16xf32> to vector<16xf32>
        %swap3A_164 = vector.shape_cast %mul3A_159 : vector<16xf32> to vector<1x16xf32>
        tpu.vector_store %arg13[%swap3A_160, %swap3A_161], %swap3A_164 {strides = array<i32>} : memref<128x128xf32, #tpu.memory_space<vmem>>, vector<1x16xf32>,
        %slice3A_165 = vector.extract_strided_slice %exp3A {offsets = [7], sizes = [1], strides = [1]} : vector<16xf32> to vector<1xf32>
        %squeeze3A_166 = vector.extract %slice3A_165[0] : f32 from vector<1xf32>
        %get3A_167 = arith.index_cast %scan3A_58 : i32 to index
        %get3A_168 = arith.constant 112 : index
        %get3A_169 = tpu.vector_load %arg13[%get3A_167, %get3A_168] {strides = array<i32>} : memref<128x128xf32, #tpu.memory_space<vmem>>, vector<1x16xf32>,
        %get3A_170 = vector.shape_cast %get3A_169 : vector<1x16xf32> to vector<16xf32>
        %mul3A_171 = vector.broadcast %squeeze3A_166 : f32 to vector<16xf32>
        %mul3A_172 = arith.mulf %get3A_170, %mul3A_171 : vector<16xf32>
        %swap3A_173 = arith.index_cast %scan3A_58 : i32 to index
        %swap3A_174 = arith.constant 112 : index
        %swap3A_175 = tpu.vector_load %arg13[%swap3A_173, %swap3A_174] {strides = array<i32>} : memref<128x128xf32, #tpu.memory_space<vmem>>, vector<1x16xf32>,
        %swap3A_176 = vector.shape_cast %swap3A_175 : vector<1x16xf32> to vector<16xf32>
        %swap3A_177 = vector.shape_cast %mul3A_172 : vector<16xf32> to vector<1x16xf32>
        tpu.vector_store %arg13[%swap3A_173, %swap3A_174], %swap3A_177 {strides = array<i32>} : memref<128x128xf32, #tpu.memory_space<vmem>>, vector<1x16xf32>,
      }
      %scan3A_57 = arith.constant 128 : i32
      "tpu.region"() ({
        %run_scoped3A = tpu.sem_alloc : memref<!tpu.dma_semaphore, #tpu.memory_space<semaphore_mem>>
        %dma_start3A_58 = arith.constant 0 : i32
        %dma_start3A_59 = arith.constant 0 : i32
        %dma_start3A_60 = tpu.memref_slice %arg17[%dma_start3A_58, %dma_start3A_59] : memref<10000x128xf32, #tpu.memory_space<vmem_shared>> -> memref<10000x128xf32, #tpu.memory_space<vmem_shared>>
        tpu.enqueue_indirect_dma source(%arg13 : memref<128x128xf32, #tpu.memory_space<vmem>>) target(%dma_start3A_60 : memref<10000x128xf32, #tpu.memory_space<vmem_shared>>) offsets(%arg12 : memref<128xi32, #tpu.memory_space<vmem>>) semaphore(%run_scoped3A : memref<!tpu.dma_semaphore, #tpu.memory_space<semaphore_mem>>) {add = true}
        %dma_wait3A_61 = arith.constant 0 : i32
        %dma_wait3A_62 = arith.constant 0 : i32
        %dma_wait3A_63 = tpu.memref_slice %arg17[%dma_wait3A_61, %dma_wait3A_62] : memref<10000x128xf32, #tpu.memory_space<vmem_shared>> -> memref<10000x128xf32, #tpu.memory_space<vmem_shared>>
        tpu.wait_indirect_dma semaphore(%run_scoped3A : memref<!tpu.dma_semaphore, #tpu.memory_space<semaphore_mem>>) src(%arg13 : memref<128x128xf32, #tpu.memory_space<vmem>>) dst(%dma_wait3A_63 : memref<10000x128xf32, #tpu.memory_space<vmem_shared>>)
        tpu.yield
      }) : () -> ()
      "tpu.region"() ({
        %run_scoped3A = tpu.sem_alloc : memref<!tpu.dma_semaphore, #tpu.memory_space<semaphore_mem>>
        %dma_start3A_58 = arith.constant 0 : i32
        %dma_start3A_59 = arith.constant 0 : i32
        %dma_start3A_60 = tpu.memref_slice %arg18[%dma_start3A_58, %dma_start3A_59] : memref<10000x16xf32, #tpu.memory_space<vmem_shared>> -> memref<10000x16xf32, #tpu.memory_space<vmem_shared>>
        tpu.enqueue_indirect_dma source(%arg16 : memref<128x16xf32, #tpu.memory_space<vmem>>) target(%dma_start3A_60 : memref<10000x16xf32, #tpu.memory_space<vmem_shared>>) offsets(%arg12 : memref<128xi32, #tpu.memory_space<vmem>>) semaphore(%run_scoped3A : memref<!tpu.dma_semaphore, #tpu.memory_space<semaphore_mem>>) {add = true}
        %dma_wait3A_61 = arith.constant 0 : i32
        %dma_wait3A_62 = arith.constant 0 : i32
        %dma_wait3A_63 = tpu.memref_slice %arg18[%dma_wait3A_61, %dma_wait3A_62] : memref<10000x16xf32, #tpu.memory_space<vmem_shared>> -> memref<10000x16xf32, #tpu.memory_space<vmem_shared>>
        tpu.wait_indirect_dma semaphore(%run_scoped3A : memref<!tpu.dma_semaphore, #tpu.memory_space<semaphore_mem>>) src(%arg16 : memref<128x16xf32, #tpu.memory_space<vmem>>) dst(%dma_wait3A_63 : memref<10000x16xf32, #tpu.memory_space<vmem_shared>>)
        tpu.yield
      }) : () -> ()
    }
    %scan3A_13 = arith.constant 78 : i32
    %lt3A_14 = arith.constant 4 : i32
    %lt3A_15 = arith.cmpi slt, %add3A, %lt3A_14 : i32
    %convert_element_type3A_16 = arith.extui %lt3A_15 : i1 to i32
    %cond3A_17 = arith.constant 0 : i32
    %cond3A_18 = arith.cmpi ne, %convert_element_type3A_16, %cond3A_17 : i32
    scf.if %cond3A_18 {
      %add3A_30 = arith.constant 2496 : i32
      %add3A_31 = arith.addi %add3A_30, %add3A : i32
      %mul3A_32 = arith.constant 128 : i32
      %mul3A_33 = arith.muli %add3A_31, %mul3A_32 : i32
      "tpu.region"() ({
        %run_scoped3A = tpu.sem_alloc : memref<!tpu.dma_semaphore, #tpu.memory_space<semaphore_mem>>
        %dma_start3A_56 = tpu.memref_slice %arg2[%mul3A_33] : memref<320000xi32, #tpu.memory_space<hbm>> -> memref<128xi32, #tpu.memory_space<hbm>>
        %dma_start3A_57 = tpu.memref_slice %arg2[%mul3A_33] : memref<320000xi32, #tpu.memory_space<hbm>> -> memref<128xi32, #tpu.memory_space<hbm>>
        tpu.enqueue_dma source(%dma_start3A_57 : memref<128xi32, #tpu.memory_space<hbm>>) target(%arg11 : memref<128xi32, #tpu.memory_space<vmem>>) target_semaphore(%run_scoped3A : memref<!tpu.dma_semaphore, #tpu.memory_space<semaphore_mem>>)
        %dma_wait3A_58 = tpu.memref_slice %arg2[%mul3A_33] : memref<320000xi32, #tpu.memory_space<hbm>> -> memref<128xi32, #tpu.memory_space<hbm>>
        %dma_wait3A_59 = tpu.memref_slice %arg2[%mul3A_33] : memref<320000xi32, #tpu.memory_space<hbm>> -> memref<128xi32, #tpu.memory_space<hbm>>
        tpu.wait_dma2 semaphore(%run_scoped3A : memref<!tpu.dma_semaphore, #tpu.memory_space<semaphore_mem>>) src(%dma_wait3A_59 : memref<128xi32, #tpu.memory_space<hbm>>) dst(%arg11 : memref<128xi32, #tpu.memory_space<vmem>>)
        tpu.yield
      }) : () -> ()
      "tpu.region"() ({
        %run_scoped3A = tpu.sem_alloc : memref<!tpu.dma_semaphore, #tpu.memory_space<semaphore_mem>>
        %dma_start3A_56 = tpu.memref_slice %arg3[%mul3A_33] : memref<320000xi32, #tpu.memory_space<hbm>> -> memref<128xi32, #tpu.memory_space<hbm>>
        %dma_start3A_57 = tpu.memref_slice %arg3[%mul3A_33] : memref<320000xi32, #tpu.memory_space<hbm>> -> memref<128xi32, #tpu.memory_space<hbm>>
        tpu.enqueue_dma source(%dma_start3A_57 : memref<128xi32, #tpu.memory_space<hbm>>) target(%arg12 : memref<128xi32, #tpu.memory_space<vmem>>) target_semaphore(%run_scoped3A : memref<!tpu.dma_semaphore, #tpu.memory_space<semaphore_mem>>)
        %dma_wait3A_58 = tpu.memref_slice %arg3[%mul3A_33] : memref<320000xi32, #tpu.memory_space<hbm>> -> memref<128xi32, #tpu.memory_space<hbm>>
        %dma_wait3A_59 = tpu.memref_slice %arg3[%mul3A_33] : memref<320000xi32, #tpu.memory_space<hbm>> -> memref<128xi32, #tpu.memory_space<hbm>>
        tpu.wait_dma2 semaphore(%run_scoped3A : memref<!tpu.dma_semaphore, #tpu.memory_space<semaphore_mem>>) src(%dma_wait3A_59 : memref<128xi32, #tpu.memory_space<hbm>>) dst(%arg12 : memref<128xi32, #tpu.memory_space<vmem>>)
        tpu.yield
      }) : () -> ()
      %dma_start3A = arith.constant 0 : i32
      %dma_start3A_34 = arith.constant 0 : i32
      %dma_start3A_35 = tpu.memref_slice %arg4[%dma_start3A, %dma_start3A_34] : memref<10000x128xf32, #tpu.memory_space<hbm>> -> memref<10000x128xf32, #tpu.memory_space<hbm>>
      tpu.enqueue_indirect_dma source(%dma_start3A_35 : memref<10000x128xf32, #tpu.memory_space<hbm>>) target(%arg13 : memref<128x128xf32, #tpu.memory_space<vmem>>) offsets(%arg11 : memref<128xi32, #tpu.memory_space<vmem>>) semaphore(%arg19 : memref<!tpu.dma_semaphore, #tpu.memory_space<semaphore_mem>>)
      %dma_start3A_36 = arith.constant 0 : i32
      %dma_start3A_37 = arith.constant 0 : i32
      %dma_start3A_38 = tpu.memref_slice %arg5[%dma_start3A_36, %dma_start3A_37] : memref<10000x16xf32, #tpu.memory_space<hbm>> -> memref<10000x16xf32, #tpu.memory_space<hbm>>
      tpu.enqueue_indirect_dma source(%dma_start3A_38 : memref<10000x16xf32, #tpu.memory_space<hbm>>) target(%arg14 : memref<128x16xf32, #tpu.memory_space<vmem>>) offsets(%arg11 : memref<128xi32, #tpu.memory_space<vmem>>) semaphore(%arg19 : memref<!tpu.dma_semaphore, #tpu.memory_space<semaphore_mem>>)
      %dma_start3A_39 = arith.constant 0 : i32
      %dma_start3A_40 = arith.constant 0 : i32
      %dma_start3A_41 = tpu.memref_slice %arg6[%dma_start3A_39, %dma_start3A_40] : memref<10000x16xf32, #tpu.memory_space<hbm>> -> memref<10000x16xf32, #tpu.memory_space<hbm>>
      tpu.enqueue_indirect_dma source(%dma_start3A_41 : memref<10000x16xf32, #tpu.memory_space<hbm>>) target(%arg15 : memref<128x16xf32, #tpu.memory_space<vmem>>) offsets(%arg12 : memref<128xi32, #tpu.memory_space<vmem>>) semaphore(%arg19 : memref<!tpu.dma_semaphore, #tpu.memory_space<semaphore_mem>>)
      %dma_wait3A = arith.constant 0 : i32
      %dma_wait3A_42 = arith.constant 0 : i32
      %dma_wait3A_43 = tpu.memref_slice %arg4[%dma_wait3A, %dma_wait3A_42] : memref<10000x128xf32, #tpu.memory_space<hbm>> -> memref<10000x128xf32, #tpu.memory_space<hbm>>
      tpu.wait_indirect_dma semaphore(%arg19 : memref<!tpu.dma_semaphore, #tpu.memory_space<semaphore_mem>>) src(%dma_wait3A_43 : memref<10000x128xf32, #tpu.memory_space<hbm>>) dst(%arg13 : memref<128x128xf32, #tpu.memory_space<vmem>>)
      %dma_wait3A_44 = arith.constant 0 : i32
      %dma_wait3A_45 = arith.constant 0 : i32
      %dma_wait3A_46 = tpu.memref_slice %arg5[%dma_wait3A_44, %dma_wait3A_45] : memref<10000x16xf32, #tpu.memory_space<hbm>> -> memref<10000x16xf32, #tpu.memory_space<hbm>>
      tpu.wait_indirect_dma semaphore(%arg19 : memref<!tpu.dma_semaphore, #tpu.memory_space<semaphore_mem>>) src(%dma_wait3A_46 : memref<10000x16xf32, #tpu.memory_space<hbm>>) dst(%arg14 : memref<128x16xf32, #tpu.memory_space<vmem>>)
      %dma_wait3A_47 = arith.constant 0 : i32
      %dma_wait3A_48 = arith.constant 0 : i32
      %dma_wait3A_49 = tpu.memref_slice %arg6[%dma_wait3A_47, %dma_wait3A_48] : memref<10000x16xf32, #tpu.memory_space<hbm>> -> memref<10000x16xf32, #tpu.memory_space<hbm>>
      tpu.wait_indirect_dma semaphore(%arg19 : memref<!tpu.dma_semaphore, #tpu.memory_space<semaphore_mem>>) src(%dma_wait3A_49 : memref<10000x16xf32, #tpu.memory_space<hbm>>) dst(%arg15 : memref<128x16xf32, #tpu.memory_space<vmem>>)
      %scan3A_50 = arith.constant 0 : i32
      %scan3A_51 = arith.constant 0 : i32
      %scan3A_52 = arith.constant 128 : i32
      %scan3A_53 = arith.addi %scan3A_51, %scan3A_52 : i32
      %scan3A_54 = arith.constant 1 : i32
      scf.for %scan3A_56 = %scan3A_51 to %scan3A_53 step %scan3A_54  : i32 {
        %get3A = arith.index_cast %scan3A_56 : i32 to index
        %get3A_57 = arith.constant 0 : index
        %get3A_58 = tpu.vector_load %arg14[%get3A, %get3A_57] {strides = array<i32>} : memref<128x16xf32, #tpu.memory_space<vmem>>, vector<1x16xf32>,
        %get3A_59 = vector.shape_cast %get3A_58 : vector<1x16xf32> to vector<16xf32>
        %get3A_60 = arith.index_cast %scan3A_56 : i32 to index
        %get3A_61 = arith.constant 0 : index
        %get3A_62 = tpu.vector_load %arg15[%get3A_60, %get3A_61] {strides = array<i32>} : memref<128x16xf32, #tpu.memory_space<vmem>>, vector<1x16xf32>,
        %get3A_63 = vector.shape_cast %get3A_62 : vector<1x16xf32> to vector<16xf32>
        %add3A_64 = arith.addf %get3A_59, %get3A_63 : vector<16xf32>
        %gt3A = arith.constant 0.000000e+00 : f32
        %gt3A_65 = vector.broadcast %gt3A : f32 to vector<16xf32>
        %gt3A_66 = arith.cmpf ogt, %add3A_64, %gt3A_65 : vector<16xf32>
        %mul3A_67 = arith.constant 2.000000e-01 : f32
        %mul3A_68 = vector.broadcast %mul3A_67 : f32 to vector<16xf32>
        %mul3A_69 = arith.mulf %mul3A_68, %add3A_64 : vector<16xf32>
        %select_n3A = arith.select %gt3A_66, %add3A_64, %mul3A_69 : vector<16xi1>, vector<16xf32>
        %exp3A = math.exp %select_n3A : vector<16xf32>
        %swap3A = arith.index_cast %scan3A_56 : i32 to index
        %swap3A_70 = arith.constant 0 : index
        %swap3A_71 = tpu.vector_load %arg16[%swap3A, %swap3A_70] {strides = array<i32>} : memref<128x16xf32, #tpu.memory_space<vmem>>, vector<1x16xf32>,
        %swap3A_72 = vector.shape_cast %swap3A_71 : vector<1x16xf32> to vector<16xf32>
        %swap3A_73 = vector.shape_cast %exp3A : vector<16xf32> to vector<1x16xf32>
        tpu.vector_store %arg16[%swap3A, %swap3A_70], %swap3A_73 {strides = array<i32>} : memref<128x16xf32, #tpu.memory_space<vmem>>, vector<1x16xf32>,
        %slice3A = vector.extract_strided_slice %exp3A {offsets = [0], sizes = [1], strides = [1]} : vector<16xf32> to vector<1xf32>
        %squeeze3A = vector.extract %slice3A[0] : f32 from vector<1xf32>
        %get3A_74 = arith.index_cast %scan3A_56 : i32 to index
        %get3A_75 = arith.constant 0 : index
        %get3A_76 = tpu.vector_load %arg13[%get3A_74, %get3A_75] {strides = array<i32>} : memref<128x128xf32, #tpu.memory_space<vmem>>, vector<1x16xf32>,
        %get3A_77 = vector.shape_cast %get3A_76 : vector<1x16xf32> to vector<16xf32>
        %mul3A_78 = vector.broadcast %squeeze3A : f32 to vector<16xf32>
        %mul3A_79 = arith.mulf %get3A_77, %mul3A_78 : vector<16xf32>
        %swap3A_80 = arith.index_cast %scan3A_56 : i32 to index
        %swap3A_81 = arith.constant 0 : index
        %swap3A_82 = tpu.vector_load %arg13[%swap3A_80, %swap3A_81] {strides = array<i32>} : memref<128x128xf32, #tpu.memory_space<vmem>>, vector<1x16xf32>,
        %swap3A_83 = vector.shape_cast %swap3A_82 : vector<1x16xf32> to vector<16xf32>
        %swap3A_84 = vector.shape_cast %mul3A_79 : vector<16xf32> to vector<1x16xf32>
        tpu.vector_store %arg13[%swap3A_80, %swap3A_81], %swap3A_84 {strides = array<i32>} : memref<128x128xf32, #tpu.memory_space<vmem>>, vector<1x16xf32>,
        %slice3A_85 = vector.extract_strided_slice %exp3A {offsets = [1], sizes = [1], strides = [1]} : vector<16xf32> to vector<1xf32>
        %squeeze3A_86 = vector.extract %slice3A_85[0] : f32 from vector<1xf32>
        %get3A_87 = arith.index_cast %scan3A_56 : i32 to index
        %get3A_88 = arith.constant 16 : index
        %get3A_89 = tpu.vector_load %arg13[%get3A_87, %get3A_88] {strides = array<i32>} : memref<128x128xf32, #tpu.memory_space<vmem>>, vector<1x16xf32>,
        %get3A_90 = vector.shape_cast %get3A_89 : vector<1x16xf32> to vector<16xf32>
        %mul3A_91 = vector.broadcast %squeeze3A_86 : f32 to vector<16xf32>
        %mul3A_92 = arith.mulf %get3A_90, %mul3A_91 : vector<16xf32>
        %swap3A_93 = arith.index_cast %scan3A_56 : i32 to index
        %swap3A_94 = arith.constant 16 : index
        %swap3A_95 = tpu.vector_load %arg13[%swap3A_93, %swap3A_94] {strides = array<i32>} : memref<128x128xf32, #tpu.memory_space<vmem>>, vector<1x16xf32>,
        %swap3A_96 = vector.shape_cast %swap3A_95 : vector<1x16xf32> to vector<16xf32>
        %swap3A_97 = vector.shape_cast %mul3A_92 : vector<16xf32> to vector<1x16xf32>
        tpu.vector_store %arg13[%swap3A_93, %swap3A_94], %swap3A_97 {strides = array<i32>} : memref<128x128xf32, #tpu.memory_space<vmem>>, vector<1x16xf32>,
        %slice3A_98 = vector.extract_strided_slice %exp3A {offsets = [2], sizes = [1], strides = [1]} : vector<16xf32> to vector<1xf32>
        %squeeze3A_99 = vector.extract %slice3A_98[0] : f32 from vector<1xf32>
        %get3A_100 = arith.index_cast %scan3A_56 : i32 to index
        %get3A_101 = arith.constant 32 : index
        %get3A_102 = tpu.vector_load %arg13[%get3A_100, %get3A_101] {strides = array<i32>} : memref<128x128xf32, #tpu.memory_space<vmem>>, vector<1x16xf32>,
        %get3A_103 = vector.shape_cast %get3A_102 : vector<1x16xf32> to vector<16xf32>
        %mul3A_104 = vector.broadcast %squeeze3A_99 : f32 to vector<16xf32>
        %mul3A_105 = arith.mulf %get3A_103, %mul3A_104 : vector<16xf32>
        %swap3A_106 = arith.index_cast %scan3A_56 : i32 to index
        %swap3A_107 = arith.constant 32 : index
        %swap3A_108 = tpu.vector_load %arg13[%swap3A_106, %swap3A_107] {strides = array<i32>} : memref<128x128xf32, #tpu.memory_space<vmem>>, vector<1x16xf32>,
        %swap3A_109 = vector.shape_cast %swap3A_108 : vector<1x16xf32> to vector<16xf32>
        %swap3A_110 = vector.shape_cast %mul3A_105 : vector<16xf32> to vector<1x16xf32>
        tpu.vector_store %arg13[%swap3A_106, %swap3A_107], %swap3A_110 {strides = array<i32>} : memref<128x128xf32, #tpu.memory_space<vmem>>, vector<1x16xf32>,
        %slice3A_111 = vector.extract_strided_slice %exp3A {offsets = [3], sizes = [1], strides = [1]} : vector<16xf32> to vector<1xf32>
        %squeeze3A_112 = vector.extract %slice3A_111[0] : f32 from vector<1xf32>
        %get3A_113 = arith.index_cast %scan3A_56 : i32 to index
        %get3A_114 = arith.constant 48 : index
        %get3A_115 = tpu.vector_load %arg13[%get3A_113, %get3A_114] {strides = array<i32>} : memref<128x128xf32, #tpu.memory_space<vmem>>, vector<1x16xf32>,
        %get3A_116 = vector.shape_cast %get3A_115 : vector<1x16xf32> to vector<16xf32>
        %mul3A_117 = vector.broadcast %squeeze3A_112 : f32 to vector<16xf32>
        %mul3A_118 = arith.mulf %get3A_116, %mul3A_117 : vector<16xf32>
        %swap3A_119 = arith.index_cast %scan3A_56 : i32 to index
        %swap3A_120 = arith.constant 48 : index
        %swap3A_121 = tpu.vector_load %arg13[%swap3A_119, %swap3A_120] {strides = array<i32>} : memref<128x128xf32, #tpu.memory_space<vmem>>, vector<1x16xf32>,
        %swap3A_122 = vector.shape_cast %swap3A_121 : vector<1x16xf32> to vector<16xf32>
        %swap3A_123 = vector.shape_cast %mul3A_118 : vector<16xf32> to vector<1x16xf32>
        tpu.vector_store %arg13[%swap3A_119, %swap3A_120], %swap3A_123 {strides = array<i32>} : memref<128x128xf32, #tpu.memory_space<vmem>>, vector<1x16xf32>,
        %slice3A_124 = vector.extract_strided_slice %exp3A {offsets = [4], sizes = [1], strides = [1]} : vector<16xf32> to vector<1xf32>
        %squeeze3A_125 = vector.extract %slice3A_124[0] : f32 from vector<1xf32>
        %get3A_126 = arith.index_cast %scan3A_56 : i32 to index
        %get3A_127 = arith.constant 64 : index
        %get3A_128 = tpu.vector_load %arg13[%get3A_126, %get3A_127] {strides = array<i32>} : memref<128x128xf32, #tpu.memory_space<vmem>>, vector<1x16xf32>,
        %get3A_129 = vector.shape_cast %get3A_128 : vector<1x16xf32> to vector<16xf32>
        %mul3A_130 = vector.broadcast %squeeze3A_125 : f32 to vector<16xf32>
        %mul3A_131 = arith.mulf %get3A_129, %mul3A_130 : vector<16xf32>
        %swap3A_132 = arith.index_cast %scan3A_56 : i32 to index
        %swap3A_133 = arith.constant 64 : index
        %swap3A_134 = tpu.vector_load %arg13[%swap3A_132, %swap3A_133] {strides = array<i32>} : memref<128x128xf32, #tpu.memory_space<vmem>>, vector<1x16xf32>,
        %swap3A_135 = vector.shape_cast %swap3A_134 : vector<1x16xf32> to vector<16xf32>
        %swap3A_136 = vector.shape_cast %mul3A_131 : vector<16xf32> to vector<1x16xf32>
        tpu.vector_store %arg13[%swap3A_132, %swap3A_133], %swap3A_136 {strides = array<i32>} : memref<128x128xf32, #tpu.memory_space<vmem>>, vector<1x16xf32>,
        %slice3A_137 = vector.extract_strided_slice %exp3A {offsets = [5], sizes = [1], strides = [1]} : vector<16xf32> to vector<1xf32>
        %squeeze3A_138 = vector.extract %slice3A_137[0] : f32 from vector<1xf32>
        %get3A_139 = arith.index_cast %scan3A_56 : i32 to index
        %get3A_140 = arith.constant 80 : index
        %get3A_141 = tpu.vector_load %arg13[%get3A_139, %get3A_140] {strides = array<i32>} : memref<128x128xf32, #tpu.memory_space<vmem>>, vector<1x16xf32>,
        %get3A_142 = vector.shape_cast %get3A_141 : vector<1x16xf32> to vector<16xf32>
        %mul3A_143 = vector.broadcast %squeeze3A_138 : f32 to vector<16xf32>
        %mul3A_144 = arith.mulf %get3A_142, %mul3A_143 : vector<16xf32>
        %swap3A_145 = arith.index_cast %scan3A_56 : i32 to index
        %swap3A_146 = arith.constant 80 : index
        %swap3A_147 = tpu.vector_load %arg13[%swap3A_145, %swap3A_146] {strides = array<i32>} : memref<128x128xf32, #tpu.memory_space<vmem>>, vector<1x16xf32>,
        %swap3A_148 = vector.shape_cast %swap3A_147 : vector<1x16xf32> to vector<16xf32>
        %swap3A_149 = vector.shape_cast %mul3A_144 : vector<16xf32> to vector<1x16xf32>
        tpu.vector_store %arg13[%swap3A_145, %swap3A_146], %swap3A_149 {strides = array<i32>} : memref<128x128xf32, #tpu.memory_space<vmem>>, vector<1x16xf32>,
        %slice3A_150 = vector.extract_strided_slice %exp3A {offsets = [6], sizes = [1], strides = [1]} : vector<16xf32> to vector<1xf32>
        %squeeze3A_151 = vector.extract %slice3A_150[0] : f32 from vector<1xf32>
        %get3A_152 = arith.index_cast %scan3A_56 : i32 to index
        %get3A_153 = arith.constant 96 : index
        %get3A_154 = tpu.vector_load %arg13[%get3A_152, %get3A_153] {strides = array<i32>} : memref<128x128xf32, #tpu.memory_space<vmem>>, vector<1x16xf32>,
        %get3A_155 = vector.shape_cast %get3A_154 : vector<1x16xf32> to vector<16xf32>
        %mul3A_156 = vector.broadcast %squeeze3A_151 : f32 to vector<16xf32>
        %mul3A_157 = arith.mulf %get3A_155, %mul3A_156 : vector<16xf32>
        %swap3A_158 = arith.index_cast %scan3A_56 : i32 to index
        %swap3A_159 = arith.constant 96 : index
        %swap3A_160 = tpu.vector_load %arg13[%swap3A_158, %swap3A_159] {strides = array<i32>} : memref<128x128xf32, #tpu.memory_space<vmem>>, vector<1x16xf32>,
        %swap3A_161 = vector.shape_cast %swap3A_160 : vector<1x16xf32> to vector<16xf32>
        %swap3A_162 = vector.shape_cast %mul3A_157 : vector<16xf32> to vector<1x16xf32>
        tpu.vector_store %arg13[%swap3A_158, %swap3A_159], %swap3A_162 {strides = array<i32>} : memref<128x128xf32, #tpu.memory_space<vmem>>, vector<1x16xf32>,
        %slice3A_163 = vector.extract_strided_slice %exp3A {offsets = [7], sizes = [1], strides = [1]} : vector<16xf32> to vector<1xf32>
        %squeeze3A_164 = vector.extract %slice3A_163[0] : f32 from vector<1xf32>
        %get3A_165 = arith.index_cast %scan3A_56 : i32 to index
        %get3A_166 = arith.constant 112 : index
        %get3A_167 = tpu.vector_load %arg13[%get3A_165, %get3A_166] {strides = array<i32>} : memref<128x128xf32, #tpu.memory_space<vmem>>, vector<1x16xf32>,
        %get3A_168 = vector.shape_cast %get3A_167 : vector<1x16xf32> to vector<16xf32>
        %mul3A_169 = vector.broadcast %squeeze3A_164 : f32 to vector<16xf32>
        %mul3A_170 = arith.mulf %get3A_168, %mul3A_169 : vector<16xf32>
        %swap3A_171 = arith.index_cast %scan3A_56 : i32 to index
        %swap3A_172 = arith.constant 112 : index
        %swap3A_173 = tpu.vector_load %arg13[%swap3A_171, %swap3A_172] {strides = array<i32>} : memref<128x128xf32, #tpu.memory_space<vmem>>, vector<1x16xf32>,
        %swap3A_174 = vector.shape_cast %swap3A_173 : vector<1x16xf32> to vector<16xf32>
        %swap3A_175 = vector.shape_cast %mul3A_170 : vector<16xf32> to vector<1x16xf32>
        tpu.vector_store %arg13[%swap3A_171, %swap3A_172], %swap3A_175 {strides = array<i32>} : memref<128x128xf32, #tpu.memory_space<vmem>>, vector<1x16xf32>,
      }
      %scan3A_55 = arith.constant 128 : i32
      "tpu.region"() ({
        %run_scoped3A = tpu.sem_alloc : memref<!tpu.dma_semaphore, #tpu.memory_space<semaphore_mem>>
        %dma_start3A_56 = arith.constant 0 : i32
        %dma_start3A_57 = arith.constant 0 : i32
        %dma_start3A_58 = tpu.memref_slice %arg17[%dma_start3A_56, %dma_start3A_57] : memref<10000x128xf32, #tpu.memory_space<vmem_shared>> -> memref<10000x128xf32, #tpu.memory_space<vmem_shared>>
        tpu.enqueue_indirect_dma source(%arg13 : memref<128x128xf32, #tpu.memory_space<vmem>>) target(%dma_start3A_58 : memref<10000x128xf32, #tpu.memory_space<vmem_shared>>) offsets(%arg12 : memref<128xi32, #tpu.memory_space<vmem>>) semaphore(%run_scoped3A : memref<!tpu.dma_semaphore, #tpu.memory_space<semaphore_mem>>) {add = true}
        %dma_wait3A_59 = arith.constant 0 : i32
        %dma_wait3A_60 = arith.constant 0 : i32
        %dma_wait3A_61 = tpu.memref_slice %arg17[%dma_wait3A_59, %dma_wait3A_60] : memref<10000x128xf32, #tpu.memory_space<vmem_shared>> -> memref<10000x128xf32, #tpu.memory_space<vmem_shared>>
        tpu.wait_indirect_dma semaphore(%run_scoped3A : memref<!tpu.dma_semaphore, #tpu.memory_space<semaphore_mem>>) src(%arg13 : memref<128x128xf32, #tpu.memory_space<vmem>>) dst(%dma_wait3A_61 : memref<10000x128xf32, #tpu.memory_space<vmem_shared>>)
        tpu.yield
      }) : () -> ()
      "tpu.region"() ({
        %run_scoped3A = tpu.sem_alloc : memref<!tpu.dma_semaphore, #tpu.memory_space<semaphore_mem>>
        %dma_start3A_56 = arith.constant 0 : i32
        %dma_start3A_57 = arith.constant 0 : i32
        %dma_start3A_58 = tpu.memref_slice %arg18[%dma_start3A_56, %dma_start3A_57] : memref<10000x16xf32, #tpu.memory_space<vmem_shared>> -> memref<10000x16xf32, #tpu.memory_space<vmem_shared>>
        tpu.enqueue_indirect_dma source(%arg16 : memref<128x16xf32, #tpu.memory_space<vmem>>) target(%dma_start3A_58 : memref<10000x16xf32, #tpu.memory_space<vmem_shared>>) offsets(%arg12 : memref<128xi32, #tpu.memory_space<vmem>>) semaphore(%run_scoped3A : memref<!tpu.dma_semaphore, #tpu.memory_space<semaphore_mem>>) {add = true}
        %dma_wait3A_59 = arith.constant 0 : i32
        %dma_wait3A_60 = arith.constant 0 : i32
        %dma_wait3A_61 = tpu.memref_slice %arg18[%dma_wait3A_59, %dma_wait3A_60] : memref<10000x16xf32, #tpu.memory_space<vmem_shared>> -> memref<10000x16xf32, #tpu.memory_space<vmem_shared>>
        tpu.wait_indirect_dma semaphore(%run_scoped3A : memref<!tpu.dma_semaphore, #tpu.memory_space<semaphore_mem>>) src(%arg16 : memref<128x16xf32, #tpu.memory_space<vmem>>) dst(%dma_wait3A_61 : memref<10000x16xf32, #tpu.memory_space<vmem_shared>>)
        tpu.yield
      }) : () -> ()
    } else {
    }
    %barrier3A_19 = arith.constant 0 : index
    tpu.barrier barrier_id(%barrier3A_19)
    %lt3A_20 = arith.constant 15 : i32
    %lt3A_21 = arith.cmpi slt, %arg1, %lt3A_20 : i32
    %convert_element_type3A_22 = arith.extui %lt3A_21 : i1 to i32
    %cond3A_23 = arith.constant 0 : i32
    %cond3A_24 = arith.cmpi ne, %convert_element_type3A_22, %cond3A_23 : i32
    scf.if %cond3A_24 {
      "tpu.region"() ({
        %run_scoped3A = tpu.sem_alloc : memref<!tpu.dma_semaphore, #tpu.memory_space<semaphore_mem>>
        %dma_start3A = arith.constant 0 : i32
        %dma_start3A_30 = tpu.memref_slice %arg9[%arg0, %mul3A_2, %dma_start3A] : memref<2x10000x128xf32, #tpu.memory_space<hbm>> -> memref<1x624x128xf32, #tpu.memory_space<hbm>>
        %dma_start3A_31 = tpu.memref_squeeze %dma_start3A_30 : memref<1x624x128xf32, #tpu.memory_space<hbm>> -> memref<624x128xf32, #tpu.memory_space<hbm>>
        %dma_start3A_32 = arith.constant 0 : i32
        %dma_start3A_33 = tpu.memref_slice %arg17[%mul3A_2, %dma_start3A_32] : memref<10000x128xf32, #tpu.memory_space<vmem_shared>> -> memref<624x128xf32, #tpu.memory_space<vmem_shared>>
        tpu.enqueue_dma source(%dma_start3A_33 : memref<624x128xf32, #tpu.memory_space<vmem_shared>>) target(%dma_start3A_31 : memref<624x128xf32, #tpu.memory_space<hbm>>) target_semaphore(%run_scoped3A : memref<!tpu.dma_semaphore, #tpu.memory_space<semaphore_mem>>)
        %dma_wait3A = arith.constant 0 : i32
        %dma_wait3A_34 = tpu.memref_slice %arg9[%arg0, %mul3A_2, %dma_wait3A] : memref<2x10000x128xf32, #tpu.memory_space<hbm>> -> memref<1x624x128xf32, #tpu.memory_space<hbm>>
        %dma_wait3A_35 = tpu.memref_squeeze %dma_wait3A_34 : memref<1x624x128xf32, #tpu.memory_space<hbm>> -> memref<624x128xf32, #tpu.memory_space<hbm>>
        %dma_wait3A_36 = arith.constant 0 : i32
        %dma_wait3A_37 = tpu.memref_slice %arg17[%mul3A_2, %dma_wait3A_36] : memref<10000x128xf32, #tpu.memory_space<vmem_shared>> -> memref<624x128xf32, #tpu.memory_space<vmem_shared>>
        tpu.wait_dma2 semaphore(%run_scoped3A : memref<!tpu.dma_semaphore, #tpu.memory_space<semaphore_mem>>) src(%dma_wait3A_37 : memref<624x128xf32, #tpu.memory_space<vmem_shared>>) dst(%dma_wait3A_35 : memref<624x128xf32, #tpu.memory_space<hbm>>)
        tpu.yield
      }) : () -> ()
      "tpu.region"() ({
        %run_scoped3A = tpu.sem_alloc : memref<!tpu.dma_semaphore, #tpu.memory_space<semaphore_mem>>
        %dma_start3A = arith.constant 0 : i32
        %dma_start3A_30 = tpu.memref_slice %arg10[%arg0, %mul3A_2, %dma_start3A] : memref<2x10000x16xf32, #tpu.memory_space<hbm>> -> memref<1x624x16xf32, #tpu.memory_space<hbm>>
        %dma_start3A_31 = tpu.memref_squeeze %dma_start3A_30 : memref<1x624x16xf32, #tpu.memory_space<hbm>> -> memref<624x16xf32, #tpu.memory_space<hbm>>
        %dma_start3A_32 = arith.constant 0 : i32
        %dma_start3A_33 = tpu.memref_slice %arg18[%mul3A_2, %dma_start3A_32] : memref<10000x16xf32, #tpu.memory_space<vmem_shared>> -> memref<624x16xf32, #tpu.memory_space<vmem_shared>>
        tpu.enqueue_dma source(%dma_start3A_33 : memref<624x16xf32, #tpu.memory_space<vmem_shared>>) target(%dma_start3A_31 : memref<624x16xf32, #tpu.memory_space<hbm>>) target_semaphore(%run_scoped3A : memref<!tpu.dma_semaphore, #tpu.memory_space<semaphore_mem>>)
        %dma_wait3A = arith.constant 0 : i32
        %dma_wait3A_34 = tpu.memref_slice %arg10[%arg0, %mul3A_2, %dma_wait3A] : memref<2x10000x16xf32, #tpu.memory_space<hbm>> -> memref<1x624x16xf32, #tpu.memory_space<hbm>>
        %dma_wait3A_35 = tpu.memref_squeeze %dma_wait3A_34 : memref<1x624x16xf32, #tpu.memory_space<hbm>> -> memref<624x16xf32, #tpu.memory_space<hbm>>
        %dma_wait3A_36 = arith.constant 0 : i32
        %dma_wait3A_37 = tpu.memref_slice %arg18[%mul3A_2, %dma_wait3A_36] : memref<10000x16xf32, #tpu.memory_space<vmem_shared>> -> memref<624x16xf32, #tpu.memory_space<vmem_shared>>
        tpu.wait_dma2 semaphore(%run_scoped3A : memref<!tpu.dma_semaphore, #tpu.memory_space<semaphore_mem>>) src(%dma_wait3A_37 : memref<624x16xf32, #tpu.memory_space<vmem_shared>>) dst(%dma_wait3A_35 : memref<624x16xf32, #tpu.memory_space<hbm>>)
        tpu.yield
      }) : () -> ()
    } else {
    }
    %eq3A_25 = arith.constant 15 : i32
    %eq3A_26 = arith.cmpi eq, %arg1, %eq3A_25 : i32
    %convert_element_type3A_27 = arith.extui %eq3A_26 : i1 to i32
    %cond3A_28 = arith.constant 0 : i32
    %cond3A_29 = arith.cmpi ne, %convert_element_type3A_27, %cond3A_28 : i32
    scf.if %cond3A_29 {
      "tpu.region"() ({
        %run_scoped3A = tpu.sem_alloc : memref<!tpu.dma_semaphore, #tpu.memory_space<semaphore_mem>>
        %dma_start3A = arith.constant 9360 : i32
        %dma_start3A_30 = arith.constant 0 : i32
        %dma_start3A_31 = tpu.memref_slice %arg9[%arg0, %dma_start3A, %dma_start3A_30] : memref<2x10000x128xf32, #tpu.memory_space<hbm>> -> memref<1x640x128xf32, #tpu.memory_space<hbm>>
        %dma_start3A_32 = tpu.memref_squeeze %dma_start3A_31 : memref<1x640x128xf32, #tpu.memory_space<hbm>> -> memref<640x128xf32, #tpu.memory_space<hbm>>
        %dma_start3A_33 = arith.constant 9360 : i32
        %dma_start3A_34 = arith.constant 0 : i32
        %dma_start3A_35 = tpu.memref_slice %arg17[%dma_start3A_33, %dma_start3A_34] : memref<10000x128xf32, #tpu.memory_space<vmem_shared>> -> memref<640x128xf32, #tpu.memory_space<vmem_shared>>
        tpu.enqueue_dma source(%dma_start3A_35 : memref<640x128xf32, #tpu.memory_space<vmem_shared>>) target(%dma_start3A_32 : memref<640x128xf32, #tpu.memory_space<hbm>>) target_semaphore(%run_scoped3A : memref<!tpu.dma_semaphore, #tpu.memory_space<semaphore_mem>>)
        %dma_wait3A = arith.constant 9360 : i32
        %dma_wait3A_36 = arith.constant 0 : i32
        %dma_wait3A_37 = tpu.memref_slice %arg9[%arg0, %dma_wait3A, %dma_wait3A_36] : memref<2x10000x128xf32, #tpu.memory_space<hbm>> -> memref<1x640x128xf32, #tpu.memory_space<hbm>>
        %dma_wait3A_38 = tpu.memref_squeeze %dma_wait3A_37 : memref<1x640x128xf32, #tpu.memory_space<hbm>> -> memref<640x128xf32, #tpu.memory_space<hbm>>
        %dma_wait3A_39 = arith.constant 9360 : i32
        %dma_wait3A_40 = arith.constant 0 : i32
        %dma_wait3A_41 = tpu.memref_slice %arg17[%dma_wait3A_39, %dma_wait3A_40] : memref<10000x128xf32, #tpu.memory_space<vmem_shared>> -> memref<640x128xf32, #tpu.memory_space<vmem_shared>>
        tpu.wait_dma2 semaphore(%run_scoped3A : memref<!tpu.dma_semaphore, #tpu.memory_space<semaphore_mem>>) src(%dma_wait3A_41 : memref<640x128xf32, #tpu.memory_space<vmem_shared>>) dst(%dma_wait3A_38 : memref<640x128xf32, #tpu.memory_space<hbm>>)
        tpu.yield
      }) : () -> ()
      "tpu.region"() ({
        %run_scoped3A = tpu.sem_alloc : memref<!tpu.dma_semaphore, #tpu.memory_space<semaphore_mem>>
        %dma_start3A = arith.constant 9360 : i32
        %dma_start3A_30 = arith.constant 0 : i32
        %dma_start3A_31 = tpu.memref_slice %arg10[%arg0, %dma_start3A, %dma_start3A_30] : memref<2x10000x16xf32, #tpu.memory_space<hbm>> -> memref<1x640x16xf32, #tpu.memory_space<hbm>>
        %dma_start3A_32 = tpu.memref_squeeze %dma_start3A_31 : memref<1x640x16xf32, #tpu.memory_space<hbm>> -> memref<640x16xf32, #tpu.memory_space<hbm>>
        %dma_start3A_33 = arith.constant 9360 : i32
        %dma_start3A_34 = arith.constant 0 : i32
        %dma_start3A_35 = tpu.memref_slice %arg18[%dma_start3A_33, %dma_start3A_34] : memref<10000x16xf32, #tpu.memory_space<vmem_shared>> -> memref<640x16xf32, #tpu.memory_space<vmem_shared>>
        tpu.enqueue_dma source(%dma_start3A_35 : memref<640x16xf32, #tpu.memory_space<vmem_shared>>) target(%dma_start3A_32 : memref<640x16xf32, #tpu.memory_space<hbm>>) target_semaphore(%run_scoped3A : memref<!tpu.dma_semaphore, #tpu.memory_space<semaphore_mem>>)
        %dma_wait3A = arith.constant 9360 : i32
        %dma_wait3A_36 = arith.constant 0 : i32
        %dma_wait3A_37 = tpu.memref_slice %arg10[%arg0, %dma_wait3A, %dma_wait3A_36] : memref<2x10000x16xf32, #tpu.memory_space<hbm>> -> memref<1x640x16xf32, #tpu.memory_space<hbm>>
        %dma_wait3A_38 = tpu.memref_squeeze %dma_wait3A_37 : memref<1x640x16xf32, #tpu.memory_space<hbm>> -> memref<640x16xf32, #tpu.memory_space<hbm>>
        %dma_wait3A_39 = arith.constant 9360 : i32
        %dma_wait3A_40 = arith.constant 0 : i32
        %dma_wait3A_41 = tpu.memref_slice %arg18[%dma_wait3A_39, %dma_wait3A_40] : memref<10000x16xf32, #tpu.memory_space<vmem_shared>> -> memref<640x16xf32, #tpu.memory_space<vmem_shared>>
        tpu.wait_dma2 semaphore(%run_scoped3A : memref<!tpu.dma_semaphore, #tpu.memory_space<semaphore_mem>>) src(%dma_wait3A_41 : memref<640x16xf32, #tpu.memory_space<vmem_shared>>) dst(%dma_wait3A_38 : memref<640x16xf32, #tpu.memory_space<hbm>>)
        tpu.yield
      }) : () -> ()
    } else {
    }
    return
  }
}

#map = affine_map<(d0, d1) -> (0)>
#map1 = affine_map<(d0, d1) -> (0, 0)>
#map2 = affine_map<(d0, d1) -> (0, 0, 0)>
module attributes {stable_mosaic.version = 14 : i64} {
  func.func @_edge_body(%arg0: i32, %arg1: i32, %arg2: memref<320000xi32, #tpu.memory_space<hbm>>, %arg3: memref<320000xi32, #tpu.memory_space<hbm>>, %arg4: memref<10000x128xf32, #tpu.memory_space<hbm>>, %arg5: memref<10000x16xf32, #tpu.memory_space<hbm>>, %arg6: memref<10000x16xf32, #tpu.memory_space<hbm>>, %arg7: memref<640x128xf32, #tpu.memory_space<hbm>>, %arg8: memref<640x16xf32, #tpu.memory_space<hbm>>, %arg9: memref<2x10000x128xf32, #tpu.memory_space<hbm>>, %arg10: memref<2x10000x16xf32, #tpu.memory_space<hbm>>, %arg11: memref<128xi32, #tpu.memory_space<vmem>>, %arg12: memref<128xi32, #tpu.memory_space<vmem>>, %arg13: memref<128x128xf32, #tpu.memory_space<vmem>>, %arg14: memref<128x16xf32, #tpu.memory_space<vmem>>, %arg15: memref<128x16xf32, #tpu.memory_space<vmem>>, %arg16: memref<128x16xf32, #tpu.memory_space<vmem>>, %arg17: memref<10000x128xf32, #tpu.memory_space<vmem_shared>>, %arg18: memref<10000x16xf32, #tpu.memory_space<vmem_shared>>, %arg19: memref<!tpu.dma_semaphore, #tpu.memory_space<semaphore_mem>>) attributes {dimension_semantics = [#tpu.dimension_semantics<core_parallel>, #tpu.dimension_semantics<subcore_parallel>], iteration_bounds = array<i64: 2, 16>, scalar_prefetch = 0 : i64, scratch_operands = 9 : i64, tpu.core_type = #tpu.core_type<sc_vector_subcore>, window_params = [{transform_indices = #map}, {transform_indices = #map}, {transform_indices = #map1}, {transform_indices = #map1}, {transform_indices = #map1}, {transform_indices = #map1}, {transform_indices = #map1}, {transform_indices = #map2}, {transform_indices = #map2}]} {
    %mul3A = arith.constant 2 : i32
    %mul3A_0 = arith.muli %arg1, %mul3A : i32
    %add3A = arith.addi %mul3A_0, %arg0 : i32
    %mul3A_1 = arith.constant 624 : i32
    %mul3A_2 = arith.muli %arg1, %mul3A_1 : i32
    %lt3A = arith.constant 15 : i32
    %lt3A_3 = arith.cmpi slt, %arg1, %lt3A : i32
    %convert_element_type3A = arith.extui %lt3A_3 : i1 to i32
    %cond3A = arith.constant 0 : i32
    %cond3A_4 = arith.cmpi ne, %convert_element_type3A, %cond3A : i32
    scf.if %cond3A_4 {
      "tpu.region"() ({
        %run_scoped3A = tpu.sem_alloc : memref<!tpu.dma_semaphore, #tpu.memory_space<semaphore_mem>>
        %dma_start3A = arith.constant 0 : i32
        %dma_start3A_30 = tpu.memref_slice %arg17[%mul3A_2, %dma_start3A] : memref<10000x128xf32, #tpu.memory_space<vmem_shared>> -> memref<624x128xf32, #tpu.memory_space<vmem_shared>>
        %dma_start3A_31 = arith.constant 0 : i32
        %dma_start3A_32 = arith.constant 0 : i32
        %dma_start3A_33 = tpu.memref_slice %arg7[%dma_start3A_31, %dma_start3A_32] : memref<640x128xf32, #tpu.memory_space<hbm>> -> memref<624x128xf32, #tpu.memory_space<hbm>>
        tpu.enqueue_dma source(%dma_start3A_33 : memref<624x128xf32, #tpu.memory_space<hbm>>) target(%dma_start3A_30 : memref<624x128xf32, #tpu.memory_space<vmem_shared>>) target_semaphore(%run_scoped3A : memref<!tpu.dma_semaphore, #tpu.memory_space<semaphore_mem>>)
        %dma_wait3A = arith.constant 0 : i32
        %dma_wait3A_34 = tpu.memref_slice %arg17[%mul3A_2, %dma_wait3A] : memref<10000x128xf32, #tpu.memory_space<vmem_shared>> -> memref<624x128xf32, #tpu.memory_space<vmem_shared>>
        %dma_wait3A_35 = arith.constant 0 : i32
        %dma_wait3A_36 = arith.constant 0 : i32
        %dma_wait3A_37 = tpu.memref_slice %arg7[%dma_wait3A_35, %dma_wait3A_36] : memref<640x128xf32, #tpu.memory_space<hbm>> -> memref<624x128xf32, #tpu.memory_space<hbm>>
        tpu.wait_dma2 semaphore(%run_scoped3A : memref<!tpu.dma_semaphore, #tpu.memory_space<semaphore_mem>>) src(%dma_wait3A_37 : memref<624x128xf32, #tpu.memory_space<hbm>>) dst(%dma_wait3A_34 : memref<624x128xf32, #tpu.memory_space<vmem_shared>>)
        tpu.yield
      }) : () -> ()
      "tpu.region"() ({
        %run_scoped3A = tpu.sem_alloc : memref<!tpu.dma_semaphore, #tpu.memory_space<semaphore_mem>>
        %dma_start3A = arith.constant 0 : i32
        %dma_start3A_30 = tpu.memref_slice %arg18[%mul3A_2, %dma_start3A] : memref<10000x16xf32, #tpu.memory_space<vmem_shared>> -> memref<624x16xf32, #tpu.memory_space<vmem_shared>>
        %dma_start3A_31 = arith.constant 0 : i32
        %dma_start3A_32 = arith.constant 0 : i32
        %dma_start3A_33 = tpu.memref_slice %arg8[%dma_start3A_31, %dma_start3A_32] : memref<640x16xf32, #tpu.memory_space<hbm>> -> memref<624x16xf32, #tpu.memory_space<hbm>>
        tpu.enqueue_dma source(%dma_start3A_33 : memref<624x16xf32, #tpu.memory_space<hbm>>) target(%dma_start3A_30 : memref<624x16xf32, #tpu.memory_space<vmem_shared>>) target_semaphore(%run_scoped3A : memref<!tpu.dma_semaphore, #tpu.memory_space<semaphore_mem>>)
        %dma_wait3A = arith.constant 0 : i32
        %dma_wait3A_34 = tpu.memref_slice %arg18[%mul3A_2, %dma_wait3A] : memref<10000x16xf32, #tpu.memory_space<vmem_shared>> -> memref<624x16xf32, #tpu.memory_space<vmem_shared>>
        %dma_wait3A_35 = arith.constant 0 : i32
        %dma_wait3A_36 = arith.constant 0 : i32
        %dma_wait3A_37 = tpu.memref_slice %arg8[%dma_wait3A_35, %dma_wait3A_36] : memref<640x16xf32, #tpu.memory_space<hbm>> -> memref<624x16xf32, #tpu.memory_space<hbm>>
        tpu.wait_dma2 semaphore(%run_scoped3A : memref<!tpu.dma_semaphore, #tpu.memory_space<semaphore_mem>>) src(%dma_wait3A_37 : memref<624x16xf32, #tpu.memory_space<hbm>>) dst(%dma_wait3A_34 : memref<624x16xf32, #tpu.memory_space<vmem_shared>>)
        tpu.yield
      }) : () -> ()
    } else {
    }
    %eq3A = arith.constant 15 : i32
    %eq3A_5 = arith.cmpi eq, %arg1, %eq3A : i32
    %convert_element_type3A_6 = arith.extui %eq3A_5 : i1 to i32
    %cond3A_7 = arith.constant 0 : i32
    %cond3A_8 = arith.cmpi ne, %convert_element_type3A_6, %cond3A_7 : i32
    scf.if %cond3A_8 {
      "tpu.region"() ({
        %run_scoped3A = tpu.sem_alloc : memref<!tpu.dma_semaphore, #tpu.memory_space<semaphore_mem>>
        %dma_start3A = arith.constant 9360 : i32
        %dma_start3A_30 = arith.constant 0 : i32
        %dma_start3A_31 = tpu.memref_slice %arg17[%dma_start3A, %dma_start3A_30] : memref<10000x128xf32, #tpu.memory_space<vmem_shared>> -> memref<640x128xf32, #tpu.memory_space<vmem_shared>>
        tpu.enqueue_dma source(%arg7 : memref<640x128xf32, #tpu.memory_space<hbm>>) target(%dma_start3A_31 : memref<640x128xf32, #tpu.memory_space<vmem_shared>>) target_semaphore(%run_scoped3A : memref<!tpu.dma_semaphore, #tpu.memory_space<semaphore_mem>>)
        %dma_wait3A = arith.constant 9360 : i32
        %dma_wait3A_32 = arith.constant 0 : i32
        %dma_wait3A_33 = tpu.memref_slice %arg17[%dma_wait3A, %dma_wait3A_32] : memref<10000x128xf32, #tpu.memory_space<vmem_shared>> -> memref<640x128xf32, #tpu.memory_space<vmem_shared>>
        tpu.wait_dma2 semaphore(%run_scoped3A : memref<!tpu.dma_semaphore, #tpu.memory_space<semaphore_mem>>) src(%arg7 : memref<640x128xf32, #tpu.memory_space<hbm>>) dst(%dma_wait3A_33 : memref<640x128xf32, #tpu.memory_space<vmem_shared>>)
        tpu.yield
      }) : () -> ()
      "tpu.region"() ({
        %run_scoped3A = tpu.sem_alloc : memref<!tpu.dma_semaphore, #tpu.memory_space<semaphore_mem>>
        %dma_start3A = arith.constant 9360 : i32
        %dma_start3A_30 = arith.constant 0 : i32
        %dma_start3A_31 = tpu.memref_slice %arg18[%dma_start3A, %dma_start3A_30] : memref<10000x16xf32, #tpu.memory_space<vmem_shared>> -> memref<640x16xf32, #tpu.memory_space<vmem_shared>>
        tpu.enqueue_dma source(%arg8 : memref<640x16xf32, #tpu.memory_space<hbm>>) target(%dma_start3A_31 : memref<640x16xf32, #tpu.memory_space<vmem_shared>>) target_semaphore(%run_scoped3A : memref<!tpu.dma_semaphore, #tpu.memory_space<semaphore_mem>>)
        %dma_wait3A = arith.constant 9360 : i32
        %dma_wait3A_32 = arith.constant 0 : i32
        %dma_wait3A_33 = tpu.memref_slice %arg18[%dma_wait3A, %dma_wait3A_32] : memref<10000x16xf32, #tpu.memory_space<vmem_shared>> -> memref<640x16xf32, #tpu.memory_space<vmem_shared>>
        tpu.wait_dma2 semaphore(%run_scoped3A : memref<!tpu.dma_semaphore, #tpu.memory_space<semaphore_mem>>) src(%arg8 : memref<640x16xf32, #tpu.memory_space<hbm>>) dst(%dma_wait3A_33 : memref<640x16xf32, #tpu.memory_space<vmem_shared>>)
        tpu.yield
      }) : () -> ()
    } else {
    }
    %barrier3A = arith.constant 0 : index
    tpu.barrier barrier_id(%barrier3A)
    %scan3A = arith.constant 0 : i32
    %scan3A_9 = arith.constant 0 : i32
    %scan3A_10 = arith.constant 78 : i32
    %scan3A_11 = arith.addi %scan3A_9, %scan3A_10 : i32
    %scan3A_12 = arith.constant 1 : i32
    scf.for %scan3A_30 = %scan3A_9 to %scan3A_11 step %scan3A_12  : i32 {
      %mul3A_31 = arith.constant 32 : i32
      %mul3A_32 = arith.muli %mul3A_31, %scan3A_30 : i32
      %add3A_33 = arith.addi %add3A, %mul3A_32 : i32
      %mul3A_34 = arith.constant 128 : i32
      %mul3A_35 = arith.muli %add3A_33, %mul3A_34 : i32
      "tpu.region"() ({
        %run_scoped3A = tpu.sem_alloc : memref<!tpu.dma_semaphore, #tpu.memory_space<semaphore_mem>>
        %dma_start3A_58 = tpu.memref_slice %arg2[%mul3A_35] : memref<320000xi32, #tpu.memory_space<hbm>> -> memref<128xi32, #tpu.memory_space<hbm>>
        %dma_start3A_59 = tpu.memref_slice %arg2[%mul3A_35] : memref<320000xi32, #tpu.memory_space<hbm>> -> memref<128xi32, #tpu.memory_space<hbm>>
        tpu.enqueue_dma source(%dma_start3A_59 : memref<128xi32, #tpu.memory_space<hbm>>) target(%arg11 : memref<128xi32, #tpu.memory_space<vmem>>) target_semaphore(%run_scoped3A : memref<!tpu.dma_semaphore, #tpu.memory_space<semaphore_mem>>)
        %dma_wait3A_60 = tpu.memref_slice %arg2[%mul3A_35] : memref<320000xi32, #tpu.memory_space<hbm>> -> memref<128xi32, #tpu.memory_space<hbm>>
        %dma_wait3A_61 = tpu.memref_slice %arg2[%mul3A_35] : memref<320000xi32, #tpu.memory_space<hbm>> -> memref<128xi32, #tpu.memory_space<hbm>>
        tpu.wait_dma2 semaphore(%run_scoped3A : memref<!tpu.dma_semaphore, #tpu.memory_space<semaphore_mem>>) src(%dma_wait3A_61 : memref<128xi32, #tpu.memory_space<hbm>>) dst(%arg11 : memref<128xi32, #tpu.memory_space<vmem>>)
        tpu.yield
      }) : () -> ()
      "tpu.region"() ({
        %run_scoped3A = tpu.sem_alloc : memref<!tpu.dma_semaphore, #tpu.memory_space<semaphore_mem>>
        %dma_start3A_58 = tpu.memref_slice %arg3[%mul3A_35] : memref<320000xi32, #tpu.memory_space<hbm>> -> memref<128xi32, #tpu.memory_space<hbm>>
        %dma_start3A_59 = tpu.memref_slice %arg3[%mul3A_35] : memref<320000xi32, #tpu.memory_space<hbm>> -> memref<128xi32, #tpu.memory_space<hbm>>
        tpu.enqueue_dma source(%dma_start3A_59 : memref<128xi32, #tpu.memory_space<hbm>>) target(%arg12 : memref<128xi32, #tpu.memory_space<vmem>>) target_semaphore(%run_scoped3A : memref<!tpu.dma_semaphore, #tpu.memory_space<semaphore_mem>>)
        %dma_wait3A_60 = tpu.memref_slice %arg3[%mul3A_35] : memref<320000xi32, #tpu.memory_space<hbm>> -> memref<128xi32, #tpu.memory_space<hbm>>
        %dma_wait3A_61 = tpu.memref_slice %arg3[%mul3A_35] : memref<320000xi32, #tpu.memory_space<hbm>> -> memref<128xi32, #tpu.memory_space<hbm>>
        tpu.wait_dma2 semaphore(%run_scoped3A : memref<!tpu.dma_semaphore, #tpu.memory_space<semaphore_mem>>) src(%dma_wait3A_61 : memref<128xi32, #tpu.memory_space<hbm>>) dst(%arg12 : memref<128xi32, #tpu.memory_space<vmem>>)
        tpu.yield
      }) : () -> ()
      %dma_start3A = arith.constant 0 : i32
      %dma_start3A_36 = arith.constant 0 : i32
      %dma_start3A_37 = tpu.memref_slice %arg4[%dma_start3A, %dma_start3A_36] : memref<10000x128xf32, #tpu.memory_space<hbm>> -> memref<10000x128xf32, #tpu.memory_space<hbm>>
      tpu.enqueue_indirect_dma source(%dma_start3A_37 : memref<10000x128xf32, #tpu.memory_space<hbm>>) target(%arg13 : memref<128x128xf32, #tpu.memory_space<vmem>>) offsets(%arg11 : memref<128xi32, #tpu.memory_space<vmem>>) semaphore(%arg19 : memref<!tpu.dma_semaphore, #tpu.memory_space<semaphore_mem>>)
      %dma_start3A_38 = arith.constant 0 : i32
      %dma_start3A_39 = arith.constant 0 : i32
      %dma_start3A_40 = tpu.memref_slice %arg5[%dma_start3A_38, %dma_start3A_39] : memref<10000x16xf32, #tpu.memory_space<hbm>> -> memref<10000x16xf32, #tpu.memory_space<hbm>>
      tpu.enqueue_indirect_dma source(%dma_start3A_40 : memref<10000x16xf32, #tpu.memory_space<hbm>>) target(%arg14 : memref<128x16xf32, #tpu.memory_space<vmem>>) offsets(%arg11 : memref<128xi32, #tpu.memory_space<vmem>>) semaphore(%arg19 : memref<!tpu.dma_semaphore, #tpu.memory_space<semaphore_mem>>)
      %dma_start3A_41 = arith.constant 0 : i32
      %dma_start3A_42 = arith.constant 0 : i32
      %dma_start3A_43 = tpu.memref_slice %arg6[%dma_start3A_41, %dma_start3A_42] : memref<10000x16xf32, #tpu.memory_space<hbm>> -> memref<10000x16xf32, #tpu.memory_space<hbm>>
      tpu.enqueue_indirect_dma source(%dma_start3A_43 : memref<10000x16xf32, #tpu.memory_space<hbm>>) target(%arg15 : memref<128x16xf32, #tpu.memory_space<vmem>>) offsets(%arg12 : memref<128xi32, #tpu.memory_space<vmem>>) semaphore(%arg19 : memref<!tpu.dma_semaphore, #tpu.memory_space<semaphore_mem>>)
      %dma_wait3A = arith.constant 0 : i32
      %dma_wait3A_44 = arith.constant 0 : i32
      %dma_wait3A_45 = tpu.memref_slice %arg4[%dma_wait3A, %dma_wait3A_44] : memref<10000x128xf32, #tpu.memory_space<hbm>> -> memref<10000x128xf32, #tpu.memory_space<hbm>>
      tpu.wait_indirect_dma semaphore(%arg19 : memref<!tpu.dma_semaphore, #tpu.memory_space<semaphore_mem>>) src(%dma_wait3A_45 : memref<10000x128xf32, #tpu.memory_space<hbm>>) dst(%arg13 : memref<128x128xf32, #tpu.memory_space<vmem>>)
      %dma_wait3A_46 = arith.constant 0 : i32
      %dma_wait3A_47 = arith.constant 0 : i32
      %dma_wait3A_48 = tpu.memref_slice %arg5[%dma_wait3A_46, %dma_wait3A_47] : memref<10000x16xf32, #tpu.memory_space<hbm>> -> memref<10000x16xf32, #tpu.memory_space<hbm>>
      tpu.wait_indirect_dma semaphore(%arg19 : memref<!tpu.dma_semaphore, #tpu.memory_space<semaphore_mem>>) src(%dma_wait3A_48 : memref<10000x16xf32, #tpu.memory_space<hbm>>) dst(%arg14 : memref<128x16xf32, #tpu.memory_space<vmem>>)
      %dma_wait3A_49 = arith.constant 0 : i32
      %dma_wait3A_50 = arith.constant 0 : i32
      %dma_wait3A_51 = tpu.memref_slice %arg6[%dma_wait3A_49, %dma_wait3A_50] : memref<10000x16xf32, #tpu.memory_space<hbm>> -> memref<10000x16xf32, #tpu.memory_space<hbm>>
      tpu.wait_indirect_dma semaphore(%arg19 : memref<!tpu.dma_semaphore, #tpu.memory_space<semaphore_mem>>) src(%dma_wait3A_51 : memref<10000x16xf32, #tpu.memory_space<hbm>>) dst(%arg15 : memref<128x16xf32, #tpu.memory_space<vmem>>)
      %scan3A_52 = arith.constant 0 : i32
      %scan3A_53 = arith.constant 0 : i32
      %scan3A_54 = arith.constant 128 : i32
      %scan3A_55 = arith.addi %scan3A_53, %scan3A_54 : i32
      %scan3A_56 = arith.constant 1 : i32
      scf.for %scan3A_58 = %scan3A_53 to %scan3A_55 step %scan3A_56  : i32 {
        %get3A = arith.index_cast %scan3A_58 : i32 to index
        %get3A_59 = arith.constant 0 : index
        %get3A_60 = tpu.vector_load %arg14[%get3A, %get3A_59] {strides = array<i32>} : memref<128x16xf32, #tpu.memory_space<vmem>>, vector<1x16xf32>,
        %get3A_61 = vector.shape_cast %get3A_60 : vector<1x16xf32> to vector<16xf32>
        %get3A_62 = arith.index_cast %scan3A_58 : i32 to index
        %get3A_63 = arith.constant 0 : index
        %get3A_64 = tpu.vector_load %arg15[%get3A_62, %get3A_63] {strides = array<i32>} : memref<128x16xf32, #tpu.memory_space<vmem>>, vector<1x16xf32>,
        %get3A_65 = vector.shape_cast %get3A_64 : vector<1x16xf32> to vector<16xf32>
        %add3A_66 = arith.addf %get3A_61, %get3A_65 : vector<16xf32>
        %gt3A = arith.constant 0.000000e+00 : f32
        %gt3A_67 = vector.broadcast %gt3A : f32 to vector<16xf32>
        %gt3A_68 = arith.cmpf ogt, %add3A_66, %gt3A_67 : vector<16xf32>
        %mul3A_69 = arith.constant 2.000000e-01 : f32
        %mul3A_70 = vector.broadcast %mul3A_69 : f32 to vector<16xf32>
        %mul3A_71 = arith.mulf %mul3A_70, %add3A_66 : vector<16xf32>
        %select_n3A = arith.select %gt3A_68, %add3A_66, %mul3A_71 : vector<16xi1>, vector<16xf32>
        %exp3A = math.exp %select_n3A : vector<16xf32>
        %swap3A = arith.index_cast %scan3A_58 : i32 to index
        %swap3A_72 = arith.constant 0 : index
        %swap3A_73 = tpu.vector_load %arg16[%swap3A, %swap3A_72] {strides = array<i32>} : memref<128x16xf32, #tpu.memory_space<vmem>>, vector<1x16xf32>,
        %swap3A_74 = vector.shape_cast %swap3A_73 : vector<1x16xf32> to vector<16xf32>
        %swap3A_75 = vector.shape_cast %exp3A : vector<16xf32> to vector<1x16xf32>
        tpu.vector_store %arg16[%swap3A, %swap3A_72], %swap3A_75 {strides = array<i32>} : memref<128x16xf32, #tpu.memory_space<vmem>>, vector<1x16xf32>,
        %slice3A = vector.extract_strided_slice %exp3A {offsets = [0], sizes = [1], strides = [1]} : vector<16xf32> to vector<1xf32>
        %squeeze3A = vector.extract %slice3A[0] : f32 from vector<1xf32>
        %get3A_76 = arith.index_cast %scan3A_58 : i32 to index
        %get3A_77 = arith.constant 0 : index
        %get3A_78 = tpu.vector_load %arg13[%get3A_76, %get3A_77] {strides = array<i32>} : memref<128x128xf32, #tpu.memory_space<vmem>>, vector<1x16xf32>,
        %get3A_79 = vector.shape_cast %get3A_78 : vector<1x16xf32> to vector<16xf32>
        %mul3A_80 = vector.broadcast %squeeze3A : f32 to vector<16xf32>
        %mul3A_81 = arith.mulf %get3A_79, %mul3A_80 : vector<16xf32>
        %swap3A_82 = arith.index_cast %scan3A_58 : i32 to index
        %swap3A_83 = arith.constant 0 : index
        %swap3A_84 = tpu.vector_load %arg13[%swap3A_82, %swap3A_83] {strides = array<i32>} : memref<128x128xf32, #tpu.memory_space<vmem>>, vector<1x16xf32>,
        %swap3A_85 = vector.shape_cast %swap3A_84 : vector<1x16xf32> to vector<16xf32>
        %swap3A_86 = vector.shape_cast %mul3A_81 : vector<16xf32> to vector<1x16xf32>
        tpu.vector_store %arg13[%swap3A_82, %swap3A_83], %swap3A_86 {strides = array<i32>} : memref<128x128xf32, #tpu.memory_space<vmem>>, vector<1x16xf32>,
        %slice3A_87 = vector.extract_strided_slice %exp3A {offsets = [1], sizes = [1], strides = [1]} : vector<16xf32> to vector<1xf32>
        %squeeze3A_88 = vector.extract %slice3A_87[0] : f32 from vector<1xf32>
        %get3A_89 = arith.index_cast %scan3A_58 : i32 to index
        %get3A_90 = arith.constant 16 : index
        %get3A_91 = tpu.vector_load %arg13[%get3A_89, %get3A_90] {strides = array<i32>} : memref<128x128xf32, #tpu.memory_space<vmem>>, vector<1x16xf32>,
        %get3A_92 = vector.shape_cast %get3A_91 : vector<1x16xf32> to vector<16xf32>
        %mul3A_93 = vector.broadcast %squeeze3A_88 : f32 to vector<16xf32>
        %mul3A_94 = arith.mulf %get3A_92, %mul3A_93 : vector<16xf32>
        %swap3A_95 = arith.index_cast %scan3A_58 : i32 to index
        %swap3A_96 = arith.constant 16 : index
        %swap3A_97 = tpu.vector_load %arg13[%swap3A_95, %swap3A_96] {strides = array<i32>} : memref<128x128xf32, #tpu.memory_space<vmem>>, vector<1x16xf32>,
        %swap3A_98 = vector.shape_cast %swap3A_97 : vector<1x16xf32> to vector<16xf32>
        %swap3A_99 = vector.shape_cast %mul3A_94 : vector<16xf32> to vector<1x16xf32>
        tpu.vector_store %arg13[%swap3A_95, %swap3A_96], %swap3A_99 {strides = array<i32>} : memref<128x128xf32, #tpu.memory_space<vmem>>, vector<1x16xf32>,
        %slice3A_100 = vector.extract_strided_slice %exp3A {offsets = [2], sizes = [1], strides = [1]} : vector<16xf32> to vector<1xf32>
        %squeeze3A_101 = vector.extract %slice3A_100[0] : f32 from vector<1xf32>
        %get3A_102 = arith.index_cast %scan3A_58 : i32 to index
        %get3A_103 = arith.constant 32 : index
        %get3A_104 = tpu.vector_load %arg13[%get3A_102, %get3A_103] {strides = array<i32>} : memref<128x128xf32, #tpu.memory_space<vmem>>, vector<1x16xf32>,
        %get3A_105 = vector.shape_cast %get3A_104 : vector<1x16xf32> to vector<16xf32>
        %mul3A_106 = vector.broadcast %squeeze3A_101 : f32 to vector<16xf32>
        %mul3A_107 = arith.mulf %get3A_105, %mul3A_106 : vector<16xf32>
        %swap3A_108 = arith.index_cast %scan3A_58 : i32 to index
        %swap3A_109 = arith.constant 32 : index
        %swap3A_110 = tpu.vector_load %arg13[%swap3A_108, %swap3A_109] {strides = array<i32>} : memref<128x128xf32, #tpu.memory_space<vmem>>, vector<1x16xf32>,
        %swap3A_111 = vector.shape_cast %swap3A_110 : vector<1x16xf32> to vector<16xf32>
        %swap3A_112 = vector.shape_cast %mul3A_107 : vector<16xf32> to vector<1x16xf32>
        tpu.vector_store %arg13[%swap3A_108, %swap3A_109], %swap3A_112 {strides = array<i32>} : memref<128x128xf32, #tpu.memory_space<vmem>>, vector<1x16xf32>,
        %slice3A_113 = vector.extract_strided_slice %exp3A {offsets = [3], sizes = [1], strides = [1]} : vector<16xf32> to vector<1xf32>
        %squeeze3A_114 = vector.extract %slice3A_113[0] : f32 from vector<1xf32>
        %get3A_115 = arith.index_cast %scan3A_58 : i32 to index
        %get3A_116 = arith.constant 48 : index
        %get3A_117 = tpu.vector_load %arg13[%get3A_115, %get3A_116] {strides = array<i32>} : memref<128x128xf32, #tpu.memory_space<vmem>>, vector<1x16xf32>,
        %get3A_118 = vector.shape_cast %get3A_117 : vector<1x16xf32> to vector<16xf32>
        %mul3A_119 = vector.broadcast %squeeze3A_114 : f32 to vector<16xf32>
        %mul3A_120 = arith.mulf %get3A_118, %mul3A_119 : vector<16xf32>
        %swap3A_121 = arith.index_cast %scan3A_58 : i32 to index
        %swap3A_122 = arith.constant 48 : index
        %swap3A_123 = tpu.vector_load %arg13[%swap3A_121, %swap3A_122] {strides = array<i32>} : memref<128x128xf32, #tpu.memory_space<vmem>>, vector<1x16xf32>,
        %swap3A_124 = vector.shape_cast %swap3A_123 : vector<1x16xf32> to vector<16xf32>
        %swap3A_125 = vector.shape_cast %mul3A_120 : vector<16xf32> to vector<1x16xf32>
        tpu.vector_store %arg13[%swap3A_121, %swap3A_122], %swap3A_125 {strides = array<i32>} : memref<128x128xf32, #tpu.memory_space<vmem>>, vector<1x16xf32>,
        %slice3A_126 = vector.extract_strided_slice %exp3A {offsets = [4], sizes = [1], strides = [1]} : vector<16xf32> to vector<1xf32>
        %squeeze3A_127 = vector.extract %slice3A_126[0] : f32 from vector<1xf32>
        %get3A_128 = arith.index_cast %scan3A_58 : i32 to index
        %get3A_129 = arith.constant 64 : index
        %get3A_130 = tpu.vector_load %arg13[%get3A_128, %get3A_129] {strides = array<i32>} : memref<128x128xf32, #tpu.memory_space<vmem>>, vector<1x16xf32>,
        %get3A_131 = vector.shape_cast %get3A_130 : vector<1x16xf32> to vector<16xf32>
        %mul3A_132 = vector.broadcast %squeeze3A_127 : f32 to vector<16xf32>
        %mul3A_133 = arith.mulf %get3A_131, %mul3A_132 : vector<16xf32>
        %swap3A_134 = arith.index_cast %scan3A_58 : i32 to index
        %swap3A_135 = arith.constant 64 : index
        %swap3A_136 = tpu.vector_load %arg13[%swap3A_134, %swap3A_135] {strides = array<i32>} : memref<128x128xf32, #tpu.memory_space<vmem>>, vector<1x16xf32>,
        %swap3A_137 = vector.shape_cast %swap3A_136 : vector<1x16xf32> to vector<16xf32>
        %swap3A_138 = vector.shape_cast %mul3A_133 : vector<16xf32> to vector<1x16xf32>
        tpu.vector_store %arg13[%swap3A_134, %swap3A_135], %swap3A_138 {strides = array<i32>} : memref<128x128xf32, #tpu.memory_space<vmem>>, vector<1x16xf32>,
        %slice3A_139 = vector.extract_strided_slice %exp3A {offsets = [5], sizes = [1], strides = [1]} : vector<16xf32> to vector<1xf32>
        %squeeze3A_140 = vector.extract %slice3A_139[0] : f32 from vector<1xf32>
        %get3A_141 = arith.index_cast %scan3A_58 : i32 to index
        %get3A_142 = arith.constant 80 : index
        %get3A_143 = tpu.vector_load %arg13[%get3A_141, %get3A_142] {strides = array<i32>} : memref<128x128xf32, #tpu.memory_space<vmem>>, vector<1x16xf32>,
        %get3A_144 = vector.shape_cast %get3A_143 : vector<1x16xf32> to vector<16xf32>
        %mul3A_145 = vector.broadcast %squeeze3A_140 : f32 to vector<16xf32>
        %mul3A_146 = arith.mulf %get3A_144, %mul3A_145 : vector<16xf32>
        %swap3A_147 = arith.index_cast %scan3A_58 : i32 to index
        %swap3A_148 = arith.constant 80 : index
        %swap3A_149 = tpu.vector_load %arg13[%swap3A_147, %swap3A_148] {strides = array<i32>} : memref<128x128xf32, #tpu.memory_space<vmem>>, vector<1x16xf32>,
        %swap3A_150 = vector.shape_cast %swap3A_149 : vector<1x16xf32> to vector<16xf32>
        %swap3A_151 = vector.shape_cast %mul3A_146 : vector<16xf32> to vector<1x16xf32>
        tpu.vector_store %arg13[%swap3A_147, %swap3A_148], %swap3A_151 {strides = array<i32>} : memref<128x128xf32, #tpu.memory_space<vmem>>, vector<1x16xf32>,
        %slice3A_152 = vector.extract_strided_slice %exp3A {offsets = [6], sizes = [1], strides = [1]} : vector<16xf32> to vector<1xf32>
        %squeeze3A_153 = vector.extract %slice3A_152[0] : f32 from vector<1xf32>
        %get3A_154 = arith.index_cast %scan3A_58 : i32 to index
        %get3A_155 = arith.constant 96 : index
        %get3A_156 = tpu.vector_load %arg13[%get3A_154, %get3A_155] {strides = array<i32>} : memref<128x128xf32, #tpu.memory_space<vmem>>, vector<1x16xf32>,
        %get3A_157 = vector.shape_cast %get3A_156 : vector<1x16xf32> to vector<16xf32>
        %mul3A_158 = vector.broadcast %squeeze3A_153 : f32 to vector<16xf32>
        %mul3A_159 = arith.mulf %get3A_157, %mul3A_158 : vector<16xf32>
        %swap3A_160 = arith.index_cast %scan3A_58 : i32 to index
        %swap3A_161 = arith.constant 96 : index
        %swap3A_162 = tpu.vector_load %arg13[%swap3A_160, %swap3A_161] {strides = array<i32>} : memref<128x128xf32, #tpu.memory_space<vmem>>, vector<1x16xf32>,
        %swap3A_163 = vector.shape_cast %swap3A_162 : vector<1x16xf32> to vector<16xf32>
        %swap3A_164 = vector.shape_cast %mul3A_159 : vector<16xf32> to vector<1x16xf32>
        tpu.vector_store %arg13[%swap3A_160, %swap3A_161], %swap3A_164 {strides = array<i32>} : memref<128x128xf32, #tpu.memory_space<vmem>>, vector<1x16xf32>,
        %slice3A_165 = vector.extract_strided_slice %exp3A {offsets = [7], sizes = [1], strides = [1]} : vector<16xf32> to vector<1xf32>
        %squeeze3A_166 = vector.extract %slice3A_165[0] : f32 from vector<1xf32>
        %get3A_167 = arith.index_cast %scan3A_58 : i32 to index
        %get3A_168 = arith.constant 112 : index
        %get3A_169 = tpu.vector_load %arg13[%get3A_167, %get3A_168] {strides = array<i32>} : memref<128x128xf32, #tpu.memory_space<vmem>>, vector<1x16xf32>,
        %get3A_170 = vector.shape_cast %get3A_169 : vector<1x16xf32> to vector<16xf32>
        %mul3A_171 = vector.broadcast %squeeze3A_166 : f32 to vector<16xf32>
        %mul3A_172 = arith.mulf %get3A_170, %mul3A_171 : vector<16xf32>
        %swap3A_173 = arith.index_cast %scan3A_58 : i32 to index
        %swap3A_174 = arith.constant 112 : index
        %swap3A_175 = tpu.vector_load %arg13[%swap3A_173, %swap3A_174] {strides = array<i32>} : memref<128x128xf32, #tpu.memory_space<vmem>>, vector<1x16xf32>,
        %swap3A_176 = vector.shape_cast %swap3A_175 : vector<1x16xf32> to vector<16xf32>
        %swap3A_177 = vector.shape_cast %mul3A_172 : vector<16xf32> to vector<1x16xf32>
        tpu.vector_store %arg13[%swap3A_173, %swap3A_174], %swap3A_177 {strides = array<i32>} : memref<128x128xf32, #tpu.memory_space<vmem>>, vector<1x16xf32>,
      }
      %scan3A_57 = arith.constant 128 : i32
      "tpu.region"() ({
        %run_scoped3A = tpu.sem_alloc : memref<!tpu.dma_semaphore, #tpu.memory_space<semaphore_mem>>
        %dma_start3A_58 = arith.constant 0 : i32
        %dma_start3A_59 = arith.constant 0 : i32
        %dma_start3A_60 = tpu.memref_slice %arg17[%dma_start3A_58, %dma_start3A_59] : memref<10000x128xf32, #tpu.memory_space<vmem_shared>> -> memref<10000x128xf32, #tpu.memory_space<vmem_shared>>
        tpu.enqueue_indirect_dma source(%arg13 : memref<128x128xf32, #tpu.memory_space<vmem>>) target(%dma_start3A_60 : memref<10000x128xf32, #tpu.memory_space<vmem_shared>>) offsets(%arg12 : memref<128xi32, #tpu.memory_space<vmem>>) semaphore(%run_scoped3A : memref<!tpu.dma_semaphore, #tpu.memory_space<semaphore_mem>>) {add = true}
        %dma_wait3A_61 = arith.constant 0 : i32
        %dma_wait3A_62 = arith.constant 0 : i32
        %dma_wait3A_63 = tpu.memref_slice %arg17[%dma_wait3A_61, %dma_wait3A_62] : memref<10000x128xf32, #tpu.memory_space<vmem_shared>> -> memref<10000x128xf32, #tpu.memory_space<vmem_shared>>
        tpu.wait_indirect_dma semaphore(%run_scoped3A : memref<!tpu.dma_semaphore, #tpu.memory_space<semaphore_mem>>) src(%arg13 : memref<128x128xf32, #tpu.memory_space<vmem>>) dst(%dma_wait3A_63 : memref<10000x128xf32, #tpu.memory_space<vmem_shared>>)
        tpu.yield
      }) : () -> ()
      "tpu.region"() ({
        %run_scoped3A = tpu.sem_alloc : memref<!tpu.dma_semaphore, #tpu.memory_space<semaphore_mem>>
        %dma_start3A_58 = arith.constant 0 : i32
        %dma_start3A_59 = arith.constant 0 : i32
        %dma_start3A_60 = tpu.memref_slice %arg18[%dma_start3A_58, %dma_start3A_59] : memref<10000x16xf32, #tpu.memory_space<vmem_shared>> -> memref<10000x16xf32, #tpu.memory_space<vmem_shared>>
        tpu.enqueue_indirect_dma source(%arg16 : memref<128x16xf32, #tpu.memory_space<vmem>>) target(%dma_start3A_60 : memref<10000x16xf32, #tpu.memory_space<vmem_shared>>) offsets(%arg12 : memref<128xi32, #tpu.memory_space<vmem>>) semaphore(%run_scoped3A : memref<!tpu.dma_semaphore, #tpu.memory_space<semaphore_mem>>) {add = true}
        %dma_wait3A_61 = arith.constant 0 : i32
        %dma_wait3A_62 = arith.constant 0 : i32
        %dma_wait3A_63 = tpu.memref_slice %arg18[%dma_wait3A_61, %dma_wait3A_62] : memref<10000x16xf32, #tpu.memory_space<vmem_shared>> -> memref<10000x16xf32, #tpu.memory_space<vmem_shared>>
        tpu.wait_indirect_dma semaphore(%run_scoped3A : memref<!tpu.dma_semaphore, #tpu.memory_space<semaphore_mem>>) src(%arg16 : memref<128x16xf32, #tpu.memory_space<vmem>>) dst(%dma_wait3A_63 : memref<10000x16xf32, #tpu.memory_space<vmem_shared>>)
        tpu.yield
      }) : () -> ()
    }
    %scan3A_13 = arith.constant 78 : i32
    %lt3A_14 = arith.constant 4 : i32
    %lt3A_15 = arith.cmpi slt, %add3A, %lt3A_14 : i32
    %convert_element_type3A_16 = arith.extui %lt3A_15 : i1 to i32
    %cond3A_17 = arith.constant 0 : i32
    %cond3A_18 = arith.cmpi ne, %convert_element_type3A_16, %cond3A_17 : i32
    scf.if %cond3A_18 {
      %add3A_30 = arith.constant 2496 : i32
      %add3A_31 = arith.addi %add3A_30, %add3A : i32
      %mul3A_32 = arith.constant 128 : i32
      %mul3A_33 = arith.muli %add3A_31, %mul3A_32 : i32
      "tpu.region"() ({
        %run_scoped3A = tpu.sem_alloc : memref<!tpu.dma_semaphore, #tpu.memory_space<semaphore_mem>>
        %dma_start3A_56 = tpu.memref_slice %arg2[%mul3A_33] : memref<320000xi32, #tpu.memory_space<hbm>> -> memref<128xi32, #tpu.memory_space<hbm>>
        %dma_start3A_57 = tpu.memref_slice %arg2[%mul3A_33] : memref<320000xi32, #tpu.memory_space<hbm>> -> memref<128xi32, #tpu.memory_space<hbm>>
        tpu.enqueue_dma source(%dma_start3A_57 : memref<128xi32, #tpu.memory_space<hbm>>) target(%arg11 : memref<128xi32, #tpu.memory_space<vmem>>) target_semaphore(%run_scoped3A : memref<!tpu.dma_semaphore, #tpu.memory_space<semaphore_mem>>)
        %dma_wait3A_58 = tpu.memref_slice %arg2[%mul3A_33] : memref<320000xi32, #tpu.memory_space<hbm>> -> memref<128xi32, #tpu.memory_space<hbm>>
        %dma_wait3A_59 = tpu.memref_slice %arg2[%mul3A_33] : memref<320000xi32, #tpu.memory_space<hbm>> -> memref<128xi32, #tpu.memory_space<hbm>>
        tpu.wait_dma2 semaphore(%run_scoped3A : memref<!tpu.dma_semaphore, #tpu.memory_space<semaphore_mem>>) src(%dma_wait3A_59 : memref<128xi32, #tpu.memory_space<hbm>>) dst(%arg11 : memref<128xi32, #tpu.memory_space<vmem>>)
        tpu.yield
      }) : () -> ()
      "tpu.region"() ({
        %run_scoped3A = tpu.sem_alloc : memref<!tpu.dma_semaphore, #tpu.memory_space<semaphore_mem>>
        %dma_start3A_56 = tpu.memref_slice %arg3[%mul3A_33] : memref<320000xi32, #tpu.memory_space<hbm>> -> memref<128xi32, #tpu.memory_space<hbm>>
        %dma_start3A_57 = tpu.memref_slice %arg3[%mul3A_33] : memref<320000xi32, #tpu.memory_space<hbm>> -> memref<128xi32, #tpu.memory_space<hbm>>
        tpu.enqueue_dma source(%dma_start3A_57 : memref<128xi32, #tpu.memory_space<hbm>>) target(%arg12 : memref<128xi32, #tpu.memory_space<vmem>>) target_semaphore(%run_scoped3A : memref<!tpu.dma_semaphore, #tpu.memory_space<semaphore_mem>>)
        %dma_wait3A_58 = tpu.memref_slice %arg3[%mul3A_33] : memref<320000xi32, #tpu.memory_space<hbm>> -> memref<128xi32, #tpu.memory_space<hbm>>
        %dma_wait3A_59 = tpu.memref_slice %arg3[%mul3A_33] : memref<320000xi32, #tpu.memory_space<hbm>> -> memref<128xi32, #tpu.memory_space<hbm>>
        tpu.wait_dma2 semaphore(%run_scoped3A : memref<!tpu.dma_semaphore, #tpu.memory_space<semaphore_mem>>) src(%dma_wait3A_59 : memref<128xi32, #tpu.memory_space<hbm>>) dst(%arg12 : memref<128xi32, #tpu.memory_space<vmem>>)
        tpu.yield
      }) : () -> ()
      %dma_start3A = arith.constant 0 : i32
      %dma_start3A_34 = arith.constant 0 : i32
      %dma_start3A_35 = tpu.memref_slice %arg4[%dma_start3A, %dma_start3A_34] : memref<10000x128xf32, #tpu.memory_space<hbm>> -> memref<10000x128xf32, #tpu.memory_space<hbm>>
      tpu.enqueue_indirect_dma source(%dma_start3A_35 : memref<10000x128xf32, #tpu.memory_space<hbm>>) target(%arg13 : memref<128x128xf32, #tpu.memory_space<vmem>>) offsets(%arg11 : memref<128xi32, #tpu.memory_space<vmem>>) semaphore(%arg19 : memref<!tpu.dma_semaphore, #tpu.memory_space<semaphore_mem>>)
      %dma_start3A_36 = arith.constant 0 : i32
      %dma_start3A_37 = arith.constant 0 : i32
      %dma_start3A_38 = tpu.memref_slice %arg5[%dma_start3A_36, %dma_start3A_37] : memref<10000x16xf32, #tpu.memory_space<hbm>> -> memref<10000x16xf32, #tpu.memory_space<hbm>>
      tpu.enqueue_indirect_dma source(%dma_start3A_38 : memref<10000x16xf32, #tpu.memory_space<hbm>>) target(%arg14 : memref<128x16xf32, #tpu.memory_space<vmem>>) offsets(%arg11 : memref<128xi32, #tpu.memory_space<vmem>>) semaphore(%arg19 : memref<!tpu.dma_semaphore, #tpu.memory_space<semaphore_mem>>)
      %dma_start3A_39 = arith.constant 0 : i32
      %dma_start3A_40 = arith.constant 0 : i32
      %dma_start3A_41 = tpu.memref_slice %arg6[%dma_start3A_39, %dma_start3A_40] : memref<10000x16xf32, #tpu.memory_space<hbm>> -> memref<10000x16xf32, #tpu.memory_space<hbm>>
      tpu.enqueue_indirect_dma source(%dma_start3A_41 : memref<10000x16xf32, #tpu.memory_space<hbm>>) target(%arg15 : memref<128x16xf32, #tpu.memory_space<vmem>>) offsets(%arg12 : memref<128xi32, #tpu.memory_space<vmem>>) semaphore(%arg19 : memref<!tpu.dma_semaphore, #tpu.memory_space<semaphore_mem>>)
      %dma_wait3A = arith.constant 0 : i32
      %dma_wait3A_42 = arith.constant 0 : i32
      %dma_wait3A_43 = tpu.memref_slice %arg4[%dma_wait3A, %dma_wait3A_42] : memref<10000x128xf32, #tpu.memory_space<hbm>> -> memref<10000x128xf32, #tpu.memory_space<hbm>>
      tpu.wait_indirect_dma semaphore(%arg19 : memref<!tpu.dma_semaphore, #tpu.memory_space<semaphore_mem>>) src(%dma_wait3A_43 : memref<10000x128xf32, #tpu.memory_space<hbm>>) dst(%arg13 : memref<128x128xf32, #tpu.memory_space<vmem>>)
      %dma_wait3A_44 = arith.constant 0 : i32
      %dma_wait3A_45 = arith.constant 0 : i32
      %dma_wait3A_46 = tpu.memref_slice %arg5[%dma_wait3A_44, %dma_wait3A_45] : memref<10000x16xf32, #tpu.memory_space<hbm>> -> memref<10000x16xf32, #tpu.memory_space<hbm>>
      tpu.wait_indirect_dma semaphore(%arg19 : memref<!tpu.dma_semaphore, #tpu.memory_space<semaphore_mem>>) src(%dma_wait3A_46 : memref<10000x16xf32, #tpu.memory_space<hbm>>) dst(%arg14 : memref<128x16xf32, #tpu.memory_space<vmem>>)
      %dma_wait3A_47 = arith.constant 0 : i32
      %dma_wait3A_48 = arith.constant 0 : i32
      %dma_wait3A_49 = tpu.memref_slice %arg6[%dma_wait3A_47, %dma_wait3A_48] : memref<10000x16xf32, #tpu.memory_space<hbm>> -> memref<10000x16xf32, #tpu.memory_space<hbm>>
      tpu.wait_indirect_dma semaphore(%arg19 : memref<!tpu.dma_semaphore, #tpu.memory_space<semaphore_mem>>) src(%dma_wait3A_49 : memref<10000x16xf32, #tpu.memory_space<hbm>>) dst(%arg15 : memref<128x16xf32, #tpu.memory_space<vmem>>)
      %scan3A_50 = arith.constant 0 : i32
      %scan3A_51 = arith.constant 0 : i32
      %scan3A_52 = arith.constant 128 : i32
      %scan3A_53 = arith.addi %scan3A_51, %scan3A_52 : i32
      %scan3A_54 = arith.constant 1 : i32
      scf.for %scan3A_56 = %scan3A_51 to %scan3A_53 step %scan3A_54  : i32 {
        %get3A = arith.index_cast %scan3A_56 : i32 to index
        %get3A_57 = arith.constant 0 : index
        %get3A_58 = tpu.vector_load %arg14[%get3A, %get3A_57] {strides = array<i32>} : memref<128x16xf32, #tpu.memory_space<vmem>>, vector<1x16xf32>,
        %get3A_59 = vector.shape_cast %get3A_58 : vector<1x16xf32> to vector<16xf32>
        %get3A_60 = arith.index_cast %scan3A_56 : i32 to index
        %get3A_61 = arith.constant 0 : index
        %get3A_62 = tpu.vector_load %arg15[%get3A_60, %get3A_61] {strides = array<i32>} : memref<128x16xf32, #tpu.memory_space<vmem>>, vector<1x16xf32>,
        %get3A_63 = vector.shape_cast %get3A_62 : vector<1x16xf32> to vector<16xf32>
        %add3A_64 = arith.addf %get3A_59, %get3A_63 : vector<16xf32>
        %gt3A = arith.constant 0.000000e+00 : f32
        %gt3A_65 = vector.broadcast %gt3A : f32 to vector<16xf32>
        %gt3A_66 = arith.cmpf ogt, %add3A_64, %gt3A_65 : vector<16xf32>
        %mul3A_67 = arith.constant 2.000000e-01 : f32
        %mul3A_68 = vector.broadcast %mul3A_67 : f32 to vector<16xf32>
        %mul3A_69 = arith.mulf %mul3A_68, %add3A_64 : vector<16xf32>
        %select_n3A = arith.select %gt3A_66, %add3A_64, %mul3A_69 : vector<16xi1>, vector<16xf32>
        %exp3A = math.exp %select_n3A : vector<16xf32>
        %swap3A = arith.index_cast %scan3A_56 : i32 to index
        %swap3A_70 = arith.constant 0 : index
        %swap3A_71 = tpu.vector_load %arg16[%swap3A, %swap3A_70] {strides = array<i32>} : memref<128x16xf32, #tpu.memory_space<vmem>>, vector<1x16xf32>,
        %swap3A_72 = vector.shape_cast %swap3A_71 : vector<1x16xf32> to vector<16xf32>
        %swap3A_73 = vector.shape_cast %exp3A : vector<16xf32> to vector<1x16xf32>
        tpu.vector_store %arg16[%swap3A, %swap3A_70], %swap3A_73 {strides = array<i32>} : memref<128x16xf32, #tpu.memory_space<vmem>>, vector<1x16xf32>,
        %slice3A = vector.extract_strided_slice %exp3A {offsets = [0], sizes = [1], strides = [1]} : vector<16xf32> to vector<1xf32>
        %squeeze3A = vector.extract %slice3A[0] : f32 from vector<1xf32>
        %get3A_74 = arith.index_cast %scan3A_56 : i32 to index
        %get3A_75 = arith.constant 0 : index
        %get3A_76 = tpu.vector_load %arg13[%get3A_74, %get3A_75] {strides = array<i32>} : memref<128x128xf32, #tpu.memory_space<vmem>>, vector<1x16xf32>,
        %get3A_77 = vector.shape_cast %get3A_76 : vector<1x16xf32> to vector<16xf32>
        %mul3A_78 = vector.broadcast %squeeze3A : f32 to vector<16xf32>
        %mul3A_79 = arith.mulf %get3A_77, %mul3A_78 : vector<16xf32>
        %swap3A_80 = arith.index_cast %scan3A_56 : i32 to index
        %swap3A_81 = arith.constant 0 : index
        %swap3A_82 = tpu.vector_load %arg13[%swap3A_80, %swap3A_81] {strides = array<i32>} : memref<128x128xf32, #tpu.memory_space<vmem>>, vector<1x16xf32>,
        %swap3A_83 = vector.shape_cast %swap3A_82 : vector<1x16xf32> to vector<16xf32>
        %swap3A_84 = vector.shape_cast %mul3A_79 : vector<16xf32> to vector<1x16xf32>
        tpu.vector_store %arg13[%swap3A_80, %swap3A_81], %swap3A_84 {strides = array<i32>} : memref<128x128xf32, #tpu.memory_space<vmem>>, vector<1x16xf32>,
        %slice3A_85 = vector.extract_strided_slice %exp3A {offsets = [1], sizes = [1], strides = [1]} : vector<16xf32> to vector<1xf32>
        %squeeze3A_86 = vector.extract %slice3A_85[0] : f32 from vector<1xf32>
        %get3A_87 = arith.index_cast %scan3A_56 : i32 to index
        %get3A_88 = arith.constant 16 : index
        %get3A_89 = tpu.vector_load %arg13[%get3A_87, %get3A_88] {strides = array<i32>} : memref<128x128xf32, #tpu.memory_space<vmem>>, vector<1x16xf32>,
        %get3A_90 = vector.shape_cast %get3A_89 : vector<1x16xf32> to vector<16xf32>
        %mul3A_91 = vector.broadcast %squeeze3A_86 : f32 to vector<16xf32>
        %mul3A_92 = arith.mulf %get3A_90, %mul3A_91 : vector<16xf32>
        %swap3A_93 = arith.index_cast %scan3A_56 : i32 to index
        %swap3A_94 = arith.constant 16 : index
        %swap3A_95 = tpu.vector_load %arg13[%swap3A_93, %swap3A_94] {strides = array<i32>} : memref<128x128xf32, #tpu.memory_space<vmem>>, vector<1x16xf32>,
        %swap3A_96 = vector.shape_cast %swap3A_95 : vector<1x16xf32> to vector<16xf32>
        %swap3A_97 = vector.shape_cast %mul3A_92 : vector<16xf32> to vector<1x16xf32>
        tpu.vector_store %arg13[%swap3A_93, %swap3A_94], %swap3A_97 {strides = array<i32>} : memref<128x128xf32, #tpu.memory_space<vmem>>, vector<1x16xf32>,
        %slice3A_98 = vector.extract_strided_slice %exp3A {offsets = [2], sizes = [1], strides = [1]} : vector<16xf32> to vector<1xf32>
        %squeeze3A_99 = vector.extract %slice3A_98[0] : f32 from vector<1xf32>
        %get3A_100 = arith.index_cast %scan3A_56 : i32 to index
        %get3A_101 = arith.constant 32 : index
        %get3A_102 = tpu.vector_load %arg13[%get3A_100, %get3A_101] {strides = array<i32>} : memref<128x128xf32, #tpu.memory_space<vmem>>, vector<1x16xf32>,
        %get3A_103 = vector.shape_cast %get3A_102 : vector<1x16xf32> to vector<16xf32>
        %mul3A_104 = vector.broadcast %squeeze3A_99 : f32 to vector<16xf32>
        %mul3A_105 = arith.mulf %get3A_103, %mul3A_104 : vector<16xf32>
        %swap3A_106 = arith.index_cast %scan3A_56 : i32 to index
        %swap3A_107 = arith.constant 32 : index
        %swap3A_108 = tpu.vector_load %arg13[%swap3A_106, %swap3A_107] {strides = array<i32>} : memref<128x128xf32, #tpu.memory_space<vmem>>, vector<1x16xf32>,
        %swap3A_109 = vector.shape_cast %swap3A_108 : vector<1x16xf32> to vector<16xf32>
        %swap3A_110 = vector.shape_cast %mul3A_105 : vector<16xf32> to vector<1x16xf32>
        tpu.vector_store %arg13[%swap3A_106, %swap3A_107], %swap3A_110 {strides = array<i32>} : memref<128x128xf32, #tpu.memory_space<vmem>>, vector<1x16xf32>,
        %slice3A_111 = vector.extract_strided_slice %exp3A {offsets = [3], sizes = [1], strides = [1]} : vector<16xf32> to vector<1xf32>
        %squeeze3A_112 = vector.extract %slice3A_111[0] : f32 from vector<1xf32>
        %get3A_113 = arith.index_cast %scan3A_56 : i32 to index
        %get3A_114 = arith.constant 48 : index
        %get3A_115 = tpu.vector_load %arg13[%get3A_113, %get3A_114] {strides = array<i32>} : memref<128x128xf32, #tpu.memory_space<vmem>>, vector<1x16xf32>,
        %get3A_116 = vector.shape_cast %get3A_115 : vector<1x16xf32> to vector<16xf32>
        %mul3A_117 = vector.broadcast %squeeze3A_112 : f32 to vector<16xf32>
        %mul3A_118 = arith.mulf %get3A_116, %mul3A_117 : vector<16xf32>
        %swap3A_119 = arith.index_cast %scan3A_56 : i32 to index
        %swap3A_120 = arith.constant 48 : index
        %swap3A_121 = tpu.vector_load %arg13[%swap3A_119, %swap3A_120] {strides = array<i32>} : memref<128x128xf32, #tpu.memory_space<vmem>>, vector<1x16xf32>,
        %swap3A_122 = vector.shape_cast %swap3A_121 : vector<1x16xf32> to vector<16xf32>
        %swap3A_123 = vector.shape_cast %mul3A_118 : vector<16xf32> to vector<1x16xf32>
        tpu.vector_store %arg13[%swap3A_119, %swap3A_120], %swap3A_123 {strides = array<i32>} : memref<128x128xf32, #tpu.memory_space<vmem>>, vector<1x16xf32>,
        %slice3A_124 = vector.extract_strided_slice %exp3A {offsets = [4], sizes = [1], strides = [1]} : vector<16xf32> to vector<1xf32>
        %squeeze3A_125 = vector.extract %slice3A_124[0] : f32 from vector<1xf32>
        %get3A_126 = arith.index_cast %scan3A_56 : i32 to index
        %get3A_127 = arith.constant 64 : index
        %get3A_128 = tpu.vector_load %arg13[%get3A_126, %get3A_127] {strides = array<i32>} : memref<128x128xf32, #tpu.memory_space<vmem>>, vector<1x16xf32>,
        %get3A_129 = vector.shape_cast %get3A_128 : vector<1x16xf32> to vector<16xf32>
        %mul3A_130 = vector.broadcast %squeeze3A_125 : f32 to vector<16xf32>
        %mul3A_131 = arith.mulf %get3A_129, %mul3A_130 : vector<16xf32>
        %swap3A_132 = arith.index_cast %scan3A_56 : i32 to index
        %swap3A_133 = arith.constant 64 : index
        %swap3A_134 = tpu.vector_load %arg13[%swap3A_132, %swap3A_133] {strides = array<i32>} : memref<128x128xf32, #tpu.memory_space<vmem>>, vector<1x16xf32>,
        %swap3A_135 = vector.shape_cast %swap3A_134 : vector<1x16xf32> to vector<16xf32>
        %swap3A_136 = vector.shape_cast %mul3A_131 : vector<16xf32> to vector<1x16xf32>
        tpu.vector_store %arg13[%swap3A_132, %swap3A_133], %swap3A_136 {strides = array<i32>} : memref<128x128xf32, #tpu.memory_space<vmem>>, vector<1x16xf32>,
        %slice3A_137 = vector.extract_strided_slice %exp3A {offsets = [5], sizes = [1], strides = [1]} : vector<16xf32> to vector<1xf32>
        %squeeze3A_138 = vector.extract %slice3A_137[0] : f32 from vector<1xf32>
        %get3A_139 = arith.index_cast %scan3A_56 : i32 to index
        %get3A_140 = arith.constant 80 : index
        %get3A_141 = tpu.vector_load %arg13[%get3A_139, %get3A_140] {strides = array<i32>} : memref<128x128xf32, #tpu.memory_space<vmem>>, vector<1x16xf32>,
        %get3A_142 = vector.shape_cast %get3A_141 : vector<1x16xf32> to vector<16xf32>
        %mul3A_143 = vector.broadcast %squeeze3A_138 : f32 to vector<16xf32>
        %mul3A_144 = arith.mulf %get3A_142, %mul3A_143 : vector<16xf32>
        %swap3A_145 = arith.index_cast %scan3A_56 : i32 to index
        %swap3A_146 = arith.constant 80 : index
        %swap3A_147 = tpu.vector_load %arg13[%swap3A_145, %swap3A_146] {strides = array<i32>} : memref<128x128xf32, #tpu.memory_space<vmem>>, vector<1x16xf32>,
        %swap3A_148 = vector.shape_cast %swap3A_147 : vector<1x16xf32> to vector<16xf32>
        %swap3A_149 = vector.shape_cast %mul3A_144 : vector<16xf32> to vector<1x16xf32>
        tpu.vector_store %arg13[%swap3A_145, %swap3A_146], %swap3A_149 {strides = array<i32>} : memref<128x128xf32, #tpu.memory_space<vmem>>, vector<1x16xf32>,
        %slice3A_150 = vector.extract_strided_slice %exp3A {offsets = [6], sizes = [1], strides = [1]} : vector<16xf32> to vector<1xf32>
        %squeeze3A_151 = vector.extract %slice3A_150[0] : f32 from vector<1xf32>
        %get3A_152 = arith.index_cast %scan3A_56 : i32 to index
        %get3A_153 = arith.constant 96 : index
        %get3A_154 = tpu.vector_load %arg13[%get3A_152, %get3A_153] {strides = array<i32>} : memref<128x128xf32, #tpu.memory_space<vmem>>, vector<1x16xf32>,
        %get3A_155 = vector.shape_cast %get3A_154 : vector<1x16xf32> to vector<16xf32>
        %mul3A_156 = vector.broadcast %squeeze3A_151 : f32 to vector<16xf32>
        %mul3A_157 = arith.mulf %get3A_155, %mul3A_156 : vector<16xf32>
        %swap3A_158 = arith.index_cast %scan3A_56 : i32 to index
        %swap3A_159 = arith.constant 96 : index
        %swap3A_160 = tpu.vector_load %arg13[%swap3A_158, %swap3A_159] {strides = array<i32>} : memref<128x128xf32, #tpu.memory_space<vmem>>, vector<1x16xf32>,
        %swap3A_161 = vector.shape_cast %swap3A_160 : vector<1x16xf32> to vector<16xf32>
        %swap3A_162 = vector.shape_cast %mul3A_157 : vector<16xf32> to vector<1x16xf32>
        tpu.vector_store %arg13[%swap3A_158, %swap3A_159], %swap3A_162 {strides = array<i32>} : memref<128x128xf32, #tpu.memory_space<vmem>>, vector<1x16xf32>,
        %slice3A_163 = vector.extract_strided_slice %exp3A {offsets = [7], sizes = [1], strides = [1]} : vector<16xf32> to vector<1xf32>
        %squeeze3A_164 = vector.extract %slice3A_163[0] : f32 from vector<1xf32>
        %get3A_165 = arith.index_cast %scan3A_56 : i32 to index
        %get3A_166 = arith.constant 112 : index
        %get3A_167 = tpu.vector_load %arg13[%get3A_165, %get3A_166] {strides = array<i32>} : memref<128x128xf32, #tpu.memory_space<vmem>>, vector<1x16xf32>,
        %get3A_168 = vector.shape_cast %get3A_167 : vector<1x16xf32> to vector<16xf32>
        %mul3A_169 = vector.broadcast %squeeze3A_164 : f32 to vector<16xf32>
        %mul3A_170 = arith.mulf %get3A_168, %mul3A_169 : vector<16xf32>
        %swap3A_171 = arith.index_cast %scan3A_56 : i32 to index
        %swap3A_172 = arith.constant 112 : index
        %swap3A_173 = tpu.vector_load %arg13[%swap3A_171, %swap3A_172] {strides = array<i32>} : memref<128x128xf32, #tpu.memory_space<vmem>>, vector<1x16xf32>,
        %swap3A_174 = vector.shape_cast %swap3A_173 : vector<1x16xf32> to vector<16xf32>
        %swap3A_175 = vector.shape_cast %mul3A_170 : vector<16xf32> to vector<1x16xf32>
        tpu.vector_store %arg13[%swap3A_171, %swap3A_172], %swap3A_175 {strides = array<i32>} : memref<128x128xf32, #tpu.memory_space<vmem>>, vector<1x16xf32>,
      }
      %scan3A_55 = arith.constant 128 : i32
      "tpu.region"() ({
        %run_scoped3A = tpu.sem_alloc : memref<!tpu.dma_semaphore, #tpu.memory_space<semaphore_mem>>
        %dma_start3A_56 = arith.constant 0 : i32
        %dma_start3A_57 = arith.constant 0 : i32
        %dma_start3A_58 = tpu.memref_slice %arg17[%dma_start3A_56, %dma_start3A_57] : memref<10000x128xf32, #tpu.memory_space<vmem_shared>> -> memref<10000x128xf32, #tpu.memory_space<vmem_shared>>
        tpu.enqueue_indirect_dma source(%arg13 : memref<128x128xf32, #tpu.memory_space<vmem>>) target(%dma_start3A_58 : memref<10000x128xf32, #tpu.memory_space<vmem_shared>>) offsets(%arg12 : memref<128xi32, #tpu.memory_space<vmem>>) semaphore(%run_scoped3A : memref<!tpu.dma_semaphore, #tpu.memory_space<semaphore_mem>>) {add = true}
        %dma_wait3A_59 = arith.constant 0 : i32
        %dma_wait3A_60 = arith.constant 0 : i32
        %dma_wait3A_61 = tpu.memref_slice %arg17[%dma_wait3A_59, %dma_wait3A_60] : memref<10000x128xf32, #tpu.memory_space<vmem_shared>> -> memref<10000x128xf32, #tpu.memory_space<vmem_shared>>
        tpu.wait_indirect_dma semaphore(%run_scoped3A : memref<!tpu.dma_semaphore, #tpu.memory_space<semaphore_mem>>) src(%arg13 : memref<128x128xf32, #tpu.memory_space<vmem>>) dst(%dma_wait3A_61 : memref<10000x128xf32, #tpu.memory_space<vmem_shared>>)
        tpu.yield
      }) : () -> ()
      "tpu.region"() ({
        %run_scoped3A = tpu.sem_alloc : memref<!tpu.dma_semaphore, #tpu.memory_space<semaphore_mem>>
        %dma_start3A_56 = arith.constant 0 : i32
        %dma_start3A_57 = arith.constant 0 : i32
        %dma_start3A_58 = tpu.memref_slice %arg18[%dma_start3A_56, %dma_start3A_57] : memref<10000x16xf32, #tpu.memory_space<vmem_shared>> -> memref<10000x16xf32, #tpu.memory_space<vmem_shared>>
        tpu.enqueue_indirect_dma source(%arg16 : memref<128x16xf32, #tpu.memory_space<vmem>>) target(%dma_start3A_58 : memref<10000x16xf32, #tpu.memory_space<vmem_shared>>) offsets(%arg12 : memref<128xi32, #tpu.memory_space<vmem>>) semaphore(%run_scoped3A : memref<!tpu.dma_semaphore, #tpu.memory_space<semaphore_mem>>) {add = true}
        %dma_wait3A_59 = arith.constant 0 : i32
        %dma_wait3A_60 = arith.constant 0 : i32
        %dma_wait3A_61 = tpu.memref_slice %arg18[%dma_wait3A_59, %dma_wait3A_60] : memref<10000x16xf32, #tpu.memory_space<vmem_shared>> -> memref<10000x16xf32, #tpu.memory_space<vmem_shared>>
        tpu.wait_indirect_dma semaphore(%run_scoped3A : memref<!tpu.dma_semaphore, #tpu.memory_space<semaphore_mem>>) src(%arg16 : memref<128x16xf32, #tpu.memory_space<vmem>>) dst(%dma_wait3A_61 : memref<10000x16xf32, #tpu.memory_space<vmem_shared>>)
        tpu.yield
      }) : () -> ()
    } else {
    }
    %barrier3A_19 = arith.constant 0 : index
    tpu.barrier barrier_id(%barrier3A_19)
    %lt3A_20 = arith.constant 15 : i32
    %lt3A_21 = arith.cmpi slt, %arg1, %lt3A_20 : i32
    %convert_element_type3A_22 = arith.extui %lt3A_21 : i1 to i32
    %cond3A_23 = arith.constant 0 : i32
    %cond3A_24 = arith.cmpi ne, %convert_element_type3A_22, %cond3A_23 : i32
    scf.if %cond3A_24 {
      "tpu.region"() ({
        %run_scoped3A = tpu.sem_alloc : memref<!tpu.dma_semaphore, #tpu.memory_space<semaphore_mem>>
        %dma_start3A = arith.constant 0 : i32
        %dma_start3A_30 = tpu.memref_slice %arg9[%arg0, %mul3A_2, %dma_start3A] : memref<2x10000x128xf32, #tpu.memory_space<hbm>> -> memref<1x624x128xf32, #tpu.memory_space<hbm>>
        %dma_start3A_31 = tpu.memref_squeeze %dma_start3A_30 : memref<1x624x128xf32, #tpu.memory_space<hbm>> -> memref<624x128xf32, #tpu.memory_space<hbm>>
        %dma_start3A_32 = arith.constant 0 : i32
        %dma_start3A_33 = tpu.memref_slice %arg17[%mul3A_2, %dma_start3A_32] : memref<10000x128xf32, #tpu.memory_space<vmem_shared>> -> memref<624x128xf32, #tpu.memory_space<vmem_shared>>
        tpu.enqueue_dma source(%dma_start3A_33 : memref<624x128xf32, #tpu.memory_space<vmem_shared>>) target(%dma_start3A_31 : memref<624x128xf32, #tpu.memory_space<hbm>>) target_semaphore(%run_scoped3A : memref<!tpu.dma_semaphore, #tpu.memory_space<semaphore_mem>>)
        %dma_wait3A = arith.constant 0 : i32
        %dma_wait3A_34 = tpu.memref_slice %arg9[%arg0, %mul3A_2, %dma_wait3A] : memref<2x10000x128xf32, #tpu.memory_space<hbm>> -> memref<1x624x128xf32, #tpu.memory_space<hbm>>
        %dma_wait3A_35 = tpu.memref_squeeze %dma_wait3A_34 : memref<1x624x128xf32, #tpu.memory_space<hbm>> -> memref<624x128xf32, #tpu.memory_space<hbm>>
        %dma_wait3A_36 = arith.constant 0 : i32
        %dma_wait3A_37 = tpu.memref_slice %arg17[%mul3A_2, %dma_wait3A_36] : memref<10000x128xf32, #tpu.memory_space<vmem_shared>> -> memref<624x128xf32, #tpu.memory_space<vmem_shared>>
        tpu.wait_dma2 semaphore(%run_scoped3A : memref<!tpu.dma_semaphore, #tpu.memory_space<semaphore_mem>>) src(%dma_wait3A_37 : memref<624x128xf32, #tpu.memory_space<vmem_shared>>) dst(%dma_wait3A_35 : memref<624x128xf32, #tpu.memory_space<hbm>>)
        tpu.yield
      }) : () -> ()
      "tpu.region"() ({
        %run_scoped3A = tpu.sem_alloc : memref<!tpu.dma_semaphore, #tpu.memory_space<semaphore_mem>>
        %dma_start3A = arith.constant 0 : i32
        %dma_start3A_30 = tpu.memref_slice %arg10[%arg0, %mul3A_2, %dma_start3A] : memref<2x10000x16xf32, #tpu.memory_space<hbm>> -> memref<1x624x16xf32, #tpu.memory_space<hbm>>
        %dma_start3A_31 = tpu.memref_squeeze %dma_start3A_30 : memref<1x624x16xf32, #tpu.memory_space<hbm>> -> memref<624x16xf32, #tpu.memory_space<hbm>>
        %dma_start3A_32 = arith.constant 0 : i32
        %dma_start3A_33 = tpu.memref_slice %arg18[%mul3A_2, %dma_start3A_32] : memref<10000x16xf32, #tpu.memory_space<vmem_shared>> -> memref<624x16xf32, #tpu.memory_space<vmem_shared>>
        tpu.enqueue_dma source(%dma_start3A_33 : memref<624x16xf32, #tpu.memory_space<vmem_shared>>) target(%dma_start3A_31 : memref<624x16xf32, #tpu.memory_space<hbm>>) target_semaphore(%run_scoped3A : memref<!tpu.dma_semaphore, #tpu.memory_space<semaphore_mem>>)
        %dma_wait3A = arith.constant 0 : i32
        %dma_wait3A_34 = tpu.memref_slice %arg10[%arg0, %mul3A_2, %dma_wait3A] : memref<2x10000x16xf32, #tpu.memory_space<hbm>> -> memref<1x624x16xf32, #tpu.memory_space<hbm>>
        %dma_wait3A_35 = tpu.memref_squeeze %dma_wait3A_34 : memref<1x624x16xf32, #tpu.memory_space<hbm>> -> memref<624x16xf32, #tpu.memory_space<hbm>>
        %dma_wait3A_36 = arith.constant 0 : i32
        %dma_wait3A_37 = tpu.memref_slice %arg18[%mul3A_2, %dma_wait3A_36] : memref<10000x16xf32, #tpu.memory_space<vmem_shared>> -> memref<624x16xf32, #tpu.memory_space<vmem_shared>>
        tpu.wait_dma2 semaphore(%run_scoped3A : memref<!tpu.dma_semaphore, #tpu.memory_space<semaphore_mem>>) src(%dma_wait3A_37 : memref<624x16xf32, #tpu.memory_space<vmem_shared>>) dst(%dma_wait3A_35 : memref<624x16xf32, #tpu.memory_space<hbm>>)
        tpu.yield
      }) : () -> ()
    } else {
    }
    %eq3A_25 = arith.constant 15 : i32
    %eq3A_26 = arith.cmpi eq, %arg1, %eq3A_25 : i32
    %convert_element_type3A_27 = arith.extui %eq3A_26 : i1 to i32
    %cond3A_28 = arith.constant 0 : i32
    %cond3A_29 = arith.cmpi ne, %convert_element_type3A_27, %cond3A_28 : i32
    scf.if %cond3A_29 {
      "tpu.region"() ({
        %run_scoped3A = tpu.sem_alloc : memref<!tpu.dma_semaphore, #tpu.memory_space<semaphore_mem>>
        %dma_start3A = arith.constant 9360 : i32
        %dma_start3A_30 = arith.constant 0 : i32
        %dma_start3A_31 = tpu.memref_slice %arg9[%arg0, %dma_start3A, %dma_start3A_30] : memref<2x10000x128xf32, #tpu.memory_space<hbm>> -> memref<1x640x128xf32, #tpu.memory_space<hbm>>
        %dma_start3A_32 = tpu.memref_squeeze %dma_start3A_31 : memref<1x640x128xf32, #tpu.memory_space<hbm>> -> memref<640x128xf32, #tpu.memory_space<hbm>>
        %dma_start3A_33 = arith.constant 9360 : i32
        %dma_start3A_34 = arith.constant 0 : i32
        %dma_start3A_35 = tpu.memref_slice %arg17[%dma_start3A_33, %dma_start3A_34] : memref<10000x128xf32, #tpu.memory_space<vmem_shared>> -> memref<640x128xf32, #tpu.memory_space<vmem_shared>>
        tpu.enqueue_dma source(%dma_start3A_35 : memref<640x128xf32, #tpu.memory_space<vmem_shared>>) target(%dma_start3A_32 : memref<640x128xf32, #tpu.memory_space<hbm>>) target_semaphore(%run_scoped3A : memref<!tpu.dma_semaphore, #tpu.memory_space<semaphore_mem>>)
        %dma_wait3A = arith.constant 9360 : i32
        %dma_wait3A_36 = arith.constant 0 : i32
        %dma_wait3A_37 = tpu.memref_slice %arg9[%arg0, %dma_wait3A, %dma_wait3A_36] : memref<2x10000x128xf32, #tpu.memory_space<hbm>> -> memref<1x640x128xf32, #tpu.memory_space<hbm>>
        %dma_wait3A_38 = tpu.memref_squeeze %dma_wait3A_37 : memref<1x640x128xf32, #tpu.memory_space<hbm>> -> memref<640x128xf32, #tpu.memory_space<hbm>>
        %dma_wait3A_39 = arith.constant 9360 : i32
        %dma_wait3A_40 = arith.constant 0 : i32
        %dma_wait3A_41 = tpu.memref_slice %arg17[%dma_wait3A_39, %dma_wait3A_40] : memref<10000x128xf32, #tpu.memory_space<vmem_shared>> -> memref<640x128xf32, #tpu.memory_space<vmem_shared>>
        tpu.wait_dma2 semaphore(%run_scoped3A : memref<!tpu.dma_semaphore, #tpu.memory_space<semaphore_mem>>) src(%dma_wait3A_41 : memref<640x128xf32, #tpu.memory_space<vmem_shared>>) dst(%dma_wait3A_38 : memref<640x128xf32, #tpu.memory_space<hbm>>)
        tpu.yield
      }) : () -> ()
      "tpu.region"() ({
        %run_scoped3A = tpu.sem_alloc : memref<!tpu.dma_semaphore, #tpu.memory_space<semaphore_mem>>
        %dma_start3A = arith.constant 9360 : i32
        %dma_start3A_30 = arith.constant 0 : i32
        %dma_start3A_31 = tpu.memref_slice %arg10[%arg0, %dma_start3A, %dma_start3A_30] : memref<2x10000x16xf32, #tpu.memory_space<hbm>> -> memref<1x640x16xf32, #tpu.memory_space<hbm>>
        %dma_start3A_32 = tpu.memref_squeeze %dma_start3A_31 : memref<1x640x16xf32, #tpu.memory_space<hbm>> -> memref<640x16xf32, #tpu.memory_space<hbm>>
        %dma_start3A_33 = arith.constant 9360 : i32
        %dma_start3A_34 = arith.constant 0 : i32
        %dma_start3A_35 = tpu.memref_slice %arg18[%dma_start3A_33, %dma_start3A_34] : memref<10000x16xf32, #tpu.memory_space<vmem_shared>> -> memref<640x16xf32, #tpu.memory_space<vmem_shared>>
        tpu.enqueue_dma source(%dma_start3A_35 : memref<640x16xf32, #tpu.memory_space<vmem_shared>>) target(%dma_start3A_32 : memref<640x16xf32, #tpu.memory_space<hbm>>) target_semaphore(%run_scoped3A : memref<!tpu.dma_semaphore, #tpu.memory_space<semaphore_mem>>)
        %dma_wait3A = arith.constant 9360 : i32
        %dma_wait3A_36 = arith.constant 0 : i32
        %dma_wait3A_37 = tpu.memref_slice %arg10[%arg0, %dma_wait3A, %dma_wait3A_36] : memref<2x10000x16xf32, #tpu.memory_space<hbm>> -> memref<1x640x16xf32, #tpu.memory_space<hbm>>
        %dma_wait3A_38 = tpu.memref_squeeze %dma_wait3A_37 : memref<1x640x16xf32, #tpu.memory_space<hbm>> -> memref<640x16xf32, #tpu.memory_space<hbm>>
        %dma_wait3A_39 = arith.constant 9360 : i32
        %dma_wait3A_40 = arith.constant 0 : i32
        %dma_wait3A_41 = tpu.memref_slice %arg18[%dma_wait3A_39, %dma_wait3A_40] : memref<10000x16xf32, #tpu.memory_space<vmem_shared>> -> memref<640x16xf32, #tpu.memory_space<vmem_shared>>
        tpu.wait_dma2 semaphore(%run_scoped3A : memref<!tpu.dma_semaphore, #tpu.memory_space<semaphore_mem>>) src(%dma_wait3A_41 : memref<640x16xf32, #tpu.memory_space<vmem_shared>>) dst(%dma_wait3A_38 : memref<640x16xf32, #tpu.memory_space<hbm>>)
        tpu.yield
      }) : () -> ()
    } else {
    }
    return
  }
}

#map = affine_map<(d0, d1) -> (0)>
#map1 = affine_map<(d0, d1) -> (0, 0)>
#map2 = affine_map<(d0, d1) -> (0, 0, 0)>
module attributes {stable_mosaic.version = 14 : i64} {
  func.func @_edge_body(%arg0: i32, %arg1: i32, %arg2: memref<320000xi32, #tpu.memory_space<hbm>>, %arg3: memref<320000xi32, #tpu.memory_space<hbm>>, %arg4: memref<10000x128xf32, #tpu.memory_space<hbm>>, %arg5: memref<10000x16xf32, #tpu.memory_space<hbm>>, %arg6: memref<10000x16xf32, #tpu.memory_space<hbm>>, %arg7: memref<640x128xf32, #tpu.memory_space<hbm>>, %arg8: memref<640x16xf32, #tpu.memory_space<hbm>>, %arg9: memref<2x10000x128xf32, #tpu.memory_space<hbm>>, %arg10: memref<2x10000x16xf32, #tpu.memory_space<hbm>>, %arg11: memref<128xi32, #tpu.memory_space<vmem>>, %arg12: memref<128xi32, #tpu.memory_space<vmem>>, %arg13: memref<128x128xf32, #tpu.memory_space<vmem>>, %arg14: memref<128x16xf32, #tpu.memory_space<vmem>>, %arg15: memref<128x16xf32, #tpu.memory_space<vmem>>, %arg16: memref<128x16xf32, #tpu.memory_space<vmem>>, %arg17: memref<10000x128xf32, #tpu.memory_space<vmem_shared>>, %arg18: memref<10000x16xf32, #tpu.memory_space<vmem_shared>>, %arg19: memref<!tpu.dma_semaphore, #tpu.memory_space<semaphore_mem>>) attributes {dimension_semantics = [#tpu.dimension_semantics<core_parallel>, #tpu.dimension_semantics<subcore_parallel>], iteration_bounds = array<i64: 2, 16>, scalar_prefetch = 0 : i64, scratch_operands = 9 : i64, tpu.core_type = #tpu.core_type<sc_vector_subcore>, window_params = [{transform_indices = #map}, {transform_indices = #map}, {transform_indices = #map1}, {transform_indices = #map1}, {transform_indices = #map1}, {transform_indices = #map1}, {transform_indices = #map1}, {transform_indices = #map2}, {transform_indices = #map2}]} {
    %mul3A = arith.constant 2 : i32
    %mul3A_0 = arith.muli %arg1, %mul3A : i32
    %add3A = arith.addi %mul3A_0, %arg0 : i32
    %mul3A_1 = arith.constant 624 : i32
    %mul3A_2 = arith.muli %arg1, %mul3A_1 : i32
    %lt3A = arith.constant 15 : i32
    %lt3A_3 = arith.cmpi slt, %arg1, %lt3A : i32
    %convert_element_type3A = arith.extui %lt3A_3 : i1 to i32
    %cond3A = arith.constant 0 : i32
    %cond3A_4 = arith.cmpi ne, %convert_element_type3A, %cond3A : i32
    scf.if %cond3A_4 {
      "tpu.region"() ({
        %run_scoped3A = tpu.sem_alloc : memref<!tpu.dma_semaphore, #tpu.memory_space<semaphore_mem>>
        %dma_start3A = arith.constant 0 : i32
        %dma_start3A_30 = tpu.memref_slice %arg17[%mul3A_2, %dma_start3A] : memref<10000x128xf32, #tpu.memory_space<vmem_shared>> -> memref<624x128xf32, #tpu.memory_space<vmem_shared>>
        %dma_start3A_31 = arith.constant 0 : i32
        %dma_start3A_32 = arith.constant 0 : i32
        %dma_start3A_33 = tpu.memref_slice %arg7[%dma_start3A_31, %dma_start3A_32] : memref<640x128xf32, #tpu.memory_space<hbm>> -> memref<624x128xf32, #tpu.memory_space<hbm>>
        tpu.enqueue_dma source(%dma_start3A_33 : memref<624x128xf32, #tpu.memory_space<hbm>>) target(%dma_start3A_30 : memref<624x128xf32, #tpu.memory_space<vmem_shared>>) target_semaphore(%run_scoped3A : memref<!tpu.dma_semaphore, #tpu.memory_space<semaphore_mem>>)
        %dma_wait3A = arith.constant 0 : i32
        %dma_wait3A_34 = tpu.memref_slice %arg17[%mul3A_2, %dma_wait3A] : memref<10000x128xf32, #tpu.memory_space<vmem_shared>> -> memref<624x128xf32, #tpu.memory_space<vmem_shared>>
        %dma_wait3A_35 = arith.constant 0 : i32
        %dma_wait3A_36 = arith.constant 0 : i32
        %dma_wait3A_37 = tpu.memref_slice %arg7[%dma_wait3A_35, %dma_wait3A_36] : memref<640x128xf32, #tpu.memory_space<hbm>> -> memref<624x128xf32, #tpu.memory_space<hbm>>
        tpu.wait_dma2 semaphore(%run_scoped3A : memref<!tpu.dma_semaphore, #tpu.memory_space<semaphore_mem>>) src(%dma_wait3A_37 : memref<624x128xf32, #tpu.memory_space<hbm>>) dst(%dma_wait3A_34 : memref<624x128xf32, #tpu.memory_space<vmem_shared>>)
        tpu.yield
      }) : () -> ()
      "tpu.region"() ({
        %run_scoped3A = tpu.sem_alloc : memref<!tpu.dma_semaphore, #tpu.memory_space<semaphore_mem>>
        %dma_start3A = arith.constant 0 : i32
        %dma_start3A_30 = tpu.memref_slice %arg18[%mul3A_2, %dma_start3A] : memref<10000x16xf32, #tpu.memory_space<vmem_shared>> -> memref<624x16xf32, #tpu.memory_space<vmem_shared>>
        %dma_start3A_31 = arith.constant 0 : i32
        %dma_start3A_32 = arith.constant 0 : i32
        %dma_start3A_33 = tpu.memref_slice %arg8[%dma_start3A_31, %dma_start3A_32] : memref<640x16xf32, #tpu.memory_space<hbm>> -> memref<624x16xf32, #tpu.memory_space<hbm>>
        tpu.enqueue_dma source(%dma_start3A_33 : memref<624x16xf32, #tpu.memory_space<hbm>>) target(%dma_start3A_30 : memref<624x16xf32, #tpu.memory_space<vmem_shared>>) target_semaphore(%run_scoped3A : memref<!tpu.dma_semaphore, #tpu.memory_space<semaphore_mem>>)
        %dma_wait3A = arith.constant 0 : i32
        %dma_wait3A_34 = tpu.memref_slice %arg18[%mul3A_2, %dma_wait3A] : memref<10000x16xf32, #tpu.memory_space<vmem_shared>> -> memref<624x16xf32, #tpu.memory_space<vmem_shared>>
        %dma_wait3A_35 = arith.constant 0 : i32
        %dma_wait3A_36 = arith.constant 0 : i32
        %dma_wait3A_37 = tpu.memref_slice %arg8[%dma_wait3A_35, %dma_wait3A_36] : memref<640x16xf32, #tpu.memory_space<hbm>> -> memref<624x16xf32, #tpu.memory_space<hbm>>
        tpu.wait_dma2 semaphore(%run_scoped3A : memref<!tpu.dma_semaphore, #tpu.memory_space<semaphore_mem>>) src(%dma_wait3A_37 : memref<624x16xf32, #tpu.memory_space<hbm>>) dst(%dma_wait3A_34 : memref<624x16xf32, #tpu.memory_space<vmem_shared>>)
        tpu.yield
      }) : () -> ()
    } else {
    }
    %eq3A = arith.constant 15 : i32
    %eq3A_5 = arith.cmpi eq, %arg1, %eq3A : i32
    %convert_element_type3A_6 = arith.extui %eq3A_5 : i1 to i32
    %cond3A_7 = arith.constant 0 : i32
    %cond3A_8 = arith.cmpi ne, %convert_element_type3A_6, %cond3A_7 : i32
    scf.if %cond3A_8 {
      "tpu.region"() ({
        %run_scoped3A = tpu.sem_alloc : memref<!tpu.dma_semaphore, #tpu.memory_space<semaphore_mem>>
        %dma_start3A = arith.constant 9360 : i32
        %dma_start3A_30 = arith.constant 0 : i32
        %dma_start3A_31 = tpu.memref_slice %arg17[%dma_start3A, %dma_start3A_30] : memref<10000x128xf32, #tpu.memory_space<vmem_shared>> -> memref<640x128xf32, #tpu.memory_space<vmem_shared>>
        tpu.enqueue_dma source(%arg7 : memref<640x128xf32, #tpu.memory_space<hbm>>) target(%dma_start3A_31 : memref<640x128xf32, #tpu.memory_space<vmem_shared>>) target_semaphore(%run_scoped3A : memref<!tpu.dma_semaphore, #tpu.memory_space<semaphore_mem>>)
        %dma_wait3A = arith.constant 9360 : i32
        %dma_wait3A_32 = arith.constant 0 : i32
        %dma_wait3A_33 = tpu.memref_slice %arg17[%dma_wait3A, %dma_wait3A_32] : memref<10000x128xf32, #tpu.memory_space<vmem_shared>> -> memref<640x128xf32, #tpu.memory_space<vmem_shared>>
        tpu.wait_dma2 semaphore(%run_scoped3A : memref<!tpu.dma_semaphore, #tpu.memory_space<semaphore_mem>>) src(%arg7 : memref<640x128xf32, #tpu.memory_space<hbm>>) dst(%dma_wait3A_33 : memref<640x128xf32, #tpu.memory_space<vmem_shared>>)
        tpu.yield
      }) : () -> ()
      "tpu.region"() ({
        %run_scoped3A = tpu.sem_alloc : memref<!tpu.dma_semaphore, #tpu.memory_space<semaphore_mem>>
        %dma_start3A = arith.constant 9360 : i32
        %dma_start3A_30 = arith.constant 0 : i32
        %dma_start3A_31 = tpu.memref_slice %arg18[%dma_start3A, %dma_start3A_30] : memref<10000x16xf32, #tpu.memory_space<vmem_shared>> -> memref<640x16xf32, #tpu.memory_space<vmem_shared>>
        tpu.enqueue_dma source(%arg8 : memref<640x16xf32, #tpu.memory_space<hbm>>) target(%dma_start3A_31 : memref<640x16xf32, #tpu.memory_space<vmem_shared>>) target_semaphore(%run_scoped3A : memref<!tpu.dma_semaphore, #tpu.memory_space<semaphore_mem>>)
        %dma_wait3A = arith.constant 9360 : i32
        %dma_wait3A_32 = arith.constant 0 : i32
        %dma_wait3A_33 = tpu.memref_slice %arg18[%dma_wait3A, %dma_wait3A_32] : memref<10000x16xf32, #tpu.memory_space<vmem_shared>> -> memref<640x16xf32, #tpu.memory_space<vmem_shared>>
        tpu.wait_dma2 semaphore(%run_scoped3A : memref<!tpu.dma_semaphore, #tpu.memory_space<semaphore_mem>>) src(%arg8 : memref<640x16xf32, #tpu.memory_space<hbm>>) dst(%dma_wait3A_33 : memref<640x16xf32, #tpu.memory_space<vmem_shared>>)
        tpu.yield
      }) : () -> ()
    } else {
    }
    %barrier3A = arith.constant 0 : index
    tpu.barrier barrier_id(%barrier3A)
    %scan3A = arith.constant 0 : i32
    %scan3A_9 = arith.constant 0 : i32
    %scan3A_10 = arith.constant 78 : i32
    %scan3A_11 = arith.addi %scan3A_9, %scan3A_10 : i32
    %scan3A_12 = arith.constant 1 : i32
    scf.for %scan3A_30 = %scan3A_9 to %scan3A_11 step %scan3A_12  : i32 {
      %mul3A_31 = arith.constant 32 : i32
      %mul3A_32 = arith.muli %mul3A_31, %scan3A_30 : i32
      %add3A_33 = arith.addi %add3A, %mul3A_32 : i32
      %mul3A_34 = arith.constant 128 : i32
      %mul3A_35 = arith.muli %add3A_33, %mul3A_34 : i32
      "tpu.region"() ({
        %run_scoped3A = tpu.sem_alloc : memref<!tpu.dma_semaphore, #tpu.memory_space<semaphore_mem>>
        %dma_start3A_58 = tpu.memref_slice %arg2[%mul3A_35] : memref<320000xi32, #tpu.memory_space<hbm>> -> memref<128xi32, #tpu.memory_space<hbm>>
        %dma_start3A_59 = tpu.memref_slice %arg2[%mul3A_35] : memref<320000xi32, #tpu.memory_space<hbm>> -> memref<128xi32, #tpu.memory_space<hbm>>
        tpu.enqueue_dma source(%dma_start3A_59 : memref<128xi32, #tpu.memory_space<hbm>>) target(%arg11 : memref<128xi32, #tpu.memory_space<vmem>>) target_semaphore(%run_scoped3A : memref<!tpu.dma_semaphore, #tpu.memory_space<semaphore_mem>>)
        %dma_wait3A_60 = tpu.memref_slice %arg2[%mul3A_35] : memref<320000xi32, #tpu.memory_space<hbm>> -> memref<128xi32, #tpu.memory_space<hbm>>
        %dma_wait3A_61 = tpu.memref_slice %arg2[%mul3A_35] : memref<320000xi32, #tpu.memory_space<hbm>> -> memref<128xi32, #tpu.memory_space<hbm>>
        tpu.wait_dma2 semaphore(%run_scoped3A : memref<!tpu.dma_semaphore, #tpu.memory_space<semaphore_mem>>) src(%dma_wait3A_61 : memref<128xi32, #tpu.memory_space<hbm>>) dst(%arg11 : memref<128xi32, #tpu.memory_space<vmem>>)
        tpu.yield
      }) : () -> ()
      "tpu.region"() ({
        %run_scoped3A = tpu.sem_alloc : memref<!tpu.dma_semaphore, #tpu.memory_space<semaphore_mem>>
        %dma_start3A_58 = tpu.memref_slice %arg3[%mul3A_35] : memref<320000xi32, #tpu.memory_space<hbm>> -> memref<128xi32, #tpu.memory_space<hbm>>
        %dma_start3A_59 = tpu.memref_slice %arg3[%mul3A_35] : memref<320000xi32, #tpu.memory_space<hbm>> -> memref<128xi32, #tpu.memory_space<hbm>>
        tpu.enqueue_dma source(%dma_start3A_59 : memref<128xi32, #tpu.memory_space<hbm>>) target(%arg12 : memref<128xi32, #tpu.memory_space<vmem>>) target_semaphore(%run_scoped3A : memref<!tpu.dma_semaphore, #tpu.memory_space<semaphore_mem>>)
        %dma_wait3A_60 = tpu.memref_slice %arg3[%mul3A_35] : memref<320000xi32, #tpu.memory_space<hbm>> -> memref<128xi32, #tpu.memory_space<hbm>>
        %dma_wait3A_61 = tpu.memref_slice %arg3[%mul3A_35] : memref<320000xi32, #tpu.memory_space<hbm>> -> memref<128xi32, #tpu.memory_space<hbm>>
        tpu.wait_dma2 semaphore(%run_scoped3A : memref<!tpu.dma_semaphore, #tpu.memory_space<semaphore_mem>>) src(%dma_wait3A_61 : memref<128xi32, #tpu.memory_space<hbm>>) dst(%arg12 : memref<128xi32, #tpu.memory_space<vmem>>)
        tpu.yield
      }) : () -> ()
      %dma_start3A = arith.constant 0 : i32
      %dma_start3A_36 = arith.constant 0 : i32
      %dma_start3A_37 = tpu.memref_slice %arg4[%dma_start3A, %dma_start3A_36] : memref<10000x128xf32, #tpu.memory_space<hbm>> -> memref<10000x128xf32, #tpu.memory_space<hbm>>
      tpu.enqueue_indirect_dma source(%dma_start3A_37 : memref<10000x128xf32, #tpu.memory_space<hbm>>) target(%arg13 : memref<128x128xf32, #tpu.memory_space<vmem>>) offsets(%arg11 : memref<128xi32, #tpu.memory_space<vmem>>) semaphore(%arg19 : memref<!tpu.dma_semaphore, #tpu.memory_space<semaphore_mem>>)
      %dma_start3A_38 = arith.constant 0 : i32
      %dma_start3A_39 = arith.constant 0 : i32
      %dma_start3A_40 = tpu.memref_slice %arg5[%dma_start3A_38, %dma_start3A_39] : memref<10000x16xf32, #tpu.memory_space<hbm>> -> memref<10000x16xf32, #tpu.memory_space<hbm>>
      tpu.enqueue_indirect_dma source(%dma_start3A_40 : memref<10000x16xf32, #tpu.memory_space<hbm>>) target(%arg14 : memref<128x16xf32, #tpu.memory_space<vmem>>) offsets(%arg11 : memref<128xi32, #tpu.memory_space<vmem>>) semaphore(%arg19 : memref<!tpu.dma_semaphore, #tpu.memory_space<semaphore_mem>>)
      %dma_start3A_41 = arith.constant 0 : i32
      %dma_start3A_42 = arith.constant 0 : i32
      %dma_start3A_43 = tpu.memref_slice %arg6[%dma_start3A_41, %dma_start3A_42] : memref<10000x16xf32, #tpu.memory_space<hbm>> -> memref<10000x16xf32, #tpu.memory_space<hbm>>
      tpu.enqueue_indirect_dma source(%dma_start3A_43 : memref<10000x16xf32, #tpu.memory_space<hbm>>) target(%arg15 : memref<128x16xf32, #tpu.memory_space<vmem>>) offsets(%arg12 : memref<128xi32, #tpu.memory_space<vmem>>) semaphore(%arg19 : memref<!tpu.dma_semaphore, #tpu.memory_space<semaphore_mem>>)
      %dma_wait3A = arith.constant 0 : i32
      %dma_wait3A_44 = arith.constant 0 : i32
      %dma_wait3A_45 = tpu.memref_slice %arg4[%dma_wait3A, %dma_wait3A_44] : memref<10000x128xf32, #tpu.memory_space<hbm>> -> memref<10000x128xf32, #tpu.memory_space<hbm>>
      tpu.wait_indirect_dma semaphore(%arg19 : memref<!tpu.dma_semaphore, #tpu.memory_space<semaphore_mem>>) src(%dma_wait3A_45 : memref<10000x128xf32, #tpu.memory_space<hbm>>) dst(%arg13 : memref<128x128xf32, #tpu.memory_space<vmem>>)
      %dma_wait3A_46 = arith.constant 0 : i32
      %dma_wait3A_47 = arith.constant 0 : i32
      %dma_wait3A_48 = tpu.memref_slice %arg5[%dma_wait3A_46, %dma_wait3A_47] : memref<10000x16xf32, #tpu.memory_space<hbm>> -> memref<10000x16xf32, #tpu.memory_space<hbm>>
      tpu.wait_indirect_dma semaphore(%arg19 : memref<!tpu.dma_semaphore, #tpu.memory_space<semaphore_mem>>) src(%dma_wait3A_48 : memref<10000x16xf32, #tpu.memory_space<hbm>>) dst(%arg14 : memref<128x16xf32, #tpu.memory_space<vmem>>)
      %dma_wait3A_49 = arith.constant 0 : i32
      %dma_wait3A_50 = arith.constant 0 : i32
      %dma_wait3A_51 = tpu.memref_slice %arg6[%dma_wait3A_49, %dma_wait3A_50] : memref<10000x16xf32, #tpu.memory_space<hbm>> -> memref<10000x16xf32, #tpu.memory_space<hbm>>
      tpu.wait_indirect_dma semaphore(%arg19 : memref<!tpu.dma_semaphore, #tpu.memory_space<semaphore_mem>>) src(%dma_wait3A_51 : memref<10000x16xf32, #tpu.memory_space<hbm>>) dst(%arg15 : memref<128x16xf32, #tpu.memory_space<vmem>>)
      %scan3A_52 = arith.constant 0 : i32
      %scan3A_53 = arith.constant 0 : i32
      %scan3A_54 = arith.constant 128 : i32
      %scan3A_55 = arith.addi %scan3A_53, %scan3A_54 : i32
      %scan3A_56 = arith.constant 1 : i32
      scf.for %scan3A_58 = %scan3A_53 to %scan3A_55 step %scan3A_56  : i32 {
        %get3A = arith.index_cast %scan3A_58 : i32 to index
        %get3A_59 = arith.constant 0 : index
        %get3A_60 = tpu.vector_load %arg14[%get3A, %get3A_59] {strides = array<i32>} : memref<128x16xf32, #tpu.memory_space<vmem>>, vector<1x16xf32>,
        %get3A_61 = vector.shape_cast %get3A_60 : vector<1x16xf32> to vector<16xf32>
        %get3A_62 = arith.index_cast %scan3A_58 : i32 to index
        %get3A_63 = arith.constant 0 : index
        %get3A_64 = tpu.vector_load %arg15[%get3A_62, %get3A_63] {strides = array<i32>} : memref<128x16xf32, #tpu.memory_space<vmem>>, vector<1x16xf32>,
        %get3A_65 = vector.shape_cast %get3A_64 : vector<1x16xf32> to vector<16xf32>
        %add3A_66 = arith.addf %get3A_61, %get3A_65 : vector<16xf32>
        %gt3A = arith.constant 0.000000e+00 : f32
        %gt3A_67 = vector.broadcast %gt3A : f32 to vector<16xf32>
        %gt3A_68 = arith.cmpf ogt, %add3A_66, %gt3A_67 : vector<16xf32>
        %mul3A_69 = arith.constant 2.000000e-01 : f32
        %mul3A_70 = vector.broadcast %mul3A_69 : f32 to vector<16xf32>
        %mul3A_71 = arith.mulf %mul3A_70, %add3A_66 : vector<16xf32>
        %select_n3A = arith.select %gt3A_68, %add3A_66, %mul3A_71 : vector<16xi1>, vector<16xf32>
        %exp3A = math.exp %select_n3A : vector<16xf32>
        %swap3A = arith.index_cast %scan3A_58 : i32 to index
        %swap3A_72 = arith.constant 0 : index
        %swap3A_73 = tpu.vector_load %arg16[%swap3A, %swap3A_72] {strides = array<i32>} : memref<128x16xf32, #tpu.memory_space<vmem>>, vector<1x16xf32>,
        %swap3A_74 = vector.shape_cast %swap3A_73 : vector<1x16xf32> to vector<16xf32>
        %swap3A_75 = vector.shape_cast %exp3A : vector<16xf32> to vector<1x16xf32>
        tpu.vector_store %arg16[%swap3A, %swap3A_72], %swap3A_75 {strides = array<i32>} : memref<128x16xf32, #tpu.memory_space<vmem>>, vector<1x16xf32>,
        %slice3A = vector.extract_strided_slice %exp3A {offsets = [0], sizes = [1], strides = [1]} : vector<16xf32> to vector<1xf32>
        %squeeze3A = vector.extract %slice3A[0] : f32 from vector<1xf32>
        %get3A_76 = arith.index_cast %scan3A_58 : i32 to index
        %get3A_77 = arith.constant 0 : index
        %get3A_78 = tpu.vector_load %arg13[%get3A_76, %get3A_77] {strides = array<i32>} : memref<128x128xf32, #tpu.memory_space<vmem>>, vector<1x16xf32>,
        %get3A_79 = vector.shape_cast %get3A_78 : vector<1x16xf32> to vector<16xf32>
        %mul3A_80 = vector.broadcast %squeeze3A : f32 to vector<16xf32>
        %mul3A_81 = arith.mulf %get3A_79, %mul3A_80 : vector<16xf32>
        %swap3A_82 = arith.index_cast %scan3A_58 : i32 to index
        %swap3A_83 = arith.constant 0 : index
        %swap3A_84 = tpu.vector_load %arg13[%swap3A_82, %swap3A_83] {strides = array<i32>} : memref<128x128xf32, #tpu.memory_space<vmem>>, vector<1x16xf32>,
        %swap3A_85 = vector.shape_cast %swap3A_84 : vector<1x16xf32> to vector<16xf32>
        %swap3A_86 = vector.shape_cast %mul3A_81 : vector<16xf32> to vector<1x16xf32>
        tpu.vector_store %arg13[%swap3A_82, %swap3A_83], %swap3A_86 {strides = array<i32>} : memref<128x128xf32, #tpu.memory_space<vmem>>, vector<1x16xf32>,
        %slice3A_87 = vector.extract_strided_slice %exp3A {offsets = [1], sizes = [1], strides = [1]} : vector<16xf32> to vector<1xf32>
        %squeeze3A_88 = vector.extract %slice3A_87[0] : f32 from vector<1xf32>
        %get3A_89 = arith.index_cast %scan3A_58 : i32 to index
        %get3A_90 = arith.constant 16 : index
        %get3A_91 = tpu.vector_load %arg13[%get3A_89, %get3A_90] {strides = array<i32>} : memref<128x128xf32, #tpu.memory_space<vmem>>, vector<1x16xf32>,
        %get3A_92 = vector.shape_cast %get3A_91 : vector<1x16xf32> to vector<16xf32>
        %mul3A_93 = vector.broadcast %squeeze3A_88 : f32 to vector<16xf32>
        %mul3A_94 = arith.mulf %get3A_92, %mul3A_93 : vector<16xf32>
        %swap3A_95 = arith.index_cast %scan3A_58 : i32 to index
        %swap3A_96 = arith.constant 16 : index
        %swap3A_97 = tpu.vector_load %arg13[%swap3A_95, %swap3A_96] {strides = array<i32>} : memref<128x128xf32, #tpu.memory_space<vmem>>, vector<1x16xf32>,
        %swap3A_98 = vector.shape_cast %swap3A_97 : vector<1x16xf32> to vector<16xf32>
        %swap3A_99 = vector.shape_cast %mul3A_94 : vector<16xf32> to vector<1x16xf32>
        tpu.vector_store %arg13[%swap3A_95, %swap3A_96], %swap3A_99 {strides = array<i32>} : memref<128x128xf32, #tpu.memory_space<vmem>>, vector<1x16xf32>,
        %slice3A_100 = vector.extract_strided_slice %exp3A {offsets = [2], sizes = [1], strides = [1]} : vector<16xf32> to vector<1xf32>
        %squeeze3A_101 = vector.extract %slice3A_100[0] : f32 from vector<1xf32>
        %get3A_102 = arith.index_cast %scan3A_58 : i32 to index
        %get3A_103 = arith.constant 32 : index
        %get3A_104 = tpu.vector_load %arg13[%get3A_102, %get3A_103] {strides = array<i32>} : memref<128x128xf32, #tpu.memory_space<vmem>>, vector<1x16xf32>,
        %get3A_105 = vector.shape_cast %get3A_104 : vector<1x16xf32> to vector<16xf32>
        %mul3A_106 = vector.broadcast %squeeze3A_101 : f32 to vector<16xf32>
        %mul3A_107 = arith.mulf %get3A_105, %mul3A_106 : vector<16xf32>
        %swap3A_108 = arith.index_cast %scan3A_58 : i32 to index
        %swap3A_109 = arith.constant 32 : index
        %swap3A_110 = tpu.vector_load %arg13[%swap3A_108, %swap3A_109] {strides = array<i32>} : memref<128x128xf32, #tpu.memory_space<vmem>>, vector<1x16xf32>,
        %swap3A_111 = vector.shape_cast %swap3A_110 : vector<1x16xf32> to vector<16xf32>
        %swap3A_112 = vector.shape_cast %mul3A_107 : vector<16xf32> to vector<1x16xf32>
        tpu.vector_store %arg13[%swap3A_108, %swap3A_109], %swap3A_112 {strides = array<i32>} : memref<128x128xf32, #tpu.memory_space<vmem>>, vector<1x16xf32>,
        %slice3A_113 = vector.extract_strided_slice %exp3A {offsets = [3], sizes = [1], strides = [1]} : vector<16xf32> to vector<1xf32>
        %squeeze3A_114 = vector.extract %slice3A_113[0] : f32 from vector<1xf32>
        %get3A_115 = arith.index_cast %scan3A_58 : i32 to index
        %get3A_116 = arith.constant 48 : index
        %get3A_117 = tpu.vector_load %arg13[%get3A_115, %get3A_116] {strides = array<i32>} : memref<128x128xf32, #tpu.memory_space<vmem>>, vector<1x16xf32>,
        %get3A_118 = vector.shape_cast %get3A_117 : vector<1x16xf32> to vector<16xf32>
        %mul3A_119 = vector.broadcast %squeeze3A_114 : f32 to vector<16xf32>
        %mul3A_120 = arith.mulf %get3A_118, %mul3A_119 : vector<16xf32>
        %swap3A_121 = arith.index_cast %scan3A_58 : i32 to index
        %swap3A_122 = arith.constant 48 : index
        %swap3A_123 = tpu.vector_load %arg13[%swap3A_121, %swap3A_122] {strides = array<i32>} : memref<128x128xf32, #tpu.memory_space<vmem>>, vector<1x16xf32>,
        %swap3A_124 = vector.shape_cast %swap3A_123 : vector<1x16xf32> to vector<16xf32>
        %swap3A_125 = vector.shape_cast %mul3A_120 : vector<16xf32> to vector<1x16xf32>
        tpu.vector_store %arg13[%swap3A_121, %swap3A_122], %swap3A_125 {strides = array<i32>} : memref<128x128xf32, #tpu.memory_space<vmem>>, vector<1x16xf32>,
        %slice3A_126 = vector.extract_strided_slice %exp3A {offsets = [4], sizes = [1], strides = [1]} : vector<16xf32> to vector<1xf32>
        %squeeze3A_127 = vector.extract %slice3A_126[0] : f32 from vector<1xf32>
        %get3A_128 = arith.index_cast %scan3A_58 : i32 to index
        %get3A_129 = arith.constant 64 : index
        %get3A_130 = tpu.vector_load %arg13[%get3A_128, %get3A_129] {strides = array<i32>} : memref<128x128xf32, #tpu.memory_space<vmem>>, vector<1x16xf32>,
        %get3A_131 = vector.shape_cast %get3A_130 : vector<1x16xf32> to vector<16xf32>
        %mul3A_132 = vector.broadcast %squeeze3A_127 : f32 to vector<16xf32>
        %mul3A_133 = arith.mulf %get3A_131, %mul3A_132 : vector<16xf32>
        %swap3A_134 = arith.index_cast %scan3A_58 : i32 to index
        %swap3A_135 = arith.constant 64 : index
        %swap3A_136 = tpu.vector_load %arg13[%swap3A_134, %swap3A_135] {strides = array<i32>} : memref<128x128xf32, #tpu.memory_space<vmem>>, vector<1x16xf32>,
        %swap3A_137 = vector.shape_cast %swap3A_136 : vector<1x16xf32> to vector<16xf32>
        %swap3A_138 = vector.shape_cast %mul3A_133 : vector<16xf32> to vector<1x16xf32>
        tpu.vector_store %arg13[%swap3A_134, %swap3A_135], %swap3A_138 {strides = array<i32>} : memref<128x128xf32, #tpu.memory_space<vmem>>, vector<1x16xf32>,
        %slice3A_139 = vector.extract_strided_slice %exp3A {offsets = [5], sizes = [1], strides = [1]} : vector<16xf32> to vector<1xf32>
        %squeeze3A_140 = vector.extract %slice3A_139[0] : f32 from vector<1xf32>
        %get3A_141 = arith.index_cast %scan3A_58 : i32 to index
        %get3A_142 = arith.constant 80 : index
        %get3A_143 = tpu.vector_load %arg13[%get3A_141, %get3A_142] {strides = array<i32>} : memref<128x128xf32, #tpu.memory_space<vmem>>, vector<1x16xf32>,
        %get3A_144 = vector.shape_cast %get3A_143 : vector<1x16xf32> to vector<16xf32>
        %mul3A_145 = vector.broadcast %squeeze3A_140 : f32 to vector<16xf32>
        %mul3A_146 = arith.mulf %get3A_144, %mul3A_145 : vector<16xf32>
        %swap3A_147 = arith.index_cast %scan3A_58 : i32 to index
        %swap3A_148 = arith.constant 80 : index
        %swap3A_149 = tpu.vector_load %arg13[%swap3A_147, %swap3A_148] {strides = array<i32>} : memref<128x128xf32, #tpu.memory_space<vmem>>, vector<1x16xf32>,
        %swap3A_150 = vector.shape_cast %swap3A_149 : vector<1x16xf32> to vector<16xf32>
        %swap3A_151 = vector.shape_cast %mul3A_146 : vector<16xf32> to vector<1x16xf32>
        tpu.vector_store %arg13[%swap3A_147, %swap3A_148], %swap3A_151 {strides = array<i32>} : memref<128x128xf32, #tpu.memory_space<vmem>>, vector<1x16xf32>,
        %slice3A_152 = vector.extract_strided_slice %exp3A {offsets = [6], sizes = [1], strides = [1]} : vector<16xf32> to vector<1xf32>
        %squeeze3A_153 = vector.extract %slice3A_152[0] : f32 from vector<1xf32>
        %get3A_154 = arith.index_cast %scan3A_58 : i32 to index
        %get3A_155 = arith.constant 96 : index
        %get3A_156 = tpu.vector_load %arg13[%get3A_154, %get3A_155] {strides = array<i32>} : memref<128x128xf32, #tpu.memory_space<vmem>>, vector<1x16xf32>,
        %get3A_157 = vector.shape_cast %get3A_156 : vector<1x16xf32> to vector<16xf32>
        %mul3A_158 = vector.broadcast %squeeze3A_153 : f32 to vector<16xf32>
        %mul3A_159 = arith.mulf %get3A_157, %mul3A_158 : vector<16xf32>
        %swap3A_160 = arith.index_cast %scan3A_58 : i32 to index
        %swap3A_161 = arith.constant 96 : index
        %swap3A_162 = tpu.vector_load %arg13[%swap3A_160, %swap3A_161] {strides = array<i32>} : memref<128x128xf32, #tpu.memory_space<vmem>>, vector<1x16xf32>,
        %swap3A_163 = vector.shape_cast %swap3A_162 : vector<1x16xf32> to vector<16xf32>
        %swap3A_164 = vector.shape_cast %mul3A_159 : vector<16xf32> to vector<1x16xf32>
        tpu.vector_store %arg13[%swap3A_160, %swap3A_161], %swap3A_164 {strides = array<i32>} : memref<128x128xf32, #tpu.memory_space<vmem>>, vector<1x16xf32>,
        %slice3A_165 = vector.extract_strided_slice %exp3A {offsets = [7], sizes = [1], strides = [1]} : vector<16xf32> to vector<1xf32>
        %squeeze3A_166 = vector.extract %slice3A_165[0] : f32 from vector<1xf32>
        %get3A_167 = arith.index_cast %scan3A_58 : i32 to index
        %get3A_168 = arith.constant 112 : index
        %get3A_169 = tpu.vector_load %arg13[%get3A_167, %get3A_168] {strides = array<i32>} : memref<128x128xf32, #tpu.memory_space<vmem>>, vector<1x16xf32>,
        %get3A_170 = vector.shape_cast %get3A_169 : vector<1x16xf32> to vector<16xf32>
        %mul3A_171 = vector.broadcast %squeeze3A_166 : f32 to vector<16xf32>
        %mul3A_172 = arith.mulf %get3A_170, %mul3A_171 : vector<16xf32>
        %swap3A_173 = arith.index_cast %scan3A_58 : i32 to index
        %swap3A_174 = arith.constant 112 : index
        %swap3A_175 = tpu.vector_load %arg13[%swap3A_173, %swap3A_174] {strides = array<i32>} : memref<128x128xf32, #tpu.memory_space<vmem>>, vector<1x16xf32>,
        %swap3A_176 = vector.shape_cast %swap3A_175 : vector<1x16xf32> to vector<16xf32>
        %swap3A_177 = vector.shape_cast %mul3A_172 : vector<16xf32> to vector<1x16xf32>
        tpu.vector_store %arg13[%swap3A_173, %swap3A_174], %swap3A_177 {strides = array<i32>} : memref<128x128xf32, #tpu.memory_space<vmem>>, vector<1x16xf32>,
      }
      %scan3A_57 = arith.constant 128 : i32
      "tpu.region"() ({
        %run_scoped3A = tpu.sem_alloc : memref<!tpu.dma_semaphore, #tpu.memory_space<semaphore_mem>>
        %dma_start3A_58 = arith.constant 0 : i32
        %dma_start3A_59 = arith.constant 0 : i32
        %dma_start3A_60 = tpu.memref_slice %arg17[%dma_start3A_58, %dma_start3A_59] : memref<10000x128xf32, #tpu.memory_space<vmem_shared>> -> memref<10000x128xf32, #tpu.memory_space<vmem_shared>>
        tpu.enqueue_indirect_dma source(%arg13 : memref<128x128xf32, #tpu.memory_space<vmem>>) target(%dma_start3A_60 : memref<10000x128xf32, #tpu.memory_space<vmem_shared>>) offsets(%arg12 : memref<128xi32, #tpu.memory_space<vmem>>) semaphore(%run_scoped3A : memref<!tpu.dma_semaphore, #tpu.memory_space<semaphore_mem>>) {add = true}
        %dma_wait3A_61 = arith.constant 0 : i32
        %dma_wait3A_62 = arith.constant 0 : i32
        %dma_wait3A_63 = tpu.memref_slice %arg17[%dma_wait3A_61, %dma_wait3A_62] : memref<10000x128xf32, #tpu.memory_space<vmem_shared>> -> memref<10000x128xf32, #tpu.memory_space<vmem_shared>>
        tpu.wait_indirect_dma semaphore(%run_scoped3A : memref<!tpu.dma_semaphore, #tpu.memory_space<semaphore_mem>>) src(%arg13 : memref<128x128xf32, #tpu.memory_space<vmem>>) dst(%dma_wait3A_63 : memref<10000x128xf32, #tpu.memory_space<vmem_shared>>)
        tpu.yield
      }) : () -> ()
      "tpu.region"() ({
        %run_scoped3A = tpu.sem_alloc : memref<!tpu.dma_semaphore, #tpu.memory_space<semaphore_mem>>
        %dma_start3A_58 = arith.constant 0 : i32
        %dma_start3A_59 = arith.constant 0 : i32
        %dma_start3A_60 = tpu.memref_slice %arg18[%dma_start3A_58, %dma_start3A_59] : memref<10000x16xf32, #tpu.memory_space<vmem_shared>> -> memref<10000x16xf32, #tpu.memory_space<vmem_shared>>
        tpu.enqueue_indirect_dma source(%arg16 : memref<128x16xf32, #tpu.memory_space<vmem>>) target(%dma_start3A_60 : memref<10000x16xf32, #tpu.memory_space<vmem_shared>>) offsets(%arg12 : memref<128xi32, #tpu.memory_space<vmem>>) semaphore(%run_scoped3A : memref<!tpu.dma_semaphore, #tpu.memory_space<semaphore_mem>>) {add = true}
        %dma_wait3A_61 = arith.constant 0 : i32
        %dma_wait3A_62 = arith.constant 0 : i32
        %dma_wait3A_63 = tpu.memref_slice %arg18[%dma_wait3A_61, %dma_wait3A_62] : memref<10000x16xf32, #tpu.memory_space<vmem_shared>> -> memref<10000x16xf32, #tpu.memory_space<vmem_shared>>
        tpu.wait_indirect_dma semaphore(%run_scoped3A : memref<!tpu.dma_semaphore, #tpu.memory_space<semaphore_mem>>) src(%arg16 : memref<128x16xf32, #tpu.memory_space<vmem>>) dst(%dma_wait3A_63 : memref<10000x16xf32, #tpu.memory_space<vmem_shared>>)
        tpu.yield
      }) : () -> ()
    }
    %scan3A_13 = arith.constant 78 : i32
    %lt3A_14 = arith.constant 4 : i32
    %lt3A_15 = arith.cmpi slt, %add3A, %lt3A_14 : i32
    %convert_element_type3A_16 = arith.extui %lt3A_15 : i1 to i32
    %cond3A_17 = arith.constant 0 : i32
    %cond3A_18 = arith.cmpi ne, %convert_element_type3A_16, %cond3A_17 : i32
    scf.if %cond3A_18 {
      %add3A_30 = arith.constant 2496 : i32
      %add3A_31 = arith.addi %add3A_30, %add3A : i32
      %mul3A_32 = arith.constant 128 : i32
      %mul3A_33 = arith.muli %add3A_31, %mul3A_32 : i32
      "tpu.region"() ({
        %run_scoped3A = tpu.sem_alloc : memref<!tpu.dma_semaphore, #tpu.memory_space<semaphore_mem>>
        %dma_start3A_56 = tpu.memref_slice %arg2[%mul3A_33] : memref<320000xi32, #tpu.memory_space<hbm>> -> memref<128xi32, #tpu.memory_space<hbm>>
        %dma_start3A_57 = tpu.memref_slice %arg2[%mul3A_33] : memref<320000xi32, #tpu.memory_space<hbm>> -> memref<128xi32, #tpu.memory_space<hbm>>
        tpu.enqueue_dma source(%dma_start3A_57 : memref<128xi32, #tpu.memory_space<hbm>>) target(%arg11 : memref<128xi32, #tpu.memory_space<vmem>>) target_semaphore(%run_scoped3A : memref<!tpu.dma_semaphore, #tpu.memory_space<semaphore_mem>>)
        %dma_wait3A_58 = tpu.memref_slice %arg2[%mul3A_33] : memref<320000xi32, #tpu.memory_space<hbm>> -> memref<128xi32, #tpu.memory_space<hbm>>
        %dma_wait3A_59 = tpu.memref_slice %arg2[%mul3A_33] : memref<320000xi32, #tpu.memory_space<hbm>> -> memref<128xi32, #tpu.memory_space<hbm>>
        tpu.wait_dma2 semaphore(%run_scoped3A : memref<!tpu.dma_semaphore, #tpu.memory_space<semaphore_mem>>) src(%dma_wait3A_59 : memref<128xi32, #tpu.memory_space<hbm>>) dst(%arg11 : memref<128xi32, #tpu.memory_space<vmem>>)
        tpu.yield
      }) : () -> ()
      "tpu.region"() ({
        %run_scoped3A = tpu.sem_alloc : memref<!tpu.dma_semaphore, #tpu.memory_space<semaphore_mem>>
        %dma_start3A_56 = tpu.memref_slice %arg3[%mul3A_33] : memref<320000xi32, #tpu.memory_space<hbm>> -> memref<128xi32, #tpu.memory_space<hbm>>
        %dma_start3A_57 = tpu.memref_slice %arg3[%mul3A_33] : memref<320000xi32, #tpu.memory_space<hbm>> -> memref<128xi32, #tpu.memory_space<hbm>>
        tpu.enqueue_dma source(%dma_start3A_57 : memref<128xi32, #tpu.memory_space<hbm>>) target(%arg12 : memref<128xi32, #tpu.memory_space<vmem>>) target_semaphore(%run_scoped3A : memref<!tpu.dma_semaphore, #tpu.memory_space<semaphore_mem>>)
        %dma_wait3A_58 = tpu.memref_slice %arg3[%mul3A_33] : memref<320000xi32, #tpu.memory_space<hbm>> -> memref<128xi32, #tpu.memory_space<hbm>>
        %dma_wait3A_59 = tpu.memref_slice %arg3[%mul3A_33] : memref<320000xi32, #tpu.memory_space<hbm>> -> memref<128xi32, #tpu.memory_space<hbm>>
        tpu.wait_dma2 semaphore(%run_scoped3A : memref<!tpu.dma_semaphore, #tpu.memory_space<semaphore_mem>>) src(%dma_wait3A_59 : memref<128xi32, #tpu.memory_space<hbm>>) dst(%arg12 : memref<128xi32, #tpu.memory_space<vmem>>)
        tpu.yield
      }) : () -> ()
      %dma_start3A = arith.constant 0 : i32
      %dma_start3A_34 = arith.constant 0 : i32
      %dma_start3A_35 = tpu.memref_slice %arg4[%dma_start3A, %dma_start3A_34] : memref<10000x128xf32, #tpu.memory_space<hbm>> -> memref<10000x128xf32, #tpu.memory_space<hbm>>
      tpu.enqueue_indirect_dma source(%dma_start3A_35 : memref<10000x128xf32, #tpu.memory_space<hbm>>) target(%arg13 : memref<128x128xf32, #tpu.memory_space<vmem>>) offsets(%arg11 : memref<128xi32, #tpu.memory_space<vmem>>) semaphore(%arg19 : memref<!tpu.dma_semaphore, #tpu.memory_space<semaphore_mem>>)
      %dma_start3A_36 = arith.constant 0 : i32
      %dma_start3A_37 = arith.constant 0 : i32
      %dma_start3A_38 = tpu.memref_slice %arg5[%dma_start3A_36, %dma_start3A_37] : memref<10000x16xf32, #tpu.memory_space<hbm>> -> memref<10000x16xf32, #tpu.memory_space<hbm>>
      tpu.enqueue_indirect_dma source(%dma_start3A_38 : memref<10000x16xf32, #tpu.memory_space<hbm>>) target(%arg14 : memref<128x16xf32, #tpu.memory_space<vmem>>) offsets(%arg11 : memref<128xi32, #tpu.memory_space<vmem>>) semaphore(%arg19 : memref<!tpu.dma_semaphore, #tpu.memory_space<semaphore_mem>>)
      %dma_start3A_39 = arith.constant 0 : i32
      %dma_start3A_40 = arith.constant 0 : i32
      %dma_start3A_41 = tpu.memref_slice %arg6[%dma_start3A_39, %dma_start3A_40] : memref<10000x16xf32, #tpu.memory_space<hbm>> -> memref<10000x16xf32, #tpu.memory_space<hbm>>
      tpu.enqueue_indirect_dma source(%dma_start3A_41 : memref<10000x16xf32, #tpu.memory_space<hbm>>) target(%arg15 : memref<128x16xf32, #tpu.memory_space<vmem>>) offsets(%arg12 : memref<128xi32, #tpu.memory_space<vmem>>) semaphore(%arg19 : memref<!tpu.dma_semaphore, #tpu.memory_space<semaphore_mem>>)
      %dma_wait3A = arith.constant 0 : i32
      %dma_wait3A_42 = arith.constant 0 : i32
      %dma_wait3A_43 = tpu.memref_slice %arg4[%dma_wait3A, %dma_wait3A_42] : memref<10000x128xf32, #tpu.memory_space<hbm>> -> memref<10000x128xf32, #tpu.memory_space<hbm>>
      tpu.wait_indirect_dma semaphore(%arg19 : memref<!tpu.dma_semaphore, #tpu.memory_space<semaphore_mem>>) src(%dma_wait3A_43 : memref<10000x128xf32, #tpu.memory_space<hbm>>) dst(%arg13 : memref<128x128xf32, #tpu.memory_space<vmem>>)
      %dma_wait3A_44 = arith.constant 0 : i32
      %dma_wait3A_45 = arith.constant 0 : i32
      %dma_wait3A_46 = tpu.memref_slice %arg5[%dma_wait3A_44, %dma_wait3A_45] : memref<10000x16xf32, #tpu.memory_space<hbm>> -> memref<10000x16xf32, #tpu.memory_space<hbm>>
      tpu.wait_indirect_dma semaphore(%arg19 : memref<!tpu.dma_semaphore, #tpu.memory_space<semaphore_mem>>) src(%dma_wait3A_46 : memref<10000x16xf32, #tpu.memory_space<hbm>>) dst(%arg14 : memref<128x16xf32, #tpu.memory_space<vmem>>)
      %dma_wait3A_47 = arith.constant 0 : i32
      %dma_wait3A_48 = arith.constant 0 : i32
      %dma_wait3A_49 = tpu.memref_slice %arg6[%dma_wait3A_47, %dma_wait3A_48] : memref<10000x16xf32, #tpu.memory_space<hbm>> -> memref<10000x16xf32, #tpu.memory_space<hbm>>
      tpu.wait_indirect_dma semaphore(%arg19 : memref<!tpu.dma_semaphore, #tpu.memory_space<semaphore_mem>>) src(%dma_wait3A_49 : memref<10000x16xf32, #tpu.memory_space<hbm>>) dst(%arg15 : memref<128x16xf32, #tpu.memory_space<vmem>>)
      %scan3A_50 = arith.constant 0 : i32
      %scan3A_51 = arith.constant 0 : i32
      %scan3A_52 = arith.constant 128 : i32
      %scan3A_53 = arith.addi %scan3A_51, %scan3A_52 : i32
      %scan3A_54 = arith.constant 1 : i32
      scf.for %scan3A_56 = %scan3A_51 to %scan3A_53 step %scan3A_54  : i32 {
        %get3A = arith.index_cast %scan3A_56 : i32 to index
        %get3A_57 = arith.constant 0 : index
        %get3A_58 = tpu.vector_load %arg14[%get3A, %get3A_57] {strides = array<i32>} : memref<128x16xf32, #tpu.memory_space<vmem>>, vector<1x16xf32>,
        %get3A_59 = vector.shape_cast %get3A_58 : vector<1x16xf32> to vector<16xf32>
        %get3A_60 = arith.index_cast %scan3A_56 : i32 to index
        %get3A_61 = arith.constant 0 : index
        %get3A_62 = tpu.vector_load %arg15[%get3A_60, %get3A_61] {strides = array<i32>} : memref<128x16xf32, #tpu.memory_space<vmem>>, vector<1x16xf32>,
        %get3A_63 = vector.shape_cast %get3A_62 : vector<1x16xf32> to vector<16xf32>
        %add3A_64 = arith.addf %get3A_59, %get3A_63 : vector<16xf32>
        %gt3A = arith.constant 0.000000e+00 : f32
        %gt3A_65 = vector.broadcast %gt3A : f32 to vector<16xf32>
        %gt3A_66 = arith.cmpf ogt, %add3A_64, %gt3A_65 : vector<16xf32>
        %mul3A_67 = arith.constant 2.000000e-01 : f32
        %mul3A_68 = vector.broadcast %mul3A_67 : f32 to vector<16xf32>
        %mul3A_69 = arith.mulf %mul3A_68, %add3A_64 : vector<16xf32>
        %select_n3A = arith.select %gt3A_66, %add3A_64, %mul3A_69 : vector<16xi1>, vector<16xf32>
        %exp3A = math.exp %select_n3A : vector<16xf32>
        %swap3A = arith.index_cast %scan3A_56 : i32 to index
        %swap3A_70 = arith.constant 0 : index
        %swap3A_71 = tpu.vector_load %arg16[%swap3A, %swap3A_70] {strides = array<i32>} : memref<128x16xf32, #tpu.memory_space<vmem>>, vector<1x16xf32>,
        %swap3A_72 = vector.shape_cast %swap3A_71 : vector<1x16xf32> to vector<16xf32>
        %swap3A_73 = vector.shape_cast %exp3A : vector<16xf32> to vector<1x16xf32>
        tpu.vector_store %arg16[%swap3A, %swap3A_70], %swap3A_73 {strides = array<i32>} : memref<128x16xf32, #tpu.memory_space<vmem>>, vector<1x16xf32>,
        %slice3A = vector.extract_strided_slice %exp3A {offsets = [0], sizes = [1], strides = [1]} : vector<16xf32> to vector<1xf32>
        %squeeze3A = vector.extract %slice3A[0] : f32 from vector<1xf32>
        %get3A_74 = arith.index_cast %scan3A_56 : i32 to index
        %get3A_75 = arith.constant 0 : index
        %get3A_76 = tpu.vector_load %arg13[%get3A_74, %get3A_75] {strides = array<i32>} : memref<128x128xf32, #tpu.memory_space<vmem>>, vector<1x16xf32>,
        %get3A_77 = vector.shape_cast %get3A_76 : vector<1x16xf32> to vector<16xf32>
        %mul3A_78 = vector.broadcast %squeeze3A : f32 to vector<16xf32>
        %mul3A_79 = arith.mulf %get3A_77, %mul3A_78 : vector<16xf32>
        %swap3A_80 = arith.index_cast %scan3A_56 : i32 to index
        %swap3A_81 = arith.constant 0 : index
        %swap3A_82 = tpu.vector_load %arg13[%swap3A_80, %swap3A_81] {strides = array<i32>} : memref<128x128xf32, #tpu.memory_space<vmem>>, vector<1x16xf32>,
        %swap3A_83 = vector.shape_cast %swap3A_82 : vector<1x16xf32> to vector<16xf32>
        %swap3A_84 = vector.shape_cast %mul3A_79 : vector<16xf32> to vector<1x16xf32>
        tpu.vector_store %arg13[%swap3A_80, %swap3A_81], %swap3A_84 {strides = array<i32>} : memref<128x128xf32, #tpu.memory_space<vmem>>, vector<1x16xf32>,
        %slice3A_85 = vector.extract_strided_slice %exp3A {offsets = [1], sizes = [1], strides = [1]} : vector<16xf32> to vector<1xf32>
        %squeeze3A_86 = vector.extract %slice3A_85[0] : f32 from vector<1xf32>
        %get3A_87 = arith.index_cast %scan3A_56 : i32 to index
        %get3A_88 = arith.constant 16 : index
        %get3A_89 = tpu.vector_load %arg13[%get3A_87, %get3A_88] {strides = array<i32>} : memref<128x128xf32, #tpu.memory_space<vmem>>, vector<1x16xf32>,
        %get3A_90 = vector.shape_cast %get3A_89 : vector<1x16xf32> to vector<16xf32>
        %mul3A_91 = vector.broadcast %squeeze3A_86 : f32 to vector<16xf32>
        %mul3A_92 = arith.mulf %get3A_90, %mul3A_91 : vector<16xf32>
        %swap3A_93 = arith.index_cast %scan3A_56 : i32 to index
        %swap3A_94 = arith.constant 16 : index
        %swap3A_95 = tpu.vector_load %arg13[%swap3A_93, %swap3A_94] {strides = array<i32>} : memref<128x128xf32, #tpu.memory_space<vmem>>, vector<1x16xf32>,
        %swap3A_96 = vector.shape_cast %swap3A_95 : vector<1x16xf32> to vector<16xf32>
        %swap3A_97 = vector.shape_cast %mul3A_92 : vector<16xf32> to vector<1x16xf32>
        tpu.vector_store %arg13[%swap3A_93, %swap3A_94], %swap3A_97 {strides = array<i32>} : memref<128x128xf32, #tpu.memory_space<vmem>>, vector<1x16xf32>,
        %slice3A_98 = vector.extract_strided_slice %exp3A {offsets = [2], sizes = [1], strides = [1]} : vector<16xf32> to vector<1xf32>
        %squeeze3A_99 = vector.extract %slice3A_98[0] : f32 from vector<1xf32>
        %get3A_100 = arith.index_cast %scan3A_56 : i32 to index
        %get3A_101 = arith.constant 32 : index
        %get3A_102 = tpu.vector_load %arg13[%get3A_100, %get3A_101] {strides = array<i32>} : memref<128x128xf32, #tpu.memory_space<vmem>>, vector<1x16xf32>,
        %get3A_103 = vector.shape_cast %get3A_102 : vector<1x16xf32> to vector<16xf32>
        %mul3A_104 = vector.broadcast %squeeze3A_99 : f32 to vector<16xf32>
        %mul3A_105 = arith.mulf %get3A_103, %mul3A_104 : vector<16xf32>
        %swap3A_106 = arith.index_cast %scan3A_56 : i32 to index
        %swap3A_107 = arith.constant 32 : index
        %swap3A_108 = tpu.vector_load %arg13[%swap3A_106, %swap3A_107] {strides = array<i32>} : memref<128x128xf32, #tpu.memory_space<vmem>>, vector<1x16xf32>,
        %swap3A_109 = vector.shape_cast %swap3A_108 : vector<1x16xf32> to vector<16xf32>
        %swap3A_110 = vector.shape_cast %mul3A_105 : vector<16xf32> to vector<1x16xf32>
        tpu.vector_store %arg13[%swap3A_106, %swap3A_107], %swap3A_110 {strides = array<i32>} : memref<128x128xf32, #tpu.memory_space<vmem>>, vector<1x16xf32>,
        %slice3A_111 = vector.extract_strided_slice %exp3A {offsets = [3], sizes = [1], strides = [1]} : vector<16xf32> to vector<1xf32>
        %squeeze3A_112 = vector.extract %slice3A_111[0] : f32 from vector<1xf32>
        %get3A_113 = arith.index_cast %scan3A_56 : i32 to index
        %get3A_114 = arith.constant 48 : index
        %get3A_115 = tpu.vector_load %arg13[%get3A_113, %get3A_114] {strides = array<i32>} : memref<128x128xf32, #tpu.memory_space<vmem>>, vector<1x16xf32>,
        %get3A_116 = vector.shape_cast %get3A_115 : vector<1x16xf32> to vector<16xf32>
        %mul3A_117 = vector.broadcast %squeeze3A_112 : f32 to vector<16xf32>
        %mul3A_118 = arith.mulf %get3A_116, %mul3A_117 : vector<16xf32>
        %swap3A_119 = arith.index_cast %scan3A_56 : i32 to index
        %swap3A_120 = arith.constant 48 : index
        %swap3A_121 = tpu.vector_load %arg13[%swap3A_119, %swap3A_120] {strides = array<i32>} : memref<128x128xf32, #tpu.memory_space<vmem>>, vector<1x16xf32>,
        %swap3A_122 = vector.shape_cast %swap3A_121 : vector<1x16xf32> to vector<16xf32>
        %swap3A_123 = vector.shape_cast %mul3A_118 : vector<16xf32> to vector<1x16xf32>
        tpu.vector_store %arg13[%swap3A_119, %swap3A_120], %swap3A_123 {strides = array<i32>} : memref<128x128xf32, #tpu.memory_space<vmem>>, vector<1x16xf32>,
        %slice3A_124 = vector.extract_strided_slice %exp3A {offsets = [4], sizes = [1], strides = [1]} : vector<16xf32> to vector<1xf32>
        %squeeze3A_125 = vector.extract %slice3A_124[0] : f32 from vector<1xf32>
        %get3A_126 = arith.index_cast %scan3A_56 : i32 to index
        %get3A_127 = arith.constant 64 : index
        %get3A_128 = tpu.vector_load %arg13[%get3A_126, %get3A_127] {strides = array<i32>} : memref<128x128xf32, #tpu.memory_space<vmem>>, vector<1x16xf32>,
        %get3A_129 = vector.shape_cast %get3A_128 : vector<1x16xf32> to vector<16xf32>
        %mul3A_130 = vector.broadcast %squeeze3A_125 : f32 to vector<16xf32>
        %mul3A_131 = arith.mulf %get3A_129, %mul3A_130 : vector<16xf32>
        %swap3A_132 = arith.index_cast %scan3A_56 : i32 to index
        %swap3A_133 = arith.constant 64 : index
        %swap3A_134 = tpu.vector_load %arg13[%swap3A_132, %swap3A_133] {strides = array<i32>} : memref<128x128xf32, #tpu.memory_space<vmem>>, vector<1x16xf32>,
        %swap3A_135 = vector.shape_cast %swap3A_134 : vector<1x16xf32> to vector<16xf32>
        %swap3A_136 = vector.shape_cast %mul3A_131 : vector<16xf32> to vector<1x16xf32>
        tpu.vector_store %arg13[%swap3A_132, %swap3A_133], %swap3A_136 {strides = array<i32>} : memref<128x128xf32, #tpu.memory_space<vmem>>, vector<1x16xf32>,
        %slice3A_137 = vector.extract_strided_slice %exp3A {offsets = [5], sizes = [1], strides = [1]} : vector<16xf32> to vector<1xf32>
        %squeeze3A_138 = vector.extract %slice3A_137[0] : f32 from vector<1xf32>
        %get3A_139 = arith.index_cast %scan3A_56 : i32 to index
        %get3A_140 = arith.constant 80 : index
        %get3A_141 = tpu.vector_load %arg13[%get3A_139, %get3A_140] {strides = array<i32>} : memref<128x128xf32, #tpu.memory_space<vmem>>, vector<1x16xf32>,
        %get3A_142 = vector.shape_cast %get3A_141 : vector<1x16xf32> to vector<16xf32>
        %mul3A_143 = vector.broadcast %squeeze3A_138 : f32 to vector<16xf32>
        %mul3A_144 = arith.mulf %get3A_142, %mul3A_143 : vector<16xf32>
        %swap3A_145 = arith.index_cast %scan3A_56 : i32 to index
        %swap3A_146 = arith.constant 80 : index
        %swap3A_147 = tpu.vector_load %arg13[%swap3A_145, %swap3A_146] {strides = array<i32>} : memref<128x128xf32, #tpu.memory_space<vmem>>, vector<1x16xf32>,
        %swap3A_148 = vector.shape_cast %swap3A_147 : vector<1x16xf32> to vector<16xf32>
        %swap3A_149 = vector.shape_cast %mul3A_144 : vector<16xf32> to vector<1x16xf32>
        tpu.vector_store %arg13[%swap3A_145, %swap3A_146], %swap3A_149 {strides = array<i32>} : memref<128x128xf32, #tpu.memory_space<vmem>>, vector<1x16xf32>,
        %slice3A_150 = vector.extract_strided_slice %exp3A {offsets = [6], sizes = [1], strides = [1]} : vector<16xf32> to vector<1xf32>
        %squeeze3A_151 = vector.extract %slice3A_150[0] : f32 from vector<1xf32>
        %get3A_152 = arith.index_cast %scan3A_56 : i32 to index
        %get3A_153 = arith.constant 96 : index
        %get3A_154 = tpu.vector_load %arg13[%get3A_152, %get3A_153] {strides = array<i32>} : memref<128x128xf32, #tpu.memory_space<vmem>>, vector<1x16xf32>,
        %get3A_155 = vector.shape_cast %get3A_154 : vector<1x16xf32> to vector<16xf32>
        %mul3A_156 = vector.broadcast %squeeze3A_151 : f32 to vector<16xf32>
        %mul3A_157 = arith.mulf %get3A_155, %mul3A_156 : vector<16xf32>
        %swap3A_158 = arith.index_cast %scan3A_56 : i32 to index
        %swap3A_159 = arith.constant 96 : index
        %swap3A_160 = tpu.vector_load %arg13[%swap3A_158, %swap3A_159] {strides = array<i32>} : memref<128x128xf32, #tpu.memory_space<vmem>>, vector<1x16xf32>,
        %swap3A_161 = vector.shape_cast %swap3A_160 : vector<1x16xf32> to vector<16xf32>
        %swap3A_162 = vector.shape_cast %mul3A_157 : vector<16xf32> to vector<1x16xf32>
        tpu.vector_store %arg13[%swap3A_158, %swap3A_159], %swap3A_162 {strides = array<i32>} : memref<128x128xf32, #tpu.memory_space<vmem>>, vector<1x16xf32>,
        %slice3A_163 = vector.extract_strided_slice %exp3A {offsets = [7], sizes = [1], strides = [1]} : vector<16xf32> to vector<1xf32>
        %squeeze3A_164 = vector.extract %slice3A_163[0] : f32 from vector<1xf32>
        %get3A_165 = arith.index_cast %scan3A_56 : i32 to index
        %get3A_166 = arith.constant 112 : index
        %get3A_167 = tpu.vector_load %arg13[%get3A_165, %get3A_166] {strides = array<i32>} : memref<128x128xf32, #tpu.memory_space<vmem>>, vector<1x16xf32>,
        %get3A_168 = vector.shape_cast %get3A_167 : vector<1x16xf32> to vector<16xf32>
        %mul3A_169 = vector.broadcast %squeeze3A_164 : f32 to vector<16xf32>
        %mul3A_170 = arith.mulf %get3A_168, %mul3A_169 : vector<16xf32>
        %swap3A_171 = arith.index_cast %scan3A_56 : i32 to index
        %swap3A_172 = arith.constant 112 : index
        %swap3A_173 = tpu.vector_load %arg13[%swap3A_171, %swap3A_172] {strides = array<i32>} : memref<128x128xf32, #tpu.memory_space<vmem>>, vector<1x16xf32>,
        %swap3A_174 = vector.shape_cast %swap3A_173 : vector<1x16xf32> to vector<16xf32>
        %swap3A_175 = vector.shape_cast %mul3A_170 : vector<16xf32> to vector<1x16xf32>
        tpu.vector_store %arg13[%swap3A_171, %swap3A_172], %swap3A_175 {strides = array<i32>} : memref<128x128xf32, #tpu.memory_space<vmem>>, vector<1x16xf32>,
      }
      %scan3A_55 = arith.constant 128 : i32
      "tpu.region"() ({
        %run_scoped3A = tpu.sem_alloc : memref<!tpu.dma_semaphore, #tpu.memory_space<semaphore_mem>>
        %dma_start3A_56 = arith.constant 0 : i32
        %dma_start3A_57 = arith.constant 0 : i32
        %dma_start3A_58 = tpu.memref_slice %arg17[%dma_start3A_56, %dma_start3A_57] : memref<10000x128xf32, #tpu.memory_space<vmem_shared>> -> memref<10000x128xf32, #tpu.memory_space<vmem_shared>>
        tpu.enqueue_indirect_dma source(%arg13 : memref<128x128xf32, #tpu.memory_space<vmem>>) target(%dma_start3A_58 : memref<10000x128xf32, #tpu.memory_space<vmem_shared>>) offsets(%arg12 : memref<128xi32, #tpu.memory_space<vmem>>) semaphore(%run_scoped3A : memref<!tpu.dma_semaphore, #tpu.memory_space<semaphore_mem>>) {add = true}
        %dma_wait3A_59 = arith.constant 0 : i32
        %dma_wait3A_60 = arith.constant 0 : i32
        %dma_wait3A_61 = tpu.memref_slice %arg17[%dma_wait3A_59, %dma_wait3A_60] : memref<10000x128xf32, #tpu.memory_space<vmem_shared>> -> memref<10000x128xf32, #tpu.memory_space<vmem_shared>>
        tpu.wait_indirect_dma semaphore(%run_scoped3A : memref<!tpu.dma_semaphore, #tpu.memory_space<semaphore_mem>>) src(%arg13 : memref<128x128xf32, #tpu.memory_space<vmem>>) dst(%dma_wait3A_61 : memref<10000x128xf32, #tpu.memory_space<vmem_shared>>)
        tpu.yield
      }) : () -> ()
      "tpu.region"() ({
        %run_scoped3A = tpu.sem_alloc : memref<!tpu.dma_semaphore, #tpu.memory_space<semaphore_mem>>
        %dma_start3A_56 = arith.constant 0 : i32
        %dma_start3A_57 = arith.constant 0 : i32
        %dma_start3A_58 = tpu.memref_slice %arg18[%dma_start3A_56, %dma_start3A_57] : memref<10000x16xf32, #tpu.memory_space<vmem_shared>> -> memref<10000x16xf32, #tpu.memory_space<vmem_shared>>
        tpu.enqueue_indirect_dma source(%arg16 : memref<128x16xf32, #tpu.memory_space<vmem>>) target(%dma_start3A_58 : memref<10000x16xf32, #tpu.memory_space<vmem_shared>>) offsets(%arg12 : memref<128xi32, #tpu.memory_space<vmem>>) semaphore(%run_scoped3A : memref<!tpu.dma_semaphore, #tpu.memory_space<semaphore_mem>>) {add = true}
        %dma_wait3A_59 = arith.constant 0 : i32
        %dma_wait3A_60 = arith.constant 0 : i32
        %dma_wait3A_61 = tpu.memref_slice %arg18[%dma_wait3A_59, %dma_wait3A_60] : memref<10000x16xf32, #tpu.memory_space<vmem_shared>> -> memref<10000x16xf32, #tpu.memory_space<vmem_shared>>
        tpu.wait_indirect_dma semaphore(%run_scoped3A : memref<!tpu.dma_semaphore, #tpu.memory_space<semaphore_mem>>) src(%arg16 : memref<128x16xf32, #tpu.memory_space<vmem>>) dst(%dma_wait3A_61 : memref<10000x16xf32, #tpu.memory_space<vmem_shared>>)
        tpu.yield
      }) : () -> ()
    } else {
    }
    %barrier3A_19 = arith.constant 0 : index
    tpu.barrier barrier_id(%barrier3A_19)
    %lt3A_20 = arith.constant 15 : i32
    %lt3A_21 = arith.cmpi slt, %arg1, %lt3A_20 : i32
    %convert_element_type3A_22 = arith.extui %lt3A_21 : i1 to i32
    %cond3A_23 = arith.constant 0 : i32
    %cond3A_24 = arith.cmpi ne, %convert_element_type3A_22, %cond3A_23 : i32
    scf.if %cond3A_24 {
      "tpu.region"() ({
        %run_scoped3A = tpu.sem_alloc : memref<!tpu.dma_semaphore, #tpu.memory_space<semaphore_mem>>
        %dma_start3A = arith.constant 0 : i32
        %dma_start3A_30 = tpu.memref_slice %arg9[%arg0, %mul3A_2, %dma_start3A] : memref<2x10000x128xf32, #tpu.memory_space<hbm>> -> memref<1x624x128xf32, #tpu.memory_space<hbm>>
        %dma_start3A_31 = tpu.memref_squeeze %dma_start3A_30 : memref<1x624x128xf32, #tpu.memory_space<hbm>> -> memref<624x128xf32, #tpu.memory_space<hbm>>
        %dma_start3A_32 = arith.constant 0 : i32
        %dma_start3A_33 = tpu.memref_slice %arg17[%mul3A_2, %dma_start3A_32] : memref<10000x128xf32, #tpu.memory_space<vmem_shared>> -> memref<624x128xf32, #tpu.memory_space<vmem_shared>>
        tpu.enqueue_dma source(%dma_start3A_33 : memref<624x128xf32, #tpu.memory_space<vmem_shared>>) target(%dma_start3A_31 : memref<624x128xf32, #tpu.memory_space<hbm>>) target_semaphore(%run_scoped3A : memref<!tpu.dma_semaphore, #tpu.memory_space<semaphore_mem>>)
        %dma_wait3A = arith.constant 0 : i32
        %dma_wait3A_34 = tpu.memref_slice %arg9[%arg0, %mul3A_2, %dma_wait3A] : memref<2x10000x128xf32, #tpu.memory_space<hbm>> -> memref<1x624x128xf32, #tpu.memory_space<hbm>>
        %dma_wait3A_35 = tpu.memref_squeeze %dma_wait3A_34 : memref<1x624x128xf32, #tpu.memory_space<hbm>> -> memref<624x128xf32, #tpu.memory_space<hbm>>
        %dma_wait3A_36 = arith.constant 0 : i32
        %dma_wait3A_37 = tpu.memref_slice %arg17[%mul3A_2, %dma_wait3A_36] : memref<10000x128xf32, #tpu.memory_space<vmem_shared>> -> memref<624x128xf32, #tpu.memory_space<vmem_shared>>
        tpu.wait_dma2 semaphore(%run_scoped3A : memref<!tpu.dma_semaphore, #tpu.memory_space<semaphore_mem>>) src(%dma_wait3A_37 : memref<624x128xf32, #tpu.memory_space<vmem_shared>>) dst(%dma_wait3A_35 : memref<624x128xf32, #tpu.memory_space<hbm>>)
        tpu.yield
      }) : () -> ()
      "tpu.region"() ({
        %run_scoped3A = tpu.sem_alloc : memref<!tpu.dma_semaphore, #tpu.memory_space<semaphore_mem>>
        %dma_start3A = arith.constant 0 : i32
        %dma_start3A_30 = tpu.memref_slice %arg10[%arg0, %mul3A_2, %dma_start3A] : memref<2x10000x16xf32, #tpu.memory_space<hbm>> -> memref<1x624x16xf32, #tpu.memory_space<hbm>>
        %dma_start3A_31 = tpu.memref_squeeze %dma_start3A_30 : memref<1x624x16xf32, #tpu.memory_space<hbm>> -> memref<624x16xf32, #tpu.memory_space<hbm>>
        %dma_start3A_32 = arith.constant 0 : i32
        %dma_start3A_33 = tpu.memref_slice %arg18[%mul3A_2, %dma_start3A_32] : memref<10000x16xf32, #tpu.memory_space<vmem_shared>> -> memref<624x16xf32, #tpu.memory_space<vmem_shared>>
        tpu.enqueue_dma source(%dma_start3A_33 : memref<624x16xf32, #tpu.memory_space<vmem_shared>>) target(%dma_start3A_31 : memref<624x16xf32, #tpu.memory_space<hbm>>) target_semaphore(%run_scoped3A : memref<!tpu.dma_semaphore, #tpu.memory_space<semaphore_mem>>)
        %dma_wait3A = arith.constant 0 : i32
        %dma_wait3A_34 = tpu.memref_slice %arg10[%arg0, %mul3A_2, %dma_wait3A] : memref<2x10000x16xf32, #tpu.memory_space<hbm>> -> memref<1x624x16xf32, #tpu.memory_space<hbm>>
        %dma_wait3A_35 = tpu.memref_squeeze %dma_wait3A_34 : memref<1x624x16xf32, #tpu.memory_space<hbm>> -> memref<624x16xf32, #tpu.memory_space<hbm>>
        %dma_wait3A_36 = arith.constant 0 : i32
        %dma_wait3A_37 = tpu.memref_slice %arg18[%mul3A_2, %dma_wait3A_36] : memref<10000x16xf32, #tpu.memory_space<vmem_shared>> -> memref<624x16xf32, #tpu.memory_space<vmem_shared>>
        tpu.wait_dma2 semaphore(%run_scoped3A : memref<!tpu.dma_semaphore, #tpu.memory_space<semaphore_mem>>) src(%dma_wait3A_37 : memref<624x16xf32, #tpu.memory_space<vmem_shared>>) dst(%dma_wait3A_35 : memref<624x16xf32, #tpu.memory_space<hbm>>)
        tpu.yield
      }) : () -> ()
    } else {
    }
    %eq3A_25 = arith.constant 15 : i32
    %eq3A_26 = arith.cmpi eq, %arg1, %eq3A_25 : i32
    %convert_element_type3A_27 = arith.extui %eq3A_26 : i1 to i32
    %cond3A_28 = arith.constant 0 : i32
    %cond3A_29 = arith.cmpi ne, %convert_element_type3A_27, %cond3A_28 : i32
    scf.if %cond3A_29 {
      "tpu.region"() ({
        %run_scoped3A = tpu.sem_alloc : memref<!tpu.dma_semaphore, #tpu.memory_space<semaphore_mem>>
        %dma_start3A = arith.constant 9360 : i32
        %dma_start3A_30 = arith.constant 0 : i32
        %dma_start3A_31 = tpu.memref_slice %arg9[%arg0, %dma_start3A, %dma_start3A_30] : memref<2x10000x128xf32, #tpu.memory_space<hbm>> -> memref<1x640x128xf32, #tpu.memory_space<hbm>>
        %dma_start3A_32 = tpu.memref_squeeze %dma_start3A_31 : memref<1x640x128xf32, #tpu.memory_space<hbm>> -> memref<640x128xf32, #tpu.memory_space<hbm>>
        %dma_start3A_33 = arith.constant 9360 : i32
        %dma_start3A_34 = arith.constant 0 : i32
        %dma_start3A_35 = tpu.memref_slice %arg17[%dma_start3A_33, %dma_start3A_34] : memref<10000x128xf32, #tpu.memory_space<vmem_shared>> -> memref<640x128xf32, #tpu.memory_space<vmem_shared>>
        tpu.enqueue_dma source(%dma_start3A_35 : memref<640x128xf32, #tpu.memory_space<vmem_shared>>) target(%dma_start3A_32 : memref<640x128xf32, #tpu.memory_space<hbm>>) target_semaphore(%run_scoped3A : memref<!tpu.dma_semaphore, #tpu.memory_space<semaphore_mem>>)
        %dma_wait3A = arith.constant 9360 : i32
        %dma_wait3A_36 = arith.constant 0 : i32
        %dma_wait3A_37 = tpu.memref_slice %arg9[%arg0, %dma_wait3A, %dma_wait3A_36] : memref<2x10000x128xf32, #tpu.memory_space<hbm>> -> memref<1x640x128xf32, #tpu.memory_space<hbm>>
        %dma_wait3A_38 = tpu.memref_squeeze %dma_wait3A_37 : memref<1x640x128xf32, #tpu.memory_space<hbm>> -> memref<640x128xf32, #tpu.memory_space<hbm>>
        %dma_wait3A_39 = arith.constant 9360 : i32
        %dma_wait3A_40 = arith.constant 0 : i32
        %dma_wait3A_41 = tpu.memref_slice %arg17[%dma_wait3A_39, %dma_wait3A_40] : memref<10000x128xf32, #tpu.memory_space<vmem_shared>> -> memref<640x128xf32, #tpu.memory_space<vmem_shared>>
        tpu.wait_dma2 semaphore(%run_scoped3A : memref<!tpu.dma_semaphore, #tpu.memory_space<semaphore_mem>>) src(%dma_wait3A_41 : memref<640x128xf32, #tpu.memory_space<vmem_shared>>) dst(%dma_wait3A_38 : memref<640x128xf32, #tpu.memory_space<hbm>>)
        tpu.yield
      }) : () -> ()
      "tpu.region"() ({
        %run_scoped3A = tpu.sem_alloc : memref<!tpu.dma_semaphore, #tpu.memory_space<semaphore_mem>>
        %dma_start3A = arith.constant 9360 : i32
        %dma_start3A_30 = arith.constant 0 : i32
        %dma_start3A_31 = tpu.memref_slice %arg10[%arg0, %dma_start3A, %dma_start3A_30] : memref<2x10000x16xf32, #tpu.memory_space<hbm>> -> memref<1x640x16xf32, #tpu.memory_space<hbm>>
        %dma_start3A_32 = tpu.memref_squeeze %dma_start3A_31 : memref<1x640x16xf32, #tpu.memory_space<hbm>> -> memref<640x16xf32, #tpu.memory_space<hbm>>
        %dma_start3A_33 = arith.constant 9360 : i32
        %dma_start3A_34 = arith.constant 0 : i32
        %dma_start3A_35 = tpu.memref_slice %arg18[%dma_start3A_33, %dma_start3A_34] : memref<10000x16xf32, #tpu.memory_space<vmem_shared>> -> memref<640x16xf32, #tpu.memory_space<vmem_shared>>
        tpu.enqueue_dma source(%dma_start3A_35 : memref<640x16xf32, #tpu.memory_space<vmem_shared>>) target(%dma_start3A_32 : memref<640x16xf32, #tpu.memory_space<hbm>>) target_semaphore(%run_scoped3A : memref<!tpu.dma_semaphore, #tpu.memory_space<semaphore_mem>>)
        %dma_wait3A = arith.constant 9360 : i32
        %dma_wait3A_36 = arith.constant 0 : i32
        %dma_wait3A_37 = tpu.memref_slice %arg10[%arg0, %dma_wait3A, %dma_wait3A_36] : memref<2x10000x16xf32, #tpu.memory_space<hbm>> -> memref<1x640x16xf32, #tpu.memory_space<hbm>>
        %dma_wait3A_38 = tpu.memref_squeeze %dma_wait3A_37 : memref<1x640x16xf32, #tpu.memory_space<hbm>> -> memref<640x16xf32, #tpu.memory_space<hbm>>
        %dma_wait3A_39 = arith.constant 9360 : i32
        %dma_wait3A_40 = arith.constant 0 : i32
        %dma_wait3A_41 = tpu.memref_slice %arg18[%dma_wait3A_39, %dma_wait3A_40] : memref<10000x16xf32, #tpu.memory_space<vmem_shared>> -> memref<640x16xf32, #tpu.memory_space<vmem_shared>>
        tpu.wait_dma2 semaphore(%run_scoped3A : memref<!tpu.dma_semaphore, #tpu.memory_space<semaphore_mem>>) src(%dma_wait3A_41 : memref<640x16xf32, #tpu.memory_space<vmem_shared>>) dst(%dma_wait3A_38 : memref<640x16xf32, #tpu.memory_space<hbm>>)
        tpu.yield
      }) : () -> ()
    } else {
    }
    return
  }
}

module attributes {stable_mosaic.version = 14 : i64} {
  func.func @_tc_first_body(%arg0: i32, %arg1: memref<2000x128xf32, #tpu.memory_space<vmem>>, %arg2: memref<128x128xf32, #tpu.memory_space<vmem>>, %arg3: memref<128x16xf32, #tpu.memory_space<vmem>>, %arg4: memref<128x16xf32, #tpu.memory_space<vmem>>, %arg5: memref<16x128xf32, #tpu.memory_space<vmem>>, %arg6: memref<2000x128xf32, #tpu.memory_space<vmem>>, %arg7: memref<2000x16xf32, #tpu.memory_space<vmem>>, %arg8: memref<2000x16xf32, #tpu.memory_space<vmem>>, %arg9: memref<2000x128xf32, #tpu.memory_space<vmem>>, %arg10: memref<2000x16xf32, #tpu.memory_space<vmem>>) attributes {dimension_semantics = [#tpu.dimension_semantics<arbitrary>], iteration_bounds = array<i64: 5>, scalar_prefetch = 0 : i64, scratch_operands = 0 : i64, tpu.core_type = #tpu.core_type<tc>, window_params = [{transform_indices = @transform_0, window_bounds = array<i64: 2000, 128>}, {pipeline_mode = #tpu.pipeline_mode<synchronous>, transform_indices = @transform_1, window_bounds = array<i64: 128, 128>}, {pipeline_mode = #tpu.pipeline_mode<synchronous>, transform_indices = @transform_2, window_bounds = array<i64: 128, 16>}, {pipeline_mode = #tpu.pipeline_mode<synchronous>, transform_indices = @transform_3, window_bounds = array<i64: 128, 16>}, {pipeline_mode = #tpu.pipeline_mode<synchronous>, transform_indices = @transform_4, window_bounds = array<i64: 16, 128>}, {transform_indices = @transform_5, window_bounds = array<i64: 2000, 128>}, {transform_indices = @transform_6, window_bounds = array<i64: 2000, 16>}, {transform_indices = @transform_7, window_bounds = array<i64: 2000, 16>}, {transform_indices = @transform_8, window_bounds = array<i64: 2000, 128>}, {transform_indices = @transform_9, window_bounds = array<i64: 2000, 16>}]} {
    %get3A = arith.constant 0 : index
    %get3A_0 = arith.constant 0 : index
    %get3A_1 = vector.load %arg1[%get3A, %get3A_0] : memref<2000x128xf32, #tpu.memory_space<vmem>>, vector<2000x128xf32>
    %get3A_2 = arith.constant 0 : index
    %get3A_3 = arith.constant 0 : index
    %get3A_4 = vector.load %arg2[%get3A_2, %get3A_3] : memref<128x128xf32, #tpu.memory_space<vmem>>, vector<128x128xf32>
    %dot_general3A = arith.constant dense<0.000000e+00> : vector<2000x128xf32>
    %dot_general3A_5 = tpu.matmul %get3A_1, %get3A_4, %dot_general3A {dimension_numbers = #tpu.dot_dimension_numbers<[1], [0], [0], [1], [0, 0, 1, 1], [], []>, precision = #tpu.contract_precision<fp32>, transpose_lhs_hint = false} : vector<2000x128xf32>, vector<128x128xf32>, vector<2000x128xf32> -> vector<2000x128xf32>
    %get3A_6 = arith.constant 0 : index
    %get3A_7 = arith.constant 0 : index
    %get3A_8 = vector.load %arg3[%get3A_6, %get3A_7] : memref<128x16xf32, #tpu.memory_space<vmem>>, vector<128x16xf32>
    %dot_general3A_9 = arith.constant dense<0.000000e+00> : vector<2000x16xf32>
    %dot_general3A_10 = tpu.matmul %dot_general3A_5, %get3A_8, %dot_general3A_9 {dimension_numbers = #tpu.dot_dimension_numbers<[1], [0], [0], [1], [0, 0, 1, 1], [], []>, precision = #tpu.contract_precision<fp32>, transpose_lhs_hint = false} : vector<2000x128xf32>, vector<128x16xf32>, vector<2000x16xf32> -> vector<2000x16xf32>
    %get3A_11 = arith.constant 0 : index
    %get3A_12 = arith.constant 0 : index
    %get3A_13 = vector.load %arg4[%get3A_11, %get3A_12] : memref<128x16xf32, #tpu.memory_space<vmem>>, vector<128x16xf32>
    %dot_general3A_14 = arith.constant dense<0.000000e+00> : vector<2000x16xf32>
    %dot_general3A_15 = tpu.matmul %dot_general3A_5, %get3A_13, %dot_general3A_14 {dimension_numbers = #tpu.dot_dimension_numbers<[1], [0], [0], [1], [0, 0, 1, 1], [], []>, precision = #tpu.contract_precision<fp32>, transpose_lhs_hint = false} : vector<2000x128xf32>, vector<128x16xf32>, vector<2000x16xf32> -> vector<2000x16xf32>
    %add3A = arith.addf %dot_general3A_10, %dot_general3A_15 : vector<2000x16xf32>
    %gt3A = arith.constant 0.000000e+00 : f32
    %gt3A_16 = vector.broadcast %gt3A : f32 to vector<2000x16xf32>
    %gt3A_17 = arith.cmpf ogt, %add3A, %gt3A_16 : vector<2000x16xf32>
    %mul3A = arith.constant 2.000000e-01 : f32
    %mul3A_18 = vector.broadcast %mul3A : f32 to vector<2000x16xf32>
    %mul3A_19 = arith.mulf %mul3A_18, %add3A : vector<2000x16xf32>
    %select_n3A = arith.select %gt3A_17, %add3A, %mul3A_19 : vector<2000x16xi1>, vector<2000x16xf32>
    %exp3A = math.exp %select_n3A : vector<2000x16xf32>
    %swap3A = arith.constant 0 : index
    %swap3A_20 = arith.constant 0 : index
    %swap3A_21 = vector.load %arg6[%swap3A, %swap3A_20] : memref<2000x128xf32, #tpu.memory_space<vmem>>, vector<2000x128xf32>
    tpu.vector_store %arg6[%swap3A, %swap3A_20], %dot_general3A_5 {strides = array<i32>} : memref<2000x128xf32, #tpu.memory_space<vmem>>, vector<2000x128xf32>,
    %swap3A_22 = arith.constant 0 : index
    %swap3A_23 = arith.constant 0 : index
    %swap3A_24 = vector.load %arg7[%swap3A_22, %swap3A_23] : memref<2000x16xf32, #tpu.memory_space<vmem>>, vector<2000x16xf32>
    tpu.vector_store %arg7[%swap3A_22, %swap3A_23], %dot_general3A_10 {strides = array<i32>} : memref<2000x16xf32, #tpu.memory_space<vmem>>, vector<2000x16xf32>,
    %swap3A_25 = arith.constant 0 : index
    %swap3A_26 = arith.constant 0 : index
    %swap3A_27 = vector.load %arg8[%swap3A_25, %swap3A_26] : memref<2000x16xf32, #tpu.memory_space<vmem>>, vector<2000x16xf32>
    tpu.vector_store %arg8[%swap3A_25, %swap3A_26], %dot_general3A_15 {strides = array<i32>} : memref<2000x16xf32, #tpu.memory_space<vmem>>, vector<2000x16xf32>,
    %get3A_28 = arith.constant 0 : index
    %get3A_29 = arith.constant 0 : index
    %get3A_30 = vector.load %arg5[%get3A_28, %get3A_29] : memref<16x128xf32, #tpu.memory_space<vmem>>, vector<16x128xf32>
    %dot_general3A_31 = arith.constant dense<0.000000e+00> : vector<2000x128xf32>
    %dot_general3A_32 = tpu.matmul %exp3A, %get3A_30, %dot_general3A_31 {dimension_numbers = #tpu.dot_dimension_numbers<[1], [0], [0], [1], [0, 0, 1, 1], [], []>, precision = #tpu.contract_precision<fp32>, transpose_lhs_hint = false} : vector<2000x16xf32>, vector<16x128xf32>, vector<2000x128xf32> -> vector<2000x128xf32>
    %mul3A_33 = arith.mulf %dot_general3A_5, %dot_general3A_32 : vector<2000x128xf32>
    %swap3A_34 = arith.constant 0 : index
    %swap3A_35 = arith.constant 0 : index
    %swap3A_36 = vector.load %arg9[%swap3A_34, %swap3A_35] : memref<2000x128xf32, #tpu.memory_space<vmem>>, vector<2000x128xf32>
    tpu.vector_store %arg9[%swap3A_34, %swap3A_35], %mul3A_33 {strides = array<i32>} : memref<2000x128xf32, #tpu.memory_space<vmem>>, vector<2000x128xf32>,
    %swap3A_37 = arith.constant 0 : index
    %swap3A_38 = arith.constant 0 : index
    %swap3A_39 = vector.load %arg10[%swap3A_37, %swap3A_38] : memref<2000x16xf32, #tpu.memory_space<vmem>>, vector<2000x16xf32>
    tpu.vector_store %arg10[%swap3A_37, %swap3A_38], %exp3A {strides = array<i32>} : memref<2000x16xf32, #tpu.memory_space<vmem>>, vector<2000x16xf32>,
    return
  }
  func.func @transform_0(%arg0: i32) -> (i32, i32) {
    %c0_i32 = arith.constant 0 : i32
    %c0_i32_0 = arith.constant 0 : i32
    return %arg0, %c0_i32 : i32, i32
  }
  func.func @transform_1(%arg0: i32) -> (i32, i32) {
    %c0_i32 = arith.constant 0 : i32
    %c0_i32_0 = arith.constant 0 : i32
    %c0_i32_1 = arith.constant 0 : i32
    return %c0_i32, %c0_i32_0 : i32, i32
  }
  func.func @transform_2(%arg0: i32) -> (i32, i32) {
    %c0_i32 = arith.constant 0 : i32
    %c0_i32_0 = arith.constant 0 : i32
    %c0_i32_1 = arith.constant 0 : i32
    return %c0_i32, %c0_i32_0 : i32, i32
  }
  func.func @transform_3(%arg0: i32) -> (i32, i32) {
    %c0_i32 = arith.constant 0 : i32
    %c0_i32_0 = arith.constant 0 : i32
    %c0_i32_1 = arith.constant 0 : i32
    return %c0_i32, %c0_i32_0 : i32, i32
  }
  func.func @transform_4(%arg0: i32) -> (i32, i32) {
    %c0_i32 = arith.constant 0 : i32
    %c0_i32_0 = arith.constant 0 : i32
    %c0_i32_1 = arith.constant 0 : i32
    return %c0_i32, %c0_i32_0 : i32, i32
  }
  func.func @transform_5(%arg0: i32) -> (i32, i32) {
    %c0_i32 = arith.constant 0 : i32
    %c0_i32_0 = arith.constant 0 : i32
    return %arg0, %c0_i32 : i32, i32
  }
  func.func @transform_6(%arg0: i32) -> (i32, i32) {
    %c0_i32 = arith.constant 0 : i32
    %c0_i32_0 = arith.constant 0 : i32
    return %arg0, %c0_i32 : i32, i32
  }
  func.func @transform_7(%arg0: i32) -> (i32, i32) {
    %c0_i32 = arith.constant 0 : i32
    %c0_i32_0 = arith.constant 0 : i32
    return %arg0, %c0_i32 : i32, i32
  }
  func.func @transform_8(%arg0: i32) -> (i32, i32) {
    %c0_i32 = arith.constant 0 : i32
    %c0_i32_0 = arith.constant 0 : i32
    return %arg0, %c0_i32 : i32, i32
  }
  func.func @transform_9(%arg0: i32) -> (i32, i32) {
    %c0_i32 = arith.constant 0 : i32
    %c0_i32_0 = arith.constant 0 : i32
    return %arg0, %c0_i32 : i32, i32
  }
}

module attributes {stable_mosaic.version = 14 : i64} {
  func.func @_tc_mid_body(%arg0: i32, %arg1: memref<2000x128xf32, #tpu.memory_space<vmem>>, %arg2: memref<2x2000x128xf32, #tpu.memory_space<vmem>>, %arg3: memref<2000x16xf32, #tpu.memory_space<vmem>>, %arg4: memref<2x2000x16xf32, #tpu.memory_space<vmem>>, %arg5: memref<1x128xf32, #tpu.memory_space<vmem>>, %arg6: memref<128x128xf32, #tpu.memory_space<vmem>>, %arg7: memref<128x16xf32, #tpu.memory_space<vmem>>, %arg8: memref<128x16xf32, #tpu.memory_space<vmem>>, %arg9: memref<16x128xf32, #tpu.memory_space<vmem>>, %arg10: memref<2000x128xf32, #tpu.memory_space<vmem>>, %arg11: memref<2000x16xf32, #tpu.memory_space<vmem>>, %arg12: memref<2000x16xf32, #tpu.memory_space<vmem>>, %arg13: memref<2000x128xf32, #tpu.memory_space<vmem>>, %arg14: memref<2000x16xf32, #tpu.memory_space<vmem>>) attributes {dimension_semantics = [#tpu.dimension_semantics<arbitrary>], iteration_bounds = array<i64: 5>, scalar_prefetch = 0 : i64, scratch_operands = 0 : i64, tpu.core_type = #tpu.core_type<tc>, window_params = [{transform_indices = @transform_0, window_bounds = array<i64: 2000, 128>}, {transform_indices = @transform_1, window_bounds = array<i64: 2, 2000, 128>}, {transform_indices = @transform_2, window_bounds = array<i64: 2000, 16>}, {transform_indices = @transform_3, window_bounds = array<i64: 2, 2000, 16>}, {pipeline_mode = #tpu.pipeline_mode<synchronous>, transform_indices = @transform_4, window_bounds = array<i64: 1, 128>}, {pipeline_mode = #tpu.pipeline_mode<synchronous>, transform_indices = @transform_5, window_bounds = array<i64: 128, 128>}, {pipeline_mode = #tpu.pipeline_mode<synchronous>, transform_indices = @transform_6, window_bounds = array<i64: 128, 16>}, {pipeline_mode = #tpu.pipeline_mode<synchronous>, transform_indices = @transform_7, window_bounds = array<i64: 128, 16>}, {pipeline_mode = #tpu.pipeline_mode<synchronous>, transform_indices = @transform_8, window_bounds = array<i64: 16, 128>}, {transform_indices = @transform_9, window_bounds = array<i64: 2000, 128>}, {transform_indices = @transform_10, window_bounds = array<i64: 2000, 16>}, {transform_indices = @transform_11, window_bounds = array<i64: 2000, 16>}, {transform_indices = @transform_12, window_bounds = array<i64: 2000, 128>}, {transform_indices = @transform_13, window_bounds = array<i64: 2000, 16>}]} {
    %get3A = arith.constant 0 : index
    %get3A_0 = arith.constant 0 : index
    %get3A_1 = vector.load %arg3[%get3A, %get3A_0] : memref<2000x16xf32, #tpu.memory_space<vmem>>, vector<2000x16xf32>
    %get3A_2 = arith.constant 0 : index
    %get3A_3 = arith.constant 0 : index
    %get3A_4 = arith.constant 0 : index
    %get3A_5 = vector.load %arg4[%get3A_2, %get3A_3, %get3A_4] : memref<2x2000x16xf32, #tpu.memory_space<vmem>>, vector<1x2000x16xf32>
    %get3A_6 = vector.shape_cast %get3A_5 : vector<1x2000x16xf32> to vector<2000x16xf32>
    %add3A = arith.addf %get3A_1, %get3A_6 : vector<2000x16xf32>
    %get3A_7 = arith.constant 1 : index
    %get3A_8 = arith.constant 0 : index
    %get3A_9 = arith.constant 0 : index
    %get3A_10 = vector.load %arg4[%get3A_7, %get3A_8, %get3A_9] : memref<2x2000x16xf32, #tpu.memory_space<vmem>>, vector<1x2000x16xf32>
    %get3A_11 = vector.shape_cast %get3A_10 : vector<1x2000x16xf32> to vector<2000x16xf32>
    %add3A_12 = arith.addf %add3A, %get3A_11 : vector<2000x16xf32>
    %get3A_13 = arith.constant 0 : index
    %get3A_14 = arith.constant 0 : index
    %get3A_15 = vector.load %arg1[%get3A_13, %get3A_14] : memref<2000x128xf32, #tpu.memory_space<vmem>>, vector<2000x128xf32>
    %get3A_16 = arith.constant 0 : index
    %get3A_17 = arith.constant 0 : index
    %get3A_18 = arith.constant 0 : index
    %get3A_19 = vector.load %arg2[%get3A_16, %get3A_17, %get3A_18] : memref<2x2000x128xf32, #tpu.memory_space<vmem>>, vector<1x2000x128xf32>
    %get3A_20 = vector.shape_cast %get3A_19 : vector<1x2000x128xf32> to vector<2000x128xf32>
    %add3A_21 = arith.addf %get3A_15, %get3A_20 : vector<2000x128xf32>
    %get3A_22 = arith.constant 1 : index
    %get3A_23 = arith.constant 0 : index
    %get3A_24 = arith.constant 0 : index
    %get3A_25 = vector.load %arg2[%get3A_22, %get3A_23, %get3A_24] : memref<2x2000x128xf32, #tpu.memory_space<vmem>>, vector<1x2000x128xf32>
    %get3A_26 = vector.shape_cast %get3A_25 : vector<1x2000x128xf32> to vector<2000x128xf32>
    %add3A_27 = arith.addf %add3A_21, %get3A_26 : vector<2000x128xf32>
    %get3A_28 = arith.constant 0 : index
    %get3A_29 = arith.constant 0 : index
    %get3A_30 = vector.load %arg9[%get3A_28, %get3A_29] : memref<16x128xf32, #tpu.memory_space<vmem>>, vector<16x128xf32>
    %dot_general3A = arith.constant dense<0.000000e+00> : vector<2000x128xf32>
    %dot_general3A_31 = tpu.matmul %add3A_12, %get3A_30, %dot_general3A {dimension_numbers = #tpu.dot_dimension_numbers<[1], [0], [0], [1], [0, 0, 1, 1], [], []>, precision = #tpu.contract_precision<fp32>, transpose_lhs_hint = false} : vector<2000x16xf32>, vector<16x128xf32>, vector<2000x128xf32> -> vector<2000x128xf32>
    %add3A_32 = arith.constant 1.000000e-16 : f32
    %add3A_33 = vector.broadcast %add3A_32 : f32 to vector<2000x128xf32>
    %add3A_34 = arith.addf %dot_general3A_31, %add3A_33 : vector<2000x128xf32>
    %div3A = arith.divf %add3A_27, %add3A_34 : vector<2000x128xf32>
    %get3A_35 = arith.constant 0 : index
    %get3A_36 = arith.constant 0 : index
    %get3A_37 = vector.load %arg5[%get3A_35, %get3A_36] : memref<1x128xf32, #tpu.memory_space<vmem>>, vector<1x128xf32>
    %add3A_38 = vector.broadcast %get3A_37 : vector<1x128xf32> to vector<2000x128xf32>
    %add3A_39 = arith.addf %div3A, %add3A_38 : vector<2000x128xf32>
    %gt3A = arith.constant 0.000000e+00 : f32
    %gt3A_40 = vector.broadcast %gt3A : f32 to vector<2000x128xf32>
    %gt3A_41 = arith.cmpf ogt, %add3A_39, %gt3A_40 : vector<2000x128xf32>
    %exp3A = math.exp %add3A_39 : vector<2000x128xf32>
    %sub3A = arith.constant 1.000000e+00 : f32
    %sub3A_42 = vector.broadcast %sub3A : f32 to vector<2000x128xf32>
    %sub3A_43 = arith.subf %exp3A, %sub3A_42 : vector<2000x128xf32>
    %select_n3A = arith.select %gt3A_41, %add3A_39, %sub3A_43 : vector<2000x128xi1>, vector<2000x128xf32>
    %get3A_44 = arith.constant 0 : index
    %get3A_45 = arith.constant 0 : index
    %get3A_46 = vector.load %arg6[%get3A_44, %get3A_45] : memref<128x128xf32, #tpu.memory_space<vmem>>, vector<128x128xf32>
    %dot_general3A_47 = arith.constant dense<0.000000e+00> : vector<2000x128xf32>
    %dot_general3A_48 = tpu.matmul %select_n3A, %get3A_46, %dot_general3A_47 {dimension_numbers = #tpu.dot_dimension_numbers<[1], [0], [0], [1], [0, 0, 1, 1], [], []>, precision = #tpu.contract_precision<fp32>, transpose_lhs_hint = false} : vector<2000x128xf32>, vector<128x128xf32>, vector<2000x128xf32> -> vector<2000x128xf32>
    %get3A_49 = arith.constant 0 : index
    %get3A_50 = arith.constant 0 : index
    %get3A_51 = vector.load %arg7[%get3A_49, %get3A_50] : memref<128x16xf32, #tpu.memory_space<vmem>>, vector<128x16xf32>
    %dot_general3A_52 = arith.constant dense<0.000000e+00> : vector<2000x16xf32>
    %dot_general3A_53 = tpu.matmul %dot_general3A_48, %get3A_51, %dot_general3A_52 {dimension_numbers = #tpu.dot_dimension_numbers<[1], [0], [0], [1], [0, 0, 1, 1], [], []>, precision = #tpu.contract_precision<fp32>, transpose_lhs_hint = false} : vector<2000x128xf32>, vector<128x16xf32>, vector<2000x16xf32> -> vector<2000x16xf32>
    %get3A_54 = arith.constant 0 : index
    %get3A_55 = arith.constant 0 : index
    %get3A_56 = vector.load %arg8[%get3A_54, %get3A_55] : memref<128x16xf32, #tpu.memory_space<vmem>>, vector<128x16xf32>
    %dot_general3A_57 = arith.constant dense<0.000000e+00> : vector<2000x16xf32>
    %dot_general3A_58 = tpu.matmul %dot_general3A_48, %get3A_56, %dot_general3A_57 {dimension_numbers = #tpu.dot_dimension_numbers<[1], [0], [0], [1], [0, 0, 1, 1], [], []>, precision = #tpu.contract_precision<fp32>, transpose_lhs_hint = false} : vector<2000x128xf32>, vector<128x16xf32>, vector<2000x16xf32> -> vector<2000x16xf32>
    %add3A_59 = arith.addf %dot_general3A_53, %dot_general3A_58 : vector<2000x16xf32>
    %gt3A_60 = arith.constant 0.000000e+00 : f32
    %gt3A_61 = vector.broadcast %gt3A_60 : f32 to vector<2000x16xf32>
    %gt3A_62 = arith.cmpf ogt, %add3A_59, %gt3A_61 : vector<2000x16xf32>
    %mul3A = arith.constant 2.000000e-01 : f32
    %mul3A_63 = vector.broadcast %mul3A : f32 to vector<2000x16xf32>
    %mul3A_64 = arith.mulf %mul3A_63, %add3A_59 : vector<2000x16xf32>
    %select_n3A_65 = arith.select %gt3A_62, %add3A_59, %mul3A_64 : vector<2000x16xi1>, vector<2000x16xf32>
    %exp3A_66 = math.exp %select_n3A_65 : vector<2000x16xf32>
    %swap3A = arith.constant 0 : index
    %swap3A_67 = arith.constant 0 : index
    %swap3A_68 = vector.load %arg10[%swap3A, %swap3A_67] : memref<2000x128xf32, #tpu.memory_space<vmem>>, vector<2000x128xf32>
    tpu.vector_store %arg10[%swap3A, %swap3A_67], %dot_general3A_48 {strides = array<i32>} : memref<2000x128xf32, #tpu.memory_space<vmem>>, vector<2000x128xf32>,
    %swap3A_69 = arith.constant 0 : index
    %swap3A_70 = arith.constant 0 : index
    %swap3A_71 = vector.load %arg11[%swap3A_69, %swap3A_70] : memref<2000x16xf32, #tpu.memory_space<vmem>>, vector<2000x16xf32>
    tpu.vector_store %arg11[%swap3A_69, %swap3A_70], %dot_general3A_53 {strides = array<i32>} : memref<2000x16xf32, #tpu.memory_space<vmem>>, vector<2000x16xf32>,
    %swap3A_72 = arith.constant 0 : index
    %swap3A_73 = arith.constant 0 : index
    %swap3A_74 = vector.load %arg12[%swap3A_72, %swap3A_73] : memref<2000x16xf32, #tpu.memory_space<vmem>>, vector<2000x16xf32>
    tpu.vector_store %arg12[%swap3A_72, %swap3A_73], %dot_general3A_58 {strides = array<i32>} : memref<2000x16xf32, #tpu.memory_space<vmem>>, vector<2000x16xf32>,
    %get3A_75 = arith.constant 0 : index
    %get3A_76 = arith.constant 0 : index
    %get3A_77 = vector.load %arg9[%get3A_75, %get3A_76] : memref<16x128xf32, #tpu.memory_space<vmem>>, vector<16x128xf32>
    %dot_general3A_78 = arith.constant dense<0.000000e+00> : vector<2000x128xf32>
    %dot_general3A_79 = tpu.matmul %exp3A_66, %get3A_77, %dot_general3A_78 {dimension_numbers = #tpu.dot_dimension_numbers<[1], [0], [0], [1], [0, 0, 1, 1], [], []>, precision = #tpu.contract_precision<fp32>, transpose_lhs_hint = false} : vector<2000x16xf32>, vector<16x128xf32>, vector<2000x128xf32> -> vector<2000x128xf32>
    %mul3A_80 = arith.mulf %dot_general3A_48, %dot_general3A_79 : vector<2000x128xf32>
    %swap3A_81 = arith.constant 0 : index
    %swap3A_82 = arith.constant 0 : index
    %swap3A_83 = vector.load %arg13[%swap3A_81, %swap3A_82] : memref<2000x128xf32, #tpu.memory_space<vmem>>, vector<2000x128xf32>
    tpu.vector_store %arg13[%swap3A_81, %swap3A_82], %mul3A_80 {strides = array<i32>} : memref<2000x128xf32, #tpu.memory_space<vmem>>, vector<2000x128xf32>,
    %swap3A_84 = arith.constant 0 : index
    %swap3A_85 = arith.constant 0 : index
    %swap3A_86 = vector.load %arg14[%swap3A_84, %swap3A_85] : memref<2000x16xf32, #tpu.memory_space<vmem>>, vector<2000x16xf32>
    tpu.vector_store %arg14[%swap3A_84, %swap3A_85], %exp3A_66 {strides = array<i32>} : memref<2000x16xf32, #tpu.memory_space<vmem>>, vector<2000x16xf32>,
    return
  }
  func.func @transform_0(%arg0: i32) -> (i32, i32) {
    %c0_i32 = arith.constant 0 : i32
    %c0_i32_0 = arith.constant 0 : i32
    return %arg0, %c0_i32 : i32, i32
  }
  func.func @transform_1(%arg0: i32) -> (i32, i32, i32) {
    %c0_i32 = arith.constant 0 : i32
    %c0_i32_0 = arith.constant 0 : i32
    %c0_i32_1 = arith.constant 0 : i32
    return %c0_i32, %arg0, %c0_i32_0 : i32, i32, i32
  }
  func.func @transform_2(%arg0: i32) -> (i32, i32) {
    %c0_i32 = arith.constant 0 : i32
    %c0_i32_0 = arith.constant 0 : i32
    return %arg0, %c0_i32 : i32, i32
  }
  func.func @transform_3(%arg0: i32) -> (i32, i32, i32) {
    %c0_i32 = arith.constant 0 : i32
    %c0_i32_0 = arith.constant 0 : i32
    %c0_i32_1 = arith.constant 0 : i32
    return %c0_i32, %arg0, %c0_i32_0 : i32, i32, i32
  }
  func.func @transform_4(%arg0: i32) -> (i32, i32) {
    %c0_i32 = arith.constant 0 : i32
    %c0_i32_0 = arith.constant 0 : i32
    %c0_i32_1 = arith.constant 0 : i32
    return %c0_i32, %c0_i32_0 : i32, i32
  }
  func.func @transform_5(%arg0: i32) -> (i32, i32) {
    %c0_i32 = arith.constant 0 : i32
    %c0_i32_0 = arith.constant 0 : i32
    %c0_i32_1 = arith.constant 0 : i32
    return %c0_i32, %c0_i32_0 : i32, i32
  }
  func.func @transform_6(%arg0: i32) -> (i32, i32) {
    %c0_i32 = arith.constant 0 : i32
    %c0_i32_0 = arith.constant 0 : i32
    %c0_i32_1 = arith.constant 0 : i32
    return %c0_i32, %c0_i32_0 : i32, i32
  }
  func.func @transform_7(%arg0: i32) -> (i32, i32) {
    %c0_i32 = arith.constant 0 : i32
    %c0_i32_0 = arith.constant 0 : i32
    %c0_i32_1 = arith.constant 0 : i32
    return %c0_i32, %c0_i32_0 : i32, i32
  }
  func.func @transform_8(%arg0: i32) -> (i32, i32) {
    %c0_i32 = arith.constant 0 : i32
    %c0_i32_0 = arith.constant 0 : i32
    %c0_i32_1 = arith.constant 0 : i32
    return %c0_i32, %c0_i32_0 : i32, i32
  }
  func.func @transform_9(%arg0: i32) -> (i32, i32) {
    %c0_i32 = arith.constant 0 : i32
    %c0_i32_0 = arith.constant 0 : i32
    return %arg0, %c0_i32 : i32, i32
  }
  func.func @transform_10(%arg0: i32) -> (i32, i32) {
    %c0_i32 = arith.constant 0 : i32
    %c0_i32_0 = arith.constant 0 : i32
    return %arg0, %c0_i32 : i32, i32
  }
  func.func @transform_11(%arg0: i32) -> (i32, i32) {
    %c0_i32 = arith.constant 0 : i32
    %c0_i32_0 = arith.constant 0 : i32
    return %arg0, %c0_i32 : i32, i32
  }
  func.func @transform_12(%arg0: i32) -> (i32, i32) {
    %c0_i32 = arith.constant 0 : i32
    %c0_i32_0 = arith.constant 0 : i32
    return %arg0, %c0_i32 : i32, i32
  }
  func.func @transform_13(%arg0: i32) -> (i32, i32) {
    %c0_i32 = arith.constant 0 : i32
    %c0_i32_0 = arith.constant 0 : i32
    return %arg0, %c0_i32 : i32, i32
  }
}

module attributes {stable_mosaic.version = 14 : i64} {
  func.func @_tc_final_body(%arg0: i32, %arg1: memref<2000x128xf32, #tpu.memory_space<vmem>>, %arg2: memref<2x2000x128xf32, #tpu.memory_space<vmem>>, %arg3: memref<2000x16xf32, #tpu.memory_space<vmem>>, %arg4: memref<2x2000x16xf32, #tpu.memory_space<vmem>>, %arg5: memref<1x128xf32, #tpu.memory_space<vmem>>, %arg6: memref<16x128xf32, #tpu.memory_space<vmem>>, %arg7: memref<128x1xf32, #tpu.memory_space<vmem>>, %arg8: memref<1x1xf32, #tpu.memory_space<vmem>>, %arg9: memref<2000x1xf32, #tpu.memory_space<vmem>>) attributes {dimension_semantics = [#tpu.dimension_semantics<arbitrary>], iteration_bounds = array<i64: 5>, scalar_prefetch = 0 : i64, scratch_operands = 0 : i64, tpu.core_type = #tpu.core_type<tc>, window_params = [{transform_indices = @transform_0, window_bounds = array<i64: 2000, 128>}, {transform_indices = @transform_1, window_bounds = array<i64: 2, 2000, 128>}, {transform_indices = @transform_2, window_bounds = array<i64: 2000, 16>}, {transform_indices = @transform_3, window_bounds = array<i64: 2, 2000, 16>}, {pipeline_mode = #tpu.pipeline_mode<synchronous>, transform_indices = @transform_4, window_bounds = array<i64: 1, 128>}, {pipeline_mode = #tpu.pipeline_mode<synchronous>, transform_indices = @transform_5, window_bounds = array<i64: 16, 128>}, {pipeline_mode = #tpu.pipeline_mode<synchronous>, transform_indices = @transform_6, window_bounds = array<i64: 128, 1>}, {pipeline_mode = #tpu.pipeline_mode<synchronous>, transform_indices = @transform_7, window_bounds = array<i64: 1, 1>}, {transform_indices = @transform_8, window_bounds = array<i64: 2000, 1>}]} {
    %get3A = arith.constant 0 : index
    %get3A_0 = arith.constant 0 : index
    %get3A_1 = vector.load %arg3[%get3A, %get3A_0] : memref<2000x16xf32, #tpu.memory_space<vmem>>, vector<2000x16xf32>
    %get3A_2 = arith.constant 0 : index
    %get3A_3 = arith.constant 0 : index
    %get3A_4 = arith.constant 0 : index
    %get3A_5 = vector.load %arg4[%get3A_2, %get3A_3, %get3A_4] : memref<2x2000x16xf32, #tpu.memory_space<vmem>>, vector<1x2000x16xf32>
    %get3A_6 = vector.shape_cast %get3A_5 : vector<1x2000x16xf32> to vector<2000x16xf32>
    %add3A = arith.addf %get3A_1, %get3A_6 : vector<2000x16xf32>
    %get3A_7 = arith.constant 1 : index
    %get3A_8 = arith.constant 0 : index
    %get3A_9 = arith.constant 0 : index
    %get3A_10 = vector.load %arg4[%get3A_7, %get3A_8, %get3A_9] : memref<2x2000x16xf32, #tpu.memory_space<vmem>>, vector<1x2000x16xf32>
    %get3A_11 = vector.shape_cast %get3A_10 : vector<1x2000x16xf32> to vector<2000x16xf32>
    %add3A_12 = arith.addf %add3A, %get3A_11 : vector<2000x16xf32>
    %get3A_13 = arith.constant 0 : index
    %get3A_14 = arith.constant 0 : index
    %get3A_15 = vector.load %arg1[%get3A_13, %get3A_14] : memref<2000x128xf32, #tpu.memory_space<vmem>>, vector<2000x128xf32>
    %get3A_16 = arith.constant 0 : index
    %get3A_17 = arith.constant 0 : index
    %get3A_18 = arith.constant 0 : index
    %get3A_19 = vector.load %arg2[%get3A_16, %get3A_17, %get3A_18] : memref<2x2000x128xf32, #tpu.memory_space<vmem>>, vector<1x2000x128xf32>
    %get3A_20 = vector.shape_cast %get3A_19 : vector<1x2000x128xf32> to vector<2000x128xf32>
    %add3A_21 = arith.addf %get3A_15, %get3A_20 : vector<2000x128xf32>
    %get3A_22 = arith.constant 1 : index
    %get3A_23 = arith.constant 0 : index
    %get3A_24 = arith.constant 0 : index
    %get3A_25 = vector.load %arg2[%get3A_22, %get3A_23, %get3A_24] : memref<2x2000x128xf32, #tpu.memory_space<vmem>>, vector<1x2000x128xf32>
    %get3A_26 = vector.shape_cast %get3A_25 : vector<1x2000x128xf32> to vector<2000x128xf32>
    %add3A_27 = arith.addf %add3A_21, %get3A_26 : vector<2000x128xf32>
    %get3A_28 = arith.constant 0 : index
    %get3A_29 = arith.constant 0 : index
    %get3A_30 = vector.load %arg6[%get3A_28, %get3A_29] : memref<16x128xf32, #tpu.memory_space<vmem>>, vector<16x128xf32>
    %dot_general3A = arith.constant dense<0.000000e+00> : vector<2000x128xf32>
    %dot_general3A_31 = tpu.matmul %add3A_12, %get3A_30, %dot_general3A {dimension_numbers = #tpu.dot_dimension_numbers<[1], [0], [0], [1], [0, 0, 1, 1], [], []>, precision = #tpu.contract_precision<fp32>, transpose_lhs_hint = false} : vector<2000x16xf32>, vector<16x128xf32>, vector<2000x128xf32> -> vector<2000x128xf32>
    %add3A_32 = arith.constant 1.000000e-16 : f32
    %add3A_33 = vector.broadcast %add3A_32 : f32 to vector<2000x128xf32>
    %add3A_34 = arith.addf %dot_general3A_31, %add3A_33 : vector<2000x128xf32>
    %div3A = arith.divf %add3A_27, %add3A_34 : vector<2000x128xf32>
    %get3A_35 = arith.constant 0 : index
    %get3A_36 = arith.constant 0 : index
    %get3A_37 = vector.load %arg5[%get3A_35, %get3A_36] : memref<1x128xf32, #tpu.memory_space<vmem>>, vector<1x128xf32>
    %add3A_38 = vector.broadcast %get3A_37 : vector<1x128xf32> to vector<2000x128xf32>
    %add3A_39 = arith.addf %div3A, %add3A_38 : vector<2000x128xf32>
    %gt3A = arith.constant 0.000000e+00 : f32
    %gt3A_40 = vector.broadcast %gt3A : f32 to vector<2000x128xf32>
    %gt3A_41 = arith.cmpf ogt, %add3A_39, %gt3A_40 : vector<2000x128xf32>
    %exp3A = math.exp %add3A_39 : vector<2000x128xf32>
    %sub3A = arith.constant 1.000000e+00 : f32
    %sub3A_42 = vector.broadcast %sub3A : f32 to vector<2000x128xf32>
    %sub3A_43 = arith.subf %exp3A, %sub3A_42 : vector<2000x128xf32>
    %select_n3A = arith.select %gt3A_41, %add3A_39, %sub3A_43 : vector<2000x128xi1>, vector<2000x128xf32>
    %get3A_44 = arith.constant 0 : index
    %get3A_45 = arith.constant 0 : index
    %get3A_46 = vector.load %arg7[%get3A_44, %get3A_45] : memref<128x1xf32, #tpu.memory_space<vmem>>, vector<128x1xf32>
    %dot_general3A_47 = arith.constant dense<0.000000e+00> : vector<2000x1xf32>
    %dot_general3A_48 = tpu.matmul %select_n3A, %get3A_46, %dot_general3A_47 {dimension_numbers = #tpu.dot_dimension_numbers<[1], [0], [0], [1], [0, 0, 1, 1], [], []>, precision = #tpu.contract_precision<fp32>, transpose_lhs_hint = false} : vector<2000x128xf32>, vector<128x1xf32>, vector<2000x1xf32> -> vector<2000x1xf32>
    %get3A_49 = arith.constant 0 : index
    %get3A_50 = arith.constant 0 : index
    %get3A_51 = vector.load %arg8[%get3A_49, %get3A_50] : memref<1x1xf32, #tpu.memory_space<vmem>>, vector<1x1xf32>
    %get3A_52 = vector.extract %get3A_51[0, 0] : f32 from vector<1x1xf32>
    %add3A_53 = vector.broadcast %get3A_52 : f32 to vector<2000x1xf32>
    %add3A_54 = arith.addf %dot_general3A_48, %add3A_53 : vector<2000x1xf32>
    %swap3A = arith.constant 0 : index
    %swap3A_55 = arith.constant 0 : index
    %swap3A_56 = vector.load %arg9[%swap3A, %swap3A_55] : memref<2000x1xf32, #tpu.memory_space<vmem>>, vector<2000x1xf32>
    tpu.vector_store %arg9[%swap3A, %swap3A_55], %add3A_54 {strides = array<i32>} : memref<2000x1xf32, #tpu.memory_space<vmem>>, vector<2000x1xf32>,
    return
  }
  func.func @transform_0(%arg0: i32) -> (i32, i32) {
    %c0_i32 = arith.constant 0 : i32
    %c0_i32_0 = arith.constant 0 : i32
    return %arg0, %c0_i32 : i32, i32
  }
  func.func @transform_1(%arg0: i32) -> (i32, i32, i32) {
    %c0_i32 = arith.constant 0 : i32
    %c0_i32_0 = arith.constant 0 : i32
    %c0_i32_1 = arith.constant 0 : i32
    return %c0_i32, %arg0, %c0_i32_0 : i32, i32, i32
  }
  func.func @transform_2(%arg0: i32) -> (i32, i32) {
    %c0_i32 = arith.constant 0 : i32
    %c0_i32_0 = arith.constant 0 : i32
    return %arg0, %c0_i32 : i32, i32
  }
  func.func @transform_3(%arg0: i32) -> (i32, i32, i32) {
    %c0_i32 = arith.constant 0 : i32
    %c0_i32_0 = arith.constant 0 : i32
    %c0_i32_1 = arith.constant 0 : i32
    return %c0_i32, %arg0, %c0_i32_0 : i32, i32, i32
  }
  func.func @transform_4(%arg0: i32) -> (i32, i32) {
    %c0_i32 = arith.constant 0 : i32
    %c0_i32_0 = arith.constant 0 : i32
    %c0_i32_1 = arith.constant 0 : i32
    return %c0_i32, %c0_i32_0 : i32, i32
  }
  func.func @transform_5(%arg0: i32) -> (i32, i32) {
    %c0_i32 = arith.constant 0 : i32
    %c0_i32_0 = arith.constant 0 : i32
    %c0_i32_1 = arith.constant 0 : i32
    return %c0_i32, %c0_i32_0 : i32, i32
  }
  func.func @transform_6(%arg0: i32) -> (i32, i32) {
    %c0_i32 = arith.constant 0 : i32
    %c0_i32_0 = arith.constant 0 : i32
    %c0_i32_1 = arith.constant 0 : i32
    return %c0_i32, %c0_i32_0 : i32, i32
  }
  func.func @transform_7(%arg0: i32) -> (i32, i32) {
    %c0_i32 = arith.constant 0 : i32
    %c0_i32_0 = arith.constant 0 : i32
    %c0_i32_1 = arith.constant 0 : i32
    return %c0_i32, %c0_i32_0 : i32, i32
  }
  func.func @transform_8(%arg0: i32) -> (i32, i32) {
    %c0_i32 = arith.constant 0 : i32
    %c0_i32_0 = arith.constant 0 : i32
    return %arg0, %c0_i32 : i32, i32
  }
}

</mosaic_0001>

<sc_bundles>
// kernel: run.12.cloned.1.call-start
scs
__scs_entry_jumppad:
0x0: {  	(pc) =	sbr.rel $0x88, $3  }
0x1: {  	(tag) =	ssettag $0x0;
	lr =	simm.s32 $0x1  }
0x2: {  	[smem:$0x3F91] =	sst lr;
	_ =	strace $0xD0000000  }
0x3: {  	_ = 	snop  }
0x4: {  	_ = 	snop  }
0x5: {  	_ = 	snop  }
0x6: {  	_ = 	snop  }
0x7: {  	_ = 	snop  }
__scs_overlays_trampoline_lowered:
0x8: {  	[smem:$0x3FA0] =	sst s0  }
0x9: {  	[smem:$0x3FA1] =	sst s1  }
0xa: {  	[smem:$0x3FA2] =	sst s2  }
0xb: {  	[smem:$0x3FA3] =	sst s3  }
0xc: {  	[smem:$0x3FA4] =	sst s4  }
0xd: {  	[smem:$0x3FA5] =	sst s5  }
0xe: {  	[smem:$0x3FA6] =	sst s6  }
0xf: {  	[smem:$0x3FA7] =	sst s7  }
0x10: {  	[smem:$0x3FA8] =	sst s8  }
0x11: {  	[smem:$0x3FA9] =	sst s9;
	s0 =	simm.s32 @!p0 $0x0  }
0x12: {  	s1 =	sld [smem:$0x3F8F];
	s0 =	simm.s32 @p0 $0x1  }
0x13: {  	[smem:$0x3FAA] =	sst s0;
	s0 =	simm.s32 @!p1 $0x0  }
0x14: {  	s2 =	sld [smem:$0x3F8E];
	s0 =	simm.s32 @p1 $0x1  }
0x15: {  	[smem:$0x3FAB] =	sst s0;
	s0 =	simm.s32 @!p2 $0x0  }
0x16: {  	s3 =	sld [smem:$0x3FDB];
	s0 =	simm.s32 @p2 $0x1  }
0x17: {  	s4 =	simm.s32 $0x1BF5;
	[smem:$0x3FAD] =	sst s0  }
0x18: {  	s0 =	sld [smem:$0x3F90];
	_ =	swait.ge [sflag:s4], $0x0  }
0x19: {  	s7 =	sld [smem:$0x3F91]  }
0x1a: {  	s8 =	sadd.s32 $0xFFFFE003, lr  }
0x1b: {  	s9 =	sadd.s32 $0xFFFFFEF7, lr;
	s5 =	simm.s32 $0xFFFFFFFF;
	p2 =	slt.u32 s8, $0xFFFFF086  }
0x1c: {  	p1 =	slt.u32 s9, $0xF7A;
	s5 =	simm.s32 @!p2 $0x0  }
0x1d: {  	s5 =	simm.s32 @p1 $0x1;
	p0 =	seq.s32 s7, s2  }
0x1e: {  	s7 =	smul.u32 @!p0 $0xF7A, s2;
	p2 =	seq.s32 @!p0 s5, $0x0  }
0x1f: {  	s9 =	smul.u32 $0xF7A, s1;
	s8 =	simm.s32 @!p0 $0x1BF5;
	p2 =	por !p2, p0  }
0x20: {  	[sflag:s8] =	ssyncset.s32 @!p0 $0xFFFFF086;
	s6 =	sadd.s32 @!p0 s3, s7;
	s7 =	simm.s32 @!p0 $0x108  }
0x21: {  	s3 =	sadd.s32 s3, s9;
	s6 =	sadd.s32 @!p0 $0x88, s6;
	s7 =	simm.s32 @p2 $0x1082  }
0x22: {  	[simem:s7], [sflag:s8] =	dma.local @!p0 [hbm:s6], $0xF7A  }
0x23: {  	s9 =	sor.u32 $0xD0000000, s2;
	s6 =	simm.s32 $0x108;
	_ =	swait.ge @!p0 [sflag:s8], $0x0  }
0x24: {  	s3 =	sadd.s32 $0x88, s3;
	s6 =	simm.s32 @!p1 $0x1082;
	[sflag:s4] =	ssyncset.s32 $0xFFFFF086  }
0x25: {  	[simem:s6], [sflag:s4] =	dma.local [hbm:s3], $0xF7A  }
0x26: {  	[smem:$0x3F91] =	sst s1;
	(tag) =	ssettag s2;
	_ =	strace s9  }
0x27: {  	s1 =	sld [smem:$0x3FA1]  }
0x28: {  	s2 =	sld [smem:$0x3FA2]  }
0x29: {  	s4 =	sld [smem:$0x3FA4]  }
0x2a: {  	p0 =	seq.s32 s5, $0x0;
	s5 =	sld [smem:$0x3FA5]  }
0x2b: {  	s6 =	sld [smem:$0x3FA6]  }
0x2c: {  	s7 =	sld [smem:$0x3FA7]  }
0x2d: {  	s3 =	simm.s32 $0x108;
	s8 =	sld [smem:$0x3FA8]  }
0x2e: {  	s3 =	simm.s32 @!p0 $0x1082;
	s9 =	sld [smem:$0x3FA9]  }
0x2f: {  	lr =	sadd.s32 s0, s3;
	s0 =	sld [smem:$0x3FA0]  }
0x30: {  	s3 =	sld [smem:$0x3FA3]  }
0x31: {  	[smem:$0x3FAC] =	sst s10  }
0x32: {  	s10 =	sld [smem:$0x3FAA];
	_ =	sdelay $0x3  }
0x33: {  	p0 =	seq.s32 s10, $0x1;
	s10 =	sld [smem:$0x3FAC];
	_ =	sdelay $0x3  }
0x34: {  	[smem:$0x3FAC] =	sst s10  }
0x35: {  	s10 =	sld [smem:$0x3FAB];
	_ =	sdelay $0x3  }
0x36: {  	p1 =	seq.s32 s10, $0x1;
	s10 =	sld [smem:$0x3FAC];
	_ =	sdelay $0x3  }
0x37: {  	[smem:$0x3FAC] =	sst s10  }
0x38: {  	s10 =	sld [smem:$0x3FAD]  }
0x39: {  	_ = 	snop;
	(pc) =	sbr.ind lr, $3  }
0x3a: {  	_ = 	snop  }
0x3b: {  	_ = 	snop  }
0x3c: {  	p2 =	seq.s32 s10, $0x1;
	s10 =	sld [smem:$0x3FAC]  }
0x3d: {  	_ =	shalt  }
0x3e: {  	_ =	shalt  }
0x3f: {  	_ =	shalt  }
0x40: {  	_ =	shalt  }
0x41: {  	_ =	shalt  }
0x42: {  	_ =	shalt  }
0x43: {  	_ =	shalt  }
0x44: {  	_ =	shalt  }
0x45: {  	_ =	shalt  }
0x46: {  	_ =	shalt  }
0x47: {  	_ =	shalt  }
0x48: {  	_ =	shalt  }
0x49: {  	_ =	shalt  }
0x4a: {  	_ =	shalt  }
0x4b: {  	_ =	shalt  }
0x4c: {  	_ =	shalt  }
0x4d: {  	_ =	shalt  }
0x4e: {  	_ =	shalt  }
0x4f: {  	_ =	shalt  }
0x50: {  	_ =	shalt  }
0x51: {  	_ =	shalt  }
0x52: {  	_ =	shalt  }
0x53: {  	_ =	shalt  }
0x54: {  	_ =	shalt  }
0x55: {  	_ =	shalt  }
0x56: {  	_ =	shalt  }
0x57: {  	_ =	shalt  }
0x58: {  	_ =	shalt  }
0x59: {  	_ =	shalt  }
0x5a: {  	_ =	shalt  }
0x5b: {  	_ =	shalt  }
0x5c: {  	_ =	shalt  }
0x5d: {  	_ =	shalt  }
0x5e: {  	_ =	shalt  }
0x5f: {  	_ =	shalt  }
0x60: {  	_ =	shalt  }
0x61: {  	_ =	shalt  }
0x62: {  	_ =	shalt  }
0x63: {  	_ =	shalt  }
0x64: {  	_ =	shalt  }
0x65: {  	_ =	shalt  }
0x66: {  	_ =	shalt  }
0x67: {  	_ =	shalt  }
0x68: {  	_ =	shalt  }
0x69: {  	_ =	shalt  }
0x6a: {  	_ =	shalt  }
0x6b: {  	_ =	shalt  }
0x6c: {  	_ =	shalt  }
0x6d: {  	_ =	shalt  }
0x6e: {  	_ =	shalt  }
0x6f: {  	_ =	shalt  }
0x70: {  	_ =	shalt  }
0x71: {  	_ =	shalt  }
0x72: {  	_ =	shalt  }
0x73: {  	_ =	shalt  }
0x74: {  	_ =	shalt  }
0x75: {  	_ =	shalt  }
0x76: {  	_ =	shalt  }
0x77: {  	_ =	shalt  }
0x78: {  	_ =	shalt  }
0x79: {  	_ =	shalt  }
0x7a: {  	_ =	shalt  }
0x7b: {  	_ =	shalt  }
0x7c: {  	_ =	shalt  }
0x7d: {  	_ =	shalt  }
0x7e: {  	_ =	shalt  }
0x7f: {  	_ =	shalt  }
0x80: {  	_ =	shalt  }
0x81: {  	_ =	shalt  }
0x82: {  	_ =	shalt  }
0x83: {  	_ =	shalt  }
0x84: {  	_ =	shalt  }
0x85: {  	_ =	shalt  }
0x86: {  	_ =	shalt  }
0x87: {  	_ =	shalt  }
.Lfunc_end0:
.L_simem_size_0:
called_computation.1_lowered:
.L_overlay_start_0:
0x88: {  	s2 =	sld [smem:$0x3FD9]  }
0x89: {  	s3 =	sld [smem:$0x3FFE];
	_ =	sdelay $0x1  }
0x8a: {  	s1 =	srdreg.scid  }
0x8b: {  	s0 =	sand.u32 $0x1, s1  }
0x8c: {  	s16 =	sshll.u32 s0, $0xA;
	s2 =	sadd.s32 s3, s2  }
0x8d: {  	s2 =	sadd.s32 s2, s16  }
0x8e: {  	[smem:$0x3FB8] =	sst s2  }
0x8f: {  	_ = 	snop  }
0x90: {  	(tm) =	ssettm $0x1  }
0x91: {  	s17 =	sld [smem:$0x3FFB];
	_ =	sdelay $0x3  }
0x92: {  	_ =	strace s17  }
0x93: {  	s2 =	sld [smem:$0x3FFC];
	_ =	sdelay $0x3  }
0x94: {  	_ =	strace s2  }
0x95: {  	s2 =	sld [smem:$0x3FFD];
	_ =	sdelay $0x3  }
0x96: {  	_ =	strace s2  }
0x97: {  	_ =	strace $0x8FFFFFFF  }
0x98: {  	s18 =	sld [smem:$0x3FDB];
	_ =	sdelay $0x1  }
0x99: {  	s19 =	simm.s32 $_scs_section_size  }
0x9a: {  	s4 =	simm.s32 $_size__tile_overlayer_lowered;
	s5 =	simm.s32 $_tile_overlayer_lowered  }
0x9b: {  	s22 =	simm.s32 $0x1BFF;
	s21 =	sshll.u32 s5, $0x1;
	s2 =	sadd.s32 s19, s18  }
0x9c: {  	s6 =	simm.s32 $0x0;
	s20 =	sshll.u32 s4, $0x1;
	s4 =	sadd.s32 s21, s2  }
0x9d: {  	[timem:s6], [sflag:s22] =	dma.local [hbm:s4], s20  }
0x9e: {  	_ =	swait.ge [sflag:s22], s20  }
0x9f: {  	s3 =	ssub.s32 $0x0, s20;
	[sflag:s22] =	ssyncset.done $0x0  }
0xa0: {  	[sflag:s22] =	ssyncadd.s32 s3;
	_ =	sdelay $0x1  }
0xa1: {  	s23 =	simm.s32 $0x1B8B  }
0xa2: {  	_ =	swait.ge [sflag:s23], $0x1  }
0xa3: {  	[sflag:s23] =	ssyncset.done $0x0  }
0xa4: {  	s25 =	simm.s32 $0x1B8E;
	s24 =	sld [smem:$0x3FFE];
	[sflag:s23] =	ssyncadd.s32 $0xFFFFFFFF  }
0xa5: {  	s26 =	simm.s32 $execute0_lowered;
	[smem:$0x3FD2] =	sst s25  }
0xa6: {  	s4 =	sshll.u32 s26, $0x1;
	_ =	strace $0x80000049;
	[dreg:$0x1] =	wrdreg $0xFFFFFFFF  }
0xa7: {  	s28 =	simm.s32 $_size_execute0_lowered;
	s2 =	sadd.s32 s2, s4;
	[dreg:$0x0] =	wrdreg $0x0  }
0xa8: {  	s4 =	sshll.u32 s28, $0x1;
	[dreg:$0x2] =	wrdreg s2  }
0xa9: {  	[dreg:$0x3] =	wrdreg s4  }
0xaa: {  	[dreg:$0x4] =	wrdreg $0xC0  }
0xab: {  	_ =	task [dreg:s6], $0x5FFFF  }
0xac: {  	[dreg:$0x1] =	wrdreg $0xFFFFFFFF  }
0xad: {  	[dreg:$0x0] =	wrdreg $0x60  }
0xae: {  	[dreg:$0x2] =	wrdreg s24  }
0xaf: {  	[dreg:$0x3] =	wrdreg $0x59000  }
0xb0: {  	[dreg:$0x4] =	wrdreg $0x191800  }
0xb1: {  	[dreg:$0x5] =	wrdreg $0x9  }
0xb2: {  	_ =	task.clear_ibuf [dreg:s6], $0x6FFFF;
	_ =	strace $0x90000049  }
0xb3: {  	s29 =	simm.s32 $0x9;
	_ =	strace $0x8000004B  }
0xb4: {  	_ =	swait.ge [sflag:s29], $0x1  }
0xb5: {  	[sflag:s29] =	ssyncadd.s32 $0xFFFFFFFF  }
0xb6: {  	_ =	strace $0x9000004B  }
0xb7: {  	_ =	sfence  }
0xb8: {  	s30 =	sld [smem:$0x0];
	_ =	sdelay $0x2  }
0xb9: {  	s31 =	sshll.u32 s1, $0xD;
	s1 =	sshrl.u32 s1, $0x2  }
0xba: {  	s3 =	sand.u32 $0x4000, s31;
	s1 =	sadd.s32 s1, s30  }
0xbb: {  	s0 =	sor.u32 s3, s0;
	s1 =	sshll.u32 s1, $0x11  }
0xbc: {  	s0 =	sor.u32 s1, s0  }
0xbd: {  	s0 =	sadd.s32 $0x8F2B, s0  }
0xbe: {  	[sflag:s0] =	ssyncadd.remote.s32 $0x1  }
0xbf: {  	_ =	sfence.sel $0xFFFF  }
0xc0: {  	[dreg:$0x0] =	wrdreg $0xFFFFFFFF;
	(pc) =	sbr.abs _section_cstart, $3  }
0xc1: {  	[dreg:$0x1] =	wrdreg $0xFFFFFFFF  }
0xc2: {  	_ =	task.clear_ibuf [dreg:s6], $0x2FFFF;
	_ =	strace $0x9FFFFFFF  }
0xc3: {  	(tm) =	ssettm $0x7FFFFFFF  }
tec
execute0_lowered:
.L_overlay_start_1:
0x0: {  	(tag) =	ssettag $0x1  }
0x1: {  	s0 =	rddreg [dreg:$0x0]  }
0x2: {  	s1 =	rddreg [dreg:$0x1]  }
0x3: {  	s2 =	rddreg [dreg:$0x2];
	s3 =	simm.s32 $0x0  }
0x4: {  	s10 =	srdreg.scid;
	s6 =	stileid.u32;
	s28 =	simm.s32 $0x80  }
0x5: {  	s29 =	simm.s32 $0x100;
	s30 =	simm.s32 $0x4100;
	s31 =	simm.s32 $0x4900  }
0x6: {  	[smem:$0x7FF] =	sst s3;
	s4 =	sadd.s32 $0x8B800, s0;
	s5 =	sadd.s32 $0x81A00, s0  }
0x7: {  	s7 =	sadd.s32 $0x2400, s0;
	s8 =	sadd.s32 $0x7CA00, s0;
	s9 =	sadd.s32 $0x77A00, s0  }
0x8: {  	s13 =	sand.u32 $0x1, s10;
	s10 =	sadd.s32 $0x95600, s0;
	s14 =	smul.u32 $0x4E000, s6  }
0x9: {  	s11 =	sadd.s32 $0x97E00, s0;
	s16 =	smul.u32 $0x9C00, s6;
	s17 =	sadd.s32 $0xA2200, s0  }
0xa: {  	s0 =	sadd.s32 $0x98400, s0;
	s20 =	smul.u32 $0x13800, s6;
	s26 =	sshll.u32 s6, $0x5  }
0xb: {  	p0 =	seq.s32 s6, $0xF;
	p1 =	sgt.u32 s6, $0x1;
	_ =	strace $0x8000004A  }
0xc: {  	s12 =	ssub.s32 $0x2, s13;
	s21 =	smul.u32 $0x27100, s13;
	s22 =	sshll.u32 s13, $0x4  }
0xd: {  	s15 =	sshrl.u32 s12, $0x1;
	s24 =	sshrl.u32 s14, $0x2;
	s25 =	sshrl.u32 s16, $0x2  }
0xe: {  	s16 =	smul.u32 $0x138800, s13;
	s13 =	sadd.s32 $0x24900, s2;
	s14 =	sor.u32 s22, s26  }
0xf: {  	s15 =	ssub.s32 s12, s15;
	s18 =	sadd.s32 s24, s1;
	s19 =	sadd.s32 s25, s2  }
0x10: {  	s12 =	sadd.s32 $0x124800, s1;
	s24 =	smul.u32 $0x2700, s6;
	s26 =	sor.u32 $0x9C00, s14  }
0x11: {  	s23 =	sadd.s32 s20, s16;
	s16 =	sshrl.u32 s16, $0x3;
	s20 =	sadd.s32 s20, s1  }
0x12: {  	s23 =	sshrl.u32 s23, $0x3;
	s25 =	sadd.s32 s24, s21;
	s21 =	sshrl.u32 s21, $0x3  }
0x13: {  	s22 =	sadd.s32 s17, s23;
	s17 =	sadd.s32 s17, s16;
	s23 =	sshrl.u32 @!p0 s19, $0x3  }
0x14: {  	s19 =	simm.s32 $0x5100;
	[dreg:$0x4] =	wrdreg s22;
	s22 =	sshrl.u32 s25, $0x3  }
0x15: {  	s25 =	sadd.s32 s4, s26;
	s26 =	sadd.s32 s5, s26;
	s17 =	sadd.s32 $0x24900, s17  }
.Ltmp0:
0x16: {  	s16 =	sadd.s32 s0, s22;
	[dreg:$0x5] =	wrdreg s25;
	(pc) =	sbr.rel .LBB2_1-.Ltmp0, $4  }
0x17: {  	s0 =	sadd.s32 s0, s21;
	[dreg:$0x6] =	wrdreg s26;
	s25 =	sadd.s32 s24, s2  }
0x18: {  	[dreg:$0x7] =	wrdreg s17;
	s21 =	smax.u32 s15, $0x1;
	s22 =	sshrl.u32 @!p0 s18, $0x3  }
0x19: {  	s24 =	sshrl.u32 s20, $0x3;
	s26 =	simm.s32 $0x2;
	s0 =	sadd.s32 $0x4920, s0  }
0x1a: {  	s25 =	sshrl.u32 s25, $0x3;
	[dreg:$0x8] =	wrdreg s0;
	s0 =	simm.s32 $0x1  }
.LBB2_11:
0x1b: {  	s15 =	sshrl.u32 s12, $0x3;
	s17 =	rddreg [dreg:$0x7];
	s18 =	simm.s32 $0x1FC2  }
0x1c: {  	[hbm:s17], [sflag:s18] =	dma.local [spmem:s15], $0x2800  }
0x1d: {  	_ =	swait.ge [sflag:s26], $0x2800  }
0x1e: {  	[sflag:s26] =	ssyncset.done $0x0  }
0x1f: {  	s17 =	sshrl.u32 s13, $0x3;
	s20 =	rddreg [dreg:$0x8];
	[sflag:s26] =	ssyncadd.s32 $0xFFFFD800  }
0x20: {  	[hbm:s20], [sflag:s18] =	dma.local [spmem:s17], $0x500  }
0x21: {  	_ =	swait.ge [sflag:s26], $0x500  }
0x22: {  	[sflag:s26] =	ssyncset.done $0x0  }
0x23: {  	[sflag:s26] =	ssyncadd.s32 $0xFFFFFB00  }
.LBB2_12:
0x24: {  	s3 =	sadd.s32 $0x1, s3  }
0x25: {  	p2 =	sne.s32 s3, s21  }
.Ltmp1:
0x26: {  	_ = 	snop;
	(pc) =	sbr.rel @!p2 .LBB2_13-.Ltmp1, $1  }
0x27: {  	_ =	sdelay $0x3  }
.LBB2_1:
0x28: {  	s15 =	sshrl.u32 @p0 s12, $0x3;
	s17 =	simm.s32 @p0 $0x1FC2  }
0x29: {  	[spmem:s15], [sflag:s17] =	dma.local @p0 [hbm:s10], $0x2800  }
0x2a: {  	s15 =	simm.s32 @p0 $0x2  }
0x2b: {  	_ =	swait.ge @p0 [sflag:s15], $0x2800  }
0x2c: {  	[sflag:s15] =	ssyncset.done @p0 $0x0  }
0x2d: {  	s18 =	sshrl.u32 @p0 s13, $0x3;
	[sflag:s15] =	ssyncadd.s32 @p0 $0xFFFFD800  }
0x2e: {  	[spmem:s18], [sflag:s17] =	dma.local @p0 [hbm:s11], $0x500  }
0x2f: {  	_ =	swait.ge @p0 [sflag:s15], $0x500  }
0x30: {  	s17 =	sshll.u32 @!p0 s6, $0x6;
	[sflag:s15] =	ssyncset.done @p0 $0x0  }
0x31: {  	[sflag:s15] =	ssyncadd.s32 @p0 $0xFFFFFB00;
	s15 =	sor.u32 @!p0 $0x1C02, s17;
	s17 =	simm.s32 @!p0 $0x2  }
0x32: {  	[spmem:s22], [sflag:s15] =	dma.local @!p0 [hbm:s10], $0x2700  }
0x33: {  	_ =	swait.ge @!p0 [sflag:s17], $0x2700  }
0x34: {  	[sflag:s17] =	ssyncset.done @!p0 $0x0  }
0x35: {  	[sflag:s17] =	ssyncadd.s32 @!p0 $0xFFFFD900  }
0x36: {  	[spmem:s23], [sflag:s15] =	dma.local @!p0 [hbm:s11], $0x4E0  }
0x37: {  	_ =	swait.ge @!p0 [sflag:s17], $0x4E0  }
0x38: {  	[sflag:s17] =	ssyncset.done @!p0 $0x0  }
0x39: {  	[sflag:s17] =	ssyncadd.s32 @!p0 $0xFFFFFB20  }
0x3a: {  	s20 =	simm.s32 $0x0;
	[bflag:$0x0] =	sbarrier.arrive $0xFFFF  }
.LBB2_2:
0x3b: {  	s15 =	sshll.u32 s20, $0x9  }
0x3c: {  	s15 =	sor.u32 s14, s15  }
0x3d: {  	s18 =	simm.s32 $0x0;
	s17 =	sadd.s32 s4, s15  }
0x3e: {  	[tilespmem:s18], [sflag:$0x2] =	stream.linear.gather [hbm4b:s17+s18], $0x80, $0x38;
	[tilespmem:$0x1B890] =	vst v63  }
0x3f: {  	_ =	swait.ge [sflag:s26], $0x80  }
0x40: {  	[sflag:s26] =	ssyncset.done $0x0  }
0x41: {  	s15 =	sadd.s32 s5, s15;
	[sflag:s26] =	ssyncadd.s32 $0xFFFFFF80  }
0x42: {  	[tilespmem:s28], [sflag:$0x2] =	stream.linear.gather [hbm4b:s15+s18], $0x80, $0x38;
	[tilespmem:$0x1B890] =	vst v63  }
0x43: {  	_ =	swait.ge [sflag:s26], $0x80  }
0x44: {  	[sflag:s26] =	ssyncset.done $0x0  }
0x45: {  	[sflag:s26] =	ssyncadd.s32 $0xFFFFFF80  }
0x46: {  	[tilespmem:s29], [sflag:$0x1] =	stream.indirect.gather [hbm4b:s7+s28], $0x80, s18, s28, $0xb8;
	[tilespmem:$0x1B890] =	vst v63  }
0x47: {  	_ = 	snop  }
0x48: {  	[tilespmem:s30], [sflag:$0x1] =	stream.indirect.gather [hbm4b:s8+s28], $0x10, s18, s28, $0xb8;
	[tilespmem:$0x1B890] =	vst v63  }
0x49: {  	_ = 	snop  }
0x4a: {  	[tilespmem:s31], [sflag:$0x1] =	stream.indirect.gather [hbm4b:s9+s28], $0x10, s28, s28, $0xb8;
	[tilespmem:$0x1B890] =	vst v63  }
0x4b: {  	_ =	swait.ge [sflag:s0], $0x4000  }
0x4c: {  	[sflag:s0] =	ssyncset.done $0x0  }
0x4d: {  	[sflag:s0] =	ssyncadd.s32 $0xFFFFC000  }
0x4e: {  	_ =	swait.ge [sflag:s0], $0x800  }
0x4f: {  	[sflag:s0] =	ssyncset.done $0x0  }
0x50: {  	[sflag:s0] =	ssyncadd.s32 $0xFFFFF800  }
0x51: {  	_ =	swait.ge [sflag:s0], $0x800  }
0x52: {  	[sflag:s0] =	ssyncset.done $0x0  }
0x53: {  	s18 =	simm.s32 $0x0;
	[sflag:s0] =	ssyncadd.s32 $0xFFFFF800  }
0x54: {  	v0 =	vld [tilespmem:s18+$0x4900]  }
0x55: {  	v1 =	vld [tilespmem:s18+$0x4100];
	_ =	sdelay $0x4  }
0x56: {  	v0 =	vadd.f32 v0, v1;
	_ =	sdelay $0x1  }
0x57: {  	v1 =	vmul.f32 $2.000000030e-01, v0  }
0x58: {  	vm0 =	vgt.f32 v0, $0.0e+00  }
0x59: {  	v0 =	vsel vm0, v0, v1  }
0x5a: {  	v0 =	vmul.f32 $1.442695020e+00, v0;
	_ =	sdelay $0x1  }
0x5b: {  	(erf) = vpow2.f32 v0;
	_ =	sdelay $0x8  }
0x5c: {  	v0 =	vpop (erf)  }
0x5d: {  	s17 =	simm.s32 $0x140;
	[tilespmem:s18+$0x5100] =	vst v0  }
0x5e: {  	v1 =	vld [tilespmem:s17+$0x30]  }
0x5f: {  	v2 =	vld [tilespmem:s17+$0x20]  }
0x60: {  	v3 =	vld [tilespmem:s17+$0x10]  }
0x61: {  	v4 =	vbroadcast v0, $0x7;
	v5 =	vld [tilespmem:s17+$0x0]  }
0x62: {  	v6 =	vbroadcast v0, $0x6;
	v7 =	vld [tilespmem:s17+$0xFFFFFFF0]  }
0x63: {  	v8 =	vbroadcast v0, $0x5;
	v9 =	vld [tilespmem:s17+$0xFFFFFFE0];
	v1 =	vmul.f32 v1, v4  }
0x64: {  	v61 =	vbroadcast v0, $0x4;
	v10 =	vld [tilespmem:s17+$0xFFFFFFD0];
	v2 =	vmul.f32 v2, v6  }
0x65: {  	v62 =	vbroadcast v0, $0x3;
	v11 =	vld [tilespmem:s17+$0xFFFFFFC0];
	v3 =	vmul.f32 v3, v8;
	[tilespmem:s17+$0x30] =	vst v1  }
0x66: {  	v4 =	vmul.f32 v5, v61;
	v1 =	vbroadcast v0, $0x2;
	[tilespmem:s17+$0x20] =	vst v2  }
0x67: {  	v63 =	vmul.f32 v7, v62;
	v2 =	vbroadcast v0, $0x1;
	[tilespmem:s17+$0x10] =	vst v3  }
0x68: {  	v0 =	vbroadcast v0, $0x0;
	[tilespmem:s17+$0x0] =	vst v4;
	v1 =	vmul.f32 v1, v9  }
0x69: {  	[tilespmem:s17+$0xFFFFFFF0] =	vst v63;
	v2 =	vmul.f32 v2, v10  }
0x6a: {  	v0 =	vmul.f32 v0, v11;
	[tilespmem:s17+$0xFFFFFFE0] =	vst v1  }
0x6b: {  	[tilespmem:s17+$0xFFFFFFD0] =	vst v2  }
0x6c: {  	s15 =	simm.s32 $0x10;
	[tilespmem:s17+$0xFFFFFFC0] =	vst v0  }
0x6d: {  	s18 =	simm.s32 $0x80;
	v0 =	vld [tilespmem:s15+$0x4900]  }
.LBB2_3:
0x6e: {  	p2 =	sne.s32 s18, $0x1FC0;
	v1 =	vld [tilespmem:s15+$0x4100];
	_ =	sdelay $0x4  }
0x6f: {  	v0 =	vadd.f32 v0, v1;
	_ =	sdelay $0x1  }
0x70: {  	v1 =	vmul.f32 $2.000000030e-01, v0  }
0x71: {  	vm0 =	vgt.f32 v0, $0.0e+00  }
0x72: {  	v0 =	vsel vm0, v0, v1  }
0x73: {  	v0 =	vmul.f32 $1.442695020e+00, v0;
	_ =	sdelay $0x1  }
0x74: {  	(erf) = vpow2.f32 v0;
	_ =	sdelay $0x8  }
0x75: {  	v0 =	vpop (erf)  }
0x76: {  	s17 =	sadd.s32 $0x80, s17;
	[tilespmem:s15+$0x5100] =	vst v0;
	v1 =	vbroadcast v0, $0x6;
	v2 =	vbroadcast v0, $0x7  }
0x77: {  	v3 =	vbroadcast v0, $0x4;
	v4 =	vbroadcast v0, $0x5;
	v5 =	vld [tilespmem:s17+$0x30]  }
0x78: {  	v6 =	vbroadcast v0, $0x2;
	v7 =	vbroadcast v0, $0x3;
	v8 =	vld [tilespmem:s17+$0x20]  }
0x79: {  	v9 =	vbroadcast v0, $0x0;
	v0 =	vbroadcast v0, $0x1;
	v10 =	vld [tilespmem:s17+$0x10]  }
0x7a: {  	v11 =	vld [tilespmem:s17+$0x0]  }
0x7b: {  	v12 =	vld [tilespmem:s17+$0xFFFFFFF0]  }
0x7c: {  	v13 =	vld [tilespmem:s17+$0xFFFFFFE0];
	v2 =	vmul.f32 v5, v2  }
0x7d: {  	v5 =	vld [tilespmem:s17+$0xFFFFFFD0];
	v1 =	vmul.f32 v8, v1  }
0x7e: {  	v8 =	vld [tilespmem:s17+$0xFFFFFFC0];
	v4 =	vmul.f32 v10, v4;
	[tilespmem:s17+$0x30] =	vst v2  }
0x7f: {  	v2 =	vmul.f32 v11, v3;
	[tilespmem:s17+$0x20] =	vst v1  }
0x80: {  	v1 =	vmul.f32 v12, v7;
	[tilespmem:s17+$0x10] =	vst v4  }
0x81: {  	v3 =	vmul.f32 v6, v13;
	[tilespmem:s17+$0x0] =	vst v2  }
.Ltmp2:
0x82: {  	v0 =	vmul.f32 v0, v5;
	[tilespmem:s17+$0xFFFFFFF0] =	vst v1;
	(pc) =	sbr.rel @p2 .LBB2_3-.Ltmp2, $4  }
0x83: {  	v1 =	vmul.f32 v9, v8;
	[tilespmem:s17+$0xFFFFFFE0] =	vst v3  }
0x84: {  	[tilespmem:s17+$0xFFFFFFD0] =	vst v0  }
0x85: {  	s15 =	sshra.s32 s18, $0x2;
	[tilespmem:s17+$0xFFFFFFC0] =	vst v1  }
0x86: {  	s18 =	sadd.s32 $0x40, s18;
	v0 =	vld [tilespmem:s15+$0x4900]  }
0x87: {  	v1 =	vld [tilespmem:s15+$0x4100];
	_ =	sdelay $0x4  }
0x88: {  	v0 =	vadd.f32 v0, v1;
	_ =	sdelay $0x1  }
0x89: {  	v1 =	vmul.f32 $2.000000030e-01, v0  }
0x8a: {  	vm0 =	vgt.f32 v0, $0.0e+00  }
0x8b: {  	v0 =	vsel vm0, v0, v1  }
0x8c: {  	v0 =	vmul.f32 $1.442695020e+00, v0;
	_ =	sdelay $0x1  }
0x8d: {  	(erf) = vpow2.f32 v0;
	_ =	sdelay $0x8  }
0x8e: {  	v0 =	vpop (erf)  }
0x8f: {  	s18 =	sadd.s32 $0x80, s17;
	[tilespmem:s15+$0x5100] =	vst v0  }
0x90: {  	v58 =	vld [tilespmem:s18+$0x30]  }
0x91: {  	v2 =	vld [tilespmem:s18+$0x20]  }
0x92: {  	v3 =	vld [tilespmem:s18+$0x10]  }
0x93: {  	v4 =	vbroadcast v0, $0x7;
	v6 =	vbroadcast v0, $0x6;
	v5 =	vld [tilespmem:s18+$0x0]  }
0x94: {  	v8 =	vbroadcast v0, $0x5;
	v59 =	vbroadcast v0, $0x4;
	v7 =	vld [tilespmem:s18+$0xFFFFFFF0]  }
0x95: {  	v60 =	vbroadcast v0, $0x3;
	v11 =	vld [tilespmem:s18+$0xFFFFFFC0];
	v1 =	vmul.f32 v58, v4  }
0x96: {  	v61 =	vbroadcast v0, $0x2;
	v9 =	vld [tilespmem:s18+$0xFFFFFFE0];
	v2 =	vmul.f32 v2, v6  }
0x97: {  	v62 =	vbroadcast v0, $0x1;
	v10 =	vld [tilespmem:s18+$0xFFFFFFD0];
	v3 =	vmul.f32 v3, v8;
	[tilespmem:s18+$0x30] =	vst v1  }
0x98: {  	v0 =	vbroadcast v0, $0x0;
	v4 =	vmul.f32 v5, v59;
	[tilespmem:s18+$0x20] =	vst v2  }
0x99: {  	v63 =	vmul.f32 v7, v60;
	[tilespmem:s18+$0x10] =	vst v3  }
0x9a: {  	v0 =	vmul.f32 v0, v11;
	[tilespmem:s18+$0x0] =	vst v4  }
0x9b: {  	v1 =	vmul.f32 v61, v9;
	[tilespmem:s18+$0xFFFFFFF0] =	vst v63  }
0x9c: {  	v2 =	vmul.f32 v62, v10;
	[tilespmem:s18+$0xFFFFFFC0] =	vst v0  }
0x9d: {  	[tilespmem:s18+$0xFFFFFFE0] =	vst v1  }
0x9e: {  	[tilespmem:s18+$0xFFFFFFD0] =	vst v2  }
0x9f: {  	[spmem:s1] =	stream.indirect.scatter.add.f32 [tilespmem:s29], [sflag:$0x2], $0x80, s28, s28, $0xb8;
	[tilespmem:$0x1B890] =	vst v63  }
0xa0: {  	s20 =	sadd.s32 $0x1, s20;
	_ =	swait.ge [sflag:s26], $0x4000  }
0xa1: {  	p2 =	sne.s32 s20, $0x4E;
	[sflag:s26] =	ssyncset.done $0x0  }
.Ltmp3:
0xa2: {  	[sflag:s26] =	ssyncadd.s32 $0xFFFFC000;
	(pc) =	sbr.rel @p2 .LBB2_2-.Ltmp3, $4  }
0xa3: {  	[spmem:s2] =	stream.indirect.scatter.add.f32 [tilespmem:s19], [sflag:$0x2], $0x10, s28, s28, $0xb8;
	[tilespmem:$0x1B890] =	vst v63  }
0xa4: {  	_ =	swait.ge [sflag:s26], $0x800  }
0xa5: {  	[sflag:s26] =	ssyncset.done $0x0  }
0xa6: {  	[sflag:s26] =	ssyncadd.s32 $0xFFFFF800  }
.Ltmp4:
0xa7: {  	(pc) =	sbr.rel @p1 .LBB2_9-.Ltmp4, $1  }
0xa8: {  	_ =	sdelay $0x3  }
0xa9: {  	s15 =	simm.s32 $0x0;
	s17 =	rddreg [dreg:$0x5]  }
0xaa: {  	[tilespmem:s15], [sflag:$0x2] =	stream.linear.gather [hbm4b:s17+s15], $0x80, $0x38;
	[tilespmem:$0x1B890] =	vst v63  }
0xab: {  	_ =	swait.ge [sflag:s26], $0x80  }
0xac: {  	[sflag:s26] =	ssyncset.done $0x0  }
0xad: {  	s18 =	rddreg [dreg:$0x6];
	[sflag:s26] =	ssyncadd.s32 $0xFFFFFF80  }
0xae: {  	[tilespmem:s28], [sflag:$0x2] =	stream.linear.gather [hbm4b:s18+s15], $0x80, $0x38;
	[tilespmem:$0x1B890] =	vst v63  }
0xaf: {  	_ =	swait.ge [sflag:s26], $0x80  }
0xb0: {  	[sflag:s26] =	ssyncset.done $0x0  }
0xb1: {  	[sflag:s26] =	ssyncadd.s32 $0xFFFFFF80  }
0xb2: {  	[tilespmem:s29], [sflag:$0x1] =	stream.indirect.gather [hbm4b:s7+s28], $0x80, s15, s28, $0xb8;
	[tilespmem:$0x1B890] =	vst v63  }
0xb3: {  	_ = 	snop  }
0xb4: {  	[tilespmem:s30], [sflag:$0x1] =	stream.indirect.gather [hbm4b:s8+s28], $0x10, s15, s28, $0xb8;
	[tilespmem:$0x1B890] =	vst v63  }
0xb5: {  	_ = 	snop  }
0xb6: {  	[tilespmem:s31], [sflag:$0x1] =	stream.indirect.gather [hbm4b:s9+s28], $0x10, s28, s28, $0xb8;
	[tilespmem:$0x1B890] =	vst v63  }
0xb7: {  	_ =	swait.ge [sflag:s0], $0x4000  }
0xb8: {  	[sflag:s0] =	ssyncset.done $0x0  }
0xb9: {  	[sflag:s0] =	ssyncadd.s32 $0xFFFFC000  }
0xba: {  	_ =	swait.ge [sflag:s0], $0x800  }
0xbb: {  	[sflag:s0] =	ssyncset.done $0x0  }
0xbc: {  	[sflag:s0] =	ssyncadd.s32 $0xFFFFF800  }
0xbd: {  	_ =	swait.ge [sflag:s0], $0x800  }
0xbe: {  	[sflag:s0] =	ssyncset.done $0x0  }
0xbf: {  	s20 =	simm.s32 $0x0;
	[sflag:s0] =	ssyncadd.s32 $0xFFFFF800  }
0xc0: {  	v0 =	vld [tilespmem:s20+$0x4900]  }
0xc1: {  	v1 =	vld [tilespmem:s20+$0x4100];
	_ =	sdelay $0x4  }
0xc2: {  	v0 =	vadd.f32 v0, v1;
	_ =	sdelay $0x1  }
0xc3: {  	v1 =	vmul.f32 $2.000000030e-01, v0  }
0xc4: {  	vm0 =	vgt.f32 v0, $0.0e+00  }
0xc5: {  	v0 =	vsel vm0, v0, v1  }
0xc6: {  	v0 =	vmul.f32 $1.442695020e+00, v0;
	_ =	sdelay $0x1  }
0xc7: {  	(erf) = vpow2.f32 v0;
	_ =	sdelay $0x8  }
0xc8: {  	v0 =	vpop (erf)  }
0xc9: {  	s17 =	simm.s32 $0x140;
	[tilespmem:s20+$0x5100] =	vst v0  }
0xca: {  	v1 =	vld [tilespmem:s17+$0x30]  }
0xcb: {  	v2 =	vld [tilespmem:s17+$0x20]  }
0xcc: {  	v3 =	vld [tilespmem:s17+$0x10]  }
0xcd: {  	v4 =	vbroadcast v0, $0x7;
	v5 =	vld [tilespmem:s17+$0x0]  }
0xce: {  	v6 =	vbroadcast v0, $0x6;
	v7 =	vld [tilespmem:s17+$0xFFFFFFF0]  }
0xcf: {  	v8 =	vbroadcast v0, $0x5;
	v9 =	vld [tilespmem:s17+$0xFFFFFFE0];
	v1 =	vmul.f32 v1, v4  }
0xd0: {  	v61 =	vbroadcast v0, $0x4;
	v10 =	vld [tilespmem:s17+$0xFFFFFFD0];
	v2 =	vmul.f32 v2, v6  }
0xd1: {  	v62 =	vbroadcast v0, $0x3;
	v11 =	vld [tilespmem:s17+$0xFFFFFFC0];
	v3 =	vmul.f32 v3, v8;
	[tilespmem:s17+$0x30] =	vst v1  }
0xd2: {  	v4 =	vmul.f32 v5, v61;
	v1 =	vbroadcast v0, $0x2;
	[tilespmem:s17+$0x20] =	vst v2  }
0xd3: {  	v63 =	vmul.f32 v7, v62;
	v2 =	vbroadcast v0, $0x1;
	[tilespmem:s17+$0x10] =	vst v3  }
0xd4: {  	v0 =	vbroadcast v0, $0x0;
	[tilespmem:s17+$0x0] =	vst v4;
	v1 =	vmul.f32 v1, v9  }
0xd5: {  	[tilespmem:s17+$0xFFFFFFF0] =	vst v63;
	v2 =	vmul.f32 v2, v10  }
0xd6: {  	v0 =	vmul.f32 v0, v11;
	[tilespmem:s17+$0xFFFFFFE0] =	vst v1  }
0xd7: {  	[tilespmem:s17+$0xFFFFFFD0] =	vst v2  }
0xd8: {  	s15 =	simm.s32 $0x10;
	[tilespmem:s17+$0xFFFFFFC0] =	vst v0  }
0xd9: {  	s18 =	simm.s32 $0x80;
	v0 =	vld [tilespmem:s15+$0x4900]  }
.LBB2_7:
0xda: {  	p2 =	sne.s32 s18, $0x1FC0;
	v1 =	vld [tilespmem:s15+$0x4100];
	_ =	sdelay $0x4  }
0xdb: {  	v0 =	vadd.f32 v0, v1;
	_ =	sdelay $0x1  }
0xdc: {  	v1 =	vmul.f32 $2.000000030e-01, v0  }
0xdd: {  	vm0 =	vgt.f32 v0, $0.0e+00  }
0xde: {  	v0 =	vsel vm0, v0, v1  }
0xdf: {  	v0 =	vmul.f32 $1.442695020e+00, v0;
	_ =	sdelay $0x1  }
0xe0: {  	(erf) = vpow2.f32 v0;
	_ =	sdelay $0x8  }
0xe1: {  	v0 =	vpop (erf)  }
0xe2: {  	s17 =	sadd.s32 $0x80, s17;
	[tilespmem:s15+$0x5100] =	vst v0;
	v1 =	vbroadcast v0, $0x6;
	v2 =	vbroadcast v0, $0x7  }
0xe3: {  	v3 =	vbroadcast v0, $0x4;
	v4 =	vbroadcast v0, $0x5;
	v5 =	vld [tilespmem:s17+$0x30]  }
0xe4: {  	v6 =	vbroadcast v0, $0x2;
	v7 =	vbroadcast v0, $0x3;
	v8 =	vld [tilespmem:s17+$0x20]  }
0xe5: {  	v9 =	vbroadcast v0, $0x0;
	v0 =	vbroadcast v0, $0x1;
	v10 =	vld [tilespmem:s17+$0x10]  }
0xe6: {  	v11 =	vld [tilespmem:s17+$0x0]  }
0xe7: {  	v12 =	vld [tilespmem:s17+$0xFFFFFFF0]  }
0xe8: {  	v13 =	vld [tilespmem:s17+$0xFFFFFFE0];
	v2 =	vmul.f32 v5, v2  }
0xe9: {  	v5 =	vld [tilespmem:s17+$0xFFFFFFD0];
	v1 =	vmul.f32 v8, v1  }
0xea: {  	v8 =	vld [tilespmem:s17+$0xFFFFFFC0];
	v4 =	vmul.f32 v10, v4;
	[tilespmem:s17+$0x30] =	vst v2  }
0xeb: {  	v2 =	vmul.f32 v11, v3;
	[tilespmem:s17+$0x20] =	vst v1  }
0xec: {  	v1 =	vmul.f32 v12, v7;
	[tilespmem:s17+$0x10] =	vst v4  }
0xed: {  	v3 =	vmul.f32 v6, v13;
	[tilespmem:s17+$0x0] =	vst v2  }
.Ltmp5:
0xee: {  	v0 =	vmul.f32 v0, v5;
	[tilespmem:s17+$0xFFFFFFF0] =	vst v1;
	(pc) =	sbr.rel @p2 .LBB2_7-.Ltmp5, $4  }
0xef: {  	v1 =	vmul.f32 v9, v8;
	[tilespmem:s17+$0xFFFFFFE0] =	vst v3  }
0xf0: {  	[tilespmem:s17+$0xFFFFFFD0] =	vst v0  }
0xf1: {  	s15 =	sshra.s32 s18, $0x2;
	[tilespmem:s17+$0xFFFFFFC0] =	vst v1  }
0xf2: {  	s18 =	sadd.s32 $0x40, s18;
	v0 =	vld [tilespmem:s15+$0x4900]  }
0xf3: {  	v1 =	vld [tilespmem:s15+$0x4100];
	_ =	sdelay $0x4  }
0xf4: {  	v0 =	vadd.f32 v0, v1;
	_ =	sdelay $0x1  }
0xf5: {  	v1 =	vmul.f32 $2.000000030e-01, v0  }
0xf6: {  	vm0 =	vgt.f32 v0, $0.0e+00  }
0xf7: {  	v0 =	vsel vm0, v0, v1  }
0xf8: {  	v0 =	vmul.f32 $1.442695020e+00, v0;
	_ =	sdelay $0x1  }
0xf9: {  	(erf) = vpow2.f32 v0;
	_ =	sdelay $0x8  }
0xfa: {  	v0 =	vpop (erf)  }
0xfb: {  	s20 =	sadd.s32 $0x80, s17;
	[tilespmem:s15+$0x5100] =	vst v0  }
0xfc: {  	v58 =	vld [tilespmem:s20+$0x30]  }
0xfd: {  	v2 =	vld [tilespmem:s20+$0x20]  }
0xfe: {  	v3 =	vld [tilespmem:s20+$0x10]  }
0xff: {  	v4 =	vbroadcast v0, $0x7;
	v6 =	vbroadcast v0, $0x6;
	v5 =	vld [tilespmem:s20+$0x0]  }
0x100: {  	v8 =	vbroadcast v0, $0x5;
	v59 =	vbroadcast v0, $0x4;
	v7 =	vld [tilespmem:s20+$0xFFFFFFF0]  }
0x101: {  	v60 =	vbroadcast v0, $0x3;
	v11 =	vld [tilespmem:s20+$0xFFFFFFC0];
	v1 =	vmul.f32 v58, v4  }
0x102: {  	v61 =	vbroadcast v0, $0x2;
	v9 =	vld [tilespmem:s20+$0xFFFFFFE0];
	v2 =	vmul.f32 v2, v6  }
0x103: {  	v62 =	vbroadcast v0, $0x1;
	v10 =	vld [tilespmem:s20+$0xFFFFFFD0];
	v3 =	vmul.f32 v3, v8;
	[tilespmem:s20+$0x30] =	vst v1  }
0x104: {  	v0 =	vbroadcast v0, $0x0;
	v4 =	vmul.f32 v5, v59;
	[tilespmem:s20+$0x20] =	vst v2  }
0x105: {  	v63 =	vmul.f32 v7, v60;
	[tilespmem:s20+$0x10] =	vst v3  }
0x106: {  	v0 =	vmul.f32 v0, v11;
	[tilespmem:s20+$0x0] =	vst v4  }
0x107: {  	v1 =	vmul.f32 v61, v9;
	[tilespmem:s20+$0xFFFFFFF0] =	vst v63  }
0x108: {  	v2 =	vmul.f32 v62, v10;
	[tilespmem:s20+$0xFFFFFFC0] =	vst v0  }
0x109: {  	[tilespmem:s20+$0xFFFFFFE0] =	vst v1  }
0x10a: {  	[tilespmem:s20+$0xFFFFFFD0] =	vst v2  }
0x10b: {  	[spmem:s1] =	stream.indirect.scatter.add.f32 [tilespmem:s29], [sflag:$0x2], $0x80, s28, s28, $0xb8;
	[tilespmem:$0x1B890] =	vst v63  }
0x10c: {  	_ =	swait.ge [sflag:s26], $0x4000  }
0x10d: {  	[sflag:s26] =	ssyncset.done $0x0  }
0x10e: {  	[sflag:s26] =	ssyncadd.s32 $0xFFFFC000  }
0x10f: {  	[spmem:s2] =	stream.indirect.scatter.add.f32 [tilespmem:s19], [sflag:$0x2], $0x10, s28, s28, $0xb8;
	[tilespmem:$0x1B890] =	vst v63  }
.Ltmp6:
0x110: {  	_ =	swait.ge [sflag:s26], $0x800;
	(pc) =	sbr.rel .LBB2_10-.Ltmp6, $3  }
0x111: {  	[sflag:s26] =	ssyncset.done $0x0  }
0x112: {  	[sflag:s26] =	ssyncadd.s32 $0xFFFFF800  }
0x113: {  	[bflag:$0x0] =	sbarrier.arrive $0xFFFF;
	_ =	sdelay $0x1  }
.LBB2_9:
.Ltmp7:
0x114: {  	(pc) =	sbr.rel @p0 .LBB2_11-.Ltmp7, $2  }
0x115: {  	_ =	sdelay $0x1  }
0x116: {  	[bflag:$0x0] =	sbarrier.arrive $0xFFFF;
	_ =	sdelay $0x1  }
.LBB2_10:
0x117: {  	s15 =	sshll.u32 s6, $0x6  }
0x118: {  	s17 =	rddreg [dreg:$0x4];
	s15 =	sor.u32 $0x1C02, s15  }
0x119: {  	[hbm:s17], [sflag:s15] =	dma.local [spmem:s24], $0x2700  }
0x11a: {  	_ =	swait.ge [sflag:s26], $0x2700  }
0x11b: {  	[sflag:s26] =	ssyncset.done $0x0  }
.Ltmp8:
0x11c: {  	[sflag:s26] =	ssyncadd.s32 $0xFFFFD900;
	(pc) =	sbr.rel .LBB2_12-.Ltmp8, $4  }
0x11d: {  	[hbm:s16], [sflag:s15] =	dma.local [spmem:s25], $0x4E0  }
0x11e: {  	_ =	swait.ge [sflag:s26], $0x4E0  }
0x11f: {  	[sflag:s26] =	ssyncset.done $0x0  }
0x120: {  	[sflag:s26] =	ssyncadd.s32 $0xFFFFFB20  }
.LBB2_13:
0x121: {  	_ =	sfence.sel $0x180000  }
0x122: {  	[bflag:$0x0] =	sbarrier.arrive $0xFFFF  }
0x123: {  	_ =	strace $0x9000004A  }
0x124: {  	[bflag:$0x2] =	sbarrier.arrive $0xFFFF  }
0x125: {  	p0 =	sne.s32 s6, $0x0;
	s0 =	rddreg [dreg:$0x3]  }
0x126: {  	s0 =	sadd.s32 @!p0 $0x100000, s0  }
0x127: {  	[sflag:s0] =	ssyncadd.tile.s32 @!p0 $0x1;
	_ =	shalt  }
.Lfunc_end2:
_tile_overlayer_lowered:
.L_overlay_start_2:
0x128: {  	(tag) =	ssettag $0x2  }
0x129: {  	s0 =	rddreg [dreg:$0x0];
	s2 =	stileid.u32  }
0x12a: {  	s1 =	rddreg [dreg:$0x1];
	p0 =	sne.s32 s2, $0x0  }
0x12b: {  	s3 =	rddreg [dreg:$0x2];
	[bflag:$0x3] =	sbarrier.arrive $0xFFFF;
	s2 =	simm.s32 @!p0 $0x1C02  }
0x12c: {  	[timem:s3], [sflag:s2] =	dma.local @!p0 [hbm:s0], s1  }
0x12d: {  	s0 =	simm.s32 @!p0 $0x2  }
0x12e: {  	_ =	swait.ge @!p0 [sflag:s0], s1  }
0x12f: {  	s1 =	ssub.s32 @!p0 $0x0, s1;
	[sflag:s0] =	ssyncset.done @!p0 $0x0  }
0x130: {  	[sflag:s0] =	ssyncadd.s32 @!p0 s1  }
0x131: {  	[bflag:$0x3] =	sbarrier.arrive $0xFFFF  }
0x132: {  	_ =	shalt  }

// kernel: run.15.cloned.1.call-start
scs
__scs_entry_jumppad:
0x0: {  	(pc) =	sbr.rel $0x88, $3  }
0x1: {  	(tag) =	ssettag $0x0;
	lr =	simm.s32 $0x1  }
0x2: {  	[smem:$0x3F91] =	sst lr;
	_ =	strace $0xD0000000  }
0x3: {  	_ = 	snop  }
0x4: {  	_ = 	snop  }
0x5: {  	_ = 	snop  }
0x6: {  	_ = 	snop  }
0x7: {  	_ = 	snop  }
__scs_overlays_trampoline_lowered:
0x8: {  	[smem:$0x3FA0] =	sst s0  }
0x9: {  	[smem:$0x3FA1] =	sst s1  }
0xa: {  	[smem:$0x3FA2] =	sst s2  }
0xb: {  	[smem:$0x3FA3] =	sst s3  }
0xc: {  	[smem:$0x3FA4] =	sst s4  }
0xd: {  	[smem:$0x3FA5] =	sst s5  }
0xe: {  	[smem:$0x3FA6] =	sst s6  }
0xf: {  	[smem:$0x3FA7] =	sst s7  }
0x10: {  	[smem:$0x3FA8] =	sst s8  }
0x11: {  	[smem:$0x3FA9] =	sst s9;
	s0 =	simm.s32 @!p0 $0x0  }
0x12: {  	s1 =	sld [smem:$0x3F8F];
	s0 =	simm.s32 @p0 $0x1  }
0x13: {  	[smem:$0x3FAA] =	sst s0;
	s0 =	simm.s32 @!p1 $0x0  }
0x14: {  	s2 =	sld [smem:$0x3F8E];
	s0 =	simm.s32 @p1 $0x1  }
0x15: {  	[smem:$0x3FAB] =	sst s0;
	s0 =	simm.s32 @!p2 $0x0  }
0x16: {  	s3 =	sld [smem:$0x3FDB];
	s0 =	simm.s32 @p2 $0x1  }
0x17: {  	s4 =	simm.s32 $0x1BF5;
	[smem:$0x3FAD] =	sst s0  }
0x18: {  	s0 =	sld [smem:$0x3F90];
	_ =	swait.ge [sflag:s4], $0x0  }
0x19: {  	s7 =	sld [smem:$0x3F91]  }
0x1a: {  	s8 =	sadd.s32 $0xFFFFE003, lr  }
0x1b: {  	s9 =	sadd.s32 $0xFFFFFEF7, lr;
	s5 =	simm.s32 $0xFFFFFFFF;
	p2 =	slt.u32 s8, $0xFFFFF086  }
0x1c: {  	p1 =	slt.u32 s9, $0xF7A;
	s5 =	simm.s32 @!p2 $0x0  }
0x1d: {  	s5 =	simm.s32 @p1 $0x1;
	p0 =	seq.s32 s7, s2  }
0x1e: {  	s7 =	smul.u32 @!p0 $0xF7A, s2;
	p2 =	seq.s32 @!p0 s5, $0x0  }
0x1f: {  	s9 =	smul.u32 $0xF7A, s1;
	s8 =	simm.s32 @!p0 $0x1BF5;
	p2 =	por !p2, p0  }
0x20: {  	[sflag:s8] =	ssyncset.s32 @!p0 $0xFFFFF086;
	s6 =	sadd.s32 @!p0 s3, s7;
	s7 =	simm.s32 @!p0 $0x108  }
0x21: {  	s3 =	sadd.s32 s3, s9;
	s6 =	sadd.s32 @!p0 $0x88, s6;
	s7 =	simm.s32 @p2 $0x1082  }
0x22: {  	[simem:s7], [sflag:s8] =	dma.local @!p0 [hbm:s6], $0xF7A  }
0x23: {  	s9 =	sor.u32 $0xD0000000, s2;
	s6 =	simm.s32 $0x108;
	_ =	swait.ge @!p0 [sflag:s8], $0x0  }
0x24: {  	s3 =	sadd.s32 $0x88, s3;
	s6 =	simm.s32 @!p1 $0x1082;
	[sflag:s4] =	ssyncset.s32 $0xFFFFF086  }
0x25: {  	[simem:s6], [sflag:s4] =	dma.local [hbm:s3], $0xF7A  }
0x26: {  	[smem:$0x3F91] =	sst s1;
	(tag) =	ssettag s2;
	_ =	strace s9  }
0x27: {  	s1 =	sld [smem:$0x3FA1]  }
0x28: {  	s2 =	sld [smem:$0x3FA2]  }
0x29: {  	s4 =	sld [smem:$0x3FA4]  }
0x2a: {  	p0 =	seq.s32 s5, $0x0;
	s5 =	sld [smem:$0x3FA5]  }
0x2b: {  	s6 =	sld [smem:$0x3FA6]  }
0x2c: {  	s7 =	sld [smem:$0x3FA7]  }
0x2d: {  	s3 =	simm.s32 $0x108;
	s8 =	sld [smem:$0x3FA8]  }
0x2e: {  	s3 =	simm.s32 @!p0 $0x1082;
	s9 =	sld [smem:$0x3FA9]  }
0x2f: {  	lr =	sadd.s32 s0, s3;
	s0 =	sld [smem:$0x3FA0]  }
0x30: {  	s3 =	sld [smem:$0x3FA3]  }
0x31: {  	[smem:$0x3FAC] =	sst s10  }
0x32: {  	s10 =	sld [smem:$0x3FAA];
	_ =	sdelay $0x3  }
0x33: {  	p0 =	seq.s32 s10, $0x1;
	s10 =	sld [smem:$0x3FAC];
	_ =	sdelay $0x3  }
0x34: {  	[smem:$0x3FAC] =	sst s10  }
0x35: {  	s10 =	sld [smem:$0x3FAB];
	_ =	sdelay $0x3  }
0x36: {  	p1 =	seq.s32 s10, $0x1;
	s10 =	sld [smem:$0x3FAC];
	_ =	sdelay $0x3  }
0x37: {  	[smem:$0x3FAC] =	sst s10  }
0x38: {  	s10 =	sld [smem:$0x3FAD]  }
0x39: {  	_ = 	snop;
	(pc) =	sbr.ind lr, $3  }
0x3a: {  	_ = 	snop  }
0x3b: {  	_ = 	snop  }
0x3c: {  	p2 =	seq.s32 s10, $0x1;
	s10 =	sld [smem:$0x3FAC]  }
0x3d: {  	_ =	shalt  }
0x3e: {  	_ =	shalt  }
0x3f: {  	_ =	shalt  }
0x40: {  	_ =	shalt  }
0x41: {  	_ =	shalt  }
0x42: {  	_ =	shalt  }
0x43: {  	_ =	shalt  }
0x44: {  	_ =	shalt  }
0x45: {  	_ =	shalt  }
0x46: {  	_ =	shalt  }
0x47: {  	_ =	shalt  }
0x48: {  	_ =	shalt  }
0x49: {  	_ =	shalt  }
0x4a: {  	_ =	shalt  }
0x4b: {  	_ =	shalt  }
0x4c: {  	_ =	shalt  }
0x4d: {  	_ =	shalt  }
0x4e: {  	_ =	shalt  }
0x4f: {  	_ =	shalt  }
0x50: {  	_ =	shalt  }
0x51: {  	_ =	shalt  }
0x52: {  	_ =	shalt  }
0x53: {  	_ =	shalt  }
0x54: {  	_ =	shalt  }
0x55: {  	_ =	shalt  }
0x56: {  	_ =	shalt  }
0x57: {  	_ =	shalt  }
0x58: {  	_ =	shalt  }
0x59: {  	_ =	shalt  }
0x5a: {  	_ =	shalt  }
0x5b: {  	_ =	shalt  }
0x5c: {  	_ =	shalt  }
0x5d: {  	_ =	shalt  }
0x5e: {  	_ =	shalt  }
0x5f: {  	_ =	shalt  }
0x60: {  	_ =	shalt  }
0x61: {  	_ =	shalt  }
0x62: {  	_ =	shalt  }
0x63: {  	_ =	shalt  }
0x64: {  	_ =	shalt  }
0x65: {  	_ =	shalt  }
0x66: {  	_ =	shalt  }
0x67: {  	_ =	shalt  }
0x68: {  	_ =	shalt  }
0x69: {  	_ =	shalt  }
0x6a: {  	_ =	shalt  }
0x6b: {  	_ =	shalt  }
0x6c: {  	_ =	shalt  }
0x6d: {  	_ =	shalt  }
0x6e: {  	_ =	shalt  }
0x6f: {  	_ =	shalt  }
0x70: {  	_ =	shalt  }
0x71: {  	_ =	shalt  }
0x72: {  	_ =	shalt  }
0x73: {  	_ =	shalt  }
0x74: {  	_ =	shalt  }
0x75: {  	_ =	shalt  }
0x76: {  	_ =	shalt  }
0x77: {  	_ =	shalt  }
0x78: {  	_ =	shalt  }
0x79: {  	_ =	shalt  }
0x7a: {  	_ =	shalt  }
0x7b: {  	_ =	shalt  }
0x7c: {  	_ =	shalt  }
0x7d: {  	_ =	shalt  }
0x7e: {  	_ =	shalt  }
0x7f: {  	_ =	shalt  }
0x80: {  	_ =	shalt  }
0x81: {  	_ =	shalt  }
0x82: {  	_ =	shalt  }
0x83: {  	_ =	shalt  }
0x84: {  	_ =	shalt  }
0x85: {  	_ =	shalt  }
0x86: {  	_ =	shalt  }
0x87: {  	_ =	shalt  }
.Lfunc_end0:
.L_simem_size_0:
called_computation.2_lowered:
.L_overlay_start_0:
0x88: {  	s2 =	sld [smem:$0x3FD9]  }
0x89: {  	s3 =	sld [smem:$0x3FFE];
	_ =	sdelay $0x1  }
0x8a: {  	s1 =	srdreg.scid  }
0x8b: {  	s0 =	sand.u32 $0x1, s1  }
0x8c: {  	s16 =	sshll.u32 s0, $0xA;
	s2 =	sadd.s32 s3, s2  }
0x8d: {  	s2 =	sadd.s32 s2, s16  }
0x8e: {  	[smem:$0x3FB8] =	sst s2  }
0x8f: {  	_ = 	snop  }
0x90: {  	(tm) =	ssettm $0x1  }
0x91: {  	s17 =	sld [smem:$0x3FFB];
	_ =	sdelay $0x3  }
0x92: {  	_ =	strace s17  }
0x93: {  	s2 =	sld [smem:$0x3FFC];
	_ =	sdelay $0x3  }
0x94: {  	_ =	strace s2  }
0x95: {  	s2 =	sld [smem:$0x3FFD];
	_ =	sdelay $0x3  }
0x96: {  	_ =	strace s2  }
0x97: {  	_ =	strace $0x8FFFFFFF  }
0x98: {  	s18 =	sld [smem:$0x3FDB];
	_ =	sdelay $0x1  }
0x99: {  	s19 =	simm.s32 $_scs_section_size  }
0x9a: {  	s4 =	simm.s32 $_size__tile_overlayer_lowered;
	s5 =	simm.s32 $_tile_overlayer_lowered  }
0x9b: {  	s22 =	simm.s32 $0x1BFF;
	s21 =	sshll.u32 s5, $0x1;
	s2 =	sadd.s32 s19, s18  }
0x9c: {  	s6 =	simm.s32 $0x0;
	s20 =	sshll.u32 s4, $0x1;
	s4 =	sadd.s32 s21, s2  }
0x9d: {  	[timem:s6], [sflag:s22] =	dma.local [hbm:s4], s20  }
0x9e: {  	_ =	swait.ge [sflag:s22], s20  }
0x9f: {  	s3 =	ssub.s32 $0x0, s20;
	[sflag:s22] =	ssyncset.done $0x0  }
0xa0: {  	[sflag:s22] =	ssyncadd.s32 s3;
	_ =	sdelay $0x1  }
0xa1: {  	s23 =	simm.s32 $0x1B8B  }
0xa2: {  	_ =	swait.ge [sflag:s23], $0x1  }
0xa3: {  	[sflag:s23] =	ssyncset.done $0x0  }
0xa4: {  	s25 =	simm.s32 $0x1B8E;
	s24 =	sld [smem:$0x3FFE];
	[sflag:s23] =	ssyncadd.s32 $0xFFFFFFFF  }
0xa5: {  	s26 =	simm.s32 $execute0_lowered;
	[smem:$0x3FD2] =	sst s25  }
0xa6: {  	s4 =	sshll.u32 s26, $0x1;
	_ =	strace $0x8000004C;
	[dreg:$0x1] =	wrdreg $0xFFFFFFFF  }
0xa7: {  	s28 =	simm.s32 $_size_execute0_lowered;
	s2 =	sadd.s32 s2, s4;
	[dreg:$0x0] =	wrdreg $0x0  }
0xa8: {  	s4 =	sshll.u32 s28, $0x1;
	[dreg:$0x2] =	wrdreg s2  }
0xa9: {  	[dreg:$0x3] =	wrdreg s4  }
0xaa: {  	[dreg:$0x4] =	wrdreg $0xC0  }
0xab: {  	_ =	task [dreg:s6], $0x5FFFF  }
0xac: {  	[dreg:$0x1] =	wrdreg $0xFFFFFFFF  }
0xad: {  	[dreg:$0x0] =	wrdreg $0x60  }
0xae: {  	[dreg:$0x2] =	wrdreg s24  }
0xaf: {  	[dreg:$0x3] =	wrdreg $0x59000  }
0xb0: {  	[dreg:$0x4] =	wrdreg $0x191800  }
0xb1: {  	[dreg:$0x5] =	wrdreg $0x9  }
0xb2: {  	_ =	task.clear_ibuf [dreg:s6], $0x6FFFF;
	_ =	strace $0x9000004C  }
0xb3: {  	s29 =	simm.s32 $0x9;
	_ =	strace $0x8000004E  }
0xb4: {  	_ =	swait.ge [sflag:s29], $0x1  }
0xb5: {  	[sflag:s29] =	ssyncadd.s32 $0xFFFFFFFF  }
0xb6: {  	_ =	strace $0x9000004E  }
0xb7: {  	_ =	sfence  }
0xb8: {  	s30 =	sld [smem:$0x0];
	_ =	sdelay $0x2  }
0xb9: {  	s31 =	sshll.u32 s1, $0xD;
	s1 =	sshrl.u32 s1, $0x2  }
0xba: {  	s3 =	sand.u32 $0x4000, s31;
	s1 =	sadd.s32 s1, s30  }
0xbb: {  	s0 =	sor.u32 s3, s0;
	s1 =	sshll.u32 s1, $0x11  }
0xbc: {  	s0 =	sor.u32 s1, s0  }
0xbd: {  	s0 =	sadd.s32 $0x8F2B, s0  }
0xbe: {  	[sflag:s0] =	ssyncadd.remote.s32 $0x1  }
0xbf: {  	_ =	sfence.sel $0xFFFF  }
0xc0: {  	[dreg:$0x0] =	wrdreg $0xFFFFFFFF;
	(pc) =	sbr.abs _section_cstart, $3  }
0xc1: {  	[dreg:$0x1] =	wrdreg $0xFFFFFFFF  }
0xc2: {  	_ =	task.clear_ibuf [dreg:s6], $0x2FFFF;
	_ =	strace $0x9FFFFFFF  }
0xc3: {  	(tm) =	ssettm $0x7FFFFFFF  }
tec
execute0_lowered:
.L_overlay_start_1:
0x0: {  	(tag) =	ssettag $0x1  }
0x1: {  	s0 =	rddreg [dreg:$0x0]  }
0x2: {  	s1 =	rddreg [dreg:$0x1]  }
0x3: {  	s2 =	rddreg [dreg:$0x2];
	s3 =	simm.s32 $0x0  }
0x4: {  	s10 =	srdreg.scid;
	s6 =	stileid.u32;
	s28 =	simm.s32 $0x80  }
0x5: {  	s29 =	simm.s32 $0x100;
	s30 =	simm.s32 $0x4100;
	s31 =	simm.s32 $0x4900  }
0x6: {  	[smem:$0x7FF] =	sst s3;
	s4 =	sadd.s32 $0x8B800, s0;
	s5 =	sadd.s32 $0x81A00, s0  }
0x7: {  	s7 =	sadd.s32 $0x29600, s0;
	s8 =	sadd.s32 $0x55800, s0;
	s9 =	sadd.s32 $0x50800, s0  }
0x8: {  	s13 =	sand.u32 $0x1, s10;
	s10 =	sadd.s32 $0x95600, s0;
	s14 =	smul.u32 $0x4E000, s6  }
0x9: {  	s11 =	sadd.s32 $0x97E00, s0;
	s16 =	smul.u32 $0x9C00, s6;
	s17 =	sadd.s32 $0x98400, s0  }
0xa: {  	s0 =	sadd.s32 $0x5A800, s0;
	s20 =	smul.u32 $0x13800, s6;
	s26 =	sshll.u32 s6, $0x5  }
0xb: {  	p0 =	seq.s32 s6, $0xF;
	p1 =	sgt.u32 s6, $0x1;
	_ =	strace $0x8000004D  }
0xc: {  	s12 =	ssub.s32 $0x2, s13;
	s21 =	smul.u32 $0x27100, s13;
	s22 =	sshll.u32 s13, $0x4  }
0xd: {  	s15 =	sshrl.u32 s12, $0x1;
	s24 =	sshrl.u32 s14, $0x2;
	s25 =	sshrl.u32 s16, $0x2  }
0xe: {  	s16 =	smul.u32 $0x138800, s13;
	s13 =	sadd.s32 $0x24900, s2;
	s14 =	sor.u32 s22, s26  }
0xf: {  	s15 =	ssub.s32 s12, s15;
	s18 =	sadd.s32 s24, s1;
	s19 =	sadd.s32 s25, s2  }
0x10: {  	s12 =	sadd.s32 $0x124800, s1;
	s24 =	smul.u32 $0x2700, s6;
	s26 =	sor.u32 $0x9C00, s14  }
0x11: {  	s23 =	sadd.s32 s20, s16;
	s16 =	sshrl.u32 s16, $0x3;
	s20 =	sadd.s32 s20, s1  }
0x12: {  	s23 =	sshrl.u32 s23, $0x3;
	s25 =	sadd.s32 s24, s21;
	s21 =	sshrl.u32 s21, $0x3  }
0x13: {  	s22 =	sadd.s32 s17, s23;
	s17 =	sadd.s32 s17, s16;
	s23 =	sshrl.u32 @!p0 s19, $0x3  }
0x14: {  	s19 =	simm.s32 $0x5100;
	[dreg:$0x4] =	wrdreg s22;
	s22 =	sshrl.u32 s25, $0x3  }
0x15: {  	s25 =	sadd.s32 s4, s26;
	s26 =	sadd.s32 s5, s26;
	s17 =	sadd.s32 $0x24900, s17  }
.Ltmp0:
0x16: {  	s16 =	sadd.s32 s0, s22;
	[dreg:$0x5] =	wrdreg s25;
	(pc) =	sbr.rel .LBB2_1-.Ltmp0, $4  }
0x17: {  	s0 =	sadd.s32 s0, s21;
	[dreg:$0x6] =	wrdreg s26;
	s25 =	sadd.s32 s24, s2  }
0x18: {  	[dreg:$0x7] =	wrdreg s17;
	s21 =	smax.u32 s15, $0x1;
	s22 =	sshrl.u32 @!p0 s18, $0x3  }
0x19: {  	s24 =	sshrl.u32 s20, $0x3;
	s26 =	simm.s32 $0x2;
	s0 =	sadd.s32 $0x4920, s0  }
0x1a: {  	s25 =	sshrl.u32 s25, $0x3;
	[dreg:$0x8] =	wrdreg s0;
	s0 =	simm.s32 $0x1  }
.LBB2_11:
0x1b: {  	s15 =	sshrl.u32 s12, $0x3;
	s17 =	rddreg [dreg:$0x7];
	s18 =	simm.s32 $0x1FC2  }
0x1c: {  	[hbm:s17], [sflag:s18] =	dma.local [spmem:s15], $0x2800  }
0x1d: {  	_ =	swait.ge [sflag:s26], $0x2800  }
0x1e: {  	[sflag:s26] =	ssyncset.done $0x0  }
0x1f: {  	s17 =	sshrl.u32 s13, $0x3;
	s20 =	rddreg [dreg:$0x8];
	[sflag:s26] =	ssyncadd.s32 $0xFFFFD800  }
0x20: {  	[hbm:s20], [sflag:s18] =	dma.local [spmem:s17], $0x500  }
0x21: {  	_ =	swait.ge [sflag:s26], $0x500  }
0x22: {  	[sflag:s26] =	ssyncset.done $0x0  }
0x23: {  	[sflag:s26] =	ssyncadd.s32 $0xFFFFFB00  }
.LBB2_12:
0x24: {  	s3 =	sadd.s32 $0x1, s3  }
0x25: {  	p2 =	sne.s32 s3, s21  }
.Ltmp1:
0x26: {  	_ = 	snop;
	(pc) =	sbr.rel @!p2 .LBB2_13-.Ltmp1, $1  }
0x27: {  	_ =	sdelay $0x3  }
.LBB2_1:
0x28: {  	s15 =	sshrl.u32 @p0 s12, $0x3;
	s17 =	simm.s32 @p0 $0x1FC2  }
0x29: {  	[spmem:s15], [sflag:s17] =	dma.local @p0 [hbm:s10], $0x2800  }
0x2a: {  	s15 =	simm.s32 @p0 $0x2  }
0x2b: {  	_ =	swait.ge @p0 [sflag:s15], $0x2800  }
0x2c: {  	[sflag:s15] =	ssyncset.done @p0 $0x0  }
0x2d: {  	s18 =	sshrl.u32 @p0 s13, $0x3;
	[sflag:s15] =	ssyncadd.s32 @p0 $0xFFFFD800  }
0x2e: {  	[spmem:s18], [sflag:s17] =	dma.local @p0 [hbm:s11], $0x500  }
0x2f: {  	_ =	swait.ge @p0 [sflag:s15], $0x500  }
0x30: {  	s17 =	sshll.u32 @!p0 s6, $0x6;
	[sflag:s15] =	ssyncset.done @p0 $0x0  }
0x31: {  	[sflag:s15] =	ssyncadd.s32 @p0 $0xFFFFFB00;
	s15 =	sor.u32 @!p0 $0x1C02, s17;
	s17 =	simm.s32 @!p0 $0x2  }
0x32: {  	[spmem:s22], [sflag:s15] =	dma.local @!p0 [hbm:s10], $0x2700  }
0x33: {  	_ =	swait.ge @!p0 [sflag:s17], $0x2700  }
0x34: {  	[sflag:s17] =	ssyncset.done @!p0 $0x0  }
0x35: {  	[sflag:s17] =	ssyncadd.s32 @!p0 $0xFFFFD900  }
0x36: {  	[spmem:s23], [sflag:s15] =	dma.local @!p0 [hbm:s11], $0x4E0  }
0x37: {  	_ =	swait.ge @!p0 [sflag:s17], $0x4E0  }
0x38: {  	[sflag:s17] =	ssyncset.done @!p0 $0x0  }
0x39: {  	[sflag:s17] =	ssyncadd.s32 @!p0 $0xFFFFFB20  }
0x3a: {  	s20 =	simm.s32 $0x0;
	[bflag:$0x0] =	sbarrier.arrive $0xFFFF  }
.LBB2_2:
0x3b: {  	s15 =	sshll.u32 s20, $0x9  }
0x3c: {  	s15 =	sor.u32 s14, s15  }
0x3d: {  	s18 =	simm.s32 $0x0;
	s17 =	sadd.s32 s4, s15  }
0x3e: {  	[tilespmem:s18], [sflag:$0x2] =	stream.linear.gather [hbm4b:s17+s18], $0x80, $0x38;
	[tilespmem:$0x1B890] =	vst v63  }
0x3f: {  	_ =	swait.ge [sflag:s26], $0x80  }
0x40: {  	[sflag:s26] =	ssyncset.done $0x0  }
0x41: {  	s15 =	sadd.s32 s5, s15;
	[sflag:s26] =	ssyncadd.s32 $0xFFFFFF80  }
0x42: {  	[tilespmem:s28], [sflag:$0x2] =	stream.linear.gather [hbm4b:s15+s18], $0x80, $0x38;
	[tilespmem:$0x1B890] =	vst v63  }
0x43: {  	_ =	swait.ge [sflag:s26], $0x80  }
0x44: {  	[sflag:s26] =	ssyncset.done $0x0  }
0x45: {  	[sflag:s26] =	ssyncadd.s32 $0xFFFFFF80  }
0x46: {  	[tilespmem:s29], [sflag:$0x1] =	stream.indirect.gather [hbm4b:s7+s28], $0x80, s18, s28, $0xb8;
	[tilespmem:$0x1B890] =	vst v63  }
0x47: {  	_ = 	snop  }
0x48: {  	[tilespmem:s30], [sflag:$0x1] =	stream.indirect.gather [hbm4b:s8+s28], $0x10, s18, s28, $0xb8;
	[tilespmem:$0x1B890] =	vst v63  }
0x49: {  	_ = 	snop  }
0x4a: {  	[tilespmem:s31], [sflag:$0x1] =	stream.indirect.gather [hbm4b:s9+s28], $0x10, s28, s28, $0xb8;
	[tilespmem:$0x1B890] =	vst v63  }
0x4b: {  	_ =	swait.ge [sflag:s0], $0x4000  }
0x4c: {  	[sflag:s0] =	ssyncset.done $0x0  }
0x4d: {  	[sflag:s0] =	ssyncadd.s32 $0xFFFFC000  }
0x4e: {  	_ =	swait.ge [sflag:s0], $0x800  }
0x4f: {  	[sflag:s0] =	ssyncset.done $0x0  }
0x50: {  	[sflag:s0] =	ssyncadd.s32 $0xFFFFF800  }
0x51: {  	_ =	swait.ge [sflag:s0], $0x800  }
0x52: {  	[sflag:s0] =	ssyncset.done $0x0  }
0x53: {  	s18 =	simm.s32 $0x0;
	[sflag:s0] =	ssyncadd.s32 $0xFFFFF800  }
0x54: {  	v0 =	vld [tilespmem:s18+$0x4900]  }
0x55: {  	v1 =	vld [tilespmem:s18+$0x4100];
	_ =	sdelay $0x4  }
0x56: {  	v0 =	vadd.f32 v0, v1;
	_ =	sdelay $0x1  }
0x57: {  	v1 =	vmul.f32 $2.000000030e-01, v0  }
0x58: {  	vm0 =	vgt.f32 v0, $0.0e+00  }
0x59: {  	v0 =	vsel vm0, v0, v1  }
0x5a: {  	v0 =	vmul.f32 $1.442695020e+00, v0;
	_ =	sdelay $0x1  }
0x5b: {  	(erf) = vpow2.f32 v0;
	_ =	sdelay $0x8  }
0x5c: {  	v0 =	vpop (erf)  }
0x5d: {  	s17 =	simm.s32 $0x140;
	[tilespmem:s18+$0x5100] =	vst v0  }
0x5e: {  	v1 =	vld [tilespmem:s17+$0x30]  }
0x5f: {  	v2 =	vld [tilespmem:s17+$0x20]  }
0x60: {  	v3 =	vld [tilespmem:s17+$0x10]  }
0x61: {  	v4 =	vbroadcast v0, $0x7;
	v5 =	vld [tilespmem:s17+$0x0]  }
0x62: {  	v6 =	vbroadcast v0, $0x6;
	v7 =	vld [tilespmem:s17+$0xFFFFFFF0]  }
0x63: {  	v8 =	vbroadcast v0, $0x5;
	v9 =	vld [tilespmem:s17+$0xFFFFFFE0];
	v1 =	vmul.f32 v1, v4  }
0x64: {  	v61 =	vbroadcast v0, $0x4;
	v10 =	vld [tilespmem:s17+$0xFFFFFFD0];
	v2 =	vmul.f32 v2, v6  }
0x65: {  	v62 =	vbroadcast v0, $0x3;
	v11 =	vld [tilespmem:s17+$0xFFFFFFC0];
	v3 =	vmul.f32 v3, v8;
	[tilespmem:s17+$0x30] =	vst v1  }
0x66: {  	v4 =	vmul.f32 v5, v61;
	v1 =	vbroadcast v0, $0x2;
	[tilespmem:s17+$0x20] =	vst v2  }
0x67: {  	v63 =	vmul.f32 v7, v62;
	v2 =	vbroadcast v0, $0x1;
	[tilespmem:s17+$0x10] =	vst v3  }
0x68: {  	v0 =	vbroadcast v0, $0x0;
	[tilespmem:s17+$0x0] =	vst v4;
	v1 =	vmul.f32 v1, v9  }
0x69: {  	[tilespmem:s17+$0xFFFFFFF0] =	vst v63;
	v2 =	vmul.f32 v2, v10  }
0x6a: {  	v0 =	vmul.f32 v0, v11;
	[tilespmem:s17+$0xFFFFFFE0] =	vst v1  }
0x6b: {  	[tilespmem:s17+$0xFFFFFFD0] =	vst v2  }
0x6c: {  	s15 =	simm.s32 $0x10;
	[tilespmem:s17+$0xFFFFFFC0] =	vst v0  }
0x6d: {  	s18 =	simm.s32 $0x80;
	v0 =	vld [tilespmem:s15+$0x4900]  }
.LBB2_3:
0x6e: {  	p2 =	sne.s32 s18, $0x1FC0;
	v1 =	vld [tilespmem:s15+$0x4100];
	_ =	sdelay $0x4  }
0x6f: {  	v0 =	vadd.f32 v0, v1;
	_ =	sdelay $0x1  }
0x70: {  	v1 =	vmul.f32 $2.000000030e-01, v0  }
0x71: {  	vm0 =	vgt.f32 v0, $0.0e+00  }
0x72: {  	v0 =	vsel vm0, v0, v1  }
0x73: {  	v0 =	vmul.f32 $1.442695020e+00, v0;
	_ =	sdelay $0x1  }
0x74: {  	(erf) = vpow2.f32 v0;
	_ =	sdelay $0x8  }
0x75: {  	v0 =	vpop (erf)  }
0x76: {  	s17 =	sadd.s32 $0x80, s17;
	[tilespmem:s15+$0x5100] =	vst v0;
	v1 =	vbroadcast v0, $0x6;
	v2 =	vbroadcast v0, $0x7  }
0x77: {  	v3 =	vbroadcast v0, $0x4;
	v4 =	vbroadcast v0, $0x5;
	v5 =	vld [tilespmem:s17+$0x30]  }
0x78: {  	v6 =	vbroadcast v0, $0x2;
	v7 =	vbroadcast v0, $0x3;
	v8 =	vld [tilespmem:s17+$0x20]  }
0x79: {  	v9 =	vbroadcast v0, $0x0;
	v0 =	vbroadcast v0, $0x1;
	v10 =	vld [tilespmem:s17+$0x10]  }
0x7a: {  	v11 =	vld [tilespmem:s17+$0x0]  }
0x7b: {  	v12 =	vld [tilespmem:s17+$0xFFFFFFF0]  }
0x7c: {  	v13 =	vld [tilespmem:s17+$0xFFFFFFE0];
	v2 =	vmul.f32 v5, v2  }
0x7d: {  	v5 =	vld [tilespmem:s17+$0xFFFFFFD0];
	v1 =	vmul.f32 v8, v1  }
0x7e: {  	v8 =	vld [tilespmem:s17+$0xFFFFFFC0];
	v4 =	vmul.f32 v10, v4;
	[tilespmem:s17+$0x30] =	vst v2  }
0x7f: {  	v2 =	vmul.f32 v11, v3;
	[tilespmem:s17+$0x20] =	vst v1  }
0x80: {  	v1 =	vmul.f32 v12, v7;
	[tilespmem:s17+$0x10] =	vst v4  }
0x81: {  	v3 =	vmul.f32 v6, v13;
	[tilespmem:s17+$0x0] =	vst v2  }
.Ltmp2:
0x82: {  	v0 =	vmul.f32 v0, v5;
	[tilespmem:s17+$0xFFFFFFF0] =	vst v1;
	(pc) =	sbr.rel @p2 .LBB2_3-.Ltmp2, $4  }
0x83: {  	v1 =	vmul.f32 v9, v8;
	[tilespmem:s17+$0xFFFFFFE0] =	vst v3  }
0x84: {  	[tilespmem:s17+$0xFFFFFFD0] =	vst v0  }
0x85: {  	s15 =	sshra.s32 s18, $0x2;
	[tilespmem:s17+$0xFFFFFFC0] =	vst v1  }
0x86: {  	s18 =	sadd.s32 $0x40, s18;
	v0 =	vld [tilespmem:s15+$0x4900]  }
0x87: {  	v1 =	vld [tilespmem:s15+$0x4100];
	_ =	sdelay $0x4  }
0x88: {  	v0 =	vadd.f32 v0, v1;
	_ =	sdelay $0x1  }
0x89: {  	v1 =	vmul.f32 $2.000000030e-01, v0  }
0x8a: {  	vm0 =	vgt.f32 v0, $0.0e+00  }
0x8b: {  	v0 =	vsel vm0, v0, v1  }
0x8c: {  	v0 =	vmul.f32 $1.442695020e+00, v0;
	_ =	sdelay $0x1  }
0x8d: {  	(erf) = vpow2.f32 v0;
	_ =	sdelay $0x8  }
0x8e: {  	v0 =	vpop (erf)  }
0x8f: {  	s18 =	sadd.s32 $0x80, s17;
	[tilespmem:s15+$0x5100] =	vst v0  }
0x90: {  	v58 =	vld [tilespmem:s18+$0x30]  }
0x91: {  	v2 =	vld [tilespmem:s18+$0x20]  }
0x92: {  	v3 =	vld [tilespmem:s18+$0x10]  }
0x93: {  	v4 =	vbroadcast v0, $0x7;
	v6 =	vbroadcast v0, $0x6;
	v5 =	vld [tilespmem:s18+$0x0]  }
0x94: {  	v8 =	vbroadcast v0, $0x5;
	v59 =	vbroadcast v0, $0x4;
	v7 =	vld [tilespmem:s18+$0xFFFFFFF0]  }
0x95: {  	v60 =	vbroadcast v0, $0x3;
	v11 =	vld [tilespmem:s18+$0xFFFFFFC0];
	v1 =	vmul.f32 v58, v4  }
0x96: {  	v61 =	vbroadcast v0, $0x2;
	v9 =	vld [tilespmem:s18+$0xFFFFFFE0];
	v2 =	vmul.f32 v2, v6  }
0x97: {  	v62 =	vbroadcast v0, $0x1;
	v10 =	vld [tilespmem:s18+$0xFFFFFFD0];
	v3 =	vmul.f32 v3, v8;
	[tilespmem:s18+$0x30] =	vst v1  }
0x98: {  	v0 =	vbroadcast v0, $0x0;
	v4 =	vmul.f32 v5, v59;
	[tilespmem:s18+$0x20] =	vst v2  }
0x99: {  	v63 =	vmul.f32 v7, v60;
	[tilespmem:s18+$0x10] =	vst v3  }
0x9a: {  	v0 =	vmul.f32 v0, v11;
	[tilespmem:s18+$0x0] =	vst v4  }
0x9b: {  	v1 =	vmul.f32 v61, v9;
	[tilespmem:s18+$0xFFFFFFF0] =	vst v63  }
0x9c: {  	v2 =	vmul.f32 v62, v10;
	[tilespmem:s18+$0xFFFFFFC0] =	vst v0  }
0x9d: {  	[tilespmem:s18+$0xFFFFFFE0] =	vst v1  }
0x9e: {  	[tilespmem:s18+$0xFFFFFFD0] =	vst v2  }
0x9f: {  	[spmem:s1] =	stream.indirect.scatter.add.f32 [tilespmem:s29], [sflag:$0x2], $0x80, s28, s28, $0xb8;
	[tilespmem:$0x1B890] =	vst v63  }
0xa0: {  	s20 =	sadd.s32 $0x1, s20;
	_ =	swait.ge [sflag:s26], $0x4000  }
0xa1: {  	p2 =	sne.s32 s20, $0x4E;
	[sflag:s26] =	ssyncset.done $0x0  }
.Ltmp3:
0xa2: {  	[sflag:s26] =	ssyncadd.s32 $0xFFFFC000;
	(pc) =	sbr.rel @p2 .LBB2_2-.Ltmp3, $4  }
0xa3: {  	[spmem:s2] =	stream.indirect.scatter.add.f32 [tilespmem:s19], [sflag:$0x2], $0x10, s28, s28, $0xb8;
	[tilespmem:$0x1B890] =	vst v63  }
0xa4: {  	_ =	swait.ge [sflag:s26], $0x800  }
0xa5: {  	[sflag:s26] =	ssyncset.done $0x0  }
0xa6: {  	[sflag:s26] =	ssyncadd.s32 $0xFFFFF800  }
.Ltmp4:
0xa7: {  	(pc) =	sbr.rel @p1 .LBB2_9-.Ltmp4, $1  }
0xa8: {  	_ =	sdelay $0x3  }
0xa9: {  	s15 =	simm.s32 $0x0;
	s17 =	rddreg [dreg:$0x5]  }
0xaa: {  	[tilespmem:s15], [sflag:$0x2] =	stream.linear.gather [hbm4b:s17+s15], $0x80, $0x38;
	[tilespmem:$0x1B890] =	vst v63  }
0xab: {  	_ =	swait.ge [sflag:s26], $0x80  }
0xac: {  	[sflag:s26] =	ssyncset.done $0x0  }
0xad: {  	s18 =	rddreg [dreg:$0x6];
	[sflag:s26] =	ssyncadd.s32 $0xFFFFFF80  }
0xae: {  	[tilespmem:s28], [sflag:$0x2] =	stream.linear.gather [hbm4b:s18+s15], $0x80, $0x38;
	[tilespmem:$0x1B890] =	vst v63  }
0xaf: {  	_ =	swait.ge [sflag:s26], $0x80  }
0xb0: {  	[sflag:s26] =	ssyncset.done $0x0  }
0xb1: {  	[sflag:s26] =	ssyncadd.s32 $0xFFFFFF80  }
0xb2: {  	[tilespmem:s29], [sflag:$0x1] =	stream.indirect.gather [hbm4b:s7+s28], $0x80, s15, s28, $0xb8;
	[tilespmem:$0x1B890] =	vst v63  }
0xb3: {  	_ = 	snop  }
0xb4: {  	[tilespmem:s30], [sflag:$0x1] =	stream.indirect.gather [hbm4b:s8+s28], $0x10, s15, s28, $0xb8;
	[tilespmem:$0x1B890] =	vst v63  }
0xb5: {  	_ = 	snop  }
0xb6: {  	[tilespmem:s31], [sflag:$0x1] =	stream.indirect.gather [hbm4b:s9+s28], $0x10, s28, s28, $0xb8;
	[tilespmem:$0x1B890] =	vst v63  }
0xb7: {  	_ =	swait.ge [sflag:s0], $0x4000  }
0xb8: {  	[sflag:s0] =	ssyncset.done $0x0  }
0xb9: {  	[sflag:s0] =	ssyncadd.s32 $0xFFFFC000  }
0xba: {  	_ =	swait.ge [sflag:s0], $0x800  }
0xbb: {  	[sflag:s0] =	ssyncset.done $0x0  }
0xbc: {  	[sflag:s0] =	ssyncadd.s32 $0xFFFFF800  }
0xbd: {  	_ =	swait.ge [sflag:s0], $0x800  }
0xbe: {  	[sflag:s0] =	ssyncset.done $0x0  }
0xbf: {  	s20 =	simm.s32 $0x0;
	[sflag:s0] =	ssyncadd.s32 $0xFFFFF800  }
0xc0: {  	v0 =	vld [tilespmem:s20+$0x4900]  }
0xc1: {  	v1 =	vld [tilespmem:s20+$0x4100];
	_ =	sdelay $0x4  }
0xc2: {  	v0 =	vadd.f32 v0, v1;
	_ =	sdelay $0x1  }
0xc3: {  	v1 =	vmul.f32 $2.000000030e-01, v0  }
0xc4: {  	vm0 =	vgt.f32 v0, $0.0e+00  }
0xc5: {  	v0 =	vsel vm0, v0, v1  }
0xc6: {  	v0 =	vmul.f32 $1.442695020e+00, v0;
	_ =	sdelay $0x1  }
0xc7: {  	(erf) = vpow2.f32 v0;
	_ =	sdelay $0x8  }
0xc8: {  	v0 =	vpop (erf)  }
0xc9: {  	s17 =	simm.s32 $0x140;
	[tilespmem:s20+$0x5100] =	vst v0  }
0xca: {  	v1 =	vld [tilespmem:s17+$0x30]  }
0xcb: {  	v2 =	vld [tilespmem:s17+$0x20]  }
0xcc: {  	v3 =	vld [tilespmem:s17+$0x10]  }
0xcd: {  	v4 =	vbroadcast v0, $0x7;
	v5 =	vld [tilespmem:s17+$0x0]  }
0xce: {  	v6 =	vbroadcast v0, $0x6;
	v7 =	vld [tilespmem:s17+$0xFFFFFFF0]  }
0xcf: {  	v8 =	vbroadcast v0, $0x5;
	v9 =	vld [tilespmem:s17+$0xFFFFFFE0];
	v1 =	vmul.f32 v1, v4  }
0xd0: {  	v61 =	vbroadcast v0, $0x4;
	v10 =	vld [tilespmem:s17+$0xFFFFFFD0];
	v2 =	vmul.f32 v2, v6  }
0xd1: {  	v62 =	vbroadcast v0, $0x3;
	v11 =	vld [tilespmem:s17+$0xFFFFFFC0];
	v3 =	vmul.f32 v3, v8;
	[tilespmem:s17+$0x30] =	vst v1  }
0xd2: {  	v4 =	vmul.f32 v5, v61;
	v1 =	vbroadcast v0, $0x2;
	[tilespmem:s17+$0x20] =	vst v2  }
0xd3: {  	v63 =	vmul.f32 v7, v62;
	v2 =	vbroadcast v0, $0x1;
	[tilespmem:s17+$0x10] =	vst v3  }
0xd4: {  	v0 =	vbroadcast v0, $0x0;
	[tilespmem:s17+$0x0] =	vst v4;
	v1 =	vmul.f32 v1, v9  }
0xd5: {  	[tilespmem:s17+$0xFFFFFFF0] =	vst v63;
	v2 =	vmul.f32 v2, v10  }
0xd6: {  	v0 =	vmul.f32 v0, v11;
	[tilespmem:s17+$0xFFFFFFE0] =	vst v1  }
0xd7: {  	[tilespmem:s17+$0xFFFFFFD0] =	vst v2  }
0xd8: {  	s15 =	simm.s32 $0x10;
	[tilespmem:s17+$0xFFFFFFC0] =	vst v0  }
0xd9: {  	s18 =	simm.s32 $0x80;
	v0 =	vld [tilespmem:s15+$0x4900]  }
.LBB2_7:
0xda: {  	p2 =	sne.s32 s18, $0x1FC0;
	v1 =	vld [tilespmem:s15+$0x4100];
	_ =	sdelay $0x4  }
0xdb: {  	v0 =	vadd.f32 v0, v1;
	_ =	sdelay $0x1  }
0xdc: {  	v1 =	vmul.f32 $2.000000030e-01, v0  }
0xdd: {  	vm0 =	vgt.f32 v0, $0.0e+00  }
0xde: {  	v0 =	vsel vm0, v0, v1  }
0xdf: {  	v0 =	vmul.f32 $1.442695020e+00, v0;
	_ =	sdelay $0x1  }
0xe0: {  	(erf) = vpow2.f32 v0;
	_ =	sdelay $0x8  }
0xe1: {  	v0 =	vpop (erf)  }
0xe2: {  	s17 =	sadd.s32 $0x80, s17;
	[tilespmem:s15+$0x5100] =	vst v0;
	v1 =	vbroadcast v0, $0x6;
	v2 =	vbroadcast v0, $0x7  }
0xe3: {  	v3 =	vbroadcast v0, $0x4;
	v4 =	vbroadcast v0, $0x5;
	v5 =	vld [tilespmem:s17+$0x30]  }
0xe4: {  	v6 =	vbroadcast v0, $0x2;
	v7 =	vbroadcast v0, $0x3;
	v8 =	vld [tilespmem:s17+$0x20]  }
0xe5: {  	v9 =	vbroadcast v0, $0x0;
	v0 =	vbroadcast v0, $0x1;
	v10 =	vld [tilespmem:s17+$0x10]  }
0xe6: {  	v11 =	vld [tilespmem:s17+$0x0]  }
0xe7: {  	v12 =	vld [tilespmem:s17+$0xFFFFFFF0]  }
0xe8: {  	v13 =	vld [tilespmem:s17+$0xFFFFFFE0];
	v2 =	vmul.f32 v5, v2  }
0xe9: {  	v5 =	vld [tilespmem:s17+$0xFFFFFFD0];
	v1 =	vmul.f32 v8, v1  }
0xea: {  	v8 =	vld [tilespmem:s17+$0xFFFFFFC0];
	v4 =	vmul.f32 v10, v4;
	[tilespmem:s17+$0x30] =	vst v2  }
0xeb: {  	v2 =	vmul.f32 v11, v3;
	[tilespmem:s17+$0x20] =	vst v1  }
0xec: {  	v1 =	vmul.f32 v12, v7;
	[tilespmem:s17+$0x10] =	vst v4  }
0xed: {  	v3 =	vmul.f32 v6, v13;
	[tilespmem:s17+$0x0] =	vst v2  }
.Ltmp5:
0xee: {  	v0 =	vmul.f32 v0, v5;
	[tilespmem:s17+$0xFFFFFFF0] =	vst v1;
	(pc) =	sbr.rel @p2 .LBB2_7-.Ltmp5, $4  }
0xef: {  	v1 =	vmul.f32 v9, v8;
	[tilespmem:s17+$0xFFFFFFE0] =	vst v3  }
0xf0: {  	[tilespmem:s17+$0xFFFFFFD0] =	vst v0  }
0xf1: {  	s15 =	sshra.s32 s18, $0x2;
	[tilespmem:s17+$0xFFFFFFC0] =	vst v1  }
0xf2: {  	s18 =	sadd.s32 $0x40, s18;
	v0 =	vld [tilespmem:s15+$0x4900]  }
0xf3: {  	v1 =	vld [tilespmem:s15+$0x4100];
	_ =	sdelay $0x4  }
0xf4: {  	v0 =	vadd.f32 v0, v1;
	_ =	sdelay $0x1  }
0xf5: {  	v1 =	vmul.f32 $2.000000030e-01, v0  }
0xf6: {  	vm0 =	vgt.f32 v0, $0.0e+00  }
0xf7: {  	v0 =	vsel vm0, v0, v1  }
0xf8: {  	v0 =	vmul.f32 $1.442695020e+00, v0;
	_ =	sdelay $0x1  }
0xf9: {  	(erf) = vpow2.f32 v0;
	_ =	sdelay $0x8  }
0xfa: {  	v0 =	vpop (erf)  }
0xfb: {  	s20 =	sadd.s32 $0x80, s17;
	[tilespmem:s15+$0x5100] =	vst v0  }
0xfc: {  	v58 =	vld [tilespmem:s20+$0x30]  }
0xfd: {  	v2 =	vld [tilespmem:s20+$0x20]  }
0xfe: {  	v3 =	vld [tilespmem:s20+$0x10]  }
0xff: {  	v4 =	vbroadcast v0, $0x7;
	v6 =	vbroadcast v0, $0x6;
	v5 =	vld [tilespmem:s20+$0x0]  }
0x100: {  	v8 =	vbroadcast v0, $0x5;
	v59 =	vbroadcast v0, $0x4;
	v7 =	vld [tilespmem:s20+$0xFFFFFFF0]  }
0x101: {  	v60 =	vbroadcast v0, $0x3;
	v11 =	vld [tilespmem:s20+$0xFFFFFFC0];
	v1 =	vmul.f32 v58, v4  }
0x102: {  	v61 =	vbroadcast v0, $0x2;
	v9 =	vld [tilespmem:s20+$0xFFFFFFE0];
	v2 =	vmul.f32 v2, v6  }
0x103: {  	v62 =	vbroadcast v0, $0x1;
	v10 =	vld [tilespmem:s20+$0xFFFFFFD0];
	v3 =	vmul.f32 v3, v8;
	[tilespmem:s20+$0x30] =	vst v1  }
0x104: {  	v0 =	vbroadcast v0, $0x0;
	v4 =	vmul.f32 v5, v59;
	[tilespmem:s20+$0x20] =	vst v2  }
0x105: {  	v63 =	vmul.f32 v7, v60;
	[tilespmem:s20+$0x10] =	vst v3  }
0x106: {  	v0 =	vmul.f32 v0, v11;
	[tilespmem:s20+$0x0] =	vst v4  }
0x107: {  	v1 =	vmul.f32 v61, v9;
	[tilespmem:s20+$0xFFFFFFF0] =	vst v63  }
0x108: {  	v2 =	vmul.f32 v62, v10;
	[tilespmem:s20+$0xFFFFFFC0] =	vst v0  }
0x109: {  	[tilespmem:s20+$0xFFFFFFE0] =	vst v1  }
0x10a: {  	[tilespmem:s20+$0xFFFFFFD0] =	vst v2  }
0x10b: {  	[spmem:s1] =	stream.indirect.scatter.add.f32 [tilespmem:s29], [sflag:$0x2], $0x80, s28, s28, $0xb8;
	[tilespmem:$0x1B890] =	vst v63  }
0x10c: {  	_ =	swait.ge [sflag:s26], $0x4000  }
0x10d: {  	[sflag:s26] =	ssyncset.done $0x0  }
0x10e: {  	[sflag:s26] =	ssyncadd.s32 $0xFFFFC000  }
0x10f: {  	[spmem:s2] =	stream.indirect.scatter.add.f32 [tilespmem:s19], [sflag:$0x2], $0x10, s28, s28, $0xb8;
	[tilespmem:$0x1B890] =	vst v63  }
.Ltmp6:
0x110: {  	_ =	swait.ge [sflag:s26], $0x800;
	(pc) =	sbr.rel .LBB2_10-.Ltmp6, $3  }
0x111: {  	[sflag:s26] =	ssyncset.done $0x0  }
0x112: {  	[sflag:s26] =	ssyncadd.s32 $0xFFFFF800  }
0x113: {  	[bflag:$0x0] =	sbarrier.arrive $0xFFFF;
	_ =	sdelay $0x1  }
.LBB2_9:
.Ltmp7:
0x114: {  	(pc) =	sbr.rel @p0 .LBB2_11-.Ltmp7, $2  }
0x115: {  	_ =	sdelay $0x1  }
0x116: {  	[bflag:$0x0] =	sbarrier.arrive $0xFFFF;
	_ =	sdelay $0x1  }
.LBB2_10:
0x117: {  	s15 =	sshll.u32 s6, $0x6  }
0x118: {  	s17 =	rddreg [dreg:$0x4];
	s15 =	sor.u32 $0x1C02, s15  }
0x119: {  	[hbm:s17], [sflag:s15] =	dma.local [spmem:s24], $0x2700  }
0x11a: {  	_ =	swait.ge [sflag:s26], $0x2700  }
0x11b: {  	[sflag:s26] =	ssyncset.done $0x0  }
.Ltmp8:
0x11c: {  	[sflag:s26] =	ssyncadd.s32 $0xFFFFD900;
	(pc) =	sbr.rel .LBB2_12-.Ltmp8, $4  }
0x11d: {  	[hbm:s16], [sflag:s15] =	dma.local [spmem:s25], $0x4E0  }
0x11e: {  	_ =	swait.ge [sflag:s26], $0x4E0  }
0x11f: {  	[sflag:s26] =	ssyncset.done $0x0  }
0x120: {  	[sflag:s26] =	ssyncadd.s32 $0xFFFFFB20  }
.LBB2_13:
0x121: {  	_ =	sfence.sel $0x180000  }
0x122: {  	[bflag:$0x0] =	sbarrier.arrive $0xFFFF  }
0x123: {  	_ =	strace $0x9000004D  }
0x124: {  	[bflag:$0x2] =	sbarrier.arrive $0xFFFF  }
0x125: {  	p0 =	sne.s32 s6, $0x0;
	s0 =	rddreg [dreg:$0x3]  }
0x126: {  	s0 =	sadd.s32 @!p0 $0x100000, s0  }
0x127: {  	[sflag:s0] =	ssyncadd.tile.s32 @!p0 $0x1;
	_ =	shalt  }
.Lfunc_end2:
_tile_overlayer_lowered:
.L_overlay_start_2:
0x128: {  	(tag) =	ssettag $0x2  }
0x129: {  	s0 =	rddreg [dreg:$0x0];
	s2 =	stileid.u32  }
0x12a: {  	s1 =	rddreg [dreg:$0x1];
	p0 =	sne.s32 s2, $0x0  }
0x12b: {  	s3 =	rddreg [dreg:$0x2];
	[bflag:$0x3] =	sbarrier.arrive $0xFFFF;
	s2 =	simm.s32 @!p0 $0x1C02  }
0x12c: {  	[timem:s3], [sflag:s2] =	dma.local @!p0 [hbm:s0], s1  }
0x12d: {  	s0 =	simm.s32 @!p0 $0x2  }
0x12e: {  	_ =	swait.ge @!p0 [sflag:s0], s1  }
0x12f: {  	s1 =	ssub.s32 @!p0 $0x0, s1;
	[sflag:s0] =	ssyncset.done @!p0 $0x0  }
0x130: {  	[sflag:s0] =	ssyncadd.s32 @!p0 s1  }
0x131: {  	[bflag:$0x3] =	sbarrier.arrive $0xFFFF  }
0x132: {  	_ =	shalt  }

// kernel: run.9.cloned.1.call-start
scs
__scs_entry_jumppad:
0x0: {  	(pc) =	sbr.rel $0x88, $3  }
0x1: {  	(tag) =	ssettag $0x0;
	lr =	simm.s32 $0x1  }
0x2: {  	[smem:$0x3F91] =	sst lr;
	_ =	strace $0xD0000000  }
0x3: {  	_ = 	snop  }
0x4: {  	_ = 	snop  }
0x5: {  	_ = 	snop  }
0x6: {  	_ = 	snop  }
0x7: {  	_ = 	snop  }
__scs_overlays_trampoline_lowered:
0x8: {  	[smem:$0x3FA0] =	sst s0  }
0x9: {  	[smem:$0x3FA1] =	sst s1  }
0xa: {  	[smem:$0x3FA2] =	sst s2  }
0xb: {  	[smem:$0x3FA3] =	sst s3  }
0xc: {  	[smem:$0x3FA4] =	sst s4  }
0xd: {  	[smem:$0x3FA5] =	sst s5  }
0xe: {  	[smem:$0x3FA6] =	sst s6  }
0xf: {  	[smem:$0x3FA7] =	sst s7  }
0x10: {  	[smem:$0x3FA8] =	sst s8  }
0x11: {  	[smem:$0x3FA9] =	sst s9;
	s0 =	simm.s32 @!p0 $0x0  }
0x12: {  	s1 =	sld [smem:$0x3F8F];
	s0 =	simm.s32 @p0 $0x1  }
0x13: {  	[smem:$0x3FAA] =	sst s0;
	s0 =	simm.s32 @!p1 $0x0  }
0x14: {  	s2 =	sld [smem:$0x3F8E];
	s0 =	simm.s32 @p1 $0x1  }
0x15: {  	[smem:$0x3FAB] =	sst s0;
	s0 =	simm.s32 @!p2 $0x0  }
0x16: {  	s3 =	sld [smem:$0x3FDB];
	s0 =	simm.s32 @p2 $0x1  }
0x17: {  	s4 =	simm.s32 $0x1BF5;
	[smem:$0x3FAD] =	sst s0  }
0x18: {  	s0 =	sld [smem:$0x3F90];
	_ =	swait.ge [sflag:s4], $0x0  }
0x19: {  	s7 =	sld [smem:$0x3F91]  }
0x1a: {  	s8 =	sadd.s32 $0xFFFFE003, lr  }
0x1b: {  	s9 =	sadd.s32 $0xFFFFFEF7, lr;
	s5 =	simm.s32 $0xFFFFFFFF;
	p2 =	slt.u32 s8, $0xFFFFF086  }
0x1c: {  	p1 =	slt.u32 s9, $0xF7A;
	s5 =	simm.s32 @!p2 $0x0  }
0x1d: {  	s5 =	simm.s32 @p1 $0x1;
	p0 =	seq.s32 s7, s2  }
0x1e: {  	s7 =	smul.u32 @!p0 $0xF7A, s2;
	p2 =	seq.s32 @!p0 s5, $0x0  }
0x1f: {  	s9 =	smul.u32 $0xF7A, s1;
	s8 =	simm.s32 @!p0 $0x1BF5;
	p2 =	por !p2, p0  }
0x20: {  	[sflag:s8] =	ssyncset.s32 @!p0 $0xFFFFF086;
	s6 =	sadd.s32 @!p0 s3, s7;
	s7 =	simm.s32 @!p0 $0x108  }
0x21: {  	s3 =	sadd.s32 s3, s9;
	s6 =	sadd.s32 @!p0 $0x88, s6;
	s7 =	simm.s32 @p2 $0x1082  }
0x22: {  	[simem:s7], [sflag:s8] =	dma.local @!p0 [hbm:s6], $0xF7A  }
0x23: {  	s9 =	sor.u32 $0xD0000000, s2;
	s6 =	simm.s32 $0x108;
	_ =	swait.ge @!p0 [sflag:s8], $0x0  }
0x24: {  	s3 =	sadd.s32 $0x88, s3;
	s6 =	simm.s32 @!p1 $0x1082;
	[sflag:s4] =	ssyncset.s32 $0xFFFFF086  }
0x25: {  	[simem:s6], [sflag:s4] =	dma.local [hbm:s3], $0xF7A  }
0x26: {  	[smem:$0x3F91] =	sst s1;
	(tag) =	ssettag s2;
	_ =	strace s9  }
0x27: {  	s1 =	sld [smem:$0x3FA1]  }
0x28: {  	s2 =	sld [smem:$0x3FA2]  }
0x29: {  	s4 =	sld [smem:$0x3FA4]  }
0x2a: {  	p0 =	seq.s32 s5, $0x0;
	s5 =	sld [smem:$0x3FA5]  }
0x2b: {  	s6 =	sld [smem:$0x3FA6]  }
0x2c: {  	s7 =	sld [smem:$0x3FA7]  }
0x2d: {  	s3 =	simm.s32 $0x108;
	s8 =	sld [smem:$0x3FA8]  }
0x2e: {  	s3 =	simm.s32 @!p0 $0x1082;
	s9 =	sld [smem:$0x3FA9]  }
0x2f: {  	lr =	sadd.s32 s0, s3;
	s0 =	sld [smem:$0x3FA0]  }
0x30: {  	s3 =	sld [smem:$0x3FA3]  }
0x31: {  	[smem:$0x3FAC] =	sst s10  }
0x32: {  	s10 =	sld [smem:$0x3FAA];
	_ =	sdelay $0x3  }
0x33: {  	p0 =	seq.s32 s10, $0x1;
	s10 =	sld [smem:$0x3FAC];
	_ =	sdelay $0x3  }
0x34: {  	[smem:$0x3FAC] =	sst s10  }
0x35: {  	s10 =	sld [smem:$0x3FAB];
	_ =	sdelay $0x3  }
0x36: {  	p1 =	seq.s32 s10, $0x1;
	s10 =	sld [smem:$0x3FAC];
	_ =	sdelay $0x3  }
0x37: {  	[smem:$0x3FAC] =	sst s10  }
0x38: {  	s10 =	sld [smem:$0x3FAD]  }
0x39: {  	_ = 	snop;
	(pc) =	sbr.ind lr, $3  }
0x3a: {  	_ = 	snop  }
0x3b: {  	_ = 	snop  }
0x3c: {  	p2 =	seq.s32 s10, $0x1;
	s10 =	sld [smem:$0x3FAC]  }
0x3d: {  	_ =	shalt  }
0x3e: {  	_ =	shalt  }
0x3f: {  	_ =	shalt  }
0x40: {  	_ =	shalt  }
0x41: {  	_ =	shalt  }
0x42: {  	_ =	shalt  }
0x43: {  	_ =	shalt  }
0x44: {  	_ =	shalt  }
0x45: {  	_ =	shalt  }
0x46: {  	_ =	shalt  }
0x47: {  	_ =	shalt  }
0x48: {  	_ =	shalt  }
0x49: {  	_ =	shalt  }
0x4a: {  	_ =	shalt  }
0x4b: {  	_ =	shalt  }
0x4c: {  	_ =	shalt  }
0x4d: {  	_ =	shalt  }
0x4e: {  	_ =	shalt  }
0x4f: {  	_ =	shalt  }
0x50: {  	_ =	shalt  }
0x51: {  	_ =	shalt  }
0x52: {  	_ =	shalt  }
0x53: {  	_ =	shalt  }
0x54: {  	_ =	shalt  }
0x55: {  	_ =	shalt  }
0x56: {  	_ =	shalt  }
0x57: {  	_ =	shalt  }
0x58: {  	_ =	shalt  }
0x59: {  	_ =	shalt  }
0x5a: {  	_ =	shalt  }
0x5b: {  	_ =	shalt  }
0x5c: {  	_ =	shalt  }
0x5d: {  	_ =	shalt  }
0x5e: {  	_ =	shalt  }
0x5f: {  	_ =	shalt  }
0x60: {  	_ =	shalt  }
0x61: {  	_ =	shalt  }
0x62: {  	_ =	shalt  }
0x63: {  	_ =	shalt  }
0x64: {  	_ =	shalt  }
0x65: {  	_ =	shalt  }
0x66: {  	_ =	shalt  }
0x67: {  	_ =	shalt  }
0x68: {  	_ =	shalt  }
0x69: {  	_ =	shalt  }
0x6a: {  	_ =	shalt  }
0x6b: {  	_ =	shalt  }
0x6c: {  	_ =	shalt  }
0x6d: {  	_ =	shalt  }
0x6e: {  	_ =	shalt  }
0x6f: {  	_ =	shalt  }
0x70: {  	_ =	shalt  }
0x71: {  	_ =	shalt  }
0x72: {  	_ =	shalt  }
0x73: {  	_ =	shalt  }
0x74: {  	_ =	shalt  }
0x75: {  	_ =	shalt  }
0x76: {  	_ =	shalt  }
0x77: {  	_ =	shalt  }
0x78: {  	_ =	shalt  }
0x79: {  	_ =	shalt  }
0x7a: {  	_ =	shalt  }
0x7b: {  	_ =	shalt  }
0x7c: {  	_ =	shalt  }
0x7d: {  	_ =	shalt  }
0x7e: {  	_ =	shalt  }
0x7f: {  	_ =	shalt  }
0x80: {  	_ =	shalt  }
0x81: {  	_ =	shalt  }
0x82: {  	_ =	shalt  }
0x83: {  	_ =	shalt  }
0x84: {  	_ =	shalt  }
0x85: {  	_ =	shalt  }
0x86: {  	_ =	shalt  }
0x87: {  	_ =	shalt  }
.Lfunc_end0:
.L_simem_size_0:
called_computation_lowered:
.L_overlay_start_0:
0x88: {  	s2 =	sld [smem:$0x3FD9]  }
0x89: {  	s3 =	sld [smem:$0x3FFE];
	_ =	sdelay $0x1  }
0x8a: {  	s1 =	srdreg.scid  }
0x8b: {  	s0 =	sand.u32 $0x1, s1  }
0x8c: {  	s16 =	sshll.u32 s0, $0xA;
	s2 =	sadd.s32 s3, s2  }
0x8d: {  	s2 =	sadd.s32 s2, s16  }
0x8e: {  	[smem:$0x3FB8] =	sst s2  }
0x8f: {  	_ = 	snop  }
0x90: {  	(tm) =	ssettm $0x1  }
0x91: {  	s17 =	sld [smem:$0x3FFB];
	_ =	sdelay $0x3  }
0x92: {  	_ =	strace s17  }
0x93: {  	s2 =	sld [smem:$0x3FFC];
	_ =	sdelay $0x3  }
0x94: {  	_ =	strace s2  }
0x95: {  	s2 =	sld [smem:$0x3FFD];
	_ =	sdelay $0x3  }
0x96: {  	_ =	strace s2  }
0x97: {  	_ =	strace $0x8FFFFFFF  }
0x98: {  	s18 =	sld [smem:$0x3FDB];
	_ =	sdelay $0x1  }
0x99: {  	s19 =	simm.s32 $_scs_section_size  }
0x9a: {  	s4 =	simm.s32 $_size__tile_overlayer_lowered;
	s5 =	simm.s32 $_tile_overlayer_lowered  }
0x9b: {  	s22 =	simm.s32 $0x1BFF;
	s21 =	sshll.u32 s5, $0x1;
	s2 =	sadd.s32 s19, s18  }
0x9c: {  	s6 =	simm.s32 $0x0;
	s20 =	sshll.u32 s4, $0x1;
	s4 =	sadd.s32 s21, s2  }
0x9d: {  	[timem:s6], [sflag:s22] =	dma.local [hbm:s4], s20  }
0x9e: {  	_ =	swait.ge [sflag:s22], s20  }
0x9f: {  	s3 =	ssub.s32 $0x0, s20;
	[sflag:s22] =	ssyncset.done $0x0  }
0xa0: {  	[sflag:s22] =	ssyncadd.s32 s3;
	_ =	sdelay $0x1  }
0xa1: {  	s23 =	simm.s32 $0x1B8B  }
0xa2: {  	_ =	swait.ge [sflag:s23], $0x1  }
0xa3: {  	[sflag:s23] =	ssyncset.done $0x0  }
0xa4: {  	s25 =	simm.s32 $0x1B8E;
	s24 =	sld [smem:$0x3FFE];
	[sflag:s23] =	ssyncadd.s32 $0xFFFFFFFF  }
0xa5: {  	s26 =	simm.s32 $execute0_lowered;
	[smem:$0x3FD2] =	sst s25  }
0xa6: {  	s4 =	sshll.u32 s26, $0x1;
	_ =	strace $0x80000046;
	[dreg:$0x1] =	wrdreg $0xFFFFFFFF  }
0xa7: {  	s28 =	simm.s32 $_size_execute0_lowered;
	s2 =	sadd.s32 s2, s4;
	[dreg:$0x0] =	wrdreg $0x0  }
0xa8: {  	s4 =	sshll.u32 s28, $0x1;
	[dreg:$0x2] =	wrdreg s2  }
0xa9: {  	[dreg:$0x3] =	wrdreg s4  }
0xaa: {  	[dreg:$0x4] =	wrdreg $0xC0  }
0xab: {  	_ =	task [dreg:s6], $0x5FFFF  }
0xac: {  	[dreg:$0x1] =	wrdreg $0xFFFFFFFF  }
0xad: {  	[dreg:$0x0] =	wrdreg $0x60  }
0xae: {  	[dreg:$0x2] =	wrdreg s24  }
0xaf: {  	[dreg:$0x3] =	wrdreg $0x59000  }
0xb0: {  	[dreg:$0x4] =	wrdreg $0x191800  }
0xb1: {  	[dreg:$0x5] =	wrdreg $0x9  }
0xb2: {  	_ =	task.clear_ibuf [dreg:s6], $0x6FFFF;
	_ =	strace $0x90000046  }
0xb3: {  	s29 =	simm.s32 $0x9;
	_ =	strace $0x80000048  }
0xb4: {  	_ =	swait.ge [sflag:s29], $0x1  }
0xb5: {  	[sflag:s29] =	ssyncadd.s32 $0xFFFFFFFF  }
0xb6: {  	_ =	strace $0x90000048  }
0xb7: {  	_ =	sfence  }
0xb8: {  	s30 =	sld [smem:$0x0];
	_ =	sdelay $0x2  }
0xb9: {  	s31 =	sshll.u32 s1, $0xD;
	s1 =	sshrl.u32 s1, $0x2  }
0xba: {  	s3 =	sand.u32 $0x4000, s31;
	s1 =	sadd.s32 s1, s30  }
0xbb: {  	s0 =	sor.u32 s3, s0;
	s1 =	sshll.u32 s1, $0x11  }
0xbc: {  	s0 =	sor.u32 s1, s0  }
0xbd: {  	s0 =	sadd.s32 $0x8F2B, s0  }
0xbe: {  	[sflag:s0] =	ssyncadd.remote.s32 $0x1  }
0xbf: {  	_ =	sfence.sel $0xFFFF  }
0xc0: {  	[dreg:$0x0] =	wrdreg $0xFFFFFFFF;
	(pc) =	sbr.abs _section_cstart, $3  }
0xc1: {  	[dreg:$0x1] =	wrdreg $0xFFFFFFFF  }
0xc2: {  	_ =	task.clear_ibuf [dreg:s6], $0x2FFFF;
	_ =	strace $0x9FFFFFFF  }
0xc3: {  	(tm) =	ssettm $0x7FFFFFFF  }
tec
execute0_lowered:
.L_overlay_start_1:
0x0: {  	(tag) =	ssettag $0x1  }
0x1: {  	s0 =	rddreg [dreg:$0x0]  }
0x2: {  	s1 =	rddreg [dreg:$0x1]  }
0x3: {  	s2 =	rddreg [dreg:$0x2];
	s3 =	simm.s32 $0x0  }
0x4: {  	s10 =	srdreg.scid;
	s6 =	stileid.u32;
	s28 =	simm.s32 $0x80  }
0x5: {  	s29 =	simm.s32 $0x100;
	s30 =	simm.s32 $0x4100;
	s31 =	simm.s32 $0x4900  }
0x6: {  	[smem:$0x7FF] =	sst s3;
	s4 =	sadd.s32 $0x8B800, s0;
	s5 =	sadd.s32 $0x81A00, s0  }
0x7: {  	s7 =	sadd.s32 $0x29600, s0;
	s8 =	sadd.s32 $0x7CA00, s0;
	s9 =	sadd.s32 $0x77A00, s0  }
0x8: {  	s13 =	sand.u32 $0x1, s10;
	s10 =	sadd.s32 $0x95600, s0;
	s14 =	smul.u32 $0x4E000, s6  }
0x9: {  	s11 =	sadd.s32 $0x97E00, s0;
	s16 =	smul.u32 $0x9C00, s6;
	s17 =	sadd.s32 $0xA2200, s0  }
0xa: {  	s0 =	sadd.s32 $0x98400, s0;
	s20 =	smul.u32 $0x13800, s6;
	s26 =	sshll.u32 s6, $0x5  }
0xb: {  	p0 =	seq.s32 s6, $0xF;
	p1 =	sgt.u32 s6, $0x1;
	_ =	strace $0x80000047  }
0xc: {  	s12 =	ssub.s32 $0x2, s13;
	s21 =	smul.u32 $0x27100, s13;
	s22 =	sshll.u32 s13, $0x4  }
0xd: {  	s15 =	sshrl.u32 s12, $0x1;
	s24 =	sshrl.u32 s14, $0x2;
	s25 =	sshrl.u32 s16, $0x2  }
0xe: {  	s16 =	smul.u32 $0x138800, s13;
	s13 =	sadd.s32 $0x24900, s2;
	s14 =	sor.u32 s22, s26  }
0xf: {  	s15 =	ssub.s32 s12, s15;
	s18 =	sadd.s32 s24, s1;
	s19 =	sadd.s32 s25, s2  }
0x10: {  	s12 =	sadd.s32 $0x124800, s1;
	s24 =	smul.u32 $0x2700, s6;
	s26 =	sor.u32 $0x9C00, s14  }
0x11: {  	s23 =	sadd.s32 s20, s16;
	s16 =	sshrl.u32 s16, $0x3;
	s20 =	sadd.s32 s20, s1  }
0x12: {  	s23 =	sshrl.u32 s23, $0x3;
	s25 =	sadd.s32 s24, s21;
	s21 =	sshrl.u32 s21, $0x3  }
0x13: {  	s22 =	sadd.s32 s17, s23;
	s17 =	sadd.s32 s17, s16;
	s23 =	sshrl.u32 @!p0 s19, $0x3  }
0x14: {  	s19 =	simm.s32 $0x5100;
	[dreg:$0x4] =	wrdreg s22;
	s22 =	sshrl.u32 s25, $0x3  }
0x15: {  	s25 =	sadd.s32 s4, s26;
	s26 =	sadd.s32 s5, s26;
	s17 =	sadd.s32 $0x24900, s17  }
.Ltmp0:
0x16: {  	s16 =	sadd.s32 s0, s22;
	[dreg:$0x5] =	wrdreg s25;
	(pc) =	sbr.rel .LBB2_1-.Ltmp0, $4  }
0x17: {  	s0 =	sadd.s32 s0, s21;
	[dreg:$0x6] =	wrdreg s26;
	s25 =	sadd.s32 s24, s2  }
0x18: {  	[dreg:$0x7] =	wrdreg s17;
	s21 =	smax.u32 s15, $0x1;
	s22 =	sshrl.u32 @!p0 s18, $0x3  }
0x19: {  	s24 =	sshrl.u32 s20, $0x3;
	s26 =	simm.s32 $0x2;
	s0 =	sadd.s32 $0x4920, s0  }
0x1a: {  	s25 =	sshrl.u32 s25, $0x3;
	[dreg:$0x8] =	wrdreg s0;
	s0 =	simm.s32 $0x1  }
.LBB2_11:
0x1b: {  	s15 =	sshrl.u32 s12, $0x3;
	s17 =	rddreg [dreg:$0x7];
	s18 =	simm.s32 $0x1FC2  }
0x1c: {  	[hbm:s17], [sflag:s18] =	dma.local [spmem:s15], $0x2800  }
0x1d: {  	_ =	swait.ge [sflag:s26], $0x2800  }
0x1e: {  	[sflag:s26] =	ssyncset.done $0x0  }
0x1f: {  	s17 =	sshrl.u32 s13, $0x3;
	s20 =	rddreg [dreg:$0x8];
	[sflag:s26] =	ssyncadd.s32 $0xFFFFD800  }
0x20: {  	[hbm:s20], [sflag:s18] =	dma.local [spmem:s17], $0x500  }
0x21: {  	_ =	swait.ge [sflag:s26], $0x500  }
0x22: {  	[sflag:s26] =	ssyncset.done $0x0  }
0x23: {  	[sflag:s26] =	ssyncadd.s32 $0xFFFFFB00  }
.LBB2_12:
0x24: {  	s3 =	sadd.s32 $0x1, s3  }
0x25: {  	p2 =	sne.s32 s3, s21  }
.Ltmp1:
0x26: {  	_ = 	snop;
	(pc) =	sbr.rel @!p2 .LBB2_13-.Ltmp1, $1  }
0x27: {  	_ =	sdelay $0x3  }
.LBB2_1:
0x28: {  	s15 =	sshrl.u32 @p0 s12, $0x3;
	s17 =	simm.s32 @p0 $0x1FC2  }
0x29: {  	[spmem:s15], [sflag:s17] =	dma.local @p0 [hbm:s10], $0x2800  }
0x2a: {  	s15 =	simm.s32 @p0 $0x2  }
0x2b: {  	_ =	swait.ge @p0 [sflag:s15], $0x2800  }
0x2c: {  	[sflag:s15] =	ssyncset.done @p0 $0x0  }
0x2d: {  	s18 =	sshrl.u32 @p0 s13, $0x3;
	[sflag:s15] =	ssyncadd.s32 @p0 $0xFFFFD800  }
0x2e: {  	[spmem:s18], [sflag:s17] =	dma.local @p0 [hbm:s11], $0x500  }
0x2f: {  	_ =	swait.ge @p0 [sflag:s15], $0x500  }
0x30: {  	s17 =	sshll.u32 @!p0 s6, $0x6;
	[sflag:s15] =	ssyncset.done @p0 $0x0  }
0x31: {  	[sflag:s15] =	ssyncadd.s32 @p0 $0xFFFFFB00;
	s15 =	sor.u32 @!p0 $0x1C02, s17;
	s17 =	simm.s32 @!p0 $0x2  }
0x32: {  	[spmem:s22], [sflag:s15] =	dma.local @!p0 [hbm:s10], $0x2700  }
0x33: {  	_ =	swait.ge @!p0 [sflag:s17], $0x2700  }
0x34: {  	[sflag:s17] =	ssyncset.done @!p0 $0x0  }
0x35: {  	[sflag:s17] =	ssyncadd.s32 @!p0 $0xFFFFD900  }
0x36: {  	[spmem:s23], [sflag:s15] =	dma.local @!p0 [hbm:s11], $0x4E0  }
0x37: {  	_ =	swait.ge @!p0 [sflag:s17], $0x4E0  }
0x38: {  	[sflag:s17] =	ssyncset.done @!p0 $0x0  }
0x39: {  	[sflag:s17] =	ssyncadd.s32 @!p0 $0xFFFFFB20  }
0x3a: {  	s20 =	simm.s32 $0x0;
	[bflag:$0x0] =	sbarrier.arrive $0xFFFF  }
.LBB2_2:
0x3b: {  	s15 =	sshll.u32 s20, $0x9  }
0x3c: {  	s15 =	sor.u32 s14, s15  }
0x3d: {  	s18 =	simm.s32 $0x0;
	s17 =	sadd.s32 s4, s15  }
0x3e: {  	[tilespmem:s18], [sflag:$0x2] =	stream.linear.gather [hbm4b:s17+s18], $0x80, $0x38;
	[tilespmem:$0x1B890] =	vst v63  }
0x3f: {  	_ =	swait.ge [sflag:s26], $0x80  }
0x40: {  	[sflag:s26] =	ssyncset.done $0x0  }
0x41: {  	s15 =	sadd.s32 s5, s15;
	[sflag:s26] =	ssyncadd.s32 $0xFFFFFF80  }
0x42: {  	[tilespmem:s28], [sflag:$0x2] =	stream.linear.gather [hbm4b:s15+s18], $0x80, $0x38;
	[tilespmem:$0x1B890] =	vst v63  }
0x43: {  	_ =	swait.ge [sflag:s26], $0x80  }
0x44: {  	[sflag:s26] =	ssyncset.done $0x0  }
0x45: {  	[sflag:s26] =	ssyncadd.s32 $0xFFFFFF80  }
0x46: {  	[tilespmem:s29], [sflag:$0x1] =	stream.indirect.gather [hbm4b:s7+s28], $0x80, s18, s28, $0xb8;
	[tilespmem:$0x1B890] =	vst v63  }
0x47: {  	_ = 	snop  }
0x48: {  	[tilespmem:s30], [sflag:$0x1] =	stream.indirect.gather [hbm4b:s8+s28], $0x10, s18, s28, $0xb8;
	[tilespmem:$0x1B890] =	vst v63  }
0x49: {  	_ = 	snop  }
0x4a: {  	[tilespmem:s31], [sflag:$0x1] =	stream.indirect.gather [hbm4b:s9+s28], $0x10, s28, s28, $0xb8;
	[tilespmem:$0x1B890] =	vst v63  }
0x4b: {  	_ =	swait.ge [sflag:s0], $0x4000  }
0x4c: {  	[sflag:s0] =	ssyncset.done $0x0  }
0x4d: {  	[sflag:s0] =	ssyncadd.s32 $0xFFFFC000  }
0x4e: {  	_ =	swait.ge [sflag:s0], $0x800  }
0x4f: {  	[sflag:s0] =	ssyncset.done $0x0  }
0x50: {  	[sflag:s0] =	ssyncadd.s32 $0xFFFFF800  }
0x51: {  	_ =	swait.ge [sflag:s0], $0x800  }
0x52: {  	[sflag:s0] =	ssyncset.done $0x0  }
0x53: {  	s18 =	simm.s32 $0x0;
	[sflag:s0] =	ssyncadd.s32 $0xFFFFF800  }
0x54: {  	v0 =	vld [tilespmem:s18+$0x4900]  }
0x55: {  	v1 =	vld [tilespmem:s18+$0x4100];
	_ =	sdelay $0x4  }
0x56: {  	v0 =	vadd.f32 v0, v1;
	_ =	sdelay $0x1  }
0x57: {  	v1 =	vmul.f32 $2.000000030e-01, v0  }
0x58: {  	vm0 =	vgt.f32 v0, $0.0e+00  }
0x59: {  	v0 =	vsel vm0, v0, v1  }
0x5a: {  	v0 =	vmul.f32 $1.442695020e+00, v0;
	_ =	sdelay $0x1  }
0x5b: {  	(erf) = vpow2.f32 v0;
	_ =	sdelay $0x8  }
0x5c: {  	v0 =	vpop (erf)  }
0x5d: {  	s17 =	simm.s32 $0x140;
	[tilespmem:s18+$0x5100] =	vst v0  }
0x5e: {  	v1 =	vld [tilespmem:s17+$0x30]  }
0x5f: {  	v2 =	vld [tilespmem:s17+$0x20]  }
0x60: {  	v3 =	vld [tilespmem:s17+$0x10]  }
0x61: {  	v4 =	vbroadcast v0, $0x7;
	v5 =	vld [tilespmem:s17+$0x0]  }
0x62: {  	v6 =	vbroadcast v0, $0x6;
	v7 =	vld [tilespmem:s17+$0xFFFFFFF0]  }
0x63: {  	v8 =	vbroadcast v0, $0x5;
	v9 =	vld [tilespmem:s17+$0xFFFFFFE0];
	v1 =	vmul.f32 v1, v4  }
0x64: {  	v61 =	vbroadcast v0, $0x4;
	v10 =	vld [tilespmem:s17+$0xFFFFFFD0];
	v2 =	vmul.f32 v2, v6  }
0x65: {  	v62 =	vbroadcast v0, $0x3;
	v11 =	vld [tilespmem:s17+$0xFFFFFFC0];
	v3 =	vmul.f32 v3, v8;
	[tilespmem:s17+$0x30] =	vst v1  }
0x66: {  	v4 =	vmul.f32 v5, v61;
	v1 =	vbroadcast v0, $0x2;
	[tilespmem:s17+$0x20] =	vst v2  }
0x67: {  	v63 =	vmul.f32 v7, v62;
	v2 =	vbroadcast v0, $0x1;
	[tilespmem:s17+$0x10] =	vst v3  }
0x68: {  	v0 =	vbroadcast v0, $0x0;
	[tilespmem:s17+$0x0] =	vst v4;
	v1 =	vmul.f32 v1, v9  }
0x69: {  	[tilespmem:s17+$0xFFFFFFF0] =	vst v63;
	v2 =	vmul.f32 v2, v10  }
0x6a: {  	v0 =	vmul.f32 v0, v11;
	[tilespmem:s17+$0xFFFFFFE0] =	vst v1  }
0x6b: {  	[tilespmem:s17+$0xFFFFFFD0] =	vst v2  }
0x6c: {  	s15 =	simm.s32 $0x10;
	[tilespmem:s17+$0xFFFFFFC0] =	vst v0  }
0x6d: {  	s18 =	simm.s32 $0x80;
	v0 =	vld [tilespmem:s15+$0x4900]  }
.LBB2_3:
0x6e: {  	p2 =	sne.s32 s18, $0x1FC0;
	v1 =	vld [tilespmem:s15+$0x4100];
	_ =	sdelay $0x4  }
0x6f: {  	v0 =	vadd.f32 v0, v1;
	_ =	sdelay $0x1  }
0x70: {  	v1 =	vmul.f32 $2.000000030e-01, v0  }
0x71: {  	vm0 =	vgt.f32 v0, $0.0e+00  }
0x72: {  	v0 =	vsel vm0, v0, v1  }
0x73: {  	v0 =	vmul.f32 $1.442695020e+00, v0;
	_ =	sdelay $0x1  }
0x74: {  	(erf) = vpow2.f32 v0;
	_ =	sdelay $0x8  }
0x75: {  	v0 =	vpop (erf)  }
0x76: {  	s17 =	sadd.s32 $0x80, s17;
	[tilespmem:s15+$0x5100] =	vst v0;
	v1 =	vbroadcast v0, $0x6;
	v2 =	vbroadcast v0, $0x7  }
0x77: {  	v3 =	vbroadcast v0, $0x4;
	v4 =	vbroadcast v0, $0x5;
	v5 =	vld [tilespmem:s17+$0x30]  }
0x78: {  	v6 =	vbroadcast v0, $0x2;
	v7 =	vbroadcast v0, $0x3;
	v8 =	vld [tilespmem:s17+$0x20]  }
0x79: {  	v9 =	vbroadcast v0, $0x0;
	v0 =	vbroadcast v0, $0x1;
	v10 =	vld [tilespmem:s17+$0x10]  }
0x7a: {  	v11 =	vld [tilespmem:s17+$0x0]  }
0x7b: {  	v12 =	vld [tilespmem:s17+$0xFFFFFFF0]  }
0x7c: {  	v13 =	vld [tilespmem:s17+$0xFFFFFFE0];
	v2 =	vmul.f32 v5, v2  }
0x7d: {  	v5 =	vld [tilespmem:s17+$0xFFFFFFD0];
	v1 =	vmul.f32 v8, v1  }
0x7e: {  	v8 =	vld [tilespmem:s17+$0xFFFFFFC0];
	v4 =	vmul.f32 v10, v4;
	[tilespmem:s17+$0x30] =	vst v2  }
0x7f: {  	v2 =	vmul.f32 v11, v3;
	[tilespmem:s17+$0x20] =	vst v1  }
0x80: {  	v1 =	vmul.f32 v12, v7;
	[tilespmem:s17+$0x10] =	vst v4  }
0x81: {  	v3 =	vmul.f32 v6, v13;
	[tilespmem:s17+$0x0] =	vst v2  }
.Ltmp2:
0x82: {  	v0 =	vmul.f32 v0, v5;
	[tilespmem:s17+$0xFFFFFFF0] =	vst v1;
	(pc) =	sbr.rel @p2 .LBB2_3-.Ltmp2, $4  }
0x83: {  	v1 =	vmul.f32 v9, v8;
	[tilespmem:s17+$0xFFFFFFE0] =	vst v3  }
0x84: {  	[tilespmem:s17+$0xFFFFFFD0] =	vst v0  }
0x85: {  	s15 =	sshra.s32 s18, $0x2;
	[tilespmem:s17+$0xFFFFFFC0] =	vst v1  }
0x86: {  	s18 =	sadd.s32 $0x40, s18;
	v0 =	vld [tilespmem:s15+$0x4900]  }
0x87: {  	v1 =	vld [tilespmem:s15+$0x4100];
	_ =	sdelay $0x4  }
0x88: {  	v0 =	vadd.f32 v0, v1;
	_ =	sdelay $0x1  }
0x89: {  	v1 =	vmul.f32 $2.000000030e-01, v0  }
0x8a: {  	vm0 =	vgt.f32 v0, $0.0e+00  }
0x8b: {  	v0 =	vsel vm0, v0, v1  }
0x8c: {  	v0 =	vmul.f32 $1.442695020e+00, v0;
	_ =	sdelay $0x1  }
0x8d: {  	(erf) = vpow2.f32 v0;
	_ =	sdelay $0x8  }
0x8e: {  	v0 =	vpop (erf)  }
0x8f: {  	s18 =	sadd.s32 $0x80, s17;
	[tilespmem:s15+$0x5100] =	vst v0  }
0x90: {  	v58 =	vld [tilespmem:s18+$0x30]  }
0x91: {  	v2 =	vld [tilespmem:s18+$0x20]  }
0x92: {  	v3 =	vld [tilespmem:s18+$0x10]  }
0x93: {  	v4 =	vbroadcast v0, $0x7;
	v6 =	vbroadcast v0, $0x6;
	v5 =	vld [tilespmem:s18+$0x0]  }
0x94: {  	v8 =	vbroadcast v0, $0x5;
	v59 =	vbroadcast v0, $0x4;
	v7 =	vld [tilespmem:s18+$0xFFFFFFF0]  }
0x95: {  	v60 =	vbroadcast v0, $0x3;
	v11 =	vld [tilespmem:s18+$0xFFFFFFC0];
	v1 =	vmul.f32 v58, v4  }
0x96: {  	v61 =	vbroadcast v0, $0x2;
	v9 =	vld [tilespmem:s18+$0xFFFFFFE0];
	v2 =	vmul.f32 v2, v6  }
0x97: {  	v62 =	vbroadcast v0, $0x1;
	v10 =	vld [tilespmem:s18+$0xFFFFFFD0];
	v3 =	vmul.f32 v3, v8;
	[tilespmem:s18+$0x30] =	vst v1  }
0x98: {  	v0 =	vbroadcast v0, $0x0;
	v4 =	vmul.f32 v5, v59;
	[tilespmem:s18+$0x20] =	vst v2  }
0x99: {  	v63 =	vmul.f32 v7, v60;
	[tilespmem:s18+$0x10] =	vst v3  }
0x9a: {  	v0 =	vmul.f32 v0, v11;
	[tilespmem:s18+$0x0] =	vst v4  }
0x9b: {  	v1 =	vmul.f32 v61, v9;
	[tilespmem:s18+$0xFFFFFFF0] =	vst v63  }
0x9c: {  	v2 =	vmul.f32 v62, v10;
	[tilespmem:s18+$0xFFFFFFC0] =	vst v0  }
0x9d: {  	[tilespmem:s18+$0xFFFFFFE0] =	vst v1  }
0x9e: {  	[tilespmem:s18+$0xFFFFFFD0] =	vst v2  }
0x9f: {  	[spmem:s1] =	stream.indirect.scatter.add.f32 [tilespmem:s29], [sflag:$0x2], $0x80, s28, s28, $0xb8;
	[tilespmem:$0x1B890] =	vst v63  }
0xa0: {  	s20 =	sadd.s32 $0x1, s20;
	_ =	swait.ge [sflag:s26], $0x4000  }
0xa1: {  	p2 =	sne.s32 s20, $0x4E;
	[sflag:s26] =	ssyncset.done $0x0  }
.Ltmp3:
0xa2: {  	[sflag:s26] =	ssyncadd.s32 $0xFFFFC000;
	(pc) =	sbr.rel @p2 .LBB2_2-.Ltmp3, $4  }
0xa3: {  	[spmem:s2] =	stream.indirect.scatter.add.f32 [tilespmem:s19], [sflag:$0x2], $0x10, s28, s28, $0xb8;
	[tilespmem:$0x1B890] =	vst v63  }
0xa4: {  	_ =	swait.ge [sflag:s26], $0x800  }
0xa5: {  	[sflag:s26] =	ssyncset.done $0x0  }
0xa6: {  	[sflag:s26] =	ssyncadd.s32 $0xFFFFF800  }
.Ltmp4:
0xa7: {  	(pc) =	sbr.rel @p1 .LBB2_9-.Ltmp4, $1  }
0xa8: {  	_ =	sdelay $0x3  }
0xa9: {  	s15 =	simm.s32 $0x0;
	s17 =	rddreg [dreg:$0x5]  }
0xaa: {  	[tilespmem:s15], [sflag:$0x2] =	stream.linear.gather [hbm4b:s17+s15], $0x80, $0x38;
	[tilespmem:$0x1B890] =	vst v63  }
0xab: {  	_ =	swait.ge [sflag:s26], $0x80  }
0xac: {  	[sflag:s26] =	ssyncset.done $0x0  }
0xad: {  	s18 =	rddreg [dreg:$0x6];
	[sflag:s26] =	ssyncadd.s32 $0xFFFFFF80  }
0xae: {  	[tilespmem:s28], [sflag:$0x2] =	stream.linear.gather [hbm4b:s18+s15], $0x80, $0x38;
	[tilespmem:$0x1B890] =	vst v63  }
0xaf: {  	_ =	swait.ge [sflag:s26], $0x80  }
0xb0: {  	[sflag:s26] =	ssyncset.done $0x0  }
0xb1: {  	[sflag:s26] =	ssyncadd.s32 $0xFFFFFF80  }
0xb2: {  	[tilespmem:s29], [sflag:$0x1] =	stream.indirect.gather [hbm4b:s7+s28], $0x80, s15, s28, $0xb8;
	[tilespmem:$0x1B890] =	vst v63  }
0xb3: {  	_ = 	snop  }
0xb4: {  	[tilespmem:s30], [sflag:$0x1] =	stream.indirect.gather [hbm4b:s8+s28], $0x10, s15, s28, $0xb8;
	[tilespmem:$0x1B890] =	vst v63  }
0xb5: {  	_ = 	snop  }
0xb6: {  	[tilespmem:s31], [sflag:$0x1] =	stream.indirect.gather [hbm4b:s9+s28], $0x10, s28, s28, $0xb8;
	[tilespmem:$0x1B890] =	vst v63  }
0xb7: {  	_ =	swait.ge [sflag:s0], $0x4000  }
0xb8: {  	[sflag:s0] =	ssyncset.done $0x0  }
0xb9: {  	[sflag:s0] =	ssyncadd.s32 $0xFFFFC000  }
0xba: {  	_ =	swait.ge [sflag:s0], $0x800  }
0xbb: {  	[sflag:s0] =	ssyncset.done $0x0  }
0xbc: {  	[sflag:s0] =	ssyncadd.s32 $0xFFFFF800  }
0xbd: {  	_ =	swait.ge [sflag:s0], $0x800  }
0xbe: {  	[sflag:s0] =	ssyncset.done $0x0  }
0xbf: {  	s20 =	simm.s32 $0x0;
	[sflag:s0] =	ssyncadd.s32 $0xFFFFF800  }
0xc0: {  	v0 =	vld [tilespmem:s20+$0x4900]  }
0xc1: {  	v1 =	vld [tilespmem:s20+$0x4100];
	_ =	sdelay $0x4  }
0xc2: {  	v0 =	vadd.f32 v0, v1;
	_ =	sdelay $0x1  }
0xc3: {  	v1 =	vmul.f32 $2.000000030e-01, v0  }
0xc4: {  	vm0 =	vgt.f32 v0, $0.0e+00  }
0xc5: {  	v0 =	vsel vm0, v0, v1  }
0xc6: {  	v0 =	vmul.f32 $1.442695020e+00, v0;
	_ =	sdelay $0x1  }
0xc7: {  	(erf) = vpow2.f32 v0;
	_ =	sdelay $0x8  }
0xc8: {  	v0 =	vpop (erf)  }
0xc9: {  	s17 =	simm.s32 $0x140;
	[tilespmem:s20+$0x5100] =	vst v0  }
0xca: {  	v1 =	vld [tilespmem:s17+$0x30]  }
0xcb: {  	v2 =	vld [tilespmem:s17+$0x20]  }
0xcc: {  	v3 =	vld [tilespmem:s17+$0x10]  }
0xcd: {  	v4 =	vbroadcast v0, $0x7;
	v5 =	vld [tilespmem:s17+$0x0]  }
0xce: {  	v6 =	vbroadcast v0, $0x6;
	v7 =	vld [tilespmem:s17+$0xFFFFFFF0]  }
0xcf: {  	v8 =	vbroadcast v0, $0x5;
	v9 =	vld [tilespmem:s17+$0xFFFFFFE0];
	v1 =	vmul.f32 v1, v4  }
0xd0: {  	v61 =	vbroadcast v0, $0x4;
	v10 =	vld [tilespmem:s17+$0xFFFFFFD0];
	v2 =	vmul.f32 v2, v6  }
0xd1: {  	v62 =	vbroadcast v0, $0x3;
	v11 =	vld [tilespmem:s17+$0xFFFFFFC0];
	v3 =	vmul.f32 v3, v8;
	[tilespmem:s17+$0x30] =	vst v1  }
0xd2: {  	v4 =	vmul.f32 v5, v61;
	v1 =	vbroadcast v0, $0x2;
	[tilespmem:s17+$0x20] =	vst v2  }
0xd3: {  	v63 =	vmul.f32 v7, v62;
	v2 =	vbroadcast v0, $0x1;
	[tilespmem:s17+$0x10] =	vst v3  }
0xd4: {  	v0 =	vbroadcast v0, $0x0;
	[tilespmem:s17+$0x0] =	vst v4;
	v1 =	vmul.f32 v1, v9  }
0xd5: {  	[tilespmem:s17+$0xFFFFFFF0] =	vst v63;
	v2 =	vmul.f32 v2, v10  }
0xd6: {  	v0 =	vmul.f32 v0, v11;
	[tilespmem:s17+$0xFFFFFFE0] =	vst v1  }
0xd7: {  	[tilespmem:s17+$0xFFFFFFD0] =	vst v2  }
0xd8: {  	s15 =	simm.s32 $0x10;
	[tilespmem:s17+$0xFFFFFFC0] =	vst v0  }
0xd9: {  	s18 =	simm.s32 $0x80;
	v0 =	vld [tilespmem:s15+$0x4900]  }
.LBB2_7:
0xda: {  	p2 =	sne.s32 s18, $0x1FC0;
	v1 =	vld [tilespmem:s15+$0x4100];
	_ =	sdelay $0x4  }
0xdb: {  	v0 =	vadd.f32 v0, v1;
	_ =	sdelay $0x1  }
0xdc: {  	v1 =	vmul.f32 $2.000000030e-01, v0  }
0xdd: {  	vm0 =	vgt.f32 v0, $0.0e+00  }
0xde: {  	v0 =	vsel vm0, v0, v1  }
0xdf: {  	v0 =	vmul.f32 $1.442695020e+00, v0;
	_ =	sdelay $0x1  }
0xe0: {  	(erf) = vpow2.f32 v0;
	_ =	sdelay $0x8  }
0xe1: {  	v0 =	vpop (erf)  }
0xe2: {  	s17 =	sadd.s32 $0x80, s17;
	[tilespmem:s15+$0x5100] =	vst v0;
	v1 =	vbroadcast v0, $0x6;
	v2 =	vbroadcast v0, $0x7  }
0xe3: {  	v3 =	vbroadcast v0, $0x4;
	v4 =	vbroadcast v0, $0x5;
	v5 =	vld [tilespmem:s17+$0x30]  }
0xe4: {  	v6 =	vbroadcast v0, $0x2;
	v7 =	vbroadcast v0, $0x3;
	v8 =	vld [tilespmem:s17+$0x20]  }
0xe5: {  	v9 =	vbroadcast v0, $0x0;
	v0 =	vbroadcast v0, $0x1;
	v10 =	vld [tilespmem:s17+$0x10]  }
0xe6: {  	v11 =	vld [tilespmem:s17+$0x0]  }
0xe7: {  	v12 =	vld [tilespmem:s17+$0xFFFFFFF0]  }
0xe8: {  	v13 =	vld [tilespmem:s17+$0xFFFFFFE0];
	v2 =	vmul.f32 v5, v2  }
0xe9: {  	v5 =	vld [tilespmem:s17+$0xFFFFFFD0];
	v1 =	vmul.f32 v8, v1  }
0xea: {  	v8 =	vld [tilespmem:s17+$0xFFFFFFC0];
	v4 =	vmul.f32 v10, v4;
	[tilespmem:s17+$0x30] =	vst v2  }
0xeb: {  	v2 =	vmul.f32 v11, v3;
	[tilespmem:s17+$0x20] =	vst v1  }
0xec: {  	v1 =	vmul.f32 v12, v7;
	[tilespmem:s17+$0x10] =	vst v4  }
0xed: {  	v3 =	vmul.f32 v6, v13;
	[tilespmem:s17+$0x0] =	vst v2  }
.Ltmp5:
0xee: {  	v0 =	vmul.f32 v0, v5;
	[tilespmem:s17+$0xFFFFFFF0] =	vst v1;
	(pc) =	sbr.rel @p2 .LBB2_7-.Ltmp5, $4  }
0xef: {  	v1 =	vmul.f32 v9, v8;
	[tilespmem:s17+$0xFFFFFFE0] =	vst v3  }
0xf0: {  	[tilespmem:s17+$0xFFFFFFD0] =	vst v0  }
0xf1: {  	s15 =	sshra.s32 s18, $0x2;
	[tilespmem:s17+$0xFFFFFFC0] =	vst v1  }
0xf2: {  	s18 =	sadd.s32 $0x40, s18;
	v0 =	vld [tilespmem:s15+$0x4900]  }
0xf3: {  	v1 =	vld [tilespmem:s15+$0x4100];
	_ =	sdelay $0x4  }
0xf4: {  	v0 =	vadd.f32 v0, v1;
	_ =	sdelay $0x1  }
0xf5: {  	v1 =	vmul.f32 $2.000000030e-01, v0  }
0xf6: {  	vm0 =	vgt.f32 v0, $0.0e+00  }
0xf7: {  	v0 =	vsel vm0, v0, v1  }
0xf8: {  	v0 =	vmul.f32 $1.442695020e+00, v0;
	_ =	sdelay $0x1  }
0xf9: {  	(erf) = vpow2.f32 v0;
	_ =	sdelay $0x8  }
0xfa: {  	v0 =	vpop (erf)  }
0xfb: {  	s20 =	sadd.s32 $0x80, s17;
	[tilespmem:s15+$0x5100] =	vst v0  }
0xfc: {  	v58 =	vld [tilespmem:s20+$0x30]  }
0xfd: {  	v2 =	vld [tilespmem:s20+$0x20]  }
0xfe: {  	v3 =	vld [tilespmem:s20+$0x10]  }
0xff: {  	v4 =	vbroadcast v0, $0x7;
	v6 =	vbroadcast v0, $0x6;
	v5 =	vld [tilespmem:s20+$0x0]  }
0x100: {  	v8 =	vbroadcast v0, $0x5;
	v59 =	vbroadcast v0, $0x4;
	v7 =	vld [tilespmem:s20+$0xFFFFFFF0]  }
0x101: {  	v60 =	vbroadcast v0, $0x3;
	v11 =	vld [tilespmem:s20+$0xFFFFFFC0];
	v1 =	vmul.f32 v58, v4  }
0x102: {  	v61 =	vbroadcast v0, $0x2;
	v9 =	vld [tilespmem:s20+$0xFFFFFFE0];
	v2 =	vmul.f32 v2, v6  }
0x103: {  	v62 =	vbroadcast v0, $0x1;
	v10 =	vld [tilespmem:s20+$0xFFFFFFD0];
	v3 =	vmul.f32 v3, v8;
	[tilespmem:s20+$0x30] =	vst v1  }
0x104: {  	v0 =	vbroadcast v0, $0x0;
	v4 =	vmul.f32 v5, v59;
	[tilespmem:s20+$0x20] =	vst v2  }
0x105: {  	v63 =	vmul.f32 v7, v60;
	[tilespmem:s20+$0x10] =	vst v3  }
0x106: {  	v0 =	vmul.f32 v0, v11;
	[tilespmem:s20+$0x0] =	vst v4  }
0x107: {  	v1 =	vmul.f32 v61, v9;
	[tilespmem:s20+$0xFFFFFFF0] =	vst v63  }
0x108: {  	v2 =	vmul.f32 v62, v10;
	[tilespmem:s20+$0xFFFFFFC0] =	vst v0  }
0x109: {  	[tilespmem:s20+$0xFFFFFFE0] =	vst v1  }
0x10a: {  	[tilespmem:s20+$0xFFFFFFD0] =	vst v2  }
0x10b: {  	[spmem:s1] =	stream.indirect.scatter.add.f32 [tilespmem:s29], [sflag:$0x2], $0x80, s28, s28, $0xb8;
	[tilespmem:$0x1B890] =	vst v63  }
0x10c: {  	_ =	swait.ge [sflag:s26], $0x4000  }
0x10d: {  	[sflag:s26] =	ssyncset.done $0x0  }
0x10e: {  	[sflag:s26] =	ssyncadd.s32 $0xFFFFC000  }
0x10f: {  	[spmem:s2] =	stream.indirect.scatter.add.f32 [tilespmem:s19], [sflag:$0x2], $0x10, s28, s28, $0xb8;
	[tilespmem:$0x1B890] =	vst v63  }
.Ltmp6:
0x110: {  	_ =	swait.ge [sflag:s26], $0x800;
	(pc) =	sbr.rel .LBB2_10-.Ltmp6, $3  }
0x111: {  	[sflag:s26] =	ssyncset.done $0x0  }
0x112: {  	[sflag:s26] =	ssyncadd.s32 $0xFFFFF800  }
0x113: {  	[bflag:$0x0] =	sbarrier.arrive $0xFFFF;
	_ =	sdelay $0x1  }
.LBB2_9:
.Ltmp7:
0x114: {  	(pc) =	sbr.rel @p0 .LBB2_11-.Ltmp7, $2  }
0x115: {  	_ =	sdelay $0x1  }
0x116: {  	[bflag:$0x0] =	sbarrier.arrive $0xFFFF;
	_ =	sdelay $0x1  }
.LBB2_10:
0x117: {  	s15 =	sshll.u32 s6, $0x6  }
0x118: {  	s17 =	rddreg [dreg:$0x4];
	s15 =	sor.u32 $0x1C02, s15  }
0x119: {  	[hbm:s17], [sflag:s15] =	dma.local [spmem:s24], $0x2700  }
0x11a: {  	_ =	swait.ge [sflag:s26], $0x2700  }
0x11b: {  	[sflag:s26] =	ssyncset.done $0x0  }
.Ltmp8:
0x11c: {  	[sflag:s26] =	ssyncadd.s32 $0xFFFFD900;
	(pc) =	sbr.rel .LBB2_12-.Ltmp8, $4  }
0x11d: {  	[hbm:s16], [sflag:s15] =	dma.local [spmem:s25], $0x4E0  }
0x11e: {  	_ =	swait.ge [sflag:s26], $0x4E0  }
0x11f: {  	[sflag:s26] =	ssyncset.done $0x0  }
0x120: {  	[sflag:s26] =	ssyncadd.s32 $0xFFFFFB20  }
.LBB2_13:
0x121: {  	_ =	sfence.sel $0x180000  }
0x122: {  	[bflag:$0x0] =	sbarrier.arrive $0xFFFF  }
0x123: {  	_ =	strace $0x90000047  }
0x124: {  	[bflag:$0x2] =	sbarrier.arrive $0xFFFF  }
0x125: {  	p0 =	sne.s32 s6, $0x0;
	s0 =	rddreg [dreg:$0x3]  }
0x126: {  	s0 =	sadd.s32 @!p0 $0x100000, s0  }
0x127: {  	[sflag:s0] =	ssyncadd.tile.s32 @!p0 $0x1;
	_ =	shalt  }
.Lfunc_end2:
_tile_overlayer_lowered:
.L_overlay_start_2:
0x128: {  	(tag) =	ssettag $0x2  }
0x129: {  	s0 =	rddreg [dreg:$0x0];
	s2 =	stileid.u32  }
0x12a: {  	s1 =	rddreg [dreg:$0x1];
	p0 =	sne.s32 s2, $0x0  }
0x12b: {  	s3 =	rddreg [dreg:$0x2];
	[bflag:$0x3] =	sbarrier.arrive $0xFFFF;
	s2 =	simm.s32 @!p0 $0x1C02  }
0x12c: {  	[timem:s3], [sflag:s2] =	dma.local @!p0 [hbm:s0], s1  }
0x12d: {  	s0 =	simm.s32 @!p0 $0x2  }
0x12e: {  	_ =	swait.ge @!p0 [sflag:s0], s1  }
0x12f: {  	s1 =	ssub.s32 @!p0 $0x0, s1;
	[sflag:s0] =	ssyncset.done @!p0 $0x0  }
0x130: {  	[sflag:s0] =	ssyncadd.s32 @!p0 s1  }
0x131: {  	[bflag:$0x3] =	sbarrier.arrive $0xFFFF  }
0x132: {  	_ =	shalt  }

</sc_bundles>
